<compile_context>
chip_gen: v7x
topology: tpu7x:2x2x1
jax: 0.10.2.dev20260603
libtpu: 0.0.44.dev20260713+nightly
codegen_flags: <defaults>
</compile_context>

<pallas_src>
import functools

import jax
import jax.numpy as jnp
from jax import lax
from jax.experimental import pallas as pl
from jax.experimental.pallas import tpu as pltpu
from jax.experimental.pallas import tpu_sc as plsc

NC, NS, L = 2, 16, 16
_PASSES = 6


def _iota16():
    return lax.iota(jnp.int32, L)


def _lane0(vec, zero):
    return jnp.sum(jnp.where(_iota16() == 0, vec, zero))


def _make_dist2(B, N, E):
    cha = E // (NC * NS)

    @functools.partial(
        pl.kernel,
        out_type=jax.ShapeDtypeStruct((B, E), jnp.float32),
        mesh=plsc.VectorSubcoreMesh(
            core_axis_name="c", subcore_axis_name="s", num_cores=NC,
            num_subcores=NS),
        scratch_types=[
            pltpu.VMEM((B * N * 3,), jnp.float32),
            pltpu.VMEM((cha,), jnp.int32),
            pltpu.VMEM((cha,), jnp.int32),
            pltpu.VMEM((B, cha), jnp.float32),
        ],
        compiler_params=pltpu.CompilerParams(needs_layout_passes=False),
    )
    def k(xyz_hbm, ei_hbm, d2_hbm, xyz_v, iv, jv, d2_v):
        cid = lax.axis_index("c")
        sid = lax.axis_index("s")
        wid = sid * NC + cid
        base = wid * cha
        pltpu.sync_copy(xyz_hbm, xyz_v)
        pltpu.sync_copy(ei_hbm.at[0, pl.ds(base, cha)], iv)
        pltpu.sync_copy(ei_hbm.at[1, pl.ds(base, cha)], jv)

        def body(g, _):
            off = g * L
            i16 = iv[pl.ds(off, L)] * 3
            j16 = jv[pl.ds(off, L)] * 3
            for b in range(B):
                bo = b * N * 3
                xi = plsc.load_gather(xyz_v, [i16 + bo])
                yi = plsc.load_gather(xyz_v, [i16 + (bo + 1)])
                zi = plsc.load_gather(xyz_v, [i16 + (bo + 2)])
                xj = plsc.load_gather(xyz_v, [j16 + bo])
                yj = plsc.load_gather(xyz_v, [j16 + (bo + 1)])
                zj = plsc.load_gather(xyz_v, [j16 + (bo + 2)])
                dx = xi - xj
                dy = yi - yj
                dz = zi - zj
                d2_v[b, pl.ds(off, L)] = dx * dx + dy * dy + dz * dz
            return 0

        lax.fori_loop(0, cha // L, body, 0)
        for b in range(B):
            pltpu.sync_copy(d2_v.at[b], d2_hbm.at[b, pl.ds(base, cha)])

    return k


def _mlp_body(B, d2_ref, rest_ref, st_ref, w1_ref, b1_ref,
              w2_ref, b2_ref, out_ref):
    rest = rest_ref[...]
    st = st_ref[...]
    for b in range(B):
        d2 = d2_ref[b:b + 1, :]
        dist = jnp.sqrt(d2 + 1e-09)
        delta = (dist - rest) / (rest + 1e-09)
        feat = jnp.concatenate([d2, delta, st], axis=0)
        h = lax.dot_general(w1_ref[...], feat, (((1,), (0,)), ((), ())),
                            preferred_element_type=jnp.float32) + b1_ref[...]
        h = jax.nn.silu(h)
        out_ref[b:b + 1, :] = lax.dot_general(
            w2_ref[...], h, (((1,), (0,)), ((), ())),
            preferred_element_type=jnp.float32) + b2_ref[...]


def _make_mlp(B, E, BE=2048):
    return pl.pallas_call(
        functools.partial(_mlp_body, B),
        grid=(E // BE,),
        in_specs=[
            pl.BlockSpec((B, BE), lambda e: (0, e)),
            pl.BlockSpec((1, BE), lambda e: (0, e)),
            pl.BlockSpec((8, BE), lambda e: (0, e)),
            pl.BlockSpec((32, 10), lambda e: (0, 0)),
            pl.BlockSpec((32, 1), lambda e: (0, 0)),
            pl.BlockSpec((1, 32), lambda e: (0, 0)),
            pl.BlockSpec((1, 1), lambda e: (0, 0)),
        ],
        out_specs=pl.BlockSpec((B, BE), lambda e: (0, e)),
        out_shape=jax.ShapeDtypeStruct((B, E), jnp.float32),
    )


def _make_winner(N, E):
    chc = 2 * E // NS
    ngrp = chc // L

    @functools.partial(
        pl.kernel,
        out_type=(
            jax.ShapeDtypeStruct((2 * E,), jnp.int32),
            jax.ShapeDtypeStruct((N * N,), jnp.int32),
        ),
        mesh=plsc.VectorSubcoreMesh(
            core_axis_name="c", subcore_axis_name="s", num_cores=NC,
            num_subcores=NS),
        scratch_types=[
            pltpu.VMEM((chc,), jnp.int32),
            pltpu.VMEM((chc,), jnp.int32),
            pltpu.VMEM((chc,), jnp.int32),
            pltpu.VMEM((chc,), jnp.int32),
            pltpu.VMEM((chc,), jnp.int32),
            pltpu.VMEM((L,), jnp.int32),
            pltpu.SemaphoreType.DMA,
        ],
        compiler_params=pltpu.CompilerParams(needs_layout_passes=False),
    )
    def k(ei_hbm, win_hbm, wid_hbm, iv, jv, tbuf, kbuf, cur, tmp, sem):
        cid = lax.axis_index("c")
        sid = lax.axis_index("s")

        @pl.when(cid == 0)
        def _():
            base = sid * chc
            is1 = base < E
            ebase = jnp.where(is1, base, base - E)
            pltpu.sync_copy(ei_hbm.at[0, pl.ds(ebase, chc)], iv)
            pltpu.sync_copy(ei_hbm.at[1, pl.ds(ebase, chc)], jv)

            def mk(g, _):
                off = g * L
                i16 = iv[pl.ds(off, L)]
                j16 = jv[pl.ds(off, L)]
                tbuf[pl.ds(off, L)] = jnp.where(is1, i16 * N + j16,
                                                j16 * N + i16)
                kbuf[pl.ds(off, L)] = base + off + _iota16()
                return 0

            lax.fori_loop(0, ngrp, mk, 0)
            pltpu.async_copy(kbuf, wid_hbm.at[tbuf], sem).wait()
            plsc.subcore_barrier()

            for _p in range(_PASSES):
                pltpu.async_copy(wid_hbm.at[tbuf], cur, sem).wait()

                def compact(g, cnt):
                    off = g * L
                    t16 = tbuf[pl.ds(off, L)]
                    k16 = kbuf[pl.ds(off, L)]
                    m = cur[pl.ds(off, L)] < k16
                    plsc.store_compressed(iv.at[pl.ds(cnt, L)], t16, mask=m)
                    plsc.store_compressed(jv.at[pl.ds(cnt, L)], k16, mask=m)
                    return cnt + jnp.sum(m.astype(jnp.int32))

                cnt = lax.fori_loop(0, ngrp, compact, jnp.int32(0))

                def scat(g, c):
                    off = g * L
                    t16 = iv[pl.ds(off, L)]
                    k16 = jv[pl.ds(off, L)]
                    valid = (off + _iota16()) < c
                    t0 = _lane0(t16, 0)
                    k0 = _lane0(k16, 0)
                    tmp[...] = jnp.where(valid, k16, k0)
                    pltpu.async_copy(
                        tmp, wid_hbm.at[jnp.where(valid, t16, t0)], sem
                    ).wait()
                    return c

                lax.fori_loop(0, (cnt + (L - 1)) // L, scat, cnt)
                plsc.subcore_barrier()

            pltpu.async_copy(wid_hbm.at[tbuf], cur, sem).wait()
            pltpu.sync_copy(cur, win_hbm.at[pl.ds(base, chc)])

    return k


def _make_scatter(B, N, E):
    nn = N * N
    chd = 2 * E // NS
    ngrp = chd // L
    bpc = B // NC
    fill_words = bpc * nn // NS
    FB = 32768
    nfill = fill_words // FB

    @functools.partial(
        pl.kernel,
        out_type=jax.ShapeDtypeStruct((B * nn,), jnp.float32),
        mesh=plsc.VectorSubcoreMesh(
            core_axis_name="c", subcore_axis_name="s", num_cores=NC,
            num_subcores=NS),
        scratch_types=[
            pltpu.VMEM((chd,), jnp.int32),
            pltpu.VMEM((chd,), jnp.int32),
            pltpu.VMEM((chd,), jnp.int32),
            pltpu.VMEM((chd,), jnp.int32),
            pltpu.VMEM((chd,), jnp.float32),
            pltpu.VMEM((32768,), jnp.float32),
            pltpu.VMEM((L,), jnp.float32),
            pltpu.SemaphoreType.DMA,
            pltpu.SemaphoreType.DMA,
        ],
        compiler_params=pltpu.CompilerParams(needs_layout_passes=False),
    )
    def k(eb_hbm, win_hbm, ei_hbm, neb_hbm, out_hbm,
          iv, jv, wk, tb, vb, fbuf, tmpf, sem, fsem):
        cid = lax.axis_index("c")
        sid = lax.axis_index("s")
        base = sid * chd
        is1 = base < E
        ebase = jnp.where(is1, base, base - E)

        pltpu.sync_copy(neb_hbm, tmpf)
        neb = _lane0(tmpf[...], jnp.float32(0.0))

        def fg(g, _):
            fbuf[pl.ds(g * L, L)] = jnp.full((L,), neb, jnp.float32)
            return 0

        lax.fori_loop(0, FB // L, fg, 0)
        fill0 = cid * bpc * nn + sid * fill_words
        fills = [
            pltpu.async_copy(fbuf, out_hbm.at[pl.ds(fill0 + r * FB, FB)],
                             fsem)
            for r in range(nfill)
        ]

        pltpu.sync_copy(ei_hbm.at[0, pl.ds(ebase, chd)], iv)
        pltpu.sync_copy(ei_hbm.at[1, pl.ds(ebase, chd)], jv)
        pltpu.sync_copy(win_hbm.at[pl.ds(base, chd)], wk)

        def mk(g, lcnt):
            off = g * L
            i16 = iv[pl.ds(off, L)]
            j16 = jv[pl.ds(off, L)]
            w16 = wk[pl.ds(off, L)]
            ew = w16 - jnp.where(w16 >= E, E, 0)
            own_e = ebase + off + _iota16()
            m = ew != own_e
            iv[pl.ds(off, L)] = jnp.where(is1, i16 * N + j16, j16 * N + i16)
            plsc.store_compressed(jv.at[pl.ds(lcnt, L)], off + _iota16(),
                                  mask=m)
            plsc.store_compressed(wk.at[pl.ds(lcnt, L)], ew, mask=m)
            return lcnt + jnp.sum(m.astype(jnp.int32))

        with jax.named_scope("d_mk"):
            lcnt = lax.fori_loop(0, ngrp, mk, jnp.int32(0))

        with jax.named_scope("d_fillwait"):
            for f in fills:
                f.wait()
            plsc.subcore_barrier()

        for bb in range(bpc):
            b = cid * bpc + bb
            pltpu.sync_copy(eb_hbm.at[pl.ds(b * E + ebase, chd)], vb)

            def fix(g, _):
                off = g * L
                valid = (off + _iota16()) < lcnt
                p16 = jv[pl.ds(off, L)]
                e16 = wk[pl.ds(off, L)]
                p0 = _lane0(p16, 0)
                e0 = _lane0(e16, 0)
                pe = jnp.where(valid, p16, p0)
                ee = jnp.where(valid, e16, e0)
                pltpu.async_copy(eb_hbm.at[b * E + ee], tmpf, sem).wait()
                plsc.store_scatter(vb, [pe], tmpf[...])
                return 0

            with jax.named_scope("d_fix"):
                lax.fori_loop(0, (lcnt + (L - 1)) // L, fix, 0)

            def tbm(g, _):
                off = g * L
                tb[pl.ds(off, L)] = iv[pl.ds(off, L)] + b * nn
                return 0

            with jax.named_scope("d_tbm"):
                lax.fori_loop(0, ngrp, tbm, 0)
            with jax.named_scope("d_scat"):
                pltpu.async_copy(vb, out_hbm.at[tb], sem).wait()

    return k


def kernel(xyz, edge_index, edge_struct, edge_rest_lengths, W1, b1, W2, b2,
           non_edge_bias):
    B, N, _ = xyz.shape
    E = edge_index.shape[1]

    d2 = _make_dist2(B, N, E)(xyz.reshape(-1), edge_index)
    eb = _make_mlp(B, E)(
        d2,
        edge_rest_lengths.reshape(1, E),
        edge_struct.T,
        W1,
        b1.reshape(32, 1),
        W2,
        b2.reshape(1, 1),
    )
    win_k, _ = _make_winner(N, E)(edge_index)
    out = _make_scatter(B, N, E)(
        eb.reshape(-1), win_k, edge_index,
        jnp.broadcast_to(non_edge_bias, (L,)))
    return out.reshape(B, 1, N, N)

# --- scband reference (transcript-rebuilt; emitter-appended) ---
"""Pipeline reference for scband-edge-bias-builder-12816182411333 (READ-ONLY COPY).

The authoritative reference and input builder live on the scoring server;
editing this copy changes nothing except your own understanding.
"""

import jax, jax.numpy as jnp
import numpy as np

B, N, E, D_STRUCT = 4, 2048, 131072, 8
D_IN = 1 + 1 + D_STRUCT  # dist2, delta, struct


def setup_inputs(seed: int = 0) -> dict:
    key = jax.random.key(seed)
    ks = jax.random.split(key, 10)
    xyz = jax.random.normal(ks[0], (B, N, 3), dtype=jnp.float32)
    edge_index = jax.random.randint(ks[1], (2, E), 0, N, dtype=jnp.int32)
    edge_struct = jax.random.normal(ks[2], (E, D_STRUCT), dtype=jnp.float32)
    edge_rest_lengths = jax.random.uniform(ks[3], (E,), dtype=jnp.float32)
    # learned params: Linear(10 -> 32), SiLU, Linear(32 -> 1), non_edge_bias scalar
    W1 = jax.random.normal(ks[4], (32, D_IN), dtype=jnp.float32) * (1.0 / np.sqrt(D_IN))
    b1 = jnp.zeros((32,), dtype=jnp.float32)
    W2 = jax.random.normal(ks[5], (1, 32), dtype=jnp.float32) * (1.0 / np.sqrt(32))
    b2 = jnp.zeros((1,), dtype=jnp.float32)
    non_edge_bias = jnp.array(0.0, dtype=jnp.float32)
    return {
        "xyz": xyz,
        "edge_index": edge_index,
        "edge_struct": edge_struct,
        "edge_rest_lengths": edge_rest_lengths,
        "W1": W1,
        "b1": b1,
        "W2": W2,
        "b2": b2,
        "non_edge_bias": non_edge_bias,
    }


def reference(xyz, edge_index, edge_struct, edge_rest_lengths, W1, b1, W2, b2, non_edge_bias):
    i = edge_index[0]
    j = edge_index[1]
    # pairwise edge geometry
    diff = xyz[:, i, :] - xyz[:, j, :]                      # (B, E, 3)
    dist2 = jnp.sum(diff ** 2, axis=-1, keepdims=True)      # (B, E, 1)
    dist = jnp.sqrt(dist2 + 1e-09)                          # (B, E, 1)
    rest = edge_rest_lengths.reshape(1, -1, 1)              # (1, E, 1)
    delta = (dist - rest) / (rest + 1e-09)                  # (B, E, 1)
    struct = jnp.broadcast_to(edge_struct[None, :, :], (xyz.shape[0], edge_struct.shape[0], edge_struct.shape[1]))
    edge_feat = jnp.concatenate([dist2, delta, struct], axis=-1)  # (B, E, 10)
    h = jax.nn.silu(edge_feat @ W1.T + b1)                  # (B, E, 32)
    edge_bias = (h @ W2.T + b2)[..., 0]                     # (B, E)
    Bsz, Nn = xyz.shape[0], xyz.shape[1]
    bias = jnp.ones((Bsz, Nn, Nn), dtype=xyz.dtype) * non_edge_bias
    # scatter-overwrite edge biases symmetrically (matches torch index_put_ order)
    bias = bias.at[:, i, j].set(edge_bias)
    bias = bias.at[:, j, i].set(edge_bias)
    return bias[:, None, :, :]                              # (B, 1, N, N)

if __name__ == "__main__":
    import jax
    _d = setup_inputs()
    print(jax.jit(kernel)(*tuple(_d.values())))

</pallas_src>

<mosaic_0001>
#map = affine_map<(d0, d1) -> (0)>
#map1 = affine_map<(d0, d1) -> (0, 0)>
module attributes {stable_mosaic.version = 14 : i64} {
  func.func @k(%arg0: i32, %arg1: i32, %arg2: memref<524288xf32, #tpu.memory_space<hbm>>, %arg3: memref<262144xi32, #tpu.memory_space<hbm>>, %arg4: memref<2x131072xi32, #tpu.memory_space<hbm>>, %arg5: memref<16xf32, #tpu.memory_space<hbm>>, %arg6: memref<16777216xf32, #tpu.memory_space<hbm>>, %arg7: memref<16384xi32, #tpu.memory_space<vmem>>, %arg8: memref<16384xi32, #tpu.memory_space<vmem>>, %arg9: memref<16384xi32, #tpu.memory_space<vmem>>, %arg10: memref<16384xi32, #tpu.memory_space<vmem>>, %arg11: memref<16384xf32, #tpu.memory_space<vmem>>, %arg12: memref<32768xf32, #tpu.memory_space<vmem>>, %arg13: memref<16xf32, #tpu.memory_space<vmem>>, %arg14: memref<!tpu.dma_semaphore, #tpu.memory_space<semaphore_mem>>, %arg15: memref<!tpu.dma_semaphore, #tpu.memory_space<semaphore_mem>>) attributes {dimension_semantics = [#tpu.dimension_semantics<core_parallel>, #tpu.dimension_semantics<subcore_parallel>], iteration_bounds = array<i64: 2, 16>, scalar_prefetch = 0 : i64, scratch_operands = 9 : i64, tpu.core_type = #tpu.core_type<sc_vector_subcore>, window_params = [{transform_indices = #map}, {transform_indices = #map}, {transform_indices = #map1}, {transform_indices = #map}, {transform_indices = #map}]} {
    %mul3A = arith.constant 16384 : i32
    %mul3A_0 = arith.muli %arg1, %mul3A : i32
    %lt3A = arith.constant 131072 : i32
    %lt3A_1 = arith.cmpi slt, %mul3A_0, %lt3A : i32
    %sub3A = arith.constant 131072 : i32
    %sub3A_2 = arith.subi %mul3A_0, %sub3A : i32
    %select_n3A = arith.select %lt3A_1, %mul3A_0, %sub3A_2 : i32
    "tpu.region"() ({
      %run_scoped3A_230 = tpu.sem_alloc : memref<!tpu.dma_semaphore, #tpu.memory_space<semaphore_mem>>
      tpu.enqueue_dma source(%arg5 : memref<16xf32, #tpu.memory_space<hbm>>) target(%arg13 : memref<16xf32, #tpu.memory_space<vmem>>) target_semaphore(%run_scoped3A_230 : memref<!tpu.dma_semaphore, #tpu.memory_space<semaphore_mem>>)
      tpu.wait_dma2 semaphore(%run_scoped3A_230 : memref<!tpu.dma_semaphore, #tpu.memory_space<semaphore_mem>>) src(%arg5 : memref<16xf32, #tpu.memory_space<hbm>>) dst(%arg13 : memref<16xf32, #tpu.memory_space<vmem>>)
      tpu.yield
    }) : () -> ()
    %get3A = arith.constant 0 : index
    %get3A_3 = tpu.vector_load %arg13[%get3A] {strides = array<i32>} : memref<16xf32, #tpu.memory_space<vmem>>, vector<16xf32>,
    %iota3A = tpu.iota {dimensions = array<i32: 0>} : vector<16xi32>
    %eq3A = arith.constant 0 : i32
    %eq3A_4 = vector.broadcast %eq3A : i32 to vector<16xi32>
    %eq3A_5 = arith.cmpi eq, %iota3A, %eq3A_4 : vector<16xi32>
    %jit3A = arith.constant 0.000000e+00 : f32
    %broadcast_in_dim3A = vector.broadcast %jit3A : f32 to vector<16xf32>
    %select_n3A_6 = arith.select %eq3A_5, %get3A_3, %broadcast_in_dim3A : vector<16xi1>, vector<16xf32>
    %reduce_sum3A = arith.constant true
    %reduce_sum3A_7 = vector.broadcast %reduce_sum3A : i1 to vector<16xi1>
    %reduce_sum3A_8 = tpu.scan <sum>, %select_n3A_6 masked %reduce_sum3A_7 : vector<16xf32>, vector<16xi1> -> vector<16xf32>
    %reduce_sum3A_9 = vector.extract %reduce_sum3A_8[15] : f32 from vector<16xf32>
    %scan3A = arith.constant 0 : i32
    %scan3A_10 = arith.constant 0 : i32
    %scan3A_11 = arith.constant 2048 : i32
    %scan3A_12 = arith.addi %scan3A_10, %scan3A_11 : i32
    %scan3A_13 = arith.constant 1 : i32
    %scan3A_14 = scf.for %scan3A_230 = %scan3A_10 to %scan3A_12 step %scan3A_13 iter_args(%scan3A_231 = %scan3A) -> (i32)  : i32 {
      %broadcast_in_dim3A_232 = vector.broadcast %reduce_sum3A_9 : f32 to vector<16xf32>
      %mul3A_233 = arith.constant 16 : i32
      %mul3A_234 = arith.muli %scan3A_230, %mul3A_233 : i32
      %swap3A = arith.index_cast %mul3A_234 : i32 to index
      %swap3A_235 = tpu.vector_load %arg12[%swap3A] {strides = array<i32>} : memref<32768xf32, #tpu.memory_space<vmem>>, vector<16xf32>,
      tpu.vector_store %arg12[%swap3A], %broadcast_in_dim3A_232 {strides = array<i32>} : memref<32768xf32, #tpu.memory_space<vmem>>, vector<16xf32>,
      %scan3A_236 = arith.constant 0 : i32
      scf.yield %scan3A_236 : i32
    }
    %scan3A_15 = arith.constant 2048 : i32
    %mul3A_16 = arith.constant 2 : i32
    %mul3A_17 = arith.muli %arg0, %mul3A_16 : i32
    %mul3A_18 = arith.constant 4194304 : i32
    %mul3A_19 = arith.muli %mul3A_17, %mul3A_18 : i32
    %mul3A_20 = arith.constant 524288 : i32
    %mul3A_21 = arith.muli %arg1, %mul3A_20 : i32
    %add3A = arith.addi %mul3A_19, %mul3A_21 : i32
    %add3A_22 = arith.constant 0 : i32
    %add3A_23 = arith.addi %add3A, %add3A_22 : i32
    %dma_start3A = tpu.memref_slice %arg6[%add3A_23] : memref<16777216xf32, #tpu.memory_space<hbm>> -> memref<32768xf32, #tpu.memory_space<hbm>>
    %dma_start3A_24 = tpu.memref_slice %arg6[%add3A_23] : memref<16777216xf32, #tpu.memory_space<hbm>> -> memref<32768xf32, #tpu.memory_space<hbm>>
    tpu.enqueue_dma source(%arg12 : memref<32768xf32, #tpu.memory_space<vmem>>) target(%dma_start3A_24 : memref<32768xf32, #tpu.memory_space<hbm>>) target_semaphore(%arg15 : memref<!tpu.dma_semaphore, #tpu.memory_space<semaphore_mem>>)
    %add3A_25 = arith.constant 32768 : i32
    %add3A_26 = arith.addi %add3A, %add3A_25 : i32
    %dma_start3A_27 = tpu.memref_slice %arg6[%add3A_26] : memref<16777216xf32, #tpu.memory_space<hbm>> -> memref<32768xf32, #tpu.memory_space<hbm>>
    %dma_start3A_28 = tpu.memref_slice %arg6[%add3A_26] : memref<16777216xf32, #tpu.memory_space<hbm>> -> memref<32768xf32, #tpu.memory_space<hbm>>
    tpu.enqueue_dma source(%arg12 : memref<32768xf32, #tpu.memory_space<vmem>>) target(%dma_start3A_28 : memref<32768xf32, #tpu.memory_space<hbm>>) target_semaphore(%arg15 : memref<!tpu.dma_semaphore, #tpu.memory_space<semaphore_mem>>)
    %add3A_29 = arith.constant 65536 : i32
    %add3A_30 = arith.addi %add3A, %add3A_29 : i32
    %dma_start3A_31 = tpu.memref_slice %arg6[%add3A_30] : memref<16777216xf32, #tpu.memory_space<hbm>> -> memref<32768xf32, #tpu.memory_space<hbm>>
    %dma_start3A_32 = tpu.memref_slice %arg6[%add3A_30] : memref<16777216xf32, #tpu.memory_space<hbm>> -> memref<32768xf32, #tpu.memory_space<hbm>>
    tpu.enqueue_dma source(%arg12 : memref<32768xf32, #tpu.memory_space<vmem>>) target(%dma_start3A_32 : memref<32768xf32, #tpu.memory_space<hbm>>) target_semaphore(%arg15 : memref<!tpu.dma_semaphore, #tpu.memory_space<semaphore_mem>>)
    %add3A_33 = arith.constant 98304 : i32
    %add3A_34 = arith.addi %add3A, %add3A_33 : i32
    %dma_start3A_35 = tpu.memref_slice %arg6[%add3A_34] : memref<16777216xf32, #tpu.memory_space<hbm>> -> memref<32768xf32, #tpu.memory_space<hbm>>
    %dma_start3A_36 = tpu.memref_slice %arg6[%add3A_34] : memref<16777216xf32, #tpu.memory_space<hbm>> -> memref<32768xf32, #tpu.memory_space<hbm>>
    tpu.enqueue_dma source(%arg12 : memref<32768xf32, #tpu.memory_space<vmem>>) target(%dma_start3A_36 : memref<32768xf32, #tpu.memory_space<hbm>>) target_semaphore(%arg15 : memref<!tpu.dma_semaphore, #tpu.memory_space<semaphore_mem>>)
    %add3A_37 = arith.constant 131072 : i32
    %add3A_38 = arith.addi %add3A, %add3A_37 : i32
    %dma_start3A_39 = tpu.memref_slice %arg6[%add3A_38] : memref<16777216xf32, #tpu.memory_space<hbm>> -> memref<32768xf32, #tpu.memory_space<hbm>>
    %dma_start3A_40 = tpu.memref_slice %arg6[%add3A_38] : memref<16777216xf32, #tpu.memory_space<hbm>> -> memref<32768xf32, #tpu.memory_space<hbm>>
    tpu.enqueue_dma source(%arg12 : memref<32768xf32, #tpu.memory_space<vmem>>) target(%dma_start3A_40 : memref<32768xf32, #tpu.memory_space<hbm>>) target_semaphore(%arg15 : memref<!tpu.dma_semaphore, #tpu.memory_space<semaphore_mem>>)
    %add3A_41 = arith.constant 163840 : i32
    %add3A_42 = arith.addi %add3A, %add3A_41 : i32
    %dma_start3A_43 = tpu.memref_slice %arg6[%add3A_42] : memref<16777216xf32, #tpu.memory_space<hbm>> -> memref<32768xf32, #tpu.memory_space<hbm>>
    %dma_start3A_44 = tpu.memref_slice %arg6[%add3A_42] : memref<16777216xf32, #tpu.memory_space<hbm>> -> memref<32768xf32, #tpu.memory_space<hbm>>
    tpu.enqueue_dma source(%arg12 : memref<32768xf32, #tpu.memory_space<vmem>>) target(%dma_start3A_44 : memref<32768xf32, #tpu.memory_space<hbm>>) target_semaphore(%arg15 : memref<!tpu.dma_semaphore, #tpu.memory_space<semaphore_mem>>)
    %add3A_45 = arith.constant 196608 : i32
    %add3A_46 = arith.addi %add3A, %add3A_45 : i32
    %dma_start3A_47 = tpu.memref_slice %arg6[%add3A_46] : memref<16777216xf32, #tpu.memory_space<hbm>> -> memref<32768xf32, #tpu.memory_space<hbm>>
    %dma_start3A_48 = tpu.memref_slice %arg6[%add3A_46] : memref<16777216xf32, #tpu.memory_space<hbm>> -> memref<32768xf32, #tpu.memory_space<hbm>>
    tpu.enqueue_dma source(%arg12 : memref<32768xf32, #tpu.memory_space<vmem>>) target(%dma_start3A_48 : memref<32768xf32, #tpu.memory_space<hbm>>) target_semaphore(%arg15 : memref<!tpu.dma_semaphore, #tpu.memory_space<semaphore_mem>>)
    %add3A_49 = arith.constant 229376 : i32
    %add3A_50 = arith.addi %add3A, %add3A_49 : i32
    %dma_start3A_51 = tpu.memref_slice %arg6[%add3A_50] : memref<16777216xf32, #tpu.memory_space<hbm>> -> memref<32768xf32, #tpu.memory_space<hbm>>
    %dma_start3A_52 = tpu.memref_slice %arg6[%add3A_50] : memref<16777216xf32, #tpu.memory_space<hbm>> -> memref<32768xf32, #tpu.memory_space<hbm>>
    tpu.enqueue_dma source(%arg12 : memref<32768xf32, #tpu.memory_space<vmem>>) target(%dma_start3A_52 : memref<32768xf32, #tpu.memory_space<hbm>>) target_semaphore(%arg15 : memref<!tpu.dma_semaphore, #tpu.memory_space<semaphore_mem>>)
    %add3A_53 = arith.constant 262144 : i32
    %add3A_54 = arith.addi %add3A, %add3A_53 : i32
    %dma_start3A_55 = tpu.memref_slice %arg6[%add3A_54] : memref<16777216xf32, #tpu.memory_space<hbm>> -> memref<32768xf32, #tpu.memory_space<hbm>>
    %dma_start3A_56 = tpu.memref_slice %arg6[%add3A_54] : memref<16777216xf32, #tpu.memory_space<hbm>> -> memref<32768xf32, #tpu.memory_space<hbm>>
    tpu.enqueue_dma source(%arg12 : memref<32768xf32, #tpu.memory_space<vmem>>) target(%dma_start3A_56 : memref<32768xf32, #tpu.memory_space<hbm>>) target_semaphore(%arg15 : memref<!tpu.dma_semaphore, #tpu.memory_space<semaphore_mem>>)
    %add3A_57 = arith.constant 294912 : i32
    %add3A_58 = arith.addi %add3A, %add3A_57 : i32
    %dma_start3A_59 = tpu.memref_slice %arg6[%add3A_58] : memref<16777216xf32, #tpu.memory_space<hbm>> -> memref<32768xf32, #tpu.memory_space<hbm>>
    %dma_start3A_60 = tpu.memref_slice %arg6[%add3A_58] : memref<16777216xf32, #tpu.memory_space<hbm>> -> memref<32768xf32, #tpu.memory_space<hbm>>
    tpu.enqueue_dma source(%arg12 : memref<32768xf32, #tpu.memory_space<vmem>>) target(%dma_start3A_60 : memref<32768xf32, #tpu.memory_space<hbm>>) target_semaphore(%arg15 : memref<!tpu.dma_semaphore, #tpu.memory_space<semaphore_mem>>)
    %add3A_61 = arith.constant 327680 : i32
    %add3A_62 = arith.addi %add3A, %add3A_61 : i32
    %dma_start3A_63 = tpu.memref_slice %arg6[%add3A_62] : memref<16777216xf32, #tpu.memory_space<hbm>> -> memref<32768xf32, #tpu.memory_space<hbm>>
    %dma_start3A_64 = tpu.memref_slice %arg6[%add3A_62] : memref<16777216xf32, #tpu.memory_space<hbm>> -> memref<32768xf32, #tpu.memory_space<hbm>>
    tpu.enqueue_dma source(%arg12 : memref<32768xf32, #tpu.memory_space<vmem>>) target(%dma_start3A_64 : memref<32768xf32, #tpu.memory_space<hbm>>) target_semaphore(%arg15 : memref<!tpu.dma_semaphore, #tpu.memory_space<semaphore_mem>>)
    %add3A_65 = arith.constant 360448 : i32
    %add3A_66 = arith.addi %add3A, %add3A_65 : i32
    %dma_start3A_67 = tpu.memref_slice %arg6[%add3A_66] : memref<16777216xf32, #tpu.memory_space<hbm>> -> memref<32768xf32, #tpu.memory_space<hbm>>
    %dma_start3A_68 = tpu.memref_slice %arg6[%add3A_66] : memref<16777216xf32, #tpu.memory_space<hbm>> -> memref<32768xf32, #tpu.memory_space<hbm>>
    tpu.enqueue_dma source(%arg12 : memref<32768xf32, #tpu.memory_space<vmem>>) target(%dma_start3A_68 : memref<32768xf32, #tpu.memory_space<hbm>>) target_semaphore(%arg15 : memref<!tpu.dma_semaphore, #tpu.memory_space<semaphore_mem>>)
    %add3A_69 = arith.constant 393216 : i32
    %add3A_70 = arith.addi %add3A, %add3A_69 : i32
    %dma_start3A_71 = tpu.memref_slice %arg6[%add3A_70] : memref<16777216xf32, #tpu.memory_space<hbm>> -> memref<32768xf32, #tpu.memory_space<hbm>>
    %dma_start3A_72 = tpu.memref_slice %arg6[%add3A_70] : memref<16777216xf32, #tpu.memory_space<hbm>> -> memref<32768xf32, #tpu.memory_space<hbm>>
    tpu.enqueue_dma source(%arg12 : memref<32768xf32, #tpu.memory_space<vmem>>) target(%dma_start3A_72 : memref<32768xf32, #tpu.memory_space<hbm>>) target_semaphore(%arg15 : memref<!tpu.dma_semaphore, #tpu.memory_space<semaphore_mem>>)
    %add3A_73 = arith.constant 425984 : i32
    %add3A_74 = arith.addi %add3A, %add3A_73 : i32
    %dma_start3A_75 = tpu.memref_slice %arg6[%add3A_74] : memref<16777216xf32, #tpu.memory_space<hbm>> -> memref<32768xf32, #tpu.memory_space<hbm>>
    %dma_start3A_76 = tpu.memref_slice %arg6[%add3A_74] : memref<16777216xf32, #tpu.memory_space<hbm>> -> memref<32768xf32, #tpu.memory_space<hbm>>
    tpu.enqueue_dma source(%arg12 : memref<32768xf32, #tpu.memory_space<vmem>>) target(%dma_start3A_76 : memref<32768xf32, #tpu.memory_space<hbm>>) target_semaphore(%arg15 : memref<!tpu.dma_semaphore, #tpu.memory_space<semaphore_mem>>)
    %add3A_77 = arith.constant 458752 : i32
    %add3A_78 = arith.addi %add3A, %add3A_77 : i32
    %dma_start3A_79 = tpu.memref_slice %arg6[%add3A_78] : memref<16777216xf32, #tpu.memory_space<hbm>> -> memref<32768xf32, #tpu.memory_space<hbm>>
    %dma_start3A_80 = tpu.memref_slice %arg6[%add3A_78] : memref<16777216xf32, #tpu.memory_space<hbm>> -> memref<32768xf32, #tpu.memory_space<hbm>>
    tpu.enqueue_dma source(%arg12 : memref<32768xf32, #tpu.memory_space<vmem>>) target(%dma_start3A_80 : memref<32768xf32, #tpu.memory_space<hbm>>) target_semaphore(%arg15 : memref<!tpu.dma_semaphore, #tpu.memory_space<semaphore_mem>>)
    %add3A_81 = arith.constant 491520 : i32
    %add3A_82 = arith.addi %add3A, %add3A_81 : i32
    %dma_start3A_83 = tpu.memref_slice %arg6[%add3A_82] : memref<16777216xf32, #tpu.memory_space<hbm>> -> memref<32768xf32, #tpu.memory_space<hbm>>
    %dma_start3A_84 = tpu.memref_slice %arg6[%add3A_82] : memref<16777216xf32, #tpu.memory_space<hbm>> -> memref<32768xf32, #tpu.memory_space<hbm>>
    tpu.enqueue_dma source(%arg12 : memref<32768xf32, #tpu.memory_space<vmem>>) target(%dma_start3A_84 : memref<32768xf32, #tpu.memory_space<hbm>>) target_semaphore(%arg15 : memref<!tpu.dma_semaphore, #tpu.memory_space<semaphore_mem>>)
    %run_scoped3A = arith.constant 0 : i32
    "tpu.region"() ({
      %run_scoped3A_230 = tpu.sem_alloc : memref<!tpu.dma_semaphore, #tpu.memory_space<semaphore_mem>>
      %dma_start3A_231 = tpu.memref_slice %arg4[%run_scoped3A, %select_n3A] : memref<2x131072xi32, #tpu.memory_space<hbm>> -> memref<1x16384xi32, #tpu.memory_space<hbm>>
      %dma_start3A_232 = tpu.memref_squeeze %dma_start3A_231 : memref<1x16384xi32, #tpu.memory_space<hbm>> -> memref<16384xi32, #tpu.memory_space<hbm>>
      %dma_start3A_233 = tpu.memref_slice %arg4[%run_scoped3A, %select_n3A] : memref<2x131072xi32, #tpu.memory_space<hbm>> -> memref<1x16384xi32, #tpu.memory_space<hbm>>
      %dma_start3A_234 = tpu.memref_squeeze %dma_start3A_233 : memref<1x16384xi32, #tpu.memory_space<hbm>> -> memref<16384xi32, #tpu.memory_space<hbm>>
      tpu.enqueue_dma source(%dma_start3A_234 : memref<16384xi32, #tpu.memory_space<hbm>>) target(%arg7 : memref<16384xi32, #tpu.memory_space<vmem>>) target_semaphore(%run_scoped3A_230 : memref<!tpu.dma_semaphore, #tpu.memory_space<semaphore_mem>>)
      %dma_wait3A_235 = tpu.memref_slice %arg4[%run_scoped3A, %select_n3A] : memref<2x131072xi32, #tpu.memory_space<hbm>> -> memref<1x16384xi32, #tpu.memory_space<hbm>>
      %dma_wait3A_236 = tpu.memref_squeeze %dma_wait3A_235 : memref<1x16384xi32, #tpu.memory_space<hbm>> -> memref<16384xi32, #tpu.memory_space<hbm>>
      %dma_wait3A_237 = tpu.memref_slice %arg4[%run_scoped3A, %select_n3A] : memref<2x131072xi32, #tpu.memory_space<hbm>> -> memref<1x16384xi32, #tpu.memory_space<hbm>>
      %dma_wait3A_238 = tpu.memref_squeeze %dma_wait3A_237 : memref<1x16384xi32, #tpu.memory_space<hbm>> -> memref<16384xi32, #tpu.memory_space<hbm>>
      tpu.wait_dma2 semaphore(%run_scoped3A_230 : memref<!tpu.dma_semaphore, #tpu.memory_space<semaphore_mem>>) src(%dma_wait3A_238 : memref<16384xi32, #tpu.memory_space<hbm>>) dst(%arg7 : memref<16384xi32, #tpu.memory_space<vmem>>)
      tpu.yield
    }) : () -> ()
    %run_scoped3A_85 = arith.constant 1 : i32
    "tpu.region"() ({
      %run_scoped3A_230 = tpu.sem_alloc : memref<!tpu.dma_semaphore, #tpu.memory_space<semaphore_mem>>
      %dma_start3A_231 = tpu.memref_slice %arg4[%run_scoped3A_85, %select_n3A] : memref<2x131072xi32, #tpu.memory_space<hbm>> -> memref<1x16384xi32, #tpu.memory_space<hbm>>
      %dma_start3A_232 = tpu.memref_squeeze %dma_start3A_231 : memref<1x16384xi32, #tpu.memory_space<hbm>> -> memref<16384xi32, #tpu.memory_space<hbm>>
      %dma_start3A_233 = tpu.memref_slice %arg4[%run_scoped3A_85, %select_n3A] : memref<2x131072xi32, #tpu.memory_space<hbm>> -> memref<1x16384xi32, #tpu.memory_space<hbm>>
      %dma_start3A_234 = tpu.memref_squeeze %dma_start3A_233 : memref<1x16384xi32, #tpu.memory_space<hbm>> -> memref<16384xi32, #tpu.memory_space<hbm>>
      tpu.enqueue_dma source(%dma_start3A_234 : memref<16384xi32, #tpu.memory_space<hbm>>) target(%arg8 : memref<16384xi32, #tpu.memory_space<vmem>>) target_semaphore(%run_scoped3A_230 : memref<!tpu.dma_semaphore, #tpu.memory_space<semaphore_mem>>)
      %dma_wait3A_235 = tpu.memref_slice %arg4[%run_scoped3A_85, %select_n3A] : memref<2x131072xi32, #tpu.memory_space<hbm>> -> memref<1x16384xi32, #tpu.memory_space<hbm>>
      %dma_wait3A_236 = tpu.memref_squeeze %dma_wait3A_235 : memref<1x16384xi32, #tpu.memory_space<hbm>> -> memref<16384xi32, #tpu.memory_space<hbm>>
      %dma_wait3A_237 = tpu.memref_slice %arg4[%run_scoped3A_85, %select_n3A] : memref<2x131072xi32, #tpu.memory_space<hbm>> -> memref<1x16384xi32, #tpu.memory_space<hbm>>
      %dma_wait3A_238 = tpu.memref_squeeze %dma_wait3A_237 : memref<1x16384xi32, #tpu.memory_space<hbm>> -> memref<16384xi32, #tpu.memory_space<hbm>>
      tpu.wait_dma2 semaphore(%run_scoped3A_230 : memref<!tpu.dma_semaphore, #tpu.memory_space<semaphore_mem>>) src(%dma_wait3A_238 : memref<16384xi32, #tpu.memory_space<hbm>>) dst(%arg8 : memref<16384xi32, #tpu.memory_space<vmem>>)
      tpu.yield
    }) : () -> ()
    "tpu.region"() ({
      %run_scoped3A_230 = tpu.sem_alloc : memref<!tpu.dma_semaphore, #tpu.memory_space<semaphore_mem>>
      %dma_start3A_231 = tpu.memref_slice %arg3[%mul3A_0] : memref<262144xi32, #tpu.memory_space<hbm>> -> memref<16384xi32, #tpu.memory_space<hbm>>
      %dma_start3A_232 = tpu.memref_slice %arg3[%mul3A_0] : memref<262144xi32, #tpu.memory_space<hbm>> -> memref<16384xi32, #tpu.memory_space<hbm>>
      tpu.enqueue_dma source(%dma_start3A_232 : memref<16384xi32, #tpu.memory_space<hbm>>) target(%arg9 : memref<16384xi32, #tpu.memory_space<vmem>>) target_semaphore(%run_scoped3A_230 : memref<!tpu.dma_semaphore, #tpu.memory_space<semaphore_mem>>)
      %dma_wait3A_233 = tpu.memref_slice %arg3[%mul3A_0] : memref<262144xi32, #tpu.memory_space<hbm>> -> memref<16384xi32, #tpu.memory_space<hbm>>
      %dma_wait3A_234 = tpu.memref_slice %arg3[%mul3A_0] : memref<262144xi32, #tpu.memory_space<hbm>> -> memref<16384xi32, #tpu.memory_space<hbm>>
      tpu.wait_dma2 semaphore(%run_scoped3A_230 : memref<!tpu.dma_semaphore, #tpu.memory_space<semaphore_mem>>) src(%dma_wait3A_234 : memref<16384xi32, #tpu.memory_space<hbm>>) dst(%arg9 : memref<16384xi32, #tpu.memory_space<vmem>>)
      tpu.yield
    }) : () -> ()
    "tpu.trace_start"() <{level = 10 : i32, message = "d_mk"}> : () -> ()
    %scan3A_86 = arith.constant 0 : i32
    %scan3A_87 = arith.constant 0 : i32
    %scan3A_88 = arith.constant 1024 : i32
    %scan3A_89 = arith.addi %scan3A_87, %scan3A_88 : i32
    %scan3A_90 = arith.constant 1 : i32
    %scan3A_91 = scf.for %scan3A_230 = %scan3A_87 to %scan3A_89 step %scan3A_90 iter_args(%scan3A_231 = %scan3A_86) -> (i32)  : i32 {
      %mul3A_232 = arith.constant 16 : i32
      %mul3A_233 = arith.muli %scan3A_230, %mul3A_232 : i32
      %get3A_234 = arith.index_cast %mul3A_233 : i32 to index
      %get3A_235 = tpu.vector_load %arg7[%get3A_234] {strides = array<i32>} : memref<16384xi32, #tpu.memory_space<vmem>>, vector<16xi32>,
      %get3A_236 = arith.index_cast %mul3A_233 : i32 to index
      %get3A_237 = tpu.vector_load %arg8[%get3A_236] {strides = array<i32>} : memref<16384xi32, #tpu.memory_space<vmem>>, vector<16xi32>,
      %get3A_238 = arith.index_cast %mul3A_233 : i32 to index
      %get3A_239 = tpu.vector_load %arg9[%get3A_238] {strides = array<i32>} : memref<16384xi32, #tpu.memory_space<vmem>>, vector<16xi32>,
      %ge3A = arith.constant 131072 : i32
      %ge3A_240 = vector.broadcast %ge3A : i32 to vector<16xi32>
      %ge3A_241 = arith.cmpi sge, %get3A_239, %ge3A_240 : vector<16xi32>
      %jit3A_242 = arith.constant 131072 : i32
      %jit3A_243 = arith.constant 0 : i32
      %broadcast_in_dim3A_244 = vector.broadcast %jit3A_242 : i32 to vector<16xi32>
      %broadcast_in_dim3A_245 = vector.broadcast %jit3A_243 : i32 to vector<16xi32>
      %select_n3A_246 = arith.select %ge3A_241, %broadcast_in_dim3A_244, %broadcast_in_dim3A_245 : vector<16xi1>, vector<16xi32>
      %sub3A_247 = arith.subi %get3A_239, %select_n3A_246 : vector<16xi32>
      %add3A_248 = arith.addi %select_n3A, %mul3A_233 : i32
      %iota3A_249 = tpu.iota {dimensions = array<i32: 0>} : vector<16xi32>
      %add3A_250 = vector.broadcast %add3A_248 : i32 to vector<16xi32>
      %add3A_251 = arith.addi %add3A_250, %iota3A_249 : vector<16xi32>
      %ne3A_252 = arith.cmpi ne, %sub3A_247, %add3A_251 : vector<16xi32>
      %mul3A_253 = arith.constant 2048 : i32
      %mul3A_254 = vector.broadcast %mul3A_253 : i32 to vector<16xi32>
      %mul3A_255 = arith.muli %get3A_235, %mul3A_254 : vector<16xi32>
      %add3A_256 = arith.addi %mul3A_255, %get3A_237 : vector<16xi32>
      %mul3A_257 = arith.constant 2048 : i32
      %mul3A_258 = vector.broadcast %mul3A_257 : i32 to vector<16xi32>
      %mul3A_259 = arith.muli %get3A_237, %mul3A_258 : vector<16xi32>
      %add3A_260 = arith.addi %mul3A_259, %get3A_235 : vector<16xi32>
      %select_n3A_261 = arith.select %lt3A_1, %add3A_256, %add3A_260 : vector<16xi32>
      %swap3A = arith.index_cast %mul3A_233 : i32 to index
      %swap3A_262 = tpu.vector_load %arg7[%swap3A] {strides = array<i32>} : memref<16384xi32, #tpu.memory_space<vmem>>, vector<16xi32>,
      tpu.vector_store %arg7[%swap3A], %select_n3A_261 {strides = array<i32>} : memref<16384xi32, #tpu.memory_space<vmem>>, vector<16xi32>,
      %iota3A_263 = tpu.iota {dimensions = array<i32: 0>} : vector<16xi32>
      %add3A_264 = vector.broadcast %mul3A_233 : i32 to vector<16xi32>
      %add3A_265 = arith.addi %add3A_264, %iota3A_263 : vector<16xi32>
      %swap3A_266 = arith.index_cast %scan3A_231 : i32 to index
      %swap3A_267 = tpu.vector_load %arg8[%swap3A_266] masked %ne3A_252 {strides = array<i32>} : memref<16384xi32, #tpu.memory_space<vmem>>, vector<16xi32>, vector<16xi1>
      tpu.vector_store %arg8[%swap3A_266], %add3A_265 masked %ne3A_252 {strides = array<i32>} : memref<16384xi32, #tpu.memory_space<vmem>>, vector<16xi32>, vector<16xi1>
      %swap3A_268 = arith.index_cast %scan3A_231 : i32 to index
      %swap3A_269 = tpu.vector_load %arg9[%swap3A_268] masked %ne3A_252 {strides = array<i32>} : memref<16384xi32, #tpu.memory_space<vmem>>, vector<16xi32>, vector<16xi1>
      tpu.vector_store %arg9[%swap3A_268], %sub3A_247 masked %ne3A_252 {strides = array<i32>} : memref<16384xi32, #tpu.memory_space<vmem>>, vector<16xi32>, vector<16xi1>
      %convert_element_type3A = arith.extui %ne3A_252 : vector<16xi1> to vector<16xi32>
      %reduce_sum3A_270 = arith.constant true
      %reduce_sum3A_271 = vector.broadcast %reduce_sum3A_270 : i1 to vector<16xi1>
      %reduce_sum3A_272 = tpu.scan <sum>, %convert_element_type3A masked %reduce_sum3A_271 : vector<16xi32>, vector<16xi1> -> vector<16xi32>
      %reduce_sum3A_273 = vector.extract %reduce_sum3A_272[15] : i32 from vector<16xi32>
      %add3A_274 = arith.addi %scan3A_231, %reduce_sum3A_273 : i32
      scf.yield %add3A_274 : i32
    }
    %scan3A_92 = arith.constant 1024 : i32
    "tpu.trace_stop"() : () -> ()
    "tpu.trace_start"() <{level = 10 : i32, message = "d_fillwait"}> : () -> ()
    %dma_wait3A = tpu.memref_slice %arg6[%add3A_23] : memref<16777216xf32, #tpu.memory_space<hbm>> -> memref<32768xf32, #tpu.memory_space<hbm>>
    %dma_wait3A_93 = tpu.memref_slice %arg6[%add3A_23] : memref<16777216xf32, #tpu.memory_space<hbm>> -> memref<32768xf32, #tpu.memory_space<hbm>>
    tpu.wait_dma2 semaphore(%arg15 : memref<!tpu.dma_semaphore, #tpu.memory_space<semaphore_mem>>) src(%arg12 : memref<32768xf32, #tpu.memory_space<vmem>>) dst(%dma_wait3A_93 : memref<32768xf32, #tpu.memory_space<hbm>>)
    %dma_wait3A_94 = tpu.memref_slice %arg6[%add3A_26] : memref<16777216xf32, #tpu.memory_space<hbm>> -> memref<32768xf32, #tpu.memory_space<hbm>>
    %dma_wait3A_95 = tpu.memref_slice %arg6[%add3A_26] : memref<16777216xf32, #tpu.memory_space<hbm>> -> memref<32768xf32, #tpu.memory_space<hbm>>
    tpu.wait_dma2 semaphore(%arg15 : memref<!tpu.dma_semaphore, #tpu.memory_space<semaphore_mem>>) src(%arg12 : memref<32768xf32, #tpu.memory_space<vmem>>) dst(%dma_wait3A_95 : memref<32768xf32, #tpu.memory_space<hbm>>)
    %dma_wait3A_96 = tpu.memref_slice %arg6[%add3A_30] : memref<16777216xf32, #tpu.memory_space<hbm>> -> memref<32768xf32, #tpu.memory_space<hbm>>
    %dma_wait3A_97 = tpu.memref_slice %arg6[%add3A_30] : memref<16777216xf32, #tpu.memory_space<hbm>> -> memref<32768xf32, #tpu.memory_space<hbm>>
    tpu.wait_dma2 semaphore(%arg15 : memref<!tpu.dma_semaphore, #tpu.memory_space<semaphore_mem>>) src(%arg12 : memref<32768xf32, #tpu.memory_space<vmem>>) dst(%dma_wait3A_97 : memref<32768xf32, #tpu.memory_space<hbm>>)
    %dma_wait3A_98 = tpu.memref_slice %arg6[%add3A_34] : memref<16777216xf32, #tpu.memory_space<hbm>> -> memref<32768xf32, #tpu.memory_space<hbm>>
    %dma_wait3A_99 = tpu.memref_slice %arg6[%add3A_34] : memref<16777216xf32, #tpu.memory_space<hbm>> -> memref<32768xf32, #tpu.memory_space<hbm>>
    tpu.wait_dma2 semaphore(%arg15 : memref<!tpu.dma_semaphore, #tpu.memory_space<semaphore_mem>>) src(%arg12 : memref<32768xf32, #tpu.memory_space<vmem>>) dst(%dma_wait3A_99 : memref<32768xf32, #tpu.memory_space<hbm>>)
    %dma_wait3A_100 = tpu.memref_slice %arg6[%add3A_38] : memref<16777216xf32, #tpu.memory_space<hbm>> -> memref<32768xf32, #tpu.memory_space<hbm>>
    %dma_wait3A_101 = tpu.memref_slice %arg6[%add3A_38] : memref<16777216xf32, #tpu.memory_space<hbm>> -> memref<32768xf32, #tpu.memory_space<hbm>>
    tpu.wait_dma2 semaphore(%arg15 : memref<!tpu.dma_semaphore, #tpu.memory_space<semaphore_mem>>) src(%arg12 : memref<32768xf32, #tpu.memory_space<vmem>>) dst(%dma_wait3A_101 : memref<32768xf32, #tpu.memory_space<hbm>>)
    %dma_wait3A_102 = tpu.memref_slice %arg6[%add3A_42] : memref<16777216xf32, #tpu.memory_space<hbm>> -> memref<32768xf32, #tpu.memory_space<hbm>>
    %dma_wait3A_103 = tpu.memref_slice %arg6[%add3A_42] : memref<16777216xf32, #tpu.memory_space<hbm>> -> memref<32768xf32, #tpu.memory_space<hbm>>
    tpu.wait_dma2 semaphore(%arg15 : memref<!tpu.dma_semaphore, #tpu.memory_space<semaphore_mem>>) src(%arg12 : memref<32768xf32, #tpu.memory_space<vmem>>) dst(%dma_wait3A_103 : memref<32768xf32, #tpu.memory_space<hbm>>)
    %dma_wait3A_104 = tpu.memref_slice %arg6[%add3A_46] : memref<16777216xf32, #tpu.memory_space<hbm>> -> memref<32768xf32, #tpu.memory_space<hbm>>
    %dma_wait3A_105 = tpu.memref_slice %arg6[%add3A_46] : memref<16777216xf32, #tpu.memory_space<hbm>> -> memref<32768xf32, #tpu.memory_space<hbm>>
    tpu.wait_dma2 semaphore(%arg15 : memref<!tpu.dma_semaphore, #tpu.memory_space<semaphore_mem>>) src(%arg12 : memref<32768xf32, #tpu.memory_space<vmem>>) dst(%dma_wait3A_105 : memref<32768xf32, #tpu.memory_space<hbm>>)
    %dma_wait3A_106 = tpu.memref_slice %arg6[%add3A_50] : memref<16777216xf32, #tpu.memory_space<hbm>> -> memref<32768xf32, #tpu.memory_space<hbm>>
    %dma_wait3A_107 = tpu.memref_slice %arg6[%add3A_50] : memref<16777216xf32, #tpu.memory_space<hbm>> -> memref<32768xf32, #tpu.memory_space<hbm>>
    tpu.wait_dma2 semaphore(%arg15 : memref<!tpu.dma_semaphore, #tpu.memory_space<semaphore_mem>>) src(%arg12 : memref<32768xf32, #tpu.memory_space<vmem>>) dst(%dma_wait3A_107 : memref<32768xf32, #tpu.memory_space<hbm>>)
    %dma_wait3A_108 = tpu.memref_slice %arg6[%add3A_54] : memref<16777216xf32, #tpu.memory_space<hbm>> -> memref<32768xf32, #tpu.memory_space<hbm>>
    %dma_wait3A_109 = tpu.memref_slice %arg6[%add3A_54] : memref<16777216xf32, #tpu.memory_space<hbm>> -> memref<32768xf32, #tpu.memory_space<hbm>>
    tpu.wait_dma2 semaphore(%arg15 : memref<!tpu.dma_semaphore, #tpu.memory_space<semaphore_mem>>) src(%arg12 : memref<32768xf32, #tpu.memory_space<vmem>>) dst(%dma_wait3A_109 : memref<32768xf32, #tpu.memory_space<hbm>>)
    %dma_wait3A_110 = tpu.memref_slice %arg6[%add3A_58] : memref<16777216xf32, #tpu.memory_space<hbm>> -> memref<32768xf32, #tpu.memory_space<hbm>>
    %dma_wait3A_111 = tpu.memref_slice %arg6[%add3A_58] : memref<16777216xf32, #tpu.memory_space<hbm>> -> memref<32768xf32, #tpu.memory_space<hbm>>
    tpu.wait_dma2 semaphore(%arg15 : memref<!tpu.dma_semaphore, #tpu.memory_space<semaphore_mem>>) src(%arg12 : memref<32768xf32, #tpu.memory_space<vmem>>) dst(%dma_wait3A_111 : memref<32768xf32, #tpu.memory_space<hbm>>)
    %dma_wait3A_112 = tpu.memref_slice %arg6[%add3A_62] : memref<16777216xf32, #tpu.memory_space<hbm>> -> memref<32768xf32, #tpu.memory_space<hbm>>
    %dma_wait3A_113 = tpu.memref_slice %arg6[%add3A_62] : memref<16777216xf32, #tpu.memory_space<hbm>> -> memref<32768xf32, #tpu.memory_space<hbm>>
    tpu.wait_dma2 semaphore(%arg15 : memref<!tpu.dma_semaphore, #tpu.memory_space<semaphore_mem>>) src(%arg12 : memref<32768xf32, #tpu.memory_space<vmem>>) dst(%dma_wait3A_113 : memref<32768xf32, #tpu.memory_space<hbm>>)
    %dma_wait3A_114 = tpu.memref_slice %arg6[%add3A_66] : memref<16777216xf32, #tpu.memory_space<hbm>> -> memref<32768xf32, #tpu.memory_space<hbm>>
    %dma_wait3A_115 = tpu.memref_slice %arg6[%add3A_66] : memref<16777216xf32, #tpu.memory_space<hbm>> -> memref<32768xf32, #tpu.memory_space<hbm>>
    tpu.wait_dma2 semaphore(%arg15 : memref<!tpu.dma_semaphore, #tpu.memory_space<semaphore_mem>>) src(%arg12 : memref<32768xf32, #tpu.memory_space<vmem>>) dst(%dma_wait3A_115 : memref<32768xf32, #tpu.memory_space<hbm>>)
    %dma_wait3A_116 = tpu.memref_slice %arg6[%add3A_70] : memref<16777216xf32, #tpu.memory_space<hbm>> -> memref<32768xf32, #tpu.memory_space<hbm>>
    %dma_wait3A_117 = tpu.memref_slice %arg6[%add3A_70] : memref<16777216xf32, #tpu.memory_space<hbm>> -> memref<32768xf32, #tpu.memory_space<hbm>>
    tpu.wait_dma2 semaphore(%arg15 : memref<!tpu.dma_semaphore, #tpu.memory_space<semaphore_mem>>) src(%arg12 : memref<32768xf32, #tpu.memory_space<vmem>>) dst(%dma_wait3A_117 : memref<32768xf32, #tpu.memory_space<hbm>>)
    %dma_wait3A_118 = tpu.memref_slice %arg6[%add3A_74] : memref<16777216xf32, #tpu.memory_space<hbm>> -> memref<32768xf32, #tpu.memory_space<hbm>>
    %dma_wait3A_119 = tpu.memref_slice %arg6[%add3A_74] : memref<16777216xf32, #tpu.memory_space<hbm>> -> memref<32768xf32, #tpu.memory_space<hbm>>
    tpu.wait_dma2 semaphore(%arg15 : memref<!tpu.dma_semaphore, #tpu.memory_space<semaphore_mem>>) src(%arg12 : memref<32768xf32, #tpu.memory_space<vmem>>) dst(%dma_wait3A_119 : memref<32768xf32, #tpu.memory_space<hbm>>)
    %dma_wait3A_120 = tpu.memref_slice %arg6[%add3A_78] : memref<16777216xf32, #tpu.memory_space<hbm>> -> memref<32768xf32, #tpu.memory_space<hbm>>
    %dma_wait3A_121 = tpu.memref_slice %arg6[%add3A_78] : memref<16777216xf32, #tpu.memory_space<hbm>> -> memref<32768xf32, #tpu.memory_space<hbm>>
    tpu.wait_dma2 semaphore(%arg15 : memref<!tpu.dma_semaphore, #tpu.memory_space<semaphore_mem>>) src(%arg12 : memref<32768xf32, #tpu.memory_space<vmem>>) dst(%dma_wait3A_121 : memref<32768xf32, #tpu.memory_space<hbm>>)
    %dma_wait3A_122 = tpu.memref_slice %arg6[%add3A_82] : memref<16777216xf32, #tpu.memory_space<hbm>> -> memref<32768xf32, #tpu.memory_space<hbm>>
    %dma_wait3A_123 = tpu.memref_slice %arg6[%add3A_82] : memref<16777216xf32, #tpu.memory_space<hbm>> -> memref<32768xf32, #tpu.memory_space<hbm>>
    tpu.wait_dma2 semaphore(%arg15 : memref<!tpu.dma_semaphore, #tpu.memory_space<semaphore_mem>>) src(%arg12 : memref<32768xf32, #tpu.memory_space<vmem>>) dst(%dma_wait3A_123 : memref<32768xf32, #tpu.memory_space<hbm>>)
    %barrier3A = arith.constant 0 : index
    tpu.barrier barrier_id(%barrier3A)
    "tpu.trace_stop"() : () -> ()
    %mul3A_124 = arith.constant 2 : i32
    %mul3A_125 = arith.muli %arg0, %mul3A_124 : i32
    %add3A_126 = arith.constant 0 : i32
    %add3A_127 = arith.addi %mul3A_125, %add3A_126 : i32
    %mul3A_128 = arith.constant 131072 : i32
    %mul3A_129 = arith.muli %add3A_127, %mul3A_128 : i32
    %add3A_130 = arith.addi %mul3A_129, %select_n3A : i32
    "tpu.region"() ({
      %run_scoped3A_230 = tpu.sem_alloc : memref<!tpu.dma_semaphore, #tpu.memory_space<semaphore_mem>>
      %dma_start3A_231 = tpu.memref_slice %arg2[%add3A_130] : memref<524288xf32, #tpu.memory_space<hbm>> -> memref<16384xf32, #tpu.memory_space<hbm>>
      %dma_start3A_232 = tpu.memref_slice %arg2[%add3A_130] : memref<524288xf32, #tpu.memory_space<hbm>> -> memref<16384xf32, #tpu.memory_space<hbm>>
      tpu.enqueue_dma source(%dma_start3A_232 : memref<16384xf32, #tpu.memory_space<hbm>>) target(%arg11 : memref<16384xf32, #tpu.memory_space<vmem>>) target_semaphore(%run_scoped3A_230 : memref<!tpu.dma_semaphore, #tpu.memory_space<semaphore_mem>>)
      %dma_wait3A_233 = tpu.memref_slice %arg2[%add3A_130] : memref<524288xf32, #tpu.memory_space<hbm>> -> memref<16384xf32, #tpu.memory_space<hbm>>
      %dma_wait3A_234 = tpu.memref_slice %arg2[%add3A_130] : memref<524288xf32, #tpu.memory_space<hbm>> -> memref<16384xf32, #tpu.memory_space<hbm>>
      tpu.wait_dma2 semaphore(%run_scoped3A_230 : memref<!tpu.dma_semaphore, #tpu.memory_space<semaphore_mem>>) src(%dma_wait3A_234 : memref<16384xf32, #tpu.memory_space<hbm>>) dst(%arg11 : memref<16384xf32, #tpu.memory_space<vmem>>)
      tpu.yield
    }) : () -> ()
    "tpu.trace_start"() <{level = 10 : i32, message = "d_fix"}> : () -> ()
    %add3A_131 = arith.constant 15 : i32
    %add3A_132 = arith.addi %scan3A_91, %add3A_131 : i32
    %jit3A_133 = arith.constant 16 : i32
    %div3A = arith.divsi %add3A_132, %jit3A_133 : i32
    %sign3A = arith.constant 0 : i32
    %sign3A_134 = arith.cmpi sgt, %add3A_132, %sign3A : i32
    %sign3A_135 = arith.extui %sign3A_134 : i1 to i32
    %sign3A_136 = arith.constant 0 : i32
    %sign3A_137 = arith.cmpi slt, %add3A_132, %sign3A_136 : i32
    %sign3A_138 = arith.extui %sign3A_137 : i1 to i32
    %sign3A_139 = arith.subi %sign3A_135, %sign3A_138 : i32
    %sign3A_140 = arith.constant 0 : i32
    %sign3A_141 = arith.cmpi sgt, %jit3A_133, %sign3A_140 : i32
    %sign3A_142 = arith.extui %sign3A_141 : i1 to i32
    %sign3A_143 = arith.constant 0 : i32
    %sign3A_144 = arith.cmpi slt, %jit3A_133, %sign3A_143 : i32
    %sign3A_145 = arith.extui %sign3A_144 : i1 to i32
    %sign3A_146 = arith.subi %sign3A_142, %sign3A_145 : i32
    %ne3A = arith.cmpi ne, %sign3A_139, %sign3A_146 : i32
    %rem3A = arith.remsi %add3A_132, %jit3A_133 : i32
    %ne3A_147 = arith.constant 0 : i32
    %ne3A_148 = arith.cmpi ne, %rem3A, %ne3A_147 : i32
    %and3A = arith.andi %ne3A, %ne3A_148 : i1
    %sub3A_149 = arith.constant 1 : i32
    %sub3A_150 = arith.subi %div3A, %sub3A_149 : i32
    %select_n3A_151 = arith.select %and3A, %sub3A_150, %div3A : i32
    %while3A = arith.constant 0 : i32
    %while3A_152 = arith.constant 0 : i32
    %while3A_153 = arith.subi %select_n3A_151, %while3A : i32
    %while3A_154 = arith.addi %while3A, %while3A_153 : i32
    %while3A_155 = arith.constant 1 : i32
    %while3A_156 = arith.divsi %while3A_153, %while3A_155 : i32
    %while3A_157 = arith.muli %while3A_156, %while3A_155 : i32
    %while3A_158 = arith.addi %while3A, %while3A_157 : i32
    %while3A_159 = arith.constant 1 : i32
    %while3A_160 = scf.for %while3A_230 = %while3A to %while3A_158 step %while3A_159 iter_args(%while3A_231 = %while3A_152) -> (i32)  : i32 {
      %mul3A_232 = arith.constant 16 : i32
      %mul3A_233 = arith.muli %while3A_230, %mul3A_232 : i32
      %iota3A_234 = tpu.iota {dimensions = array<i32: 0>} : vector<16xi32>
      %add3A_235 = vector.broadcast %mul3A_233 : i32 to vector<16xi32>
      %add3A_236 = arith.addi %add3A_235, %iota3A_234 : vector<16xi32>
      %lt3A_237 = vector.broadcast %scan3A_91 : i32 to vector<16xi32>
      %lt3A_238 = arith.cmpi slt, %add3A_236, %lt3A_237 : vector<16xi32>
      %get3A_239 = arith.index_cast %mul3A_233 : i32 to index
      %get3A_240 = tpu.vector_load %arg8[%get3A_239] {strides = array<i32>} : memref<16384xi32, #tpu.memory_space<vmem>>, vector<16xi32>,
      %get3A_241 = arith.index_cast %mul3A_233 : i32 to index
      %get3A_242 = tpu.vector_load %arg9[%get3A_241] {strides = array<i32>} : memref<16384xi32, #tpu.memory_space<vmem>>, vector<16xi32>,
      %iota3A_243 = tpu.iota {dimensions = array<i32: 0>} : vector<16xi32>
      %eq3A_244 = arith.constant 0 : i32
      %eq3A_245 = vector.broadcast %eq3A_244 : i32 to vector<16xi32>
      %eq3A_246 = arith.cmpi eq, %iota3A_243, %eq3A_245 : vector<16xi32>
      %jit3A_247 = arith.constant 0 : i32
      %broadcast_in_dim3A_248 = vector.broadcast %jit3A_247 : i32 to vector<16xi32>
      %select_n3A_249 = arith.select %eq3A_246, %get3A_240, %broadcast_in_dim3A_248 : vector<16xi1>, vector<16xi32>
      %reduce_sum3A_250 = arith.constant true
      %reduce_sum3A_251 = vector.broadcast %reduce_sum3A_250 : i1 to vector<16xi1>
      %reduce_sum3A_252 = tpu.scan <sum>, %select_n3A_249 masked %reduce_sum3A_251 : vector<16xi32>, vector<16xi1> -> vector<16xi32>
      %reduce_sum3A_253 = vector.extract %reduce_sum3A_252[15] : i32 from vector<16xi32>
      %iota3A_254 = tpu.iota {dimensions = array<i32: 0>} : vector<16xi32>
      %eq3A_255 = arith.constant 0 : i32
      %eq3A_256 = vector.broadcast %eq3A_255 : i32 to vector<16xi32>
      %eq3A_257 = arith.cmpi eq, %iota3A_254, %eq3A_256 : vector<16xi32>
      %jit3A_258 = arith.constant 0 : i32
      %broadcast_in_dim3A_259 = vector.broadcast %jit3A_258 : i32 to vector<16xi32>
      %select_n3A_260 = arith.select %eq3A_257, %get3A_242, %broadcast_in_dim3A_259 : vector<16xi1>, vector<16xi32>
      %reduce_sum3A_261 = arith.constant true
      %reduce_sum3A_262 = vector.broadcast %reduce_sum3A_261 : i1 to vector<16xi1>
      %reduce_sum3A_263 = tpu.scan <sum>, %select_n3A_260 masked %reduce_sum3A_262 : vector<16xi32>, vector<16xi1> -> vector<16xi32>
      %reduce_sum3A_264 = vector.extract %reduce_sum3A_263[15] : i32 from vector<16xi32>
      %broadcast_in_dim3A_265 = vector.broadcast %reduce_sum3A_253 : i32 to vector<16xi32>
      %select_n3A_266 = arith.select %lt3A_238, %get3A_240, %broadcast_in_dim3A_265 : vector<16xi1>, vector<16xi32>
      %broadcast_in_dim3A_267 = vector.broadcast %reduce_sum3A_264 : i32 to vector<16xi32>
      %select_n3A_268 = arith.select %lt3A_238, %get3A_242, %broadcast_in_dim3A_267 : vector<16xi1>, vector<16xi32>
      %mul3A_269 = arith.constant 131072 : i32
      %mul3A_270 = arith.muli %add3A_127, %mul3A_269 : i32
      %add3A_271 = vector.broadcast %mul3A_270 : i32 to vector<16xi32>
      %add3A_272 = arith.addi %add3A_271, %select_n3A_268 : vector<16xi32>
      %dma_start3A_273 = arith.constant 0 : i32
      %dma_start3A_274 = tpu.memref_slice %arg2[%dma_start3A_273] : memref<524288xf32, #tpu.memory_space<hbm>> -> memref<524288xf32, #tpu.memory_space<hbm>>
      tpu.enqueue_indirect_dma source(%dma_start3A_274 : memref<524288xf32, #tpu.memory_space<hbm>>) target(%arg13 : memref<16xf32, #tpu.memory_space<vmem>>) offsets(%add3A_272 : vector<16xi32>) semaphore(%arg14 : memref<!tpu.dma_semaphore, #tpu.memory_space<semaphore_mem>>)
      %dma_wait3A_275 = arith.constant 0 : i32
      %dma_wait3A_276 = tpu.memref_slice %arg2[%dma_wait3A_275] : memref<524288xf32, #tpu.memory_space<hbm>> -> memref<524288xf32, #tpu.memory_space<hbm>>
      tpu.wait_indirect_dma semaphore(%arg14 : memref<!tpu.dma_semaphore, #tpu.memory_space<semaphore_mem>>) src(%dma_wait3A_276 : memref<524288xf32, #tpu.memory_space<hbm>>) dst(%arg13 : memref<16xf32, #tpu.memory_space<vmem>>)
      %get3A_277 = arith.constant 0 : index
      %get3A_278 = tpu.vector_load %arg13[%get3A_277] {strides = array<i32>} : memref<16xf32, #tpu.memory_space<vmem>>, vector<16xf32>,
      tpu.vector_store_idx %arg11[%select_n3A_266], %get3A_278 : memref<16384xf32, #tpu.memory_space<vmem>>[vector<16xi32>], vector<16xf32>,
      %while3A_279 = arith.constant 0 : i32
      scf.yield %while3A_279 : i32
    }
    %while3A_161 = arith.constant 1 : i32
    %while3A_162 = scf.for %while3A_230 = %while3A_158 to %while3A_154 step %while3A_161 iter_args(%while3A_231 = %while3A_160) -> (i32)  : i32 {
      %mul3A_232 = arith.constant 16 : i32
      %mul3A_233 = arith.muli %while3A_230, %mul3A_232 : i32
      %iota3A_234 = tpu.iota {dimensions = array<i32: 0>} : vector<16xi32>
      %add3A_235 = vector.broadcast %mul3A_233 : i32 to vector<16xi32>
      %add3A_236 = arith.addi %add3A_235, %iota3A_234 : vector<16xi32>
      %lt3A_237 = vector.broadcast %scan3A_91 : i32 to vector<16xi32>
      %lt3A_238 = arith.cmpi slt, %add3A_236, %lt3A_237 : vector<16xi32>
      %get3A_239 = arith.index_cast %mul3A_233 : i32 to index
      %get3A_240 = tpu.vector_load %arg8[%get3A_239] {strides = array<i32>} : memref<16384xi32, #tpu.memory_space<vmem>>, vector<16xi32>,
      %get3A_241 = arith.index_cast %mul3A_233 : i32 to index
      %get3A_242 = tpu.vector_load %arg9[%get3A_241] {strides = array<i32>} : memref<16384xi32, #tpu.memory_space<vmem>>, vector<16xi32>,
      %iota3A_243 = tpu.iota {dimensions = array<i32: 0>} : vector<16xi32>
      %eq3A_244 = arith.constant 0 : i32
      %eq3A_245 = vector.broadcast %eq3A_244 : i32 to vector<16xi32>
      %eq3A_246 = arith.cmpi eq, %iota3A_243, %eq3A_245 : vector<16xi32>
      %jit3A_247 = arith.constant 0 : i32
      %broadcast_in_dim3A_248 = vector.broadcast %jit3A_247 : i32 to vector<16xi32>
      %select_n3A_249 = arith.select %eq3A_246, %get3A_240, %broadcast_in_dim3A_248 : vector<16xi1>, vector<16xi32>
      %reduce_sum3A_250 = arith.constant true
      %reduce_sum3A_251 = vector.broadcast %reduce_sum3A_250 : i1 to vector<16xi1>
      %reduce_sum3A_252 = tpu.scan <sum>, %select_n3A_249 masked %reduce_sum3A_251 : vector<16xi32>, vector<16xi1> -> vector<16xi32>
      %reduce_sum3A_253 = vector.extract %reduce_sum3A_252[15] : i32 from vector<16xi32>
      %iota3A_254 = tpu.iota {dimensions = array<i32: 0>} : vector<16xi32>
      %eq3A_255 = arith.constant 0 : i32
      %eq3A_256 = vector.broadcast %eq3A_255 : i32 to vector<16xi32>
      %eq3A_257 = arith.cmpi eq, %iota3A_254, %eq3A_256 : vector<16xi32>
      %jit3A_258 = arith.constant 0 : i32
      %broadcast_in_dim3A_259 = vector.broadcast %jit3A_258 : i32 to vector<16xi32>
      %select_n3A_260 = arith.select %eq3A_257, %get3A_242, %broadcast_in_dim3A_259 : vector<16xi1>, vector<16xi32>
      %reduce_sum3A_261 = arith.constant true
      %reduce_sum3A_262 = vector.broadcast %reduce_sum3A_261 : i1 to vector<16xi1>
      %reduce_sum3A_263 = tpu.scan <sum>, %select_n3A_260 masked %reduce_sum3A_262 : vector<16xi32>, vector<16xi1> -> vector<16xi32>
      %reduce_sum3A_264 = vector.extract %reduce_sum3A_263[15] : i32 from vector<16xi32>
      %broadcast_in_dim3A_265 = vector.broadcast %reduce_sum3A_253 : i32 to vector<16xi32>
      %select_n3A_266 = arith.select %lt3A_238, %get3A_240, %broadcast_in_dim3A_265 : vector<16xi1>, vector<16xi32>
      %broadcast_in_dim3A_267 = vector.broadcast %reduce_sum3A_264 : i32 to vector<16xi32>
      %select_n3A_268 = arith.select %lt3A_238, %get3A_242, %broadcast_in_dim3A_267 : vector<16xi1>, vector<16xi32>
      %mul3A_269 = arith.constant 131072 : i32
      %mul3A_270 = arith.muli %add3A_127, %mul3A_269 : i32
      %add3A_271 = vector.broadcast %mul3A_270 : i32 to vector<16xi32>
      %add3A_272 = arith.addi %add3A_271, %select_n3A_268 : vector<16xi32>
      %dma_start3A_273 = arith.constant 0 : i32
      %dma_start3A_274 = tpu.memref_slice %arg2[%dma_start3A_273] : memref<524288xf32, #tpu.memory_space<hbm>> -> memref<524288xf32, #tpu.memory_space<hbm>>
      tpu.enqueue_indirect_dma source(%dma_start3A_274 : memref<524288xf32, #tpu.memory_space<hbm>>) target(%arg13 : memref<16xf32, #tpu.memory_space<vmem>>) offsets(%add3A_272 : vector<16xi32>) semaphore(%arg14 : memref<!tpu.dma_semaphore, #tpu.memory_space<semaphore_mem>>)
      %dma_wait3A_275 = arith.constant 0 : i32
      %dma_wait3A_276 = tpu.memref_slice %arg2[%dma_wait3A_275] : memref<524288xf32, #tpu.memory_space<hbm>> -> memref<524288xf32, #tpu.memory_space<hbm>>
      tpu.wait_indirect_dma semaphore(%arg14 : memref<!tpu.dma_semaphore, #tpu.memory_space<semaphore_mem>>) src(%dma_wait3A_276 : memref<524288xf32, #tpu.memory_space<hbm>>) dst(%arg13 : memref<16xf32, #tpu.memory_space<vmem>>)
      %get3A_277 = arith.constant 0 : index
      %get3A_278 = tpu.vector_load %arg13[%get3A_277] {strides = array<i32>} : memref<16xf32, #tpu.memory_space<vmem>>, vector<16xf32>,
      tpu.vector_store_idx %arg11[%select_n3A_266], %get3A_278 : memref<16384xf32, #tpu.memory_space<vmem>>[vector<16xi32>], vector<16xf32>,
      %while3A_279 = arith.constant 0 : i32
      scf.yield %while3A_279 : i32
    }
    "tpu.trace_stop"() : () -> ()
    "tpu.trace_start"() <{level = 10 : i32, message = "d_tbm"}> : () -> ()
    %scan3A_163 = arith.constant 0 : i32
    %scan3A_164 = arith.constant 0 : i32
    %scan3A_165 = arith.constant 1024 : i32
    %scan3A_166 = arith.addi %scan3A_164, %scan3A_165 : i32
    %scan3A_167 = arith.constant 1 : i32
    %scan3A_168 = scf.for %scan3A_230 = %scan3A_164 to %scan3A_166 step %scan3A_167 iter_args(%scan3A_231 = %scan3A_163) -> (i32)  : i32 {
      %mul3A_232 = arith.constant 16 : i32
      %mul3A_233 = arith.muli %scan3A_230, %mul3A_232 : i32
      %get3A_234 = arith.index_cast %mul3A_233 : i32 to index
      %get3A_235 = tpu.vector_load %arg7[%get3A_234] {strides = array<i32>} : memref<16384xi32, #tpu.memory_space<vmem>>, vector<16xi32>,
      %mul3A_236 = arith.constant 4194304 : i32
      %mul3A_237 = arith.muli %add3A_127, %mul3A_236 : i32
      %add3A_238 = vector.broadcast %mul3A_237 : i32 to vector<16xi32>
      %add3A_239 = arith.addi %get3A_235, %add3A_238 : vector<16xi32>
      %swap3A = arith.index_cast %mul3A_233 : i32 to index
      %swap3A_240 = tpu.vector_load %arg10[%swap3A] {strides = array<i32>} : memref<16384xi32, #tpu.memory_space<vmem>>, vector<16xi32>,
      tpu.vector_store %arg10[%swap3A], %add3A_239 {strides = array<i32>} : memref<16384xi32, #tpu.memory_space<vmem>>, vector<16xi32>,
      %scan3A_241 = arith.constant 0 : i32
      scf.yield %scan3A_241 : i32
    }
    %scan3A_169 = arith.constant 1024 : i32
    "tpu.trace_stop"() : () -> ()
    "tpu.trace_start"() <{level = 10 : i32, message = "d_scat"}> : () -> ()
    %dma_start3A_170 = arith.constant 0 : i32
    %dma_start3A_171 = tpu.memref_slice %arg6[%dma_start3A_170] : memref<16777216xf32, #tpu.memory_space<hbm>> -> memref<16777216xf32, #tpu.memory_space<hbm>>
    tpu.enqueue_indirect_dma source(%arg11 : memref<16384xf32, #tpu.memory_space<vmem>>) target(%dma_start3A_171 : memref<16777216xf32, #tpu.memory_space<hbm>>) offsets(%arg10 : memref<16384xi32, #tpu.memory_space<vmem>>) semaphore(%arg14 : memref<!tpu.dma_semaphore, #tpu.memory_space<semaphore_mem>>)
    %dma_wait3A_172 = arith.constant 0 : i32
    %dma_wait3A_173 = tpu.memref_slice %arg6[%dma_wait3A_172] : memref<16777216xf32, #tpu.memory_space<hbm>> -> memref<16777216xf32, #tpu.memory_space<hbm>>
    tpu.wait_indirect_dma semaphore(%arg14 : memref<!tpu.dma_semaphore, #tpu.memory_space<semaphore_mem>>) src(%arg11 : memref<16384xf32, #tpu.memory_space<vmem>>) dst(%dma_wait3A_173 : memref<16777216xf32, #tpu.memory_space<hbm>>)
    "tpu.trace_stop"() : () -> ()
    %mul3A_174 = arith.constant 2 : i32
    %mul3A_175 = arith.muli %arg0, %mul3A_174 : i32
    %add3A_176 = arith.constant 1 : i32
    %add3A_177 = arith.addi %mul3A_175, %add3A_176 : i32
    %mul3A_178 = arith.constant 131072 : i32
    %mul3A_179 = arith.muli %add3A_177, %mul3A_178 : i32
    %add3A_180 = arith.addi %mul3A_179, %select_n3A : i32
    "tpu.region"() ({
      %run_scoped3A_230 = tpu.sem_alloc : memref<!tpu.dma_semaphore, #tpu.memory_space<semaphore_mem>>
      %dma_start3A_231 = tpu.memref_slice %arg2[%add3A_180] : memref<524288xf32, #tpu.memory_space<hbm>> -> memref<16384xf32, #tpu.memory_space<hbm>>
      %dma_start3A_232 = tpu.memref_slice %arg2[%add3A_180] : memref<524288xf32, #tpu.memory_space<hbm>> -> memref<16384xf32, #tpu.memory_space<hbm>>
      tpu.enqueue_dma source(%dma_start3A_232 : memref<16384xf32, #tpu.memory_space<hbm>>) target(%arg11 : memref<16384xf32, #tpu.memory_space<vmem>>) target_semaphore(%run_scoped3A_230 : memref<!tpu.dma_semaphore, #tpu.memory_space<semaphore_mem>>)
      %dma_wait3A_233 = tpu.memref_slice %arg2[%add3A_180] : memref<524288xf32, #tpu.memory_space<hbm>> -> memref<16384xf32, #tpu.memory_space<hbm>>
      %dma_wait3A_234 = tpu.memref_slice %arg2[%add3A_180] : memref<524288xf32, #tpu.memory_space<hbm>> -> memref<16384xf32, #tpu.memory_space<hbm>>
      tpu.wait_dma2 semaphore(%run_scoped3A_230 : memref<!tpu.dma_semaphore, #tpu.memory_space<semaphore_mem>>) src(%dma_wait3A_234 : memref<16384xf32, #tpu.memory_space<hbm>>) dst(%arg11 : memref<16384xf32, #tpu.memory_space<vmem>>)
      tpu.yield
    }) : () -> ()
    "tpu.trace_start"() <{level = 10 : i32, message = "d_fix"}> : () -> ()
    %add3A_181 = arith.constant 15 : i32
    %add3A_182 = arith.addi %scan3A_91, %add3A_181 : i32
    %jit3A_183 = arith.constant 16 : i32
    %div3A_184 = arith.divsi %add3A_182, %jit3A_183 : i32
    %sign3A_185 = arith.constant 0 : i32
    %sign3A_186 = arith.cmpi sgt, %add3A_182, %sign3A_185 : i32
    %sign3A_187 = arith.extui %sign3A_186 : i1 to i32
    %sign3A_188 = arith.constant 0 : i32
    %sign3A_189 = arith.cmpi slt, %add3A_182, %sign3A_188 : i32
    %sign3A_190 = arith.extui %sign3A_189 : i1 to i32
    %sign3A_191 = arith.subi %sign3A_187, %sign3A_190 : i32
    %sign3A_192 = arith.constant 0 : i32
    %sign3A_193 = arith.cmpi sgt, %jit3A_183, %sign3A_192 : i32
    %sign3A_194 = arith.extui %sign3A_193 : i1 to i32
    %sign3A_195 = arith.constant 0 : i32
    %sign3A_196 = arith.cmpi slt, %jit3A_183, %sign3A_195 : i32
    %sign3A_197 = arith.extui %sign3A_196 : i1 to i32
    %sign3A_198 = arith.subi %sign3A_194, %sign3A_197 : i32
    %ne3A_199 = arith.cmpi ne, %sign3A_191, %sign3A_198 : i32
    %rem3A_200 = arith.remsi %add3A_182, %jit3A_183 : i32
    %ne3A_201 = arith.constant 0 : i32
    %ne3A_202 = arith.cmpi ne, %rem3A_200, %ne3A_201 : i32
    %and3A_203 = arith.andi %ne3A_199, %ne3A_202 : i1
    %sub3A_204 = arith.constant 1 : i32
    %sub3A_205 = arith.subi %div3A_184, %sub3A_204 : i32
    %select_n3A_206 = arith.select %and3A_203, %sub3A_205, %div3A_184 : i32
    %while3A_207 = arith.constant 0 : i32
    %while3A_208 = arith.constant 0 : i32
    %while3A_209 = arith.subi %select_n3A_206, %while3A_207 : i32
    %while3A_210 = arith.addi %while3A_207, %while3A_209 : i32
    %while3A_211 = arith.constant 1 : i32
    %while3A_212 = arith.divsi %while3A_209, %while3A_211 : i32
    %while3A_213 = arith.muli %while3A_212, %while3A_211 : i32
    %while3A_214 = arith.addi %while3A_207, %while3A_213 : i32
    %while3A_215 = arith.constant 1 : i32
    %while3A_216 = scf.for %while3A_230 = %while3A_207 to %while3A_214 step %while3A_215 iter_args(%while3A_231 = %while3A_208) -> (i32)  : i32 {
      %mul3A_232 = arith.constant 16 : i32
      %mul3A_233 = arith.muli %while3A_230, %mul3A_232 : i32
      %iota3A_234 = tpu.iota {dimensions = array<i32: 0>} : vector<16xi32>
      %add3A_235 = vector.broadcast %mul3A_233 : i32 to vector<16xi32>
      %add3A_236 = arith.addi %add3A_235, %iota3A_234 : vector<16xi32>
      %lt3A_237 = vector.broadcast %scan3A_91 : i32 to vector<16xi32>
      %lt3A_238 = arith.cmpi slt, %add3A_236, %lt3A_237 : vector<16xi32>
      %get3A_239 = arith.index_cast %mul3A_233 : i32 to index
      %get3A_240 = tpu.vector_load %arg8[%get3A_239] {strides = array<i32>} : memref<16384xi32, #tpu.memory_space<vmem>>, vector<16xi32>,
      %get3A_241 = arith.index_cast %mul3A_233 : i32 to index
      %get3A_242 = tpu.vector_load %arg9[%get3A_241] {strides = array<i32>} : memref<16384xi32, #tpu.memory_space<vmem>>, vector<16xi32>,
      %iota3A_243 = tpu.iota {dimensions = array<i32: 0>} : vector<16xi32>
      %eq3A_244 = arith.constant 0 : i32
      %eq3A_245 = vector.broadcast %eq3A_244 : i32 to vector<16xi32>
      %eq3A_246 = arith.cmpi eq, %iota3A_243, %eq3A_245 : vector<16xi32>
      %jit3A_247 = arith.constant 0 : i32
      %broadcast_in_dim3A_248 = vector.broadcast %jit3A_247 : i32 to vector<16xi32>
      %select_n3A_249 = arith.select %eq3A_246, %get3A_240, %broadcast_in_dim3A_248 : vector<16xi1>, vector<16xi32>
      %reduce_sum3A_250 = arith.constant true
      %reduce_sum3A_251 = vector.broadcast %reduce_sum3A_250 : i1 to vector<16xi1>
      %reduce_sum3A_252 = tpu.scan <sum>, %select_n3A_249 masked %reduce_sum3A_251 : vector<16xi32>, vector<16xi1> -> vector<16xi32>
      %reduce_sum3A_253 = vector.extract %reduce_sum3A_252[15] : i32 from vector<16xi32>
      %iota3A_254 = tpu.iota {dimensions = array<i32: 0>} : vector<16xi32>
      %eq3A_255 = arith.constant 0 : i32
      %eq3A_256 = vector.broadcast %eq3A_255 : i32 to vector<16xi32>
      %eq3A_257 = arith.cmpi eq, %iota3A_254, %eq3A_256 : vector<16xi32>
      %jit3A_258 = arith.constant 0 : i32
      %broadcast_in_dim3A_259 = vector.broadcast %jit3A_258 : i32 to vector<16xi32>
      %select_n3A_260 = arith.select %eq3A_257, %get3A_242, %broadcast_in_dim3A_259 : vector<16xi1>, vector<16xi32>
      %reduce_sum3A_261 = arith.constant true
      %reduce_sum3A_262 = vector.broadcast %reduce_sum3A_261 : i1 to vector<16xi1>
      %reduce_sum3A_263 = tpu.scan <sum>, %select_n3A_260 masked %reduce_sum3A_262 : vector<16xi32>, vector<16xi1> -> vector<16xi32>
      %reduce_sum3A_264 = vector.extract %reduce_sum3A_263[15] : i32 from vector<16xi32>
      %broadcast_in_dim3A_265 = vector.broadcast %reduce_sum3A_253 : i32 to vector<16xi32>
      %select_n3A_266 = arith.select %lt3A_238, %get3A_240, %broadcast_in_dim3A_265 : vector<16xi1>, vector<16xi32>
      %broadcast_in_dim3A_267 = vector.broadcast %reduce_sum3A_264 : i32 to vector<16xi32>
      %select_n3A_268 = arith.select %lt3A_238, %get3A_242, %broadcast_in_dim3A_267 : vector<16xi1>, vector<16xi32>
      %mul3A_269 = arith.constant 131072 : i32
      %mul3A_270 = arith.muli %add3A_177, %mul3A_269 : i32
      %add3A_271 = vector.broadcast %mul3A_270 : i32 to vector<16xi32>
      %add3A_272 = arith.addi %add3A_271, %select_n3A_268 : vector<16xi32>
      %dma_start3A_273 = arith.constant 0 : i32
      %dma_start3A_274 = tpu.memref_slice %arg2[%dma_start3A_273] : memref<524288xf32, #tpu.memory_space<hbm>> -> memref<524288xf32, #tpu.memory_space<hbm>>
      tpu.enqueue_indirect_dma source(%dma_start3A_274 : memref<524288xf32, #tpu.memory_space<hbm>>) target(%arg13 : memref<16xf32, #tpu.memory_space<vmem>>) offsets(%add3A_272 : vector<16xi32>) semaphore(%arg14 : memref<!tpu.dma_semaphore, #tpu.memory_space<semaphore_mem>>)
      %dma_wait3A_275 = arith.constant 0 : i32
      %dma_wait3A_276 = tpu.memref_slice %arg2[%dma_wait3A_275] : memref<524288xf32, #tpu.memory_space<hbm>> -> memref<524288xf32, #tpu.memory_space<hbm>>
      tpu.wait_indirect_dma semaphore(%arg14 : memref<!tpu.dma_semaphore, #tpu.memory_space<semaphore_mem>>) src(%dma_wait3A_276 : memref<524288xf32, #tpu.memory_space<hbm>>) dst(%arg13 : memref<16xf32, #tpu.memory_space<vmem>>)
      %get3A_277 = arith.constant 0 : index
      %get3A_278 = tpu.vector_load %arg13[%get3A_277] {strides = array<i32>} : memref<16xf32, #tpu.memory_space<vmem>>, vector<16xf32>,
      tpu.vector_store_idx %arg11[%select_n3A_266], %get3A_278 : memref<16384xf32, #tpu.memory_space<vmem>>[vector<16xi32>], vector<16xf32>,
      %while3A_279 = arith.constant 0 : i32
      scf.yield %while3A_279 : i32
    }
    %while3A_217 = arith.constant 1 : i32
    %while3A_218 = scf.for %while3A_230 = %while3A_214 to %while3A_210 step %while3A_217 iter_args(%while3A_231 = %while3A_216) -> (i32)  : i32 {
      %mul3A_232 = arith.constant 16 : i32
      %mul3A_233 = arith.muli %while3A_230, %mul3A_232 : i32
      %iota3A_234 = tpu.iota {dimensions = array<i32: 0>} : vector<16xi32>
      %add3A_235 = vector.broadcast %mul3A_233 : i32 to vector<16xi32>
      %add3A_236 = arith.addi %add3A_235, %iota3A_234 : vector<16xi32>
      %lt3A_237 = vector.broadcast %scan3A_91 : i32 to vector<16xi32>
      %lt3A_238 = arith.cmpi slt, %add3A_236, %lt3A_237 : vector<16xi32>
      %get3A_239 = arith.index_cast %mul3A_233 : i32 to index
      %get3A_240 = tpu.vector_load %arg8[%get3A_239] {strides = array<i32>} : memref<16384xi32, #tpu.memory_space<vmem>>, vector<16xi32>,
      %get3A_241 = arith.index_cast %mul3A_233 : i32 to index
      %get3A_242 = tpu.vector_load %arg9[%get3A_241] {strides = array<i32>} : memref<16384xi32, #tpu.memory_space<vmem>>, vector<16xi32>,
      %iota3A_243 = tpu.iota {dimensions = array<i32: 0>} : vector<16xi32>
      %eq3A_244 = arith.constant 0 : i32
      %eq3A_245 = vector.broadcast %eq3A_244 : i32 to vector<16xi32>
      %eq3A_246 = arith.cmpi eq, %iota3A_243, %eq3A_245 : vector<16xi32>
      %jit3A_247 = arith.constant 0 : i32
      %broadcast_in_dim3A_248 = vector.broadcast %jit3A_247 : i32 to vector<16xi32>
      %select_n3A_249 = arith.select %eq3A_246, %get3A_240, %broadcast_in_dim3A_248 : vector<16xi1>, vector<16xi32>
      %reduce_sum3A_250 = arith.constant true
      %reduce_sum3A_251 = vector.broadcast %reduce_sum3A_250 : i1 to vector<16xi1>
      %reduce_sum3A_252 = tpu.scan <sum>, %select_n3A_249 masked %reduce_sum3A_251 : vector<16xi32>, vector<16xi1> -> vector<16xi32>
      %reduce_sum3A_253 = vector.extract %reduce_sum3A_252[15] : i32 from vector<16xi32>
      %iota3A_254 = tpu.iota {dimensions = array<i32: 0>} : vector<16xi32>
      %eq3A_255 = arith.constant 0 : i32
      %eq3A_256 = vector.broadcast %eq3A_255 : i32 to vector<16xi32>
      %eq3A_257 = arith.cmpi eq, %iota3A_254, %eq3A_256 : vector<16xi32>
      %jit3A_258 = arith.constant 0 : i32
      %broadcast_in_dim3A_259 = vector.broadcast %jit3A_258 : i32 to vector<16xi32>
      %select_n3A_260 = arith.select %eq3A_257, %get3A_242, %broadcast_in_dim3A_259 : vector<16xi1>, vector<16xi32>
      %reduce_sum3A_261 = arith.constant true
      %reduce_sum3A_262 = vector.broadcast %reduce_sum3A_261 : i1 to vector<16xi1>
      %reduce_sum3A_263 = tpu.scan <sum>, %select_n3A_260 masked %reduce_sum3A_262 : vector<16xi32>, vector<16xi1> -> vector<16xi32>
      %reduce_sum3A_264 = vector.extract %reduce_sum3A_263[15] : i32 from vector<16xi32>
      %broadcast_in_dim3A_265 = vector.broadcast %reduce_sum3A_253 : i32 to vector<16xi32>
      %select_n3A_266 = arith.select %lt3A_238, %get3A_240, %broadcast_in_dim3A_265 : vector<16xi1>, vector<16xi32>
      %broadcast_in_dim3A_267 = vector.broadcast %reduce_sum3A_264 : i32 to vector<16xi32>
      %select_n3A_268 = arith.select %lt3A_238, %get3A_242, %broadcast_in_dim3A_267 : vector<16xi1>, vector<16xi32>
      %mul3A_269 = arith.constant 131072 : i32
      %mul3A_270 = arith.muli %add3A_177, %mul3A_269 : i32
      %add3A_271 = vector.broadcast %mul3A_270 : i32 to vector<16xi32>
      %add3A_272 = arith.addi %add3A_271, %select_n3A_268 : vector<16xi32>
      %dma_start3A_273 = arith.constant 0 : i32
      %dma_start3A_274 = tpu.memref_slice %arg2[%dma_start3A_273] : memref<524288xf32, #tpu.memory_space<hbm>> -> memref<524288xf32, #tpu.memory_space<hbm>>
      tpu.enqueue_indirect_dma source(%dma_start3A_274 : memref<524288xf32, #tpu.memory_space<hbm>>) target(%arg13 : memref<16xf32, #tpu.memory_space<vmem>>) offsets(%add3A_272 : vector<16xi32>) semaphore(%arg14 : memref<!tpu.dma_semaphore, #tpu.memory_space<semaphore_mem>>)
      %dma_wait3A_275 = arith.constant 0 : i32
      %dma_wait3A_276 = tpu.memref_slice %arg2[%dma_wait3A_275] : memref<524288xf32, #tpu.memory_space<hbm>> -> memref<524288xf32, #tpu.memory_space<hbm>>
      tpu.wait_indirect_dma semaphore(%arg14 : memref<!tpu.dma_semaphore, #tpu.memory_space<semaphore_mem>>) src(%dma_wait3A_276 : memref<524288xf32, #tpu.memory_space<hbm>>) dst(%arg13 : memref<16xf32, #tpu.memory_space<vmem>>)
      %get3A_277 = arith.constant 0 : index
      %get3A_278 = tpu.vector_load %arg13[%get3A_277] {strides = array<i32>} : memref<16xf32, #tpu.memory_space<vmem>>, vector<16xf32>,
      tpu.vector_store_idx %arg11[%select_n3A_266], %get3A_278 : memref<16384xf32, #tpu.memory_space<vmem>>[vector<16xi32>], vector<16xf32>,
      %while3A_279 = arith.constant 0 : i32
      scf.yield %while3A_279 : i32
    }
    "tpu.trace_stop"() : () -> ()
    "tpu.trace_start"() <{level = 10 : i32, message = "d_tbm"}> : () -> ()
    %scan3A_219 = arith.constant 0 : i32
    %scan3A_220 = arith.constant 0 : i32
    %scan3A_221 = arith.constant 1024 : i32
    %scan3A_222 = arith.addi %scan3A_220, %scan3A_221 : i32
    %scan3A_223 = arith.constant 1 : i32
    %scan3A_224 = scf.for %scan3A_230 = %scan3A_220 to %scan3A_222 step %scan3A_223 iter_args(%scan3A_231 = %scan3A_219) -> (i32)  : i32 {
      %mul3A_232 = arith.constant 16 : i32
      %mul3A_233 = arith.muli %scan3A_230, %mul3A_232 : i32
      %get3A_234 = arith.index_cast %mul3A_233 : i32 to index
      %get3A_235 = tpu.vector_load %arg7[%get3A_234] {strides = array<i32>} : memref<16384xi32, #tpu.memory_space<vmem>>, vector<16xi32>,
      %mul3A_236 = arith.constant 4194304 : i32
      %mul3A_237 = arith.muli %add3A_177, %mul3A_236 : i32
      %add3A_238 = vector.broadcast %mul3A_237 : i32 to vector<16xi32>
      %add3A_239 = arith.addi %get3A_235, %add3A_238 : vector<16xi32>
      %swap3A = arith.index_cast %mul3A_233 : i32 to index
      %swap3A_240 = tpu.vector_load %arg10[%swap3A] {strides = array<i32>} : memref<16384xi32, #tpu.memory_space<vmem>>, vector<16xi32>,
      tpu.vector_store %arg10[%swap3A], %add3A_239 {strides = array<i32>} : memref<16384xi32, #tpu.memory_space<vmem>>, vector<16xi32>,
      %scan3A_241 = arith.constant 0 : i32
      scf.yield %scan3A_241 : i32
    }
    %scan3A_225 = arith.constant 1024 : i32
    "tpu.trace_stop"() : () -> ()
    "tpu.trace_start"() <{level = 10 : i32, message = "d_scat"}> : () -> ()
    %dma_start3A_226 = arith.constant 0 : i32
    %dma_start3A_227 = tpu.memref_slice %arg6[%dma_start3A_226] : memref<16777216xf32, #tpu.memory_space<hbm>> -> memref<16777216xf32, #tpu.memory_space<hbm>>
    tpu.enqueue_indirect_dma source(%arg11 : memref<16384xf32, #tpu.memory_space<vmem>>) target(%dma_start3A_227 : memref<16777216xf32, #tpu.memory_space<hbm>>) offsets(%arg10 : memref<16384xi32, #tpu.memory_space<vmem>>) semaphore(%arg14 : memref<!tpu.dma_semaphore, #tpu.memory_space<semaphore_mem>>)
    %dma_wait3A_228 = arith.constant 0 : i32
    %dma_wait3A_229 = tpu.memref_slice %arg6[%dma_wait3A_228] : memref<16777216xf32, #tpu.memory_space<hbm>> -> memref<16777216xf32, #tpu.memory_space<hbm>>
    tpu.wait_indirect_dma semaphore(%arg14 : memref<!tpu.dma_semaphore, #tpu.memory_space<semaphore_mem>>) src(%arg11 : memref<16384xf32, #tpu.memory_space<vmem>>) dst(%dma_wait3A_229 : memref<16777216xf32, #tpu.memory_space<hbm>>)
    "tpu.trace_stop"() : () -> ()
    return
  }
}

#map = affine_map<(d0, d1) -> (0)>
#map1 = affine_map<(d0, d1) -> (0, 0)>
module attributes {stable_mosaic.version = 14 : i64} {
  func.func @k(%arg0: i32, %arg1: i32, %arg2: memref<24576xf32, #tpu.memory_space<hbm>>, %arg3: memref<2x131072xi32, #tpu.memory_space<hbm>>, %arg4: memref<4x131072xf32, #tpu.memory_space<hbm>>, %arg5: memref<24576xf32, #tpu.memory_space<vmem>>, %arg6: memref<4096xi32, #tpu.memory_space<vmem>>, %arg7: memref<4096xi32, #tpu.memory_space<vmem>>, %arg8: memref<4x4096xf32, #tpu.memory_space<vmem>>) attributes {dimension_semantics = [#tpu.dimension_semantics<core_parallel>, #tpu.dimension_semantics<subcore_parallel>], iteration_bounds = array<i64: 2, 16>, scalar_prefetch = 0 : i64, scratch_operands = 4 : i64, tpu.core_type = #tpu.core_type<sc_vector_subcore>, window_params = [{transform_indices = #map}, {transform_indices = #map1}, {transform_indices = #map1}]} {
    %mul3A = arith.constant 2 : i32
    %mul3A_0 = arith.muli %arg1, %mul3A : i32
    %add3A = arith.addi %mul3A_0, %arg0 : i32
    %mul3A_1 = arith.constant 4096 : i32
    %mul3A_2 = arith.muli %add3A, %mul3A_1 : i32
    "tpu.region"() ({
      %run_scoped3A_18 = tpu.sem_alloc : memref<!tpu.dma_semaphore, #tpu.memory_space<semaphore_mem>>
      tpu.enqueue_dma source(%arg2 : memref<24576xf32, #tpu.memory_space<hbm>>) target(%arg5 : memref<24576xf32, #tpu.memory_space<vmem>>) target_semaphore(%run_scoped3A_18 : memref<!tpu.dma_semaphore, #tpu.memory_space<semaphore_mem>>)
      tpu.wait_dma2 semaphore(%run_scoped3A_18 : memref<!tpu.dma_semaphore, #tpu.memory_space<semaphore_mem>>) src(%arg2 : memref<24576xf32, #tpu.memory_space<hbm>>) dst(%arg5 : memref<24576xf32, #tpu.memory_space<vmem>>)
      tpu.yield
    }) : () -> ()
    %run_scoped3A = arith.constant 0 : i32
    "tpu.region"() ({
      %run_scoped3A_18 = tpu.sem_alloc : memref<!tpu.dma_semaphore, #tpu.memory_space<semaphore_mem>>
      %dma_start3A = tpu.memref_slice %arg3[%run_scoped3A, %mul3A_2] : memref<2x131072xi32, #tpu.memory_space<hbm>> -> memref<1x4096xi32, #tpu.memory_space<hbm>>
      %dma_start3A_19 = tpu.memref_squeeze %dma_start3A : memref<1x4096xi32, #tpu.memory_space<hbm>> -> memref<4096xi32, #tpu.memory_space<hbm>>
      %dma_start3A_20 = tpu.memref_slice %arg3[%run_scoped3A, %mul3A_2] : memref<2x131072xi32, #tpu.memory_space<hbm>> -> memref<1x4096xi32, #tpu.memory_space<hbm>>
      %dma_start3A_21 = tpu.memref_squeeze %dma_start3A_20 : memref<1x4096xi32, #tpu.memory_space<hbm>> -> memref<4096xi32, #tpu.memory_space<hbm>>
      tpu.enqueue_dma source(%dma_start3A_21 : memref<4096xi32, #tpu.memory_space<hbm>>) target(%arg6 : memref<4096xi32, #tpu.memory_space<vmem>>) target_semaphore(%run_scoped3A_18 : memref<!tpu.dma_semaphore, #tpu.memory_space<semaphore_mem>>)
      %dma_wait3A = tpu.memref_slice %arg3[%run_scoped3A, %mul3A_2] : memref<2x131072xi32, #tpu.memory_space<hbm>> -> memref<1x4096xi32, #tpu.memory_space<hbm>>
      %dma_wait3A_22 = tpu.memref_squeeze %dma_wait3A : memref<1x4096xi32, #tpu.memory_space<hbm>> -> memref<4096xi32, #tpu.memory_space<hbm>>
      %dma_wait3A_23 = tpu.memref_slice %arg3[%run_scoped3A, %mul3A_2] : memref<2x131072xi32, #tpu.memory_space<hbm>> -> memref<1x4096xi32, #tpu.memory_space<hbm>>
      %dma_wait3A_24 = tpu.memref_squeeze %dma_wait3A_23 : memref<1x4096xi32, #tpu.memory_space<hbm>> -> memref<4096xi32, #tpu.memory_space<hbm>>
      tpu.wait_dma2 semaphore(%run_scoped3A_18 : memref<!tpu.dma_semaphore, #tpu.memory_space<semaphore_mem>>) src(%dma_wait3A_24 : memref<4096xi32, #tpu.memory_space<hbm>>) dst(%arg6 : memref<4096xi32, #tpu.memory_space<vmem>>)
      tpu.yield
    }) : () -> ()
    %run_scoped3A_3 = arith.constant 1 : i32
    "tpu.region"() ({
      %run_scoped3A_18 = tpu.sem_alloc : memref<!tpu.dma_semaphore, #tpu.memory_space<semaphore_mem>>
      %dma_start3A = tpu.memref_slice %arg3[%run_scoped3A_3, %mul3A_2] : memref<2x131072xi32, #tpu.memory_space<hbm>> -> memref<1x4096xi32, #tpu.memory_space<hbm>>
      %dma_start3A_19 = tpu.memref_squeeze %dma_start3A : memref<1x4096xi32, #tpu.memory_space<hbm>> -> memref<4096xi32, #tpu.memory_space<hbm>>
      %dma_start3A_20 = tpu.memref_slice %arg3[%run_scoped3A_3, %mul3A_2] : memref<2x131072xi32, #tpu.memory_space<hbm>> -> memref<1x4096xi32, #tpu.memory_space<hbm>>
      %dma_start3A_21 = tpu.memref_squeeze %dma_start3A_20 : memref<1x4096xi32, #tpu.memory_space<hbm>> -> memref<4096xi32, #tpu.memory_space<hbm>>
      tpu.enqueue_dma source(%dma_start3A_21 : memref<4096xi32, #tpu.memory_space<hbm>>) target(%arg7 : memref<4096xi32, #tpu.memory_space<vmem>>) target_semaphore(%run_scoped3A_18 : memref<!tpu.dma_semaphore, #tpu.memory_space<semaphore_mem>>)
      %dma_wait3A = tpu.memref_slice %arg3[%run_scoped3A_3, %mul3A_2] : memref<2x131072xi32, #tpu.memory_space<hbm>> -> memref<1x4096xi32, #tpu.memory_space<hbm>>
      %dma_wait3A_22 = tpu.memref_squeeze %dma_wait3A : memref<1x4096xi32, #tpu.memory_space<hbm>> -> memref<4096xi32, #tpu.memory_space<hbm>>
      %dma_wait3A_23 = tpu.memref_slice %arg3[%run_scoped3A_3, %mul3A_2] : memref<2x131072xi32, #tpu.memory_space<hbm>> -> memref<1x4096xi32, #tpu.memory_space<hbm>>
      %dma_wait3A_24 = tpu.memref_squeeze %dma_wait3A_23 : memref<1x4096xi32, #tpu.memory_space<hbm>> -> memref<4096xi32, #tpu.memory_space<hbm>>
      tpu.wait_dma2 semaphore(%run_scoped3A_18 : memref<!tpu.dma_semaphore, #tpu.memory_space<semaphore_mem>>) src(%dma_wait3A_24 : memref<4096xi32, #tpu.memory_space<hbm>>) dst(%arg7 : memref<4096xi32, #tpu.memory_space<vmem>>)
      tpu.yield
    }) : () -> ()
    %scan3A = arith.constant 0 : i32
    %scan3A_4 = arith.constant 0 : i32
    %scan3A_5 = arith.constant 256 : i32
    %scan3A_6 = arith.addi %scan3A_4, %scan3A_5 : i32
    %scan3A_7 = arith.constant 1 : i32
    %scan3A_8 = scf.for %scan3A_18 = %scan3A_4 to %scan3A_6 step %scan3A_7 iter_args(%scan3A_19 = %scan3A) -> (i32)  : i32 {
      %mul3A_20 = arith.constant 16 : i32
      %mul3A_21 = arith.muli %scan3A_18, %mul3A_20 : i32
      %get3A = arith.index_cast %mul3A_21 : i32 to index
      %get3A_22 = tpu.vector_load %arg6[%get3A] {strides = array<i32>} : memref<4096xi32, #tpu.memory_space<vmem>>, vector<16xi32>,
      %mul3A_23 = arith.constant 3 : i32
      %mul3A_24 = vector.broadcast %mul3A_23 : i32 to vector<16xi32>
      %mul3A_25 = arith.muli %get3A_22, %mul3A_24 : vector<16xi32>
      %get3A_26 = arith.index_cast %mul3A_21 : i32 to index
      %get3A_27 = tpu.vector_load %arg7[%get3A_26] {strides = array<i32>} : memref<4096xi32, #tpu.memory_space<vmem>>, vector<16xi32>,
      %mul3A_28 = arith.constant 3 : i32
      %mul3A_29 = vector.broadcast %mul3A_28 : i32 to vector<16xi32>
      %mul3A_30 = arith.muli %get3A_27, %mul3A_29 : vector<16xi32>
      %add3A_31 = arith.constant 0 : i32
      %add3A_32 = vector.broadcast %add3A_31 : i32 to vector<16xi32>
      %add3A_33 = arith.addi %mul3A_25, %add3A_32 : vector<16xi32>
      %gather3A = tpu.vector_load_idx %arg5[%add3A_33] : memref<24576xf32, #tpu.memory_space<vmem>>[vector<16xi32>], vector<16xf32>,
      %add3A_34 = arith.constant 1 : i32
      %add3A_35 = vector.broadcast %add3A_34 : i32 to vector<16xi32>
      %add3A_36 = arith.addi %mul3A_25, %add3A_35 : vector<16xi32>
      %gather3A_37 = tpu.vector_load_idx %arg5[%add3A_36] : memref<24576xf32, #tpu.memory_space<vmem>>[vector<16xi32>], vector<16xf32>,
      %add3A_38 = arith.constant 2 : i32
      %add3A_39 = vector.broadcast %add3A_38 : i32 to vector<16xi32>
      %add3A_40 = arith.addi %mul3A_25, %add3A_39 : vector<16xi32>
      %gather3A_41 = tpu.vector_load_idx %arg5[%add3A_40] : memref<24576xf32, #tpu.memory_space<vmem>>[vector<16xi32>], vector<16xf32>,
      %add3A_42 = arith.constant 0 : i32
      %add3A_43 = vector.broadcast %add3A_42 : i32 to vector<16xi32>
      %add3A_44 = arith.addi %mul3A_30, %add3A_43 : vector<16xi32>
      %gather3A_45 = tpu.vector_load_idx %arg5[%add3A_44] : memref<24576xf32, #tpu.memory_space<vmem>>[vector<16xi32>], vector<16xf32>,
      %add3A_46 = arith.constant 1 : i32
      %add3A_47 = vector.broadcast %add3A_46 : i32 to vector<16xi32>
      %add3A_48 = arith.addi %mul3A_30, %add3A_47 : vector<16xi32>
      %gather3A_49 = tpu.vector_load_idx %arg5[%add3A_48] : memref<24576xf32, #tpu.memory_space<vmem>>[vector<16xi32>], vector<16xf32>,
      %add3A_50 = arith.constant 2 : i32
      %add3A_51 = vector.broadcast %add3A_50 : i32 to vector<16xi32>
      %add3A_52 = arith.addi %mul3A_30, %add3A_51 : vector<16xi32>
      %gather3A_53 = tpu.vector_load_idx %arg5[%add3A_52] : memref<24576xf32, #tpu.memory_space<vmem>>[vector<16xi32>], vector<16xf32>,
      %sub3A = arith.subf %gather3A, %gather3A_45 : vector<16xf32>
      %sub3A_54 = arith.subf %gather3A_37, %gather3A_49 : vector<16xf32>
      %sub3A_55 = arith.subf %gather3A_41, %gather3A_53 : vector<16xf32>
      %mul3A_56 = arith.mulf %sub3A, %sub3A : vector<16xf32>
      %mul3A_57 = arith.mulf %sub3A_54, %sub3A_54 : vector<16xf32>
      %add3A_58 = arith.addf %mul3A_56, %mul3A_57 : vector<16xf32>
      %mul3A_59 = arith.mulf %sub3A_55, %sub3A_55 : vector<16xf32>
      %add3A_60 = arith.addf %add3A_58, %mul3A_59 : vector<16xf32>
      %swap3A = arith.constant 0 : i32
      %swap3A_61 = arith.index_cast %swap3A : i32 to index
      %swap3A_62 = arith.index_cast %mul3A_21 : i32 to index
      %swap3A_63 = tpu.vector_load %arg8[%swap3A_61, %swap3A_62] {strides = array<i32>} : memref<4x4096xf32, #tpu.memory_space<vmem>>, vector<16xf32>,
      tpu.vector_store %arg8[%swap3A_61, %swap3A_62], %add3A_60 {strides = array<i32>} : memref<4x4096xf32, #tpu.memory_space<vmem>>, vector<16xf32>,
      %add3A_64 = arith.constant 6144 : i32
      %add3A_65 = vector.broadcast %add3A_64 : i32 to vector<16xi32>
      %add3A_66 = arith.addi %mul3A_25, %add3A_65 : vector<16xi32>
      %gather3A_67 = tpu.vector_load_idx %arg5[%add3A_66] : memref<24576xf32, #tpu.memory_space<vmem>>[vector<16xi32>], vector<16xf32>,
      %add3A_68 = arith.constant 6145 : i32
      %add3A_69 = vector.broadcast %add3A_68 : i32 to vector<16xi32>
      %add3A_70 = arith.addi %mul3A_25, %add3A_69 : vector<16xi32>
      %gather3A_71 = tpu.vector_load_idx %arg5[%add3A_70] : memref<24576xf32, #tpu.memory_space<vmem>>[vector<16xi32>], vector<16xf32>,
      %add3A_72 = arith.constant 6146 : i32
      %add3A_73 = vector.broadcast %add3A_72 : i32 to vector<16xi32>
      %add3A_74 = arith.addi %mul3A_25, %add3A_73 : vector<16xi32>
      %gather3A_75 = tpu.vector_load_idx %arg5[%add3A_74] : memref<24576xf32, #tpu.memory_space<vmem>>[vector<16xi32>], vector<16xf32>,
      %add3A_76 = arith.constant 6144 : i32
      %add3A_77 = vector.broadcast %add3A_76 : i32 to vector<16xi32>
      %add3A_78 = arith.addi %mul3A_30, %add3A_77 : vector<16xi32>
      %gather3A_79 = tpu.vector_load_idx %arg5[%add3A_78] : memref<24576xf32, #tpu.memory_space<vmem>>[vector<16xi32>], vector<16xf32>,
      %add3A_80 = arith.constant 6145 : i32
      %add3A_81 = vector.broadcast %add3A_80 : i32 to vector<16xi32>
      %add3A_82 = arith.addi %mul3A_30, %add3A_81 : vector<16xi32>
      %gather3A_83 = tpu.vector_load_idx %arg5[%add3A_82] : memref<24576xf32, #tpu.memory_space<vmem>>[vector<16xi32>], vector<16xf32>,
      %add3A_84 = arith.constant 6146 : i32
      %add3A_85 = vector.broadcast %add3A_84 : i32 to vector<16xi32>
      %add3A_86 = arith.addi %mul3A_30, %add3A_85 : vector<16xi32>
      %gather3A_87 = tpu.vector_load_idx %arg5[%add3A_86] : memref<24576xf32, #tpu.memory_space<vmem>>[vector<16xi32>], vector<16xf32>,
      %sub3A_88 = arith.subf %gather3A_67, %gather3A_79 : vector<16xf32>
      %sub3A_89 = arith.subf %gather3A_71, %gather3A_83 : vector<16xf32>
      %sub3A_90 = arith.subf %gather3A_75, %gather3A_87 : vector<16xf32>
      %mul3A_91 = arith.mulf %sub3A_88, %sub3A_88 : vector<16xf32>
      %mul3A_92 = arith.mulf %sub3A_89, %sub3A_89 : vector<16xf32>
      %add3A_93 = arith.addf %mul3A_91, %mul3A_92 : vector<16xf32>
      %mul3A_94 = arith.mulf %sub3A_90, %sub3A_90 : vector<16xf32>
      %add3A_95 = arith.addf %add3A_93, %mul3A_94 : vector<16xf32>
      %swap3A_96 = arith.constant 1 : i32
      %swap3A_97 = arith.index_cast %swap3A_96 : i32 to index
      %swap3A_98 = arith.index_cast %mul3A_21 : i32 to index
      %swap3A_99 = tpu.vector_load %arg8[%swap3A_97, %swap3A_98] {strides = array<i32>} : memref<4x4096xf32, #tpu.memory_space<vmem>>, vector<16xf32>,
      tpu.vector_store %arg8[%swap3A_97, %swap3A_98], %add3A_95 {strides = array<i32>} : memref<4x4096xf32, #tpu.memory_space<vmem>>, vector<16xf32>,
      %add3A_100 = arith.constant 12288 : i32
      %add3A_101 = vector.broadcast %add3A_100 : i32 to vector<16xi32>
      %add3A_102 = arith.addi %mul3A_25, %add3A_101 : vector<16xi32>
      %gather3A_103 = tpu.vector_load_idx %arg5[%add3A_102] : memref<24576xf32, #tpu.memory_space<vmem>>[vector<16xi32>], vector<16xf32>,
      %add3A_104 = arith.constant 12289 : i32
      %add3A_105 = vector.broadcast %add3A_104 : i32 to vector<16xi32>
      %add3A_106 = arith.addi %mul3A_25, %add3A_105 : vector<16xi32>
      %gather3A_107 = tpu.vector_load_idx %arg5[%add3A_106] : memref<24576xf32, #tpu.memory_space<vmem>>[vector<16xi32>], vector<16xf32>,
      %add3A_108 = arith.constant 12290 : i32
      %add3A_109 = vector.broadcast %add3A_108 : i32 to vector<16xi32>
      %add3A_110 = arith.addi %mul3A_25, %add3A_109 : vector<16xi32>
      %gather3A_111 = tpu.vector_load_idx %arg5[%add3A_110] : memref<24576xf32, #tpu.memory_space<vmem>>[vector<16xi32>], vector<16xf32>,
      %add3A_112 = arith.constant 12288 : i32
      %add3A_113 = vector.broadcast %add3A_112 : i32 to vector<16xi32>
      %add3A_114 = arith.addi %mul3A_30, %add3A_113 : vector<16xi32>
      %gather3A_115 = tpu.vector_load_idx %arg5[%add3A_114] : memref<24576xf32, #tpu.memory_space<vmem>>[vector<16xi32>], vector<16xf32>,
      %add3A_116 = arith.constant 12289 : i32
      %add3A_117 = vector.broadcast %add3A_116 : i32 to vector<16xi32>
      %add3A_118 = arith.addi %mul3A_30, %add3A_117 : vector<16xi32>
      %gather3A_119 = tpu.vector_load_idx %arg5[%add3A_118] : memref<24576xf32, #tpu.memory_space<vmem>>[vector<16xi32>], vector<16xf32>,
      %add3A_120 = arith.constant 12290 : i32
      %add3A_121 = vector.broadcast %add3A_120 : i32 to vector<16xi32>
      %add3A_122 = arith.addi %mul3A_30, %add3A_121 : vector<16xi32>
      %gather3A_123 = tpu.vector_load_idx %arg5[%add3A_122] : memref<24576xf32, #tpu.memory_space<vmem>>[vector<16xi32>], vector<16xf32>,
      %sub3A_124 = arith.subf %gather3A_103, %gather3A_115 : vector<16xf32>
      %sub3A_125 = arith.subf %gather3A_107, %gather3A_119 : vector<16xf32>
      %sub3A_126 = arith.subf %gather3A_111, %gather3A_123 : vector<16xf32>
      %mul3A_127 = arith.mulf %sub3A_124, %sub3A_124 : vector<16xf32>
      %mul3A_128 = arith.mulf %sub3A_125, %sub3A_125 : vector<16xf32>
      %add3A_129 = arith.addf %mul3A_127, %mul3A_128 : vector<16xf32>
      %mul3A_130 = arith.mulf %sub3A_126, %sub3A_126 : vector<16xf32>
      %add3A_131 = arith.addf %add3A_129, %mul3A_130 : vector<16xf32>
      %swap3A_132 = arith.constant 2 : i32
      %swap3A_133 = arith.index_cast %swap3A_132 : i32 to index
      %swap3A_134 = arith.index_cast %mul3A_21 : i32 to index
      %swap3A_135 = tpu.vector_load %arg8[%swap3A_133, %swap3A_134] {strides = array<i32>} : memref<4x4096xf32, #tpu.memory_space<vmem>>, vector<16xf32>,
      tpu.vector_store %arg8[%swap3A_133, %swap3A_134], %add3A_131 {strides = array<i32>} : memref<4x4096xf32, #tpu.memory_space<vmem>>, vector<16xf32>,
      %add3A_136 = arith.constant 18432 : i32
      %add3A_137 = vector.broadcast %add3A_136 : i32 to vector<16xi32>
      %add3A_138 = arith.addi %mul3A_25, %add3A_137 : vector<16xi32>
      %gather3A_139 = tpu.vector_load_idx %arg5[%add3A_138] : memref<24576xf32, #tpu.memory_space<vmem>>[vector<16xi32>], vector<16xf32>,
      %add3A_140 = arith.constant 18433 : i32
      %add3A_141 = vector.broadcast %add3A_140 : i32 to vector<16xi32>
      %add3A_142 = arith.addi %mul3A_25, %add3A_141 : vector<16xi32>
      %gather3A_143 = tpu.vector_load_idx %arg5[%add3A_142] : memref<24576xf32, #tpu.memory_space<vmem>>[vector<16xi32>], vector<16xf32>,
      %add3A_144 = arith.constant 18434 : i32
      %add3A_145 = vector.broadcast %add3A_144 : i32 to vector<16xi32>
      %add3A_146 = arith.addi %mul3A_25, %add3A_145 : vector<16xi32>
      %gather3A_147 = tpu.vector_load_idx %arg5[%add3A_146] : memref<24576xf32, #tpu.memory_space<vmem>>[vector<16xi32>], vector<16xf32>,
      %add3A_148 = arith.constant 18432 : i32
      %add3A_149 = vector.broadcast %add3A_148 : i32 to vector<16xi32>
      %add3A_150 = arith.addi %mul3A_30, %add3A_149 : vector<16xi32>
      %gather3A_151 = tpu.vector_load_idx %arg5[%add3A_150] : memref<24576xf32, #tpu.memory_space<vmem>>[vector<16xi32>], vector<16xf32>,
      %add3A_152 = arith.constant 18433 : i32
      %add3A_153 = vector.broadcast %add3A_152 : i32 to vector<16xi32>
      %add3A_154 = arith.addi %mul3A_30, %add3A_153 : vector<16xi32>
      %gather3A_155 = tpu.vector_load_idx %arg5[%add3A_154] : memref<24576xf32, #tpu.memory_space<vmem>>[vector<16xi32>], vector<16xf32>,
      %add3A_156 = arith.constant 18434 : i32
      %add3A_157 = vector.broadcast %add3A_156 : i32 to vector<16xi32>
      %add3A_158 = arith.addi %mul3A_30, %add3A_157 : vector<16xi32>
      %gather3A_159 = tpu.vector_load_idx %arg5[%add3A_158] : memref<24576xf32, #tpu.memory_space<vmem>>[vector<16xi32>], vector<16xf32>,
      %sub3A_160 = arith.subf %gather3A_139, %gather3A_151 : vector<16xf32>
      %sub3A_161 = arith.subf %gather3A_143, %gather3A_155 : vector<16xf32>
      %sub3A_162 = arith.subf %gather3A_147, %gather3A_159 : vector<16xf32>
      %mul3A_163 = arith.mulf %sub3A_160, %sub3A_160 : vector<16xf32>
      %mul3A_164 = arith.mulf %sub3A_161, %sub3A_161 : vector<16xf32>
      %add3A_165 = arith.addf %mul3A_163, %mul3A_164 : vector<16xf32>
      %mul3A_166 = arith.mulf %sub3A_162, %sub3A_162 : vector<16xf32>
      %add3A_167 = arith.addf %add3A_165, %mul3A_166 : vector<16xf32>
      %swap3A_168 = arith.constant 3 : i32
      %swap3A_169 = arith.index_cast %swap3A_168 : i32 to index
      %swap3A_170 = arith.index_cast %mul3A_21 : i32 to index
      %swap3A_171 = tpu.vector_load %arg8[%swap3A_169, %swap3A_170] {strides = array<i32>} : memref<4x4096xf32, #tpu.memory_space<vmem>>, vector<16xf32>,
      tpu.vector_store %arg8[%swap3A_169, %swap3A_170], %add3A_167 {strides = array<i32>} : memref<4x4096xf32, #tpu.memory_space<vmem>>, vector<16xf32>,
      %scan3A_172 = arith.constant 0 : i32
      scf.yield %scan3A_172 : i32
    }
    %scan3A_9 = arith.constant 256 : i32
    %run_scoped3A_10 = arith.constant 0 : i32
    %run_scoped3A_11 = arith.constant 0 : i32
    "tpu.region"() ({
      %run_scoped3A_18 = tpu.sem_alloc : memref<!tpu.dma_semaphore, #tpu.memory_space<semaphore_mem>>
      %dma_start3A = arith.constant 0 : i32
      %dma_start3A_19 = tpu.memref_slice %arg8[%run_scoped3A_10, %dma_start3A] : memref<4x4096xf32, #tpu.memory_space<vmem>> -> memref<1x4096xf32, #tpu.memory_space<vmem>>
      %dma_start3A_20 = tpu.memref_squeeze %dma_start3A_19 : memref<1x4096xf32, #tpu.memory_space<vmem>> -> memref<4096xf32, #tpu.memory_space<vmem>>
      %dma_start3A_21 = tpu.memref_slice %arg4[%run_scoped3A_11, %mul3A_2] : memref<4x131072xf32, #tpu.memory_space<hbm>> -> memref<1x4096xf32, #tpu.memory_space<hbm>>
      %dma_start3A_22 = tpu.memref_squeeze %dma_start3A_21 : memref<1x4096xf32, #tpu.memory_space<hbm>> -> memref<4096xf32, #tpu.memory_space<hbm>>
      %dma_start3A_23 = tpu.memref_slice %arg4[%run_scoped3A_11, %mul3A_2] : memref<4x131072xf32, #tpu.memory_space<hbm>> -> memref<1x4096xf32, #tpu.memory_space<hbm>>
      %dma_start3A_24 = tpu.memref_squeeze %dma_start3A_23 : memref<1x4096xf32, #tpu.memory_space<hbm>> -> memref<4096xf32, #tpu.memory_space<hbm>>
      %dma_start3A_25 = arith.constant 0 : i32
      %dma_start3A_26 = tpu.memref_slice %arg8[%run_scoped3A_10, %dma_start3A_25] : memref<4x4096xf32, #tpu.memory_space<vmem>> -> memref<1x4096xf32, #tpu.memory_space<vmem>>
      %dma_start3A_27 = tpu.memref_squeeze %dma_start3A_26 : memref<1x4096xf32, #tpu.memory_space<vmem>> -> memref<4096xf32, #tpu.memory_space<vmem>>
      tpu.enqueue_dma source(%dma_start3A_27 : memref<4096xf32, #tpu.memory_space<vmem>>) target(%dma_start3A_24 : memref<4096xf32, #tpu.memory_space<hbm>>) target_semaphore(%run_scoped3A_18 : memref<!tpu.dma_semaphore, #tpu.memory_space<semaphore_mem>>)
      %dma_wait3A = arith.constant 0 : i32
      %dma_wait3A_28 = tpu.memref_slice %arg8[%run_scoped3A_10, %dma_wait3A] : memref<4x4096xf32, #tpu.memory_space<vmem>> -> memref<1x4096xf32, #tpu.memory_space<vmem>>
      %dma_wait3A_29 = tpu.memref_squeeze %dma_wait3A_28 : memref<1x4096xf32, #tpu.memory_space<vmem>> -> memref<4096xf32, #tpu.memory_space<vmem>>
      %dma_wait3A_30 = tpu.memref_slice %arg4[%run_scoped3A_11, %mul3A_2] : memref<4x131072xf32, #tpu.memory_space<hbm>> -> memref<1x4096xf32, #tpu.memory_space<hbm>>
      %dma_wait3A_31 = tpu.memref_squeeze %dma_wait3A_30 : memref<1x4096xf32, #tpu.memory_space<hbm>> -> memref<4096xf32, #tpu.memory_space<hbm>>
      %dma_wait3A_32 = tpu.memref_slice %arg4[%run_scoped3A_11, %mul3A_2] : memref<4x131072xf32, #tpu.memory_space<hbm>> -> memref<1x4096xf32, #tpu.memory_space<hbm>>
      %dma_wait3A_33 = tpu.memref_squeeze %dma_wait3A_32 : memref<1x4096xf32, #tpu.memory_space<hbm>> -> memref<4096xf32, #tpu.memory_space<hbm>>
      %dma_wait3A_34 = arith.constant 0 : i32
      %dma_wait3A_35 = tpu.memref_slice %arg8[%run_scoped3A_10, %dma_wait3A_34] : memref<4x4096xf32, #tpu.memory_space<vmem>> -> memref<1x4096xf32, #tpu.memory_space<vmem>>
      %dma_wait3A_36 = tpu.memref_squeeze %dma_wait3A_35 : memref<1x4096xf32, #tpu.memory_space<vmem>> -> memref<4096xf32, #tpu.memory_space<vmem>>
      tpu.wait_dma2 semaphore(%run_scoped3A_18 : memref<!tpu.dma_semaphore, #tpu.memory_space<semaphore_mem>>) src(%dma_wait3A_36 : memref<4096xf32, #tpu.memory_space<vmem>>) dst(%dma_wait3A_33 : memref<4096xf32, #tpu.memory_space<hbm>>)
      tpu.yield
    }) : () -> ()
    %run_scoped3A_12 = arith.constant 1 : i32
    %run_scoped3A_13 = arith.constant 1 : i32
    "tpu.region"() ({
      %run_scoped3A_18 = tpu.sem_alloc : memref<!tpu.dma_semaphore, #tpu.memory_space<semaphore_mem>>
      %dma_start3A = arith.constant 0 : i32
      %dma_start3A_19 = tpu.memref_slice %arg8[%run_scoped3A_12, %dma_start3A] : memref<4x4096xf32, #tpu.memory_space<vmem>> -> memref<1x4096xf32, #tpu.memory_space<vmem>>
      %dma_start3A_20 = tpu.memref_squeeze %dma_start3A_19 : memref<1x4096xf32, #tpu.memory_space<vmem>> -> memref<4096xf32, #tpu.memory_space<vmem>>
      %dma_start3A_21 = tpu.memref_slice %arg4[%run_scoped3A_13, %mul3A_2] : memref<4x131072xf32, #tpu.memory_space<hbm>> -> memref<1x4096xf32, #tpu.memory_space<hbm>>
      %dma_start3A_22 = tpu.memref_squeeze %dma_start3A_21 : memref<1x4096xf32, #tpu.memory_space<hbm>> -> memref<4096xf32, #tpu.memory_space<hbm>>
      %dma_start3A_23 = tpu.memref_slice %arg4[%run_scoped3A_13, %mul3A_2] : memref<4x131072xf32, #tpu.memory_space<hbm>> -> memref<1x4096xf32, #tpu.memory_space<hbm>>
      %dma_start3A_24 = tpu.memref_squeeze %dma_start3A_23 : memref<1x4096xf32, #tpu.memory_space<hbm>> -> memref<4096xf32, #tpu.memory_space<hbm>>
      %dma_start3A_25 = arith.constant 0 : i32
      %dma_start3A_26 = tpu.memref_slice %arg8[%run_scoped3A_12, %dma_start3A_25] : memref<4x4096xf32, #tpu.memory_space<vmem>> -> memref<1x4096xf32, #tpu.memory_space<vmem>>
      %dma_start3A_27 = tpu.memref_squeeze %dma_start3A_26 : memref<1x4096xf32, #tpu.memory_space<vmem>> -> memref<4096xf32, #tpu.memory_space<vmem>>
      tpu.enqueue_dma source(%dma_start3A_27 : memref<4096xf32, #tpu.memory_space<vmem>>) target(%dma_start3A_24 : memref<4096xf32, #tpu.memory_space<hbm>>) target_semaphore(%run_scoped3A_18 : memref<!tpu.dma_semaphore, #tpu.memory_space<semaphore_mem>>)
      %dma_wait3A = arith.constant 0 : i32
      %dma_wait3A_28 = tpu.memref_slice %arg8[%run_scoped3A_12, %dma_wait3A] : memref<4x4096xf32, #tpu.memory_space<vmem>> -> memref<1x4096xf32, #tpu.memory_space<vmem>>
      %dma_wait3A_29 = tpu.memref_squeeze %dma_wait3A_28 : memref<1x4096xf32, #tpu.memory_space<vmem>> -> memref<4096xf32, #tpu.memory_space<vmem>>
      %dma_wait3A_30 = tpu.memref_slice %arg4[%run_scoped3A_13, %mul3A_2] : memref<4x131072xf32, #tpu.memory_space<hbm>> -> memref<1x4096xf32, #tpu.memory_space<hbm>>
      %dma_wait3A_31 = tpu.memref_squeeze %dma_wait3A_30 : memref<1x4096xf32, #tpu.memory_space<hbm>> -> memref<4096xf32, #tpu.memory_space<hbm>>
      %dma_wait3A_32 = tpu.memref_slice %arg4[%run_scoped3A_13, %mul3A_2] : memref<4x131072xf32, #tpu.memory_space<hbm>> -> memref<1x4096xf32, #tpu.memory_space<hbm>>
      %dma_wait3A_33 = tpu.memref_squeeze %dma_wait3A_32 : memref<1x4096xf32, #tpu.memory_space<hbm>> -> memref<4096xf32, #tpu.memory_space<hbm>>
      %dma_wait3A_34 = arith.constant 0 : i32
      %dma_wait3A_35 = tpu.memref_slice %arg8[%run_scoped3A_12, %dma_wait3A_34] : memref<4x4096xf32, #tpu.memory_space<vmem>> -> memref<1x4096xf32, #tpu.memory_space<vmem>>
      %dma_wait3A_36 = tpu.memref_squeeze %dma_wait3A_35 : memref<1x4096xf32, #tpu.memory_space<vmem>> -> memref<4096xf32, #tpu.memory_space<vmem>>
      tpu.wait_dma2 semaphore(%run_scoped3A_18 : memref<!tpu.dma_semaphore, #tpu.memory_space<semaphore_mem>>) src(%dma_wait3A_36 : memref<4096xf32, #tpu.memory_space<vmem>>) dst(%dma_wait3A_33 : memref<4096xf32, #tpu.memory_space<hbm>>)
      tpu.yield
    }) : () -> ()
    %run_scoped3A_14 = arith.constant 2 : i32
    %run_scoped3A_15 = arith.constant 2 : i32
    "tpu.region"() ({
      %run_scoped3A_18 = tpu.sem_alloc : memref<!tpu.dma_semaphore, #tpu.memory_space<semaphore_mem>>
      %dma_start3A = arith.constant 0 : i32
      %dma_start3A_19 = tpu.memref_slice %arg8[%run_scoped3A_14, %dma_start3A] : memref<4x4096xf32, #tpu.memory_space<vmem>> -> memref<1x4096xf32, #tpu.memory_space<vmem>>
      %dma_start3A_20 = tpu.memref_squeeze %dma_start3A_19 : memref<1x4096xf32, #tpu.memory_space<vmem>> -> memref<4096xf32, #tpu.memory_space<vmem>>
      %dma_start3A_21 = tpu.memref_slice %arg4[%run_scoped3A_15, %mul3A_2] : memref<4x131072xf32, #tpu.memory_space<hbm>> -> memref<1x4096xf32, #tpu.memory_space<hbm>>
      %dma_start3A_22 = tpu.memref_squeeze %dma_start3A_21 : memref<1x4096xf32, #tpu.memory_space<hbm>> -> memref<4096xf32, #tpu.memory_space<hbm>>
      %dma_start3A_23 = tpu.memref_slice %arg4[%run_scoped3A_15, %mul3A_2] : memref<4x131072xf32, #tpu.memory_space<hbm>> -> memref<1x4096xf32, #tpu.memory_space<hbm>>
      %dma_start3A_24 = tpu.memref_squeeze %dma_start3A_23 : memref<1x4096xf32, #tpu.memory_space<hbm>> -> memref<4096xf32, #tpu.memory_space<hbm>>
      %dma_start3A_25 = arith.constant 0 : i32
      %dma_start3A_26 = tpu.memref_slice %arg8[%run_scoped3A_14, %dma_start3A_25] : memref<4x4096xf32, #tpu.memory_space<vmem>> -> memref<1x4096xf32, #tpu.memory_space<vmem>>
      %dma_start3A_27 = tpu.memref_squeeze %dma_start3A_26 : memref<1x4096xf32, #tpu.memory_space<vmem>> -> memref<4096xf32, #tpu.memory_space<vmem>>
      tpu.enqueue_dma source(%dma_start3A_27 : memref<4096xf32, #tpu.memory_space<vmem>>) target(%dma_start3A_24 : memref<4096xf32, #tpu.memory_space<hbm>>) target_semaphore(%run_scoped3A_18 : memref<!tpu.dma_semaphore, #tpu.memory_space<semaphore_mem>>)
      %dma_wait3A = arith.constant 0 : i32
      %dma_wait3A_28 = tpu.memref_slice %arg8[%run_scoped3A_14, %dma_wait3A] : memref<4x4096xf32, #tpu.memory_space<vmem>> -> memref<1x4096xf32, #tpu.memory_space<vmem>>
      %dma_wait3A_29 = tpu.memref_squeeze %dma_wait3A_28 : memref<1x4096xf32, #tpu.memory_space<vmem>> -> memref<4096xf32, #tpu.memory_space<vmem>>
      %dma_wait3A_30 = tpu.memref_slice %arg4[%run_scoped3A_15, %mul3A_2] : memref<4x131072xf32, #tpu.memory_space<hbm>> -> memref<1x4096xf32, #tpu.memory_space<hbm>>
      %dma_wait3A_31 = tpu.memref_squeeze %dma_wait3A_30 : memref<1x4096xf32, #tpu.memory_space<hbm>> -> memref<4096xf32, #tpu.memory_space<hbm>>
      %dma_wait3A_32 = tpu.memref_slice %arg4[%run_scoped3A_15, %mul3A_2] : memref<4x131072xf32, #tpu.memory_space<hbm>> -> memref<1x4096xf32, #tpu.memory_space<hbm>>
      %dma_wait3A_33 = tpu.memref_squeeze %dma_wait3A_32 : memref<1x4096xf32, #tpu.memory_space<hbm>> -> memref<4096xf32, #tpu.memory_space<hbm>>
      %dma_wait3A_34 = arith.constant 0 : i32
      %dma_wait3A_35 = tpu.memref_slice %arg8[%run_scoped3A_14, %dma_wait3A_34] : memref<4x4096xf32, #tpu.memory_space<vmem>> -> memref<1x4096xf32, #tpu.memory_space<vmem>>
      %dma_wait3A_36 = tpu.memref_squeeze %dma_wait3A_35 : memref<1x4096xf32, #tpu.memory_space<vmem>> -> memref<4096xf32, #tpu.memory_space<vmem>>
      tpu.wait_dma2 semaphore(%run_scoped3A_18 : memref<!tpu.dma_semaphore, #tpu.memory_space<semaphore_mem>>) src(%dma_wait3A_36 : memref<4096xf32, #tpu.memory_space<vmem>>) dst(%dma_wait3A_33 : memref<4096xf32, #tpu.memory_space<hbm>>)
      tpu.yield
    }) : () -> ()
    %run_scoped3A_16 = arith.constant 3 : i32
    %run_scoped3A_17 = arith.constant 3 : i32
    "tpu.region"() ({
      %run_scoped3A_18 = tpu.sem_alloc : memref<!tpu.dma_semaphore, #tpu.memory_space<semaphore_mem>>
      %dma_start3A = arith.constant 0 : i32
      %dma_start3A_19 = tpu.memref_slice %arg8[%run_scoped3A_16, %dma_start3A] : memref<4x4096xf32, #tpu.memory_space<vmem>> -> memref<1x4096xf32, #tpu.memory_space<vmem>>
      %dma_start3A_20 = tpu.memref_squeeze %dma_start3A_19 : memref<1x4096xf32, #tpu.memory_space<vmem>> -> memref<4096xf32, #tpu.memory_space<vmem>>
      %dma_start3A_21 = tpu.memref_slice %arg4[%run_scoped3A_17, %mul3A_2] : memref<4x131072xf32, #tpu.memory_space<hbm>> -> memref<1x4096xf32, #tpu.memory_space<hbm>>
      %dma_start3A_22 = tpu.memref_squeeze %dma_start3A_21 : memref<1x4096xf32, #tpu.memory_space<hbm>> -> memref<4096xf32, #tpu.memory_space<hbm>>
      %dma_start3A_23 = tpu.memref_slice %arg4[%run_scoped3A_17, %mul3A_2] : memref<4x131072xf32, #tpu.memory_space<hbm>> -> memref<1x4096xf32, #tpu.memory_space<hbm>>
      %dma_start3A_24 = tpu.memref_squeeze %dma_start3A_23 : memref<1x4096xf32, #tpu.memory_space<hbm>> -> memref<4096xf32, #tpu.memory_space<hbm>>
      %dma_start3A_25 = arith.constant 0 : i32
      %dma_start3A_26 = tpu.memref_slice %arg8[%run_scoped3A_16, %dma_start3A_25] : memref<4x4096xf32, #tpu.memory_space<vmem>> -> memref<1x4096xf32, #tpu.memory_space<vmem>>
      %dma_start3A_27 = tpu.memref_squeeze %dma_start3A_26 : memref<1x4096xf32, #tpu.memory_space<vmem>> -> memref<4096xf32, #tpu.memory_space<vmem>>
      tpu.enqueue_dma source(%dma_start3A_27 : memref<4096xf32, #tpu.memory_space<vmem>>) target(%dma_start3A_24 : memref<4096xf32, #tpu.memory_space<hbm>>) target_semaphore(%run_scoped3A_18 : memref<!tpu.dma_semaphore, #tpu.memory_space<semaphore_mem>>)
      %dma_wait3A = arith.constant 0 : i32
      %dma_wait3A_28 = tpu.memref_slice %arg8[%run_scoped3A_16, %dma_wait3A] : memref<4x4096xf32, #tpu.memory_space<vmem>> -> memref<1x4096xf32, #tpu.memory_space<vmem>>
      %dma_wait3A_29 = tpu.memref_squeeze %dma_wait3A_28 : memref<1x4096xf32, #tpu.memory_space<vmem>> -> memref<4096xf32, #tpu.memory_space<vmem>>
      %dma_wait3A_30 = tpu.memref_slice %arg4[%run_scoped3A_17, %mul3A_2] : memref<4x131072xf32, #tpu.memory_space<hbm>> -> memref<1x4096xf32, #tpu.memory_space<hbm>>
      %dma_wait3A_31 = tpu.memref_squeeze %dma_wait3A_30 : memref<1x4096xf32, #tpu.memory_space<hbm>> -> memref<4096xf32, #tpu.memory_space<hbm>>
      %dma_wait3A_32 = tpu.memref_slice %arg4[%run_scoped3A_17, %mul3A_2] : memref<4x131072xf32, #tpu.memory_space<hbm>> -> memref<1x4096xf32, #tpu.memory_space<hbm>>
      %dma_wait3A_33 = tpu.memref_squeeze %dma_wait3A_32 : memref<1x4096xf32, #tpu.memory_space<hbm>> -> memref<4096xf32, #tpu.memory_space<hbm>>
      %dma_wait3A_34 = arith.constant 0 : i32
      %dma_wait3A_35 = tpu.memref_slice %arg8[%run_scoped3A_16, %dma_wait3A_34] : memref<4x4096xf32, #tpu.memory_space<vmem>> -> memref<1x4096xf32, #tpu.memory_space<vmem>>
      %dma_wait3A_36 = tpu.memref_squeeze %dma_wait3A_35 : memref<1x4096xf32, #tpu.memory_space<vmem>> -> memref<4096xf32, #tpu.memory_space<vmem>>
      tpu.wait_dma2 semaphore(%run_scoped3A_18 : memref<!tpu.dma_semaphore, #tpu.memory_space<semaphore_mem>>) src(%dma_wait3A_36 : memref<4096xf32, #tpu.memory_space<vmem>>) dst(%dma_wait3A_33 : memref<4096xf32, #tpu.memory_space<hbm>>)
      tpu.yield
    }) : () -> ()
    return
  }
}

#map = affine_map<(d0, d1) -> (0, 0)>
#map1 = affine_map<(d0, d1) -> (0)>
module attributes {stable_mosaic.version = 14 : i64} {
  func.func @k(%arg0: i32, %arg1: i32, %arg2: memref<2x131072xi32, #tpu.memory_space<hbm>>, %arg3: memref<262144xi32, #tpu.memory_space<hbm>>, %arg4: memref<4194304xi32, #tpu.memory_space<hbm>>, %arg5: memref<16384xi32, #tpu.memory_space<vmem>>, %arg6: memref<16384xi32, #tpu.memory_space<vmem>>, %arg7: memref<16384xi32, #tpu.memory_space<vmem>>, %arg8: memref<16384xi32, #tpu.memory_space<vmem>>, %arg9: memref<16384xi32, #tpu.memory_space<vmem>>, %arg10: memref<16xi32, #tpu.memory_space<vmem>>, %arg11: memref<!tpu.dma_semaphore, #tpu.memory_space<semaphore_mem>>) attributes {dimension_semantics = [#tpu.dimension_semantics<core_parallel>, #tpu.dimension_semantics<subcore_parallel>], iteration_bounds = array<i64: 2, 16>, scalar_prefetch = 0 : i64, scratch_operands = 7 : i64, tpu.core_type = #tpu.core_type<sc_vector_subcore>, window_params = [{transform_indices = #map}, {transform_indices = #map1}, {transform_indices = #map1}]} {
    %eq3A = arith.constant 0 : i32
    %eq3A_0 = arith.cmpi eq, %arg0, %eq3A : i32
    %convert_element_type3A = arith.extui %eq3A_0 : i1 to i32
    %cond3A = arith.constant 0 : i32
    %cond3A_1 = arith.cmpi ne, %convert_element_type3A, %cond3A : i32
    scf.if %cond3A_1 {
      %mul3A = arith.constant 16384 : i32
      %mul3A_2 = arith.muli %arg1, %mul3A : i32
      %lt3A = arith.constant 131072 : i32
      %lt3A_3 = arith.cmpi slt, %mul3A_2, %lt3A : i32
      %sub3A = arith.constant 131072 : i32
      %sub3A_4 = arith.subi %mul3A_2, %sub3A : i32
      %select_n3A = arith.select %lt3A_3, %mul3A_2, %sub3A_4 : i32
      %run_scoped3A = arith.constant 0 : i32
      "tpu.region"() ({
        %run_scoped3A_292 = tpu.sem_alloc : memref<!tpu.dma_semaphore, #tpu.memory_space<semaphore_mem>>
        %dma_start3A_293 = tpu.memref_slice %arg2[%run_scoped3A, %select_n3A] : memref<2x131072xi32, #tpu.memory_space<hbm>> -> memref<1x16384xi32, #tpu.memory_space<hbm>>
        %dma_start3A_294 = tpu.memref_squeeze %dma_start3A_293 : memref<1x16384xi32, #tpu.memory_space<hbm>> -> memref<16384xi32, #tpu.memory_space<hbm>>
        %dma_start3A_295 = tpu.memref_slice %arg2[%run_scoped3A, %select_n3A] : memref<2x131072xi32, #tpu.memory_space<hbm>> -> memref<1x16384xi32, #tpu.memory_space<hbm>>
        %dma_start3A_296 = tpu.memref_squeeze %dma_start3A_295 : memref<1x16384xi32, #tpu.memory_space<hbm>> -> memref<16384xi32, #tpu.memory_space<hbm>>
        tpu.enqueue_dma source(%dma_start3A_296 : memref<16384xi32, #tpu.memory_space<hbm>>) target(%arg5 : memref<16384xi32, #tpu.memory_space<vmem>>) target_semaphore(%run_scoped3A_292 : memref<!tpu.dma_semaphore, #tpu.memory_space<semaphore_mem>>)
        %dma_wait3A_297 = tpu.memref_slice %arg2[%run_scoped3A, %select_n3A] : memref<2x131072xi32, #tpu.memory_space<hbm>> -> memref<1x16384xi32, #tpu.memory_space<hbm>>
        %dma_wait3A_298 = tpu.memref_squeeze %dma_wait3A_297 : memref<1x16384xi32, #tpu.memory_space<hbm>> -> memref<16384xi32, #tpu.memory_space<hbm>>
        %dma_wait3A_299 = tpu.memref_slice %arg2[%run_scoped3A, %select_n3A] : memref<2x131072xi32, #tpu.memory_space<hbm>> -> memref<1x16384xi32, #tpu.memory_space<hbm>>
        %dma_wait3A_300 = tpu.memref_squeeze %dma_wait3A_299 : memref<1x16384xi32, #tpu.memory_space<hbm>> -> memref<16384xi32, #tpu.memory_space<hbm>>
        tpu.wait_dma2 semaphore(%run_scoped3A_292 : memref<!tpu.dma_semaphore, #tpu.memory_space<semaphore_mem>>) src(%dma_wait3A_300 : memref<16384xi32, #tpu.memory_space<hbm>>) dst(%arg5 : memref<16384xi32, #tpu.memory_space<vmem>>)
        tpu.yield
      }) : () -> ()
      %run_scoped3A_5 = arith.constant 1 : i32
      "tpu.region"() ({
        %run_scoped3A_292 = tpu.sem_alloc : memref<!tpu.dma_semaphore, #tpu.memory_space<semaphore_mem>>
        %dma_start3A_293 = tpu.memref_slice %arg2[%run_scoped3A_5, %select_n3A] : memref<2x131072xi32, #tpu.memory_space<hbm>> -> memref<1x16384xi32, #tpu.memory_space<hbm>>
        %dma_start3A_294 = tpu.memref_squeeze %dma_start3A_293 : memref<1x16384xi32, #tpu.memory_space<hbm>> -> memref<16384xi32, #tpu.memory_space<hbm>>
        %dma_start3A_295 = tpu.memref_slice %arg2[%run_scoped3A_5, %select_n3A] : memref<2x131072xi32, #tpu.memory_space<hbm>> -> memref<1x16384xi32, #tpu.memory_space<hbm>>
        %dma_start3A_296 = tpu.memref_squeeze %dma_start3A_295 : memref<1x16384xi32, #tpu.memory_space<hbm>> -> memref<16384xi32, #tpu.memory_space<hbm>>
        tpu.enqueue_dma source(%dma_start3A_296 : memref<16384xi32, #tpu.memory_space<hbm>>) target(%arg6 : memref<16384xi32, #tpu.memory_space<vmem>>) target_semaphore(%run_scoped3A_292 : memref<!tpu.dma_semaphore, #tpu.memory_space<semaphore_mem>>)
        %dma_wait3A_297 = tpu.memref_slice %arg2[%run_scoped3A_5, %select_n3A] : memref<2x131072xi32, #tpu.memory_space<hbm>> -> memref<1x16384xi32, #tpu.memory_space<hbm>>
        %dma_wait3A_298 = tpu.memref_squeeze %dma_wait3A_297 : memref<1x16384xi32, #tpu.memory_space<hbm>> -> memref<16384xi32, #tpu.memory_space<hbm>>
        %dma_wait3A_299 = tpu.memref_slice %arg2[%run_scoped3A_5, %select_n3A] : memref<2x131072xi32, #tpu.memory_space<hbm>> -> memref<1x16384xi32, #tpu.memory_space<hbm>>
        %dma_wait3A_300 = tpu.memref_squeeze %dma_wait3A_299 : memref<1x16384xi32, #tpu.memory_space<hbm>> -> memref<16384xi32, #tpu.memory_space<hbm>>
        tpu.wait_dma2 semaphore(%run_scoped3A_292 : memref<!tpu.dma_semaphore, #tpu.memory_space<semaphore_mem>>) src(%dma_wait3A_300 : memref<16384xi32, #tpu.memory_space<hbm>>) dst(%arg6 : memref<16384xi32, #tpu.memory_space<vmem>>)
        tpu.yield
      }) : () -> ()
      %scan3A = arith.constant 0 : i32
      %scan3A_6 = arith.constant 0 : i32
      %scan3A_7 = arith.constant 1024 : i32
      %scan3A_8 = arith.addi %scan3A_6, %scan3A_7 : i32
      %scan3A_9 = arith.constant 1 : i32
      %scan3A_10 = scf.for %scan3A_292 = %scan3A_6 to %scan3A_8 step %scan3A_9 iter_args(%scan3A_293 = %scan3A) -> (i32)  : i32 {
        %mul3A_294 = arith.constant 16 : i32
        %mul3A_295 = arith.muli %scan3A_292, %mul3A_294 : i32
        %get3A = arith.index_cast %mul3A_295 : i32 to index
        %get3A_296 = tpu.vector_load %arg5[%get3A] {strides = array<i32>} : memref<16384xi32, #tpu.memory_space<vmem>>, vector<16xi32>,
        %get3A_297 = arith.index_cast %mul3A_295 : i32 to index
        %get3A_298 = tpu.vector_load %arg6[%get3A_297] {strides = array<i32>} : memref<16384xi32, #tpu.memory_space<vmem>>, vector<16xi32>,
        %mul3A_299 = arith.constant 2048 : i32
        %mul3A_300 = vector.broadcast %mul3A_299 : i32 to vector<16xi32>
        %mul3A_301 = arith.muli %get3A_296, %mul3A_300 : vector<16xi32>
        %add3A_302 = arith.addi %mul3A_301, %get3A_298 : vector<16xi32>
        %mul3A_303 = arith.constant 2048 : i32
        %mul3A_304 = vector.broadcast %mul3A_303 : i32 to vector<16xi32>
        %mul3A_305 = arith.muli %get3A_298, %mul3A_304 : vector<16xi32>
        %add3A_306 = arith.addi %mul3A_305, %get3A_296 : vector<16xi32>
        %select_n3A_307 = arith.select %lt3A_3, %add3A_302, %add3A_306 : vector<16xi32>
        %swap3A = arith.index_cast %mul3A_295 : i32 to index
        %swap3A_308 = tpu.vector_load %arg7[%swap3A] {strides = array<i32>} : memref<16384xi32, #tpu.memory_space<vmem>>, vector<16xi32>,
        tpu.vector_store %arg7[%swap3A], %select_n3A_307 {strides = array<i32>} : memref<16384xi32, #tpu.memory_space<vmem>>, vector<16xi32>,
        %add3A_309 = arith.addi %mul3A_2, %mul3A_295 : i32
        %iota3A = tpu.iota {dimensions = array<i32: 0>} : vector<16xi32>
        %add3A_310 = vector.broadcast %add3A_309 : i32 to vector<16xi32>
        %add3A_311 = arith.addi %add3A_310, %iota3A : vector<16xi32>
        %swap3A_312 = arith.index_cast %mul3A_295 : i32 to index
        %swap3A_313 = tpu.vector_load %arg8[%swap3A_312] {strides = array<i32>} : memref<16384xi32, #tpu.memory_space<vmem>>, vector<16xi32>,
        tpu.vector_store %arg8[%swap3A_312], %add3A_311 {strides = array<i32>} : memref<16384xi32, #tpu.memory_space<vmem>>, vector<16xi32>,
        %scan3A_314 = arith.constant 0 : i32
        scf.yield %scan3A_314 : i32
      }
      %scan3A_11 = arith.constant 1024 : i32
      %dma_start3A = arith.constant 0 : i32
      %dma_start3A_12 = tpu.memref_slice %arg4[%dma_start3A] : memref<4194304xi32, #tpu.memory_space<hbm>> -> memref<4194304xi32, #tpu.memory_space<hbm>>
      tpu.enqueue_indirect_dma source(%arg8 : memref<16384xi32, #tpu.memory_space<vmem>>) target(%dma_start3A_12 : memref<4194304xi32, #tpu.memory_space<hbm>>) offsets(%arg7 : memref<16384xi32, #tpu.memory_space<vmem>>) semaphore(%arg11 : memref<!tpu.dma_semaphore, #tpu.memory_space<semaphore_mem>>)
      %dma_wait3A = arith.constant 0 : i32
      %dma_wait3A_13 = tpu.memref_slice %arg4[%dma_wait3A] : memref<4194304xi32, #tpu.memory_space<hbm>> -> memref<4194304xi32, #tpu.memory_space<hbm>>
      tpu.wait_indirect_dma semaphore(%arg11 : memref<!tpu.dma_semaphore, #tpu.memory_space<semaphore_mem>>) src(%arg8 : memref<16384xi32, #tpu.memory_space<vmem>>) dst(%dma_wait3A_13 : memref<4194304xi32, #tpu.memory_space<hbm>>)
      %barrier3A = arith.constant 0 : index
      tpu.barrier barrier_id(%barrier3A)
      %dma_start3A_14 = arith.constant 0 : i32
      %dma_start3A_15 = tpu.memref_slice %arg4[%dma_start3A_14] : memref<4194304xi32, #tpu.memory_space<hbm>> -> memref<4194304xi32, #tpu.memory_space<hbm>>
      tpu.enqueue_indirect_dma source(%dma_start3A_15 : memref<4194304xi32, #tpu.memory_space<hbm>>) target(%arg9 : memref<16384xi32, #tpu.memory_space<vmem>>) offsets(%arg7 : memref<16384xi32, #tpu.memory_space<vmem>>) semaphore(%arg11 : memref<!tpu.dma_semaphore, #tpu.memory_space<semaphore_mem>>)
      %dma_wait3A_16 = arith.constant 0 : i32
      %dma_wait3A_17 = tpu.memref_slice %arg4[%dma_wait3A_16] : memref<4194304xi32, #tpu.memory_space<hbm>> -> memref<4194304xi32, #tpu.memory_space<hbm>>
      tpu.wait_indirect_dma semaphore(%arg11 : memref<!tpu.dma_semaphore, #tpu.memory_space<semaphore_mem>>) src(%dma_wait3A_17 : memref<4194304xi32, #tpu.memory_space<hbm>>) dst(%arg9 : memref<16384xi32, #tpu.memory_space<vmem>>)
      %scan3A_18 = arith.constant 0 : i32
      %scan3A_19 = arith.constant 0 : i32
      %scan3A_20 = arith.constant 1024 : i32
      %scan3A_21 = arith.addi %scan3A_19, %scan3A_20 : i32
      %scan3A_22 = arith.constant 1 : i32
      %scan3A_23 = scf.for %scan3A_292 = %scan3A_19 to %scan3A_21 step %scan3A_22 iter_args(%scan3A_293 = %scan3A_18) -> (i32)  : i32 {
        %mul3A_294 = arith.constant 16 : i32
        %mul3A_295 = arith.muli %scan3A_292, %mul3A_294 : i32
        %get3A = arith.index_cast %mul3A_295 : i32 to index
        %get3A_296 = tpu.vector_load %arg7[%get3A] {strides = array<i32>} : memref<16384xi32, #tpu.memory_space<vmem>>, vector<16xi32>,
        %get3A_297 = arith.index_cast %mul3A_295 : i32 to index
        %get3A_298 = tpu.vector_load %arg8[%get3A_297] {strides = array<i32>} : memref<16384xi32, #tpu.memory_space<vmem>>, vector<16xi32>,
        %get3A_299 = arith.index_cast %mul3A_295 : i32 to index
        %get3A_300 = tpu.vector_load %arg9[%get3A_299] {strides = array<i32>} : memref<16384xi32, #tpu.memory_space<vmem>>, vector<16xi32>,
        %lt3A_301 = arith.cmpi slt, %get3A_300, %get3A_298 : vector<16xi32>
        %swap3A = arith.index_cast %scan3A_293 : i32 to index
        %swap3A_302 = tpu.vector_load %arg5[%swap3A] masked %lt3A_301 {strides = array<i32>} : memref<16384xi32, #tpu.memory_space<vmem>>, vector<16xi32>, vector<16xi1>
        tpu.vector_store %arg5[%swap3A], %get3A_296 masked %lt3A_301 {strides = array<i32>} : memref<16384xi32, #tpu.memory_space<vmem>>, vector<16xi32>, vector<16xi1>
        %swap3A_303 = arith.index_cast %scan3A_293 : i32 to index
        %swap3A_304 = tpu.vector_load %arg6[%swap3A_303] masked %lt3A_301 {strides = array<i32>} : memref<16384xi32, #tpu.memory_space<vmem>>, vector<16xi32>, vector<16xi1>
        tpu.vector_store %arg6[%swap3A_303], %get3A_298 masked %lt3A_301 {strides = array<i32>} : memref<16384xi32, #tpu.memory_space<vmem>>, vector<16xi32>, vector<16xi1>
        %convert_element_type3A_305 = arith.extui %lt3A_301 : vector<16xi1> to vector<16xi32>
        %reduce_sum3A = arith.constant true
        %reduce_sum3A_306 = vector.broadcast %reduce_sum3A : i1 to vector<16xi1>
        %reduce_sum3A_307 = tpu.scan <sum>, %convert_element_type3A_305 masked %reduce_sum3A_306 : vector<16xi32>, vector<16xi1> -> vector<16xi32>
        %reduce_sum3A_308 = vector.extract %reduce_sum3A_307[15] : i32 from vector<16xi32>
        %add3A_309 = arith.addi %scan3A_293, %reduce_sum3A_308 : i32
        scf.yield %add3A_309 : i32
      }
      %scan3A_24 = arith.constant 1024 : i32
      %add3A = arith.constant 15 : i32
      %add3A_25 = arith.addi %scan3A_23, %add3A : i32
      %jit3A = arith.constant 16 : i32
      %div3A = arith.divsi %add3A_25, %jit3A : i32
      %sign3A = arith.constant 0 : i32
      %sign3A_26 = arith.cmpi sgt, %add3A_25, %sign3A : i32
      %sign3A_27 = arith.extui %sign3A_26 : i1 to i32
      %sign3A_28 = arith.constant 0 : i32
      %sign3A_29 = arith.cmpi slt, %add3A_25, %sign3A_28 : i32
      %sign3A_30 = arith.extui %sign3A_29 : i1 to i32
      %sign3A_31 = arith.subi %sign3A_27, %sign3A_30 : i32
      %sign3A_32 = arith.constant 0 : i32
      %sign3A_33 = arith.cmpi sgt, %jit3A, %sign3A_32 : i32
      %sign3A_34 = arith.extui %sign3A_33 : i1 to i32
      %sign3A_35 = arith.constant 0 : i32
      %sign3A_36 = arith.cmpi slt, %jit3A, %sign3A_35 : i32
      %sign3A_37 = arith.extui %sign3A_36 : i1 to i32
      %sign3A_38 = arith.subi %sign3A_34, %sign3A_37 : i32
      %ne3A = arith.cmpi ne, %sign3A_31, %sign3A_38 : i32
      %rem3A = arith.remsi %add3A_25, %jit3A : i32
      %ne3A_39 = arith.constant 0 : i32
      %ne3A_40 = arith.cmpi ne, %rem3A, %ne3A_39 : i32
      %and3A = arith.andi %ne3A, %ne3A_40 : i1
      %sub3A_41 = arith.constant 1 : i32
      %sub3A_42 = arith.subi %div3A, %sub3A_41 : i32
      %select_n3A_43 = arith.select %and3A, %sub3A_42, %div3A : i32
      %while3A = arith.constant 0 : i32
      %while3A_44 = arith.subi %select_n3A_43, %while3A : i32
      %while3A_45 = arith.addi %while3A, %while3A_44 : i32
      %while3A_46 = arith.constant 1 : i32
      %while3A_47 = arith.divsi %while3A_44, %while3A_46 : i32
      %while3A_48 = arith.muli %while3A_47, %while3A_46 : i32
      %while3A_49 = arith.addi %while3A, %while3A_48 : i32
      %while3A_50 = arith.constant 1 : i32
      scf.for %while3A_292 = %while3A to %while3A_49 step %while3A_50  : i32 {
        %mul3A_293 = arith.constant 16 : i32
        %mul3A_294 = arith.muli %while3A_292, %mul3A_293 : i32
        %get3A = arith.index_cast %mul3A_294 : i32 to index
        %get3A_295 = tpu.vector_load %arg5[%get3A] {strides = array<i32>} : memref<16384xi32, #tpu.memory_space<vmem>>, vector<16xi32>,
        %get3A_296 = arith.index_cast %mul3A_294 : i32 to index
        %get3A_297 = tpu.vector_load %arg6[%get3A_296] {strides = array<i32>} : memref<16384xi32, #tpu.memory_space<vmem>>, vector<16xi32>,
        %iota3A = tpu.iota {dimensions = array<i32: 0>} : vector<16xi32>
        %add3A_298 = vector.broadcast %mul3A_294 : i32 to vector<16xi32>
        %add3A_299 = arith.addi %add3A_298, %iota3A : vector<16xi32>
        %lt3A_300 = vector.broadcast %scan3A_23 : i32 to vector<16xi32>
        %lt3A_301 = arith.cmpi slt, %add3A_299, %lt3A_300 : vector<16xi32>
        %iota3A_302 = tpu.iota {dimensions = array<i32: 0>} : vector<16xi32>
        %eq3A_303 = arith.constant 0 : i32
        %eq3A_304 = vector.broadcast %eq3A_303 : i32 to vector<16xi32>
        %eq3A_305 = arith.cmpi eq, %iota3A_302, %eq3A_304 : vector<16xi32>
        %jit3A_306 = arith.constant 0 : i32
        %broadcast_in_dim3A = vector.broadcast %jit3A_306 : i32 to vector<16xi32>
        %select_n3A_307 = arith.select %eq3A_305, %get3A_295, %broadcast_in_dim3A : vector<16xi1>, vector<16xi32>
        %reduce_sum3A = arith.constant true
        %reduce_sum3A_308 = vector.broadcast %reduce_sum3A : i1 to vector<16xi1>
        %reduce_sum3A_309 = tpu.scan <sum>, %select_n3A_307 masked %reduce_sum3A_308 : vector<16xi32>, vector<16xi1> -> vector<16xi32>
        %reduce_sum3A_310 = vector.extract %reduce_sum3A_309[15] : i32 from vector<16xi32>
        %iota3A_311 = tpu.iota {dimensions = array<i32: 0>} : vector<16xi32>
        %eq3A_312 = arith.constant 0 : i32
        %eq3A_313 = vector.broadcast %eq3A_312 : i32 to vector<16xi32>
        %eq3A_314 = arith.cmpi eq, %iota3A_311, %eq3A_313 : vector<16xi32>
        %jit3A_315 = arith.constant 0 : i32
        %broadcast_in_dim3A_316 = vector.broadcast %jit3A_315 : i32 to vector<16xi32>
        %select_n3A_317 = arith.select %eq3A_314, %get3A_297, %broadcast_in_dim3A_316 : vector<16xi1>, vector<16xi32>
        %reduce_sum3A_318 = arith.constant true
        %reduce_sum3A_319 = vector.broadcast %reduce_sum3A_318 : i1 to vector<16xi1>
        %reduce_sum3A_320 = tpu.scan <sum>, %select_n3A_317 masked %reduce_sum3A_319 : vector<16xi32>, vector<16xi1> -> vector<16xi32>
        %reduce_sum3A_321 = vector.extract %reduce_sum3A_320[15] : i32 from vector<16xi32>
        %broadcast_in_dim3A_322 = vector.broadcast %reduce_sum3A_321 : i32 to vector<16xi32>
        %select_n3A_323 = arith.select %lt3A_301, %get3A_297, %broadcast_in_dim3A_322 : vector<16xi1>, vector<16xi32>
        %swap3A = arith.constant 0 : index
        %swap3A_324 = tpu.vector_load %arg10[%swap3A] {strides = array<i32>} : memref<16xi32, #tpu.memory_space<vmem>>, vector<16xi32>,
        tpu.vector_store %arg10[%swap3A], %select_n3A_323 {strides = array<i32>} : memref<16xi32, #tpu.memory_space<vmem>>, vector<16xi32>,
        %broadcast_in_dim3A_325 = vector.broadcast %reduce_sum3A_310 : i32 to vector<16xi32>
        %select_n3A_326 = arith.select %lt3A_301, %get3A_295, %broadcast_in_dim3A_325 : vector<16xi1>, vector<16xi32>
        %dma_start3A_327 = arith.constant 0 : i32
        %dma_start3A_328 = tpu.memref_slice %arg4[%dma_start3A_327] : memref<4194304xi32, #tpu.memory_space<hbm>> -> memref<4194304xi32, #tpu.memory_space<hbm>>
        tpu.enqueue_indirect_dma source(%arg10 : memref<16xi32, #tpu.memory_space<vmem>>) target(%dma_start3A_328 : memref<4194304xi32, #tpu.memory_space<hbm>>) offsets(%select_n3A_326 : vector<16xi32>) semaphore(%arg11 : memref<!tpu.dma_semaphore, #tpu.memory_space<semaphore_mem>>)
        %dma_wait3A_329 = arith.constant 0 : i32
        %dma_wait3A_330 = tpu.memref_slice %arg4[%dma_wait3A_329] : memref<4194304xi32, #tpu.memory_space<hbm>> -> memref<4194304xi32, #tpu.memory_space<hbm>>
        tpu.wait_indirect_dma semaphore(%arg11 : memref<!tpu.dma_semaphore, #tpu.memory_space<semaphore_mem>>) src(%arg10 : memref<16xi32, #tpu.memory_space<vmem>>) dst(%dma_wait3A_330 : memref<4194304xi32, #tpu.memory_space<hbm>>)
      }
      %while3A_51 = arith.constant 1 : i32
      scf.for %while3A_292 = %while3A_49 to %while3A_45 step %while3A_51  : i32 {
        %mul3A_293 = arith.constant 16 : i32
        %mul3A_294 = arith.muli %while3A_292, %mul3A_293 : i32
        %get3A = arith.index_cast %mul3A_294 : i32 to index
        %get3A_295 = tpu.vector_load %arg5[%get3A] {strides = array<i32>} : memref<16384xi32, #tpu.memory_space<vmem>>, vector<16xi32>,
        %get3A_296 = arith.index_cast %mul3A_294 : i32 to index
        %get3A_297 = tpu.vector_load %arg6[%get3A_296] {strides = array<i32>} : memref<16384xi32, #tpu.memory_space<vmem>>, vector<16xi32>,
        %iota3A = tpu.iota {dimensions = array<i32: 0>} : vector<16xi32>
        %add3A_298 = vector.broadcast %mul3A_294 : i32 to vector<16xi32>
        %add3A_299 = arith.addi %add3A_298, %iota3A : vector<16xi32>
        %lt3A_300 = vector.broadcast %scan3A_23 : i32 to vector<16xi32>
        %lt3A_301 = arith.cmpi slt, %add3A_299, %lt3A_300 : vector<16xi32>
        %iota3A_302 = tpu.iota {dimensions = array<i32: 0>} : vector<16xi32>
        %eq3A_303 = arith.constant 0 : i32
        %eq3A_304 = vector.broadcast %eq3A_303 : i32 to vector<16xi32>
        %eq3A_305 = arith.cmpi eq, %iota3A_302, %eq3A_304 : vector<16xi32>
        %jit3A_306 = arith.constant 0 : i32
        %broadcast_in_dim3A = vector.broadcast %jit3A_306 : i32 to vector<16xi32>
        %select_n3A_307 = arith.select %eq3A_305, %get3A_295, %broadcast_in_dim3A : vector<16xi1>, vector<16xi32>
        %reduce_sum3A = arith.constant true
        %reduce_sum3A_308 = vector.broadcast %reduce_sum3A : i1 to vector<16xi1>
        %reduce_sum3A_309 = tpu.scan <sum>, %select_n3A_307 masked %reduce_sum3A_308 : vector<16xi32>, vector<16xi1> -> vector<16xi32>
        %reduce_sum3A_310 = vector.extract %reduce_sum3A_309[15] : i32 from vector<16xi32>
        %iota3A_311 = tpu.iota {dimensions = array<i32: 0>} : vector<16xi32>
        %eq3A_312 = arith.constant 0 : i32
        %eq3A_313 = vector.broadcast %eq3A_312 : i32 to vector<16xi32>
        %eq3A_314 = arith.cmpi eq, %iota3A_311, %eq3A_313 : vector<16xi32>
        %jit3A_315 = arith.constant 0 : i32
        %broadcast_in_dim3A_316 = vector.broadcast %jit3A_315 : i32 to vector<16xi32>
        %select_n3A_317 = arith.select %eq3A_314, %get3A_297, %broadcast_in_dim3A_316 : vector<16xi1>, vector<16xi32>
        %reduce_sum3A_318 = arith.constant true
        %reduce_sum3A_319 = vector.broadcast %reduce_sum3A_318 : i1 to vector<16xi1>
        %reduce_sum3A_320 = tpu.scan <sum>, %select_n3A_317 masked %reduce_sum3A_319 : vector<16xi32>, vector<16xi1> -> vector<16xi32>
        %reduce_sum3A_321 = vector.extract %reduce_sum3A_320[15] : i32 from vector<16xi32>
        %broadcast_in_dim3A_322 = vector.broadcast %reduce_sum3A_321 : i32 to vector<16xi32>
        %select_n3A_323 = arith.select %lt3A_301, %get3A_297, %broadcast_in_dim3A_322 : vector<16xi1>, vector<16xi32>
        %swap3A = arith.constant 0 : index
        %swap3A_324 = tpu.vector_load %arg10[%swap3A] {strides = array<i32>} : memref<16xi32, #tpu.memory_space<vmem>>, vector<16xi32>,
        tpu.vector_store %arg10[%swap3A], %select_n3A_323 {strides = array<i32>} : memref<16xi32, #tpu.memory_space<vmem>>, vector<16xi32>,
        %broadcast_in_dim3A_325 = vector.broadcast %reduce_sum3A_310 : i32 to vector<16xi32>
        %select_n3A_326 = arith.select %lt3A_301, %get3A_295, %broadcast_in_dim3A_325 : vector<16xi1>, vector<16xi32>
        %dma_start3A_327 = arith.constant 0 : i32
        %dma_start3A_328 = tpu.memref_slice %arg4[%dma_start3A_327] : memref<4194304xi32, #tpu.memory_space<hbm>> -> memref<4194304xi32, #tpu.memory_space<hbm>>
        tpu.enqueue_indirect_dma source(%arg10 : memref<16xi32, #tpu.memory_space<vmem>>) target(%dma_start3A_328 : memref<4194304xi32, #tpu.memory_space<hbm>>) offsets(%select_n3A_326 : vector<16xi32>) semaphore(%arg11 : memref<!tpu.dma_semaphore, #tpu.memory_space<semaphore_mem>>)
        %dma_wait3A_329 = arith.constant 0 : i32
        %dma_wait3A_330 = tpu.memref_slice %arg4[%dma_wait3A_329] : memref<4194304xi32, #tpu.memory_space<hbm>> -> memref<4194304xi32, #tpu.memory_space<hbm>>
        tpu.wait_indirect_dma semaphore(%arg11 : memref<!tpu.dma_semaphore, #tpu.memory_space<semaphore_mem>>) src(%arg10 : memref<16xi32, #tpu.memory_space<vmem>>) dst(%dma_wait3A_330 : memref<4194304xi32, #tpu.memory_space<hbm>>)
      }
      %barrier3A_52 = arith.constant 0 : index
      tpu.barrier barrier_id(%barrier3A_52)
      %dma_start3A_53 = arith.constant 0 : i32
      %dma_start3A_54 = tpu.memref_slice %arg4[%dma_start3A_53] : memref<4194304xi32, #tpu.memory_space<hbm>> -> memref<4194304xi32, #tpu.memory_space<hbm>>
      tpu.enqueue_indirect_dma source(%dma_start3A_54 : memref<4194304xi32, #tpu.memory_space<hbm>>) target(%arg9 : memref<16384xi32, #tpu.memory_space<vmem>>) offsets(%arg7 : memref<16384xi32, #tpu.memory_space<vmem>>) semaphore(%arg11 : memref<!tpu.dma_semaphore, #tpu.memory_space<semaphore_mem>>)
      %dma_wait3A_55 = arith.constant 0 : i32
      %dma_wait3A_56 = tpu.memref_slice %arg4[%dma_wait3A_55] : memref<4194304xi32, #tpu.memory_space<hbm>> -> memref<4194304xi32, #tpu.memory_space<hbm>>
      tpu.wait_indirect_dma semaphore(%arg11 : memref<!tpu.dma_semaphore, #tpu.memory_space<semaphore_mem>>) src(%dma_wait3A_56 : memref<4194304xi32, #tpu.memory_space<hbm>>) dst(%arg9 : memref<16384xi32, #tpu.memory_space<vmem>>)
      %scan3A_57 = arith.constant 0 : i32
      %scan3A_58 = arith.constant 0 : i32
      %scan3A_59 = arith.constant 1024 : i32
      %scan3A_60 = arith.addi %scan3A_58, %scan3A_59 : i32
      %scan3A_61 = arith.constant 1 : i32
      %scan3A_62 = scf.for %scan3A_292 = %scan3A_58 to %scan3A_60 step %scan3A_61 iter_args(%scan3A_293 = %scan3A_57) -> (i32)  : i32 {
        %mul3A_294 = arith.constant 16 : i32
        %mul3A_295 = arith.muli %scan3A_292, %mul3A_294 : i32
        %get3A = arith.index_cast %mul3A_295 : i32 to index
        %get3A_296 = tpu.vector_load %arg7[%get3A] {strides = array<i32>} : memref<16384xi32, #tpu.memory_space<vmem>>, vector<16xi32>,
        %get3A_297 = arith.index_cast %mul3A_295 : i32 to index
        %get3A_298 = tpu.vector_load %arg8[%get3A_297] {strides = array<i32>} : memref<16384xi32, #tpu.memory_space<vmem>>, vector<16xi32>,
        %get3A_299 = arith.index_cast %mul3A_295 : i32 to index
        %get3A_300 = tpu.vector_load %arg9[%get3A_299] {strides = array<i32>} : memref<16384xi32, #tpu.memory_space<vmem>>, vector<16xi32>,
        %lt3A_301 = arith.cmpi slt, %get3A_300, %get3A_298 : vector<16xi32>
        %swap3A = arith.index_cast %scan3A_293 : i32 to index
        %swap3A_302 = tpu.vector_load %arg5[%swap3A] masked %lt3A_301 {strides = array<i32>} : memref<16384xi32, #tpu.memory_space<vmem>>, vector<16xi32>, vector<16xi1>
        tpu.vector_store %arg5[%swap3A], %get3A_296 masked %lt3A_301 {strides = array<i32>} : memref<16384xi32, #tpu.memory_space<vmem>>, vector<16xi32>, vector<16xi1>
        %swap3A_303 = arith.index_cast %scan3A_293 : i32 to index
        %swap3A_304 = tpu.vector_load %arg6[%swap3A_303] masked %lt3A_301 {strides = array<i32>} : memref<16384xi32, #tpu.memory_space<vmem>>, vector<16xi32>, vector<16xi1>
        tpu.vector_store %arg6[%swap3A_303], %get3A_298 masked %lt3A_301 {strides = array<i32>} : memref<16384xi32, #tpu.memory_space<vmem>>, vector<16xi32>, vector<16xi1>
        %convert_element_type3A_305 = arith.extui %lt3A_301 : vector<16xi1> to vector<16xi32>
        %reduce_sum3A = arith.constant true
        %reduce_sum3A_306 = vector.broadcast %reduce_sum3A : i1 to vector<16xi1>
        %reduce_sum3A_307 = tpu.scan <sum>, %convert_element_type3A_305 masked %reduce_sum3A_306 : vector<16xi32>, vector<16xi1> -> vector<16xi32>
        %reduce_sum3A_308 = vector.extract %reduce_sum3A_307[15] : i32 from vector<16xi32>
        %add3A_309 = arith.addi %scan3A_293, %reduce_sum3A_308 : i32
        scf.yield %add3A_309 : i32
      }
      %scan3A_63 = arith.constant 1024 : i32
      %add3A_64 = arith.constant 15 : i32
      %add3A_65 = arith.addi %scan3A_62, %add3A_64 : i32
      %jit3A_66 = arith.constant 16 : i32
      %div3A_67 = arith.divsi %add3A_65, %jit3A_66 : i32
      %sign3A_68 = arith.constant 0 : i32
      %sign3A_69 = arith.cmpi sgt, %add3A_65, %sign3A_68 : i32
      %sign3A_70 = arith.extui %sign3A_69 : i1 to i32
      %sign3A_71 = arith.constant 0 : i32
      %sign3A_72 = arith.cmpi slt, %add3A_65, %sign3A_71 : i32
      %sign3A_73 = arith.extui %sign3A_72 : i1 to i32
      %sign3A_74 = arith.subi %sign3A_70, %sign3A_73 : i32
      %sign3A_75 = arith.constant 0 : i32
      %sign3A_76 = arith.cmpi sgt, %jit3A_66, %sign3A_75 : i32
      %sign3A_77 = arith.extui %sign3A_76 : i1 to i32
      %sign3A_78 = arith.constant 0 : i32
      %sign3A_79 = arith.cmpi slt, %jit3A_66, %sign3A_78 : i32
      %sign3A_80 = arith.extui %sign3A_79 : i1 to i32
      %sign3A_81 = arith.subi %sign3A_77, %sign3A_80 : i32
      %ne3A_82 = arith.cmpi ne, %sign3A_74, %sign3A_81 : i32
      %rem3A_83 = arith.remsi %add3A_65, %jit3A_66 : i32
      %ne3A_84 = arith.constant 0 : i32
      %ne3A_85 = arith.cmpi ne, %rem3A_83, %ne3A_84 : i32
      %and3A_86 = arith.andi %ne3A_82, %ne3A_85 : i1
      %sub3A_87 = arith.constant 1 : i32
      %sub3A_88 = arith.subi %div3A_67, %sub3A_87 : i32
      %select_n3A_89 = arith.select %and3A_86, %sub3A_88, %div3A_67 : i32
      %while3A_90 = arith.constant 0 : i32
      %while3A_91 = arith.subi %select_n3A_89, %while3A_90 : i32
      %while3A_92 = arith.addi %while3A_90, %while3A_91 : i32
      %while3A_93 = arith.constant 1 : i32
      %while3A_94 = arith.divsi %while3A_91, %while3A_93 : i32
      %while3A_95 = arith.muli %while3A_94, %while3A_93 : i32
      %while3A_96 = arith.addi %while3A_90, %while3A_95 : i32
      %while3A_97 = arith.constant 1 : i32
      scf.for %while3A_292 = %while3A_90 to %while3A_96 step %while3A_97  : i32 {
        %mul3A_293 = arith.constant 16 : i32
        %mul3A_294 = arith.muli %while3A_292, %mul3A_293 : i32
        %get3A = arith.index_cast %mul3A_294 : i32 to index
        %get3A_295 = tpu.vector_load %arg5[%get3A] {strides = array<i32>} : memref<16384xi32, #tpu.memory_space<vmem>>, vector<16xi32>,
        %get3A_296 = arith.index_cast %mul3A_294 : i32 to index
        %get3A_297 = tpu.vector_load %arg6[%get3A_296] {strides = array<i32>} : memref<16384xi32, #tpu.memory_space<vmem>>, vector<16xi32>,
        %iota3A = tpu.iota {dimensions = array<i32: 0>} : vector<16xi32>
        %add3A_298 = vector.broadcast %mul3A_294 : i32 to vector<16xi32>
        %add3A_299 = arith.addi %add3A_298, %iota3A : vector<16xi32>
        %lt3A_300 = vector.broadcast %scan3A_62 : i32 to vector<16xi32>
        %lt3A_301 = arith.cmpi slt, %add3A_299, %lt3A_300 : vector<16xi32>
        %iota3A_302 = tpu.iota {dimensions = array<i32: 0>} : vector<16xi32>
        %eq3A_303 = arith.constant 0 : i32
        %eq3A_304 = vector.broadcast %eq3A_303 : i32 to vector<16xi32>
        %eq3A_305 = arith.cmpi eq, %iota3A_302, %eq3A_304 : vector<16xi32>
        %jit3A_306 = arith.constant 0 : i32
        %broadcast_in_dim3A = vector.broadcast %jit3A_306 : i32 to vector<16xi32>
        %select_n3A_307 = arith.select %eq3A_305, %get3A_295, %broadcast_in_dim3A : vector<16xi1>, vector<16xi32>
        %reduce_sum3A = arith.constant true
        %reduce_sum3A_308 = vector.broadcast %reduce_sum3A : i1 to vector<16xi1>
        %reduce_sum3A_309 = tpu.scan <sum>, %select_n3A_307 masked %reduce_sum3A_308 : vector<16xi32>, vector<16xi1> -> vector<16xi32>
        %reduce_sum3A_310 = vector.extract %reduce_sum3A_309[15] : i32 from vector<16xi32>
        %iota3A_311 = tpu.iota {dimensions = array<i32: 0>} : vector<16xi32>
        %eq3A_312 = arith.constant 0 : i32
        %eq3A_313 = vector.broadcast %eq3A_312 : i32 to vector<16xi32>
        %eq3A_314 = arith.cmpi eq, %iota3A_311, %eq3A_313 : vector<16xi32>
        %jit3A_315 = arith.constant 0 : i32
        %broadcast_in_dim3A_316 = vector.broadcast %jit3A_315 : i32 to vector<16xi32>
        %select_n3A_317 = arith.select %eq3A_314, %get3A_297, %broadcast_in_dim3A_316 : vector<16xi1>, vector<16xi32>
        %reduce_sum3A_318 = arith.constant true
        %reduce_sum3A_319 = vector.broadcast %reduce_sum3A_318 : i1 to vector<16xi1>
        %reduce_sum3A_320 = tpu.scan <sum>, %select_n3A_317 masked %reduce_sum3A_319 : vector<16xi32>, vector<16xi1> -> vector<16xi32>
        %reduce_sum3A_321 = vector.extract %reduce_sum3A_320[15] : i32 from vector<16xi32>
        %broadcast_in_dim3A_322 = vector.broadcast %reduce_sum3A_321 : i32 to vector<16xi32>
        %select_n3A_323 = arith.select %lt3A_301, %get3A_297, %broadcast_in_dim3A_322 : vector<16xi1>, vector<16xi32>
        %swap3A = arith.constant 0 : index
        %swap3A_324 = tpu.vector_load %arg10[%swap3A] {strides = array<i32>} : memref<16xi32, #tpu.memory_space<vmem>>, vector<16xi32>,
        tpu.vector_store %arg10[%swap3A], %select_n3A_323 {strides = array<i32>} : memref<16xi32, #tpu.memory_space<vmem>>, vector<16xi32>,
        %broadcast_in_dim3A_325 = vector.broadcast %reduce_sum3A_310 : i32 to vector<16xi32>
        %select_n3A_326 = arith.select %lt3A_301, %get3A_295, %broadcast_in_dim3A_325 : vector<16xi1>, vector<16xi32>
        %dma_start3A_327 = arith.constant 0 : i32
        %dma_start3A_328 = tpu.memref_slice %arg4[%dma_start3A_327] : memref<4194304xi32, #tpu.memory_space<hbm>> -> memref<4194304xi32, #tpu.memory_space<hbm>>
        tpu.enqueue_indirect_dma source(%arg10 : memref<16xi32, #tpu.memory_space<vmem>>) target(%dma_start3A_328 : memref<4194304xi32, #tpu.memory_space<hbm>>) offsets(%select_n3A_326 : vector<16xi32>) semaphore(%arg11 : memref<!tpu.dma_semaphore, #tpu.memory_space<semaphore_mem>>)
        %dma_wait3A_329 = arith.constant 0 : i32
        %dma_wait3A_330 = tpu.memref_slice %arg4[%dma_wait3A_329] : memref<4194304xi32, #tpu.memory_space<hbm>> -> memref<4194304xi32, #tpu.memory_space<hbm>>
        tpu.wait_indirect_dma semaphore(%arg11 : memref<!tpu.dma_semaphore, #tpu.memory_space<semaphore_mem>>) src(%arg10 : memref<16xi32, #tpu.memory_space<vmem>>) dst(%dma_wait3A_330 : memref<4194304xi32, #tpu.memory_space<hbm>>)
      }
      %while3A_98 = arith.constant 1 : i32
      scf.for %while3A_292 = %while3A_96 to %while3A_92 step %while3A_98  : i32 {
        %mul3A_293 = arith.constant 16 : i32
        %mul3A_294 = arith.muli %while3A_292, %mul3A_293 : i32
        %get3A = arith.index_cast %mul3A_294 : i32 to index
        %get3A_295 = tpu.vector_load %arg5[%get3A] {strides = array<i32>} : memref<16384xi32, #tpu.memory_space<vmem>>, vector<16xi32>,
        %get3A_296 = arith.index_cast %mul3A_294 : i32 to index
        %get3A_297 = tpu.vector_load %arg6[%get3A_296] {strides = array<i32>} : memref<16384xi32, #tpu.memory_space<vmem>>, vector<16xi32>,
        %iota3A = tpu.iota {dimensions = array<i32: 0>} : vector<16xi32>
        %add3A_298 = vector.broadcast %mul3A_294 : i32 to vector<16xi32>
        %add3A_299 = arith.addi %add3A_298, %iota3A : vector<16xi32>
        %lt3A_300 = vector.broadcast %scan3A_62 : i32 to vector<16xi32>
        %lt3A_301 = arith.cmpi slt, %add3A_299, %lt3A_300 : vector<16xi32>
        %iota3A_302 = tpu.iota {dimensions = array<i32: 0>} : vector<16xi32>
        %eq3A_303 = arith.constant 0 : i32
        %eq3A_304 = vector.broadcast %eq3A_303 : i32 to vector<16xi32>
        %eq3A_305 = arith.cmpi eq, %iota3A_302, %eq3A_304 : vector<16xi32>
        %jit3A_306 = arith.constant 0 : i32
        %broadcast_in_dim3A = vector.broadcast %jit3A_306 : i32 to vector<16xi32>
        %select_n3A_307 = arith.select %eq3A_305, %get3A_295, %broadcast_in_dim3A : vector<16xi1>, vector<16xi32>
        %reduce_sum3A = arith.constant true
        %reduce_sum3A_308 = vector.broadcast %reduce_sum3A : i1 to vector<16xi1>
        %reduce_sum3A_309 = tpu.scan <sum>, %select_n3A_307 masked %reduce_sum3A_308 : vector<16xi32>, vector<16xi1> -> vector<16xi32>
        %reduce_sum3A_310 = vector.extract %reduce_sum3A_309[15] : i32 from vector<16xi32>
        %iota3A_311 = tpu.iota {dimensions = array<i32: 0>} : vector<16xi32>
        %eq3A_312 = arith.constant 0 : i32
        %eq3A_313 = vector.broadcast %eq3A_312 : i32 to vector<16xi32>
        %eq3A_314 = arith.cmpi eq, %iota3A_311, %eq3A_313 : vector<16xi32>
        %jit3A_315 = arith.constant 0 : i32
        %broadcast_in_dim3A_316 = vector.broadcast %jit3A_315 : i32 to vector<16xi32>
        %select_n3A_317 = arith.select %eq3A_314, %get3A_297, %broadcast_in_dim3A_316 : vector<16xi1>, vector<16xi32>
        %reduce_sum3A_318 = arith.constant true
        %reduce_sum3A_319 = vector.broadcast %reduce_sum3A_318 : i1 to vector<16xi1>
        %reduce_sum3A_320 = tpu.scan <sum>, %select_n3A_317 masked %reduce_sum3A_319 : vector<16xi32>, vector<16xi1> -> vector<16xi32>
        %reduce_sum3A_321 = vector.extract %reduce_sum3A_320[15] : i32 from vector<16xi32>
        %broadcast_in_dim3A_322 = vector.broadcast %reduce_sum3A_321 : i32 to vector<16xi32>
        %select_n3A_323 = arith.select %lt3A_301, %get3A_297, %broadcast_in_dim3A_322 : vector<16xi1>, vector<16xi32>
        %swap3A = arith.constant 0 : index
        %swap3A_324 = tpu.vector_load %arg10[%swap3A] {strides = array<i32>} : memref<16xi32, #tpu.memory_space<vmem>>, vector<16xi32>,
        tpu.vector_store %arg10[%swap3A], %select_n3A_323 {strides = array<i32>} : memref<16xi32, #tpu.memory_space<vmem>>, vector<16xi32>,
        %broadcast_in_dim3A_325 = vector.broadcast %reduce_sum3A_310 : i32 to vector<16xi32>
        %select_n3A_326 = arith.select %lt3A_301, %get3A_295, %broadcast_in_dim3A_325 : vector<16xi1>, vector<16xi32>
        %dma_start3A_327 = arith.constant 0 : i32
        %dma_start3A_328 = tpu.memref_slice %arg4[%dma_start3A_327] : memref<4194304xi32, #tpu.memory_space<hbm>> -> memref<4194304xi32, #tpu.memory_space<hbm>>
        tpu.enqueue_indirect_dma source(%arg10 : memref<16xi32, #tpu.memory_space<vmem>>) target(%dma_start3A_328 : memref<4194304xi32, #tpu.memory_space<hbm>>) offsets(%select_n3A_326 : vector<16xi32>) semaphore(%arg11 : memref<!tpu.dma_semaphore, #tpu.memory_space<semaphore_mem>>)
        %dma_wait3A_329 = arith.constant 0 : i32
        %dma_wait3A_330 = tpu.memref_slice %arg4[%dma_wait3A_329] : memref<4194304xi32, #tpu.memory_space<hbm>> -> memref<4194304xi32, #tpu.memory_space<hbm>>
        tpu.wait_indirect_dma semaphore(%arg11 : memref<!tpu.dma_semaphore, #tpu.memory_space<semaphore_mem>>) src(%arg10 : memref<16xi32, #tpu.memory_space<vmem>>) dst(%dma_wait3A_330 : memref<4194304xi32, #tpu.memory_space<hbm>>)
      }
      %barrier3A_99 = arith.constant 0 : index
      tpu.barrier barrier_id(%barrier3A_99)
      %dma_start3A_100 = arith.constant 0 : i32
      %dma_start3A_101 = tpu.memref_slice %arg4[%dma_start3A_100] : memref<4194304xi32, #tpu.memory_space<hbm>> -> memref<4194304xi32, #tpu.memory_space<hbm>>
      tpu.enqueue_indirect_dma source(%dma_start3A_101 : memref<4194304xi32, #tpu.memory_space<hbm>>) target(%arg9 : memref<16384xi32, #tpu.memory_space<vmem>>) offsets(%arg7 : memref<16384xi32, #tpu.memory_space<vmem>>) semaphore(%arg11 : memref<!tpu.dma_semaphore, #tpu.memory_space<semaphore_mem>>)
      %dma_wait3A_102 = arith.constant 0 : i32
      %dma_wait3A_103 = tpu.memref_slice %arg4[%dma_wait3A_102] : memref<4194304xi32, #tpu.memory_space<hbm>> -> memref<4194304xi32, #tpu.memory_space<hbm>>
      tpu.wait_indirect_dma semaphore(%arg11 : memref<!tpu.dma_semaphore, #tpu.memory_space<semaphore_mem>>) src(%dma_wait3A_103 : memref<4194304xi32, #tpu.memory_space<hbm>>) dst(%arg9 : memref<16384xi32, #tpu.memory_space<vmem>>)
      %scan3A_104 = arith.constant 0 : i32
      %scan3A_105 = arith.constant 0 : i32
      %scan3A_106 = arith.constant 1024 : i32
      %scan3A_107 = arith.addi %scan3A_105, %scan3A_106 : i32
      %scan3A_108 = arith.constant 1 : i32
      %scan3A_109 = scf.for %scan3A_292 = %scan3A_105 to %scan3A_107 step %scan3A_108 iter_args(%scan3A_293 = %scan3A_104) -> (i32)  : i32 {
        %mul3A_294 = arith.constant 16 : i32
        %mul3A_295 = arith.muli %scan3A_292, %mul3A_294 : i32
        %get3A = arith.index_cast %mul3A_295 : i32 to index
        %get3A_296 = tpu.vector_load %arg7[%get3A] {strides = array<i32>} : memref<16384xi32, #tpu.memory_space<vmem>>, vector<16xi32>,
        %get3A_297 = arith.index_cast %mul3A_295 : i32 to index
        %get3A_298 = tpu.vector_load %arg8[%get3A_297] {strides = array<i32>} : memref<16384xi32, #tpu.memory_space<vmem>>, vector<16xi32>,
        %get3A_299 = arith.index_cast %mul3A_295 : i32 to index
        %get3A_300 = tpu.vector_load %arg9[%get3A_299] {strides = array<i32>} : memref<16384xi32, #tpu.memory_space<vmem>>, vector<16xi32>,
        %lt3A_301 = arith.cmpi slt, %get3A_300, %get3A_298 : vector<16xi32>
        %swap3A = arith.index_cast %scan3A_293 : i32 to index
        %swap3A_302 = tpu.vector_load %arg5[%swap3A] masked %lt3A_301 {strides = array<i32>} : memref<16384xi32, #tpu.memory_space<vmem>>, vector<16xi32>, vector<16xi1>
        tpu.vector_store %arg5[%swap3A], %get3A_296 masked %lt3A_301 {strides = array<i32>} : memref<16384xi32, #tpu.memory_space<vmem>>, vector<16xi32>, vector<16xi1>
        %swap3A_303 = arith.index_cast %scan3A_293 : i32 to index
        %swap3A_304 = tpu.vector_load %arg6[%swap3A_303] masked %lt3A_301 {strides = array<i32>} : memref<16384xi32, #tpu.memory_space<vmem>>, vector<16xi32>, vector<16xi1>
        tpu.vector_store %arg6[%swap3A_303], %get3A_298 masked %lt3A_301 {strides = array<i32>} : memref<16384xi32, #tpu.memory_space<vmem>>, vector<16xi32>, vector<16xi1>
        %convert_element_type3A_305 = arith.extui %lt3A_301 : vector<16xi1> to vector<16xi32>
        %reduce_sum3A = arith.constant true
        %reduce_sum3A_306 = vector.broadcast %reduce_sum3A : i1 to vector<16xi1>
        %reduce_sum3A_307 = tpu.scan <sum>, %convert_element_type3A_305 masked %reduce_sum3A_306 : vector<16xi32>, vector<16xi1> -> vector<16xi32>
        %reduce_sum3A_308 = vector.extract %reduce_sum3A_307[15] : i32 from vector<16xi32>
        %add3A_309 = arith.addi %scan3A_293, %reduce_sum3A_308 : i32
        scf.yield %add3A_309 : i32
      }
      %scan3A_110 = arith.constant 1024 : i32
      %add3A_111 = arith.constant 15 : i32
      %add3A_112 = arith.addi %scan3A_109, %add3A_111 : i32
      %jit3A_113 = arith.constant 16 : i32
      %div3A_114 = arith.divsi %add3A_112, %jit3A_113 : i32
      %sign3A_115 = arith.constant 0 : i32
      %sign3A_116 = arith.cmpi sgt, %add3A_112, %sign3A_115 : i32
      %sign3A_117 = arith.extui %sign3A_116 : i1 to i32
      %sign3A_118 = arith.constant 0 : i32
      %sign3A_119 = arith.cmpi slt, %add3A_112, %sign3A_118 : i32
      %sign3A_120 = arith.extui %sign3A_119 : i1 to i32
      %sign3A_121 = arith.subi %sign3A_117, %sign3A_120 : i32
      %sign3A_122 = arith.constant 0 : i32
      %sign3A_123 = arith.cmpi sgt, %jit3A_113, %sign3A_122 : i32
      %sign3A_124 = arith.extui %sign3A_123 : i1 to i32
      %sign3A_125 = arith.constant 0 : i32
      %sign3A_126 = arith.cmpi slt, %jit3A_113, %sign3A_125 : i32
      %sign3A_127 = arith.extui %sign3A_126 : i1 to i32
      %sign3A_128 = arith.subi %sign3A_124, %sign3A_127 : i32
      %ne3A_129 = arith.cmpi ne, %sign3A_121, %sign3A_128 : i32
      %rem3A_130 = arith.remsi %add3A_112, %jit3A_113 : i32
      %ne3A_131 = arith.constant 0 : i32
      %ne3A_132 = arith.cmpi ne, %rem3A_130, %ne3A_131 : i32
      %and3A_133 = arith.andi %ne3A_129, %ne3A_132 : i1
      %sub3A_134 = arith.constant 1 : i32
      %sub3A_135 = arith.subi %div3A_114, %sub3A_134 : i32
      %select_n3A_136 = arith.select %and3A_133, %sub3A_135, %div3A_114 : i32
      %while3A_137 = arith.constant 0 : i32
      %while3A_138 = arith.subi %select_n3A_136, %while3A_137 : i32
      %while3A_139 = arith.addi %while3A_137, %while3A_138 : i32
      %while3A_140 = arith.constant 1 : i32
      %while3A_141 = arith.divsi %while3A_138, %while3A_140 : i32
      %while3A_142 = arith.muli %while3A_141, %while3A_140 : i32
      %while3A_143 = arith.addi %while3A_137, %while3A_142 : i32
      %while3A_144 = arith.constant 1 : i32
      scf.for %while3A_292 = %while3A_137 to %while3A_143 step %while3A_144  : i32 {
        %mul3A_293 = arith.constant 16 : i32
        %mul3A_294 = arith.muli %while3A_292, %mul3A_293 : i32
        %get3A = arith.index_cast %mul3A_294 : i32 to index
        %get3A_295 = tpu.vector_load %arg5[%get3A] {strides = array<i32>} : memref<16384xi32, #tpu.memory_space<vmem>>, vector<16xi32>,
        %get3A_296 = arith.index_cast %mul3A_294 : i32 to index
        %get3A_297 = tpu.vector_load %arg6[%get3A_296] {strides = array<i32>} : memref<16384xi32, #tpu.memory_space<vmem>>, vector<16xi32>,
        %iota3A = tpu.iota {dimensions = array<i32: 0>} : vector<16xi32>
        %add3A_298 = vector.broadcast %mul3A_294 : i32 to vector<16xi32>
        %add3A_299 = arith.addi %add3A_298, %iota3A : vector<16xi32>
        %lt3A_300 = vector.broadcast %scan3A_109 : i32 to vector<16xi32>
        %lt3A_301 = arith.cmpi slt, %add3A_299, %lt3A_300 : vector<16xi32>
        %iota3A_302 = tpu.iota {dimensions = array<i32: 0>} : vector<16xi32>
        %eq3A_303 = arith.constant 0 : i32
        %eq3A_304 = vector.broadcast %eq3A_303 : i32 to vector<16xi32>
        %eq3A_305 = arith.cmpi eq, %iota3A_302, %eq3A_304 : vector<16xi32>
        %jit3A_306 = arith.constant 0 : i32
        %broadcast_in_dim3A = vector.broadcast %jit3A_306 : i32 to vector<16xi32>
        %select_n3A_307 = arith.select %eq3A_305, %get3A_295, %broadcast_in_dim3A : vector<16xi1>, vector<16xi32>
        %reduce_sum3A = arith.constant true
        %reduce_sum3A_308 = vector.broadcast %reduce_sum3A : i1 to vector<16xi1>
        %reduce_sum3A_309 = tpu.scan <sum>, %select_n3A_307 masked %reduce_sum3A_308 : vector<16xi32>, vector<16xi1> -> vector<16xi32>
        %reduce_sum3A_310 = vector.extract %reduce_sum3A_309[15] : i32 from vector<16xi32>
        %iota3A_311 = tpu.iota {dimensions = array<i32: 0>} : vector<16xi32>
        %eq3A_312 = arith.constant 0 : i32
        %eq3A_313 = vector.broadcast %eq3A_312 : i32 to vector<16xi32>
        %eq3A_314 = arith.cmpi eq, %iota3A_311, %eq3A_313 : vector<16xi32>
        %jit3A_315 = arith.constant 0 : i32
        %broadcast_in_dim3A_316 = vector.broadcast %jit3A_315 : i32 to vector<16xi32>
        %select_n3A_317 = arith.select %eq3A_314, %get3A_297, %broadcast_in_dim3A_316 : vector<16xi1>, vector<16xi32>
        %reduce_sum3A_318 = arith.constant true
        %reduce_sum3A_319 = vector.broadcast %reduce_sum3A_318 : i1 to vector<16xi1>
        %reduce_sum3A_320 = tpu.scan <sum>, %select_n3A_317 masked %reduce_sum3A_319 : vector<16xi32>, vector<16xi1> -> vector<16xi32>
        %reduce_sum3A_321 = vector.extract %reduce_sum3A_320[15] : i32 from vector<16xi32>
        %broadcast_in_dim3A_322 = vector.broadcast %reduce_sum3A_321 : i32 to vector<16xi32>
        %select_n3A_323 = arith.select %lt3A_301, %get3A_297, %broadcast_in_dim3A_322 : vector<16xi1>, vector<16xi32>
        %swap3A = arith.constant 0 : index
        %swap3A_324 = tpu.vector_load %arg10[%swap3A] {strides = array<i32>} : memref<16xi32, #tpu.memory_space<vmem>>, vector<16xi32>,
        tpu.vector_store %arg10[%swap3A], %select_n3A_323 {strides = array<i32>} : memref<16xi32, #tpu.memory_space<vmem>>, vector<16xi32>,
        %broadcast_in_dim3A_325 = vector.broadcast %reduce_sum3A_310 : i32 to vector<16xi32>
        %select_n3A_326 = arith.select %lt3A_301, %get3A_295, %broadcast_in_dim3A_325 : vector<16xi1>, vector<16xi32>
        %dma_start3A_327 = arith.constant 0 : i32
        %dma_start3A_328 = tpu.memref_slice %arg4[%dma_start3A_327] : memref<4194304xi32, #tpu.memory_space<hbm>> -> memref<4194304xi32, #tpu.memory_space<hbm>>
        tpu.enqueue_indirect_dma source(%arg10 : memref<16xi32, #tpu.memory_space<vmem>>) target(%dma_start3A_328 : memref<4194304xi32, #tpu.memory_space<hbm>>) offsets(%select_n3A_326 : vector<16xi32>) semaphore(%arg11 : memref<!tpu.dma_semaphore, #tpu.memory_space<semaphore_mem>>)
        %dma_wait3A_329 = arith.constant 0 : i32
        %dma_wait3A_330 = tpu.memref_slice %arg4[%dma_wait3A_329] : memref<4194304xi32, #tpu.memory_space<hbm>> -> memref<4194304xi32, #tpu.memory_space<hbm>>
        tpu.wait_indirect_dma semaphore(%arg11 : memref<!tpu.dma_semaphore, #tpu.memory_space<semaphore_mem>>) src(%arg10 : memref<16xi32, #tpu.memory_space<vmem>>) dst(%dma_wait3A_330 : memref<4194304xi32, #tpu.memory_space<hbm>>)
      }
      %while3A_145 = arith.constant 1 : i32
      scf.for %while3A_292 = %while3A_143 to %while3A_139 step %while3A_145  : i32 {
        %mul3A_293 = arith.constant 16 : i32
        %mul3A_294 = arith.muli %while3A_292, %mul3A_293 : i32
        %get3A = arith.index_cast %mul3A_294 : i32 to index
        %get3A_295 = tpu.vector_load %arg5[%get3A] {strides = array<i32>} : memref<16384xi32, #tpu.memory_space<vmem>>, vector<16xi32>,
        %get3A_296 = arith.index_cast %mul3A_294 : i32 to index
        %get3A_297 = tpu.vector_load %arg6[%get3A_296] {strides = array<i32>} : memref<16384xi32, #tpu.memory_space<vmem>>, vector<16xi32>,
        %iota3A = tpu.iota {dimensions = array<i32: 0>} : vector<16xi32>
        %add3A_298 = vector.broadcast %mul3A_294 : i32 to vector<16xi32>
        %add3A_299 = arith.addi %add3A_298, %iota3A : vector<16xi32>
        %lt3A_300 = vector.broadcast %scan3A_109 : i32 to vector<16xi32>
        %lt3A_301 = arith.cmpi slt, %add3A_299, %lt3A_300 : vector<16xi32>
        %iota3A_302 = tpu.iota {dimensions = array<i32: 0>} : vector<16xi32>
        %eq3A_303 = arith.constant 0 : i32
        %eq3A_304 = vector.broadcast %eq3A_303 : i32 to vector<16xi32>
        %eq3A_305 = arith.cmpi eq, %iota3A_302, %eq3A_304 : vector<16xi32>
        %jit3A_306 = arith.constant 0 : i32
        %broadcast_in_dim3A = vector.broadcast %jit3A_306 : i32 to vector<16xi32>
        %select_n3A_307 = arith.select %eq3A_305, %get3A_295, %broadcast_in_dim3A : vector<16xi1>, vector<16xi32>
        %reduce_sum3A = arith.constant true
        %reduce_sum3A_308 = vector.broadcast %reduce_sum3A : i1 to vector<16xi1>
        %reduce_sum3A_309 = tpu.scan <sum>, %select_n3A_307 masked %reduce_sum3A_308 : vector<16xi32>, vector<16xi1> -> vector<16xi32>
        %reduce_sum3A_310 = vector.extract %reduce_sum3A_309[15] : i32 from vector<16xi32>
        %iota3A_311 = tpu.iota {dimensions = array<i32: 0>} : vector<16xi32>
        %eq3A_312 = arith.constant 0 : i32
        %eq3A_313 = vector.broadcast %eq3A_312 : i32 to vector<16xi32>
        %eq3A_314 = arith.cmpi eq, %iota3A_311, %eq3A_313 : vector<16xi32>
        %jit3A_315 = arith.constant 0 : i32
        %broadcast_in_dim3A_316 = vector.broadcast %jit3A_315 : i32 to vector<16xi32>
        %select_n3A_317 = arith.select %eq3A_314, %get3A_297, %broadcast_in_dim3A_316 : vector<16xi1>, vector<16xi32>
        %reduce_sum3A_318 = arith.constant true
        %reduce_sum3A_319 = vector.broadcast %reduce_sum3A_318 : i1 to vector<16xi1>
        %reduce_sum3A_320 = tpu.scan <sum>, %select_n3A_317 masked %reduce_sum3A_319 : vector<16xi32>, vector<16xi1> -> vector<16xi32>
        %reduce_sum3A_321 = vector.extract %reduce_sum3A_320[15] : i32 from vector<16xi32>
        %broadcast_in_dim3A_322 = vector.broadcast %reduce_sum3A_321 : i32 to vector<16xi32>
        %select_n3A_323 = arith.select %lt3A_301, %get3A_297, %broadcast_in_dim3A_322 : vector<16xi1>, vector<16xi32>
        %swap3A = arith.constant 0 : index
        %swap3A_324 = tpu.vector_load %arg10[%swap3A] {strides = array<i32>} : memref<16xi32, #tpu.memory_space<vmem>>, vector<16xi32>,
        tpu.vector_store %arg10[%swap3A], %select_n3A_323 {strides = array<i32>} : memref<16xi32, #tpu.memory_space<vmem>>, vector<16xi32>,
        %broadcast_in_dim3A_325 = vector.broadcast %reduce_sum3A_310 : i32 to vector<16xi32>
        %select_n3A_326 = arith.select %lt3A_301, %get3A_295, %broadcast_in_dim3A_325 : vector<16xi1>, vector<16xi32>
        %dma_start3A_327 = arith.constant 0 : i32
        %dma_start3A_328 = tpu.memref_slice %arg4[%dma_start3A_327] : memref<4194304xi32, #tpu.memory_space<hbm>> -> memref<4194304xi32, #tpu.memory_space<hbm>>
        tpu.enqueue_indirect_dma source(%arg10 : memref<16xi32, #tpu.memory_space<vmem>>) target(%dma_start3A_328 : memref<4194304xi32, #tpu.memory_space<hbm>>) offsets(%select_n3A_326 : vector<16xi32>) semaphore(%arg11 : memref<!tpu.dma_semaphore, #tpu.memory_space<semaphore_mem>>)
        %dma_wait3A_329 = arith.constant 0 : i32
        %dma_wait3A_330 = tpu.memref_slice %arg4[%dma_wait3A_329] : memref<4194304xi32, #tpu.memory_space<hbm>> -> memref<4194304xi32, #tpu.memory_space<hbm>>
        tpu.wait_indirect_dma semaphore(%arg11 : memref<!tpu.dma_semaphore, #tpu.memory_space<semaphore_mem>>) src(%arg10 : memref<16xi32, #tpu.memory_space<vmem>>) dst(%dma_wait3A_330 : memref<4194304xi32, #tpu.memory_space<hbm>>)
      }
      %barrier3A_146 = arith.constant 0 : index
      tpu.barrier barrier_id(%barrier3A_146)
      %dma_start3A_147 = arith.constant 0 : i32
      %dma_start3A_148 = tpu.memref_slice %arg4[%dma_start3A_147] : memref<4194304xi32, #tpu.memory_space<hbm>> -> memref<4194304xi32, #tpu.memory_space<hbm>>
      tpu.enqueue_indirect_dma source(%dma_start3A_148 : memref<4194304xi32, #tpu.memory_space<hbm>>) target(%arg9 : memref<16384xi32, #tpu.memory_space<vmem>>) offsets(%arg7 : memref<16384xi32, #tpu.memory_space<vmem>>) semaphore(%arg11 : memref<!tpu.dma_semaphore, #tpu.memory_space<semaphore_mem>>)
      %dma_wait3A_149 = arith.constant 0 : i32
      %dma_wait3A_150 = tpu.memref_slice %arg4[%dma_wait3A_149] : memref<4194304xi32, #tpu.memory_space<hbm>> -> memref<4194304xi32, #tpu.memory_space<hbm>>
      tpu.wait_indirect_dma semaphore(%arg11 : memref<!tpu.dma_semaphore, #tpu.memory_space<semaphore_mem>>) src(%dma_wait3A_150 : memref<4194304xi32, #tpu.memory_space<hbm>>) dst(%arg9 : memref<16384xi32, #tpu.memory_space<vmem>>)
      %scan3A_151 = arith.constant 0 : i32
      %scan3A_152 = arith.constant 0 : i32
      %scan3A_153 = arith.constant 1024 : i32
      %scan3A_154 = arith.addi %scan3A_152, %scan3A_153 : i32
      %scan3A_155 = arith.constant 1 : i32
      %scan3A_156 = scf.for %scan3A_292 = %scan3A_152 to %scan3A_154 step %scan3A_155 iter_args(%scan3A_293 = %scan3A_151) -> (i32)  : i32 {
        %mul3A_294 = arith.constant 16 : i32
        %mul3A_295 = arith.muli %scan3A_292, %mul3A_294 : i32
        %get3A = arith.index_cast %mul3A_295 : i32 to index
        %get3A_296 = tpu.vector_load %arg7[%get3A] {strides = array<i32>} : memref<16384xi32, #tpu.memory_space<vmem>>, vector<16xi32>,
        %get3A_297 = arith.index_cast %mul3A_295 : i32 to index
        %get3A_298 = tpu.vector_load %arg8[%get3A_297] {strides = array<i32>} : memref<16384xi32, #tpu.memory_space<vmem>>, vector<16xi32>,
        %get3A_299 = arith.index_cast %mul3A_295 : i32 to index
        %get3A_300 = tpu.vector_load %arg9[%get3A_299] {strides = array<i32>} : memref<16384xi32, #tpu.memory_space<vmem>>, vector<16xi32>,
        %lt3A_301 = arith.cmpi slt, %get3A_300, %get3A_298 : vector<16xi32>
        %swap3A = arith.index_cast %scan3A_293 : i32 to index
        %swap3A_302 = tpu.vector_load %arg5[%swap3A] masked %lt3A_301 {strides = array<i32>} : memref<16384xi32, #tpu.memory_space<vmem>>, vector<16xi32>, vector<16xi1>
        tpu.vector_store %arg5[%swap3A], %get3A_296 masked %lt3A_301 {strides = array<i32>} : memref<16384xi32, #tpu.memory_space<vmem>>, vector<16xi32>, vector<16xi1>
        %swap3A_303 = arith.index_cast %scan3A_293 : i32 to index
        %swap3A_304 = tpu.vector_load %arg6[%swap3A_303] masked %lt3A_301 {strides = array<i32>} : memref<16384xi32, #tpu.memory_space<vmem>>, vector<16xi32>, vector<16xi1>
        tpu.vector_store %arg6[%swap3A_303], %get3A_298 masked %lt3A_301 {strides = array<i32>} : memref<16384xi32, #tpu.memory_space<vmem>>, vector<16xi32>, vector<16xi1>
        %convert_element_type3A_305 = arith.extui %lt3A_301 : vector<16xi1> to vector<16xi32>
        %reduce_sum3A = arith.constant true
        %reduce_sum3A_306 = vector.broadcast %reduce_sum3A : i1 to vector<16xi1>
        %reduce_sum3A_307 = tpu.scan <sum>, %convert_element_type3A_305 masked %reduce_sum3A_306 : vector<16xi32>, vector<16xi1> -> vector<16xi32>
        %reduce_sum3A_308 = vector.extract %reduce_sum3A_307[15] : i32 from vector<16xi32>
        %add3A_309 = arith.addi %scan3A_293, %reduce_sum3A_308 : i32
        scf.yield %add3A_309 : i32
      }
      %scan3A_157 = arith.constant 1024 : i32
      %add3A_158 = arith.constant 15 : i32
      %add3A_159 = arith.addi %scan3A_156, %add3A_158 : i32
      %jit3A_160 = arith.constant 16 : i32
      %div3A_161 = arith.divsi %add3A_159, %jit3A_160 : i32
      %sign3A_162 = arith.constant 0 : i32
      %sign3A_163 = arith.cmpi sgt, %add3A_159, %sign3A_162 : i32
      %sign3A_164 = arith.extui %sign3A_163 : i1 to i32
      %sign3A_165 = arith.constant 0 : i32
      %sign3A_166 = arith.cmpi slt, %add3A_159, %sign3A_165 : i32
      %sign3A_167 = arith.extui %sign3A_166 : i1 to i32
      %sign3A_168 = arith.subi %sign3A_164, %sign3A_167 : i32
      %sign3A_169 = arith.constant 0 : i32
      %sign3A_170 = arith.cmpi sgt, %jit3A_160, %sign3A_169 : i32
      %sign3A_171 = arith.extui %sign3A_170 : i1 to i32
      %sign3A_172 = arith.constant 0 : i32
      %sign3A_173 = arith.cmpi slt, %jit3A_160, %sign3A_172 : i32
      %sign3A_174 = arith.extui %sign3A_173 : i1 to i32
      %sign3A_175 = arith.subi %sign3A_171, %sign3A_174 : i32
      %ne3A_176 = arith.cmpi ne, %sign3A_168, %sign3A_175 : i32
      %rem3A_177 = arith.remsi %add3A_159, %jit3A_160 : i32
      %ne3A_178 = arith.constant 0 : i32
      %ne3A_179 = arith.cmpi ne, %rem3A_177, %ne3A_178 : i32
      %and3A_180 = arith.andi %ne3A_176, %ne3A_179 : i1
      %sub3A_181 = arith.constant 1 : i32
      %sub3A_182 = arith.subi %div3A_161, %sub3A_181 : i32
      %select_n3A_183 = arith.select %and3A_180, %sub3A_182, %div3A_161 : i32
      %while3A_184 = arith.constant 0 : i32
      %while3A_185 = arith.subi %select_n3A_183, %while3A_184 : i32
      %while3A_186 = arith.addi %while3A_184, %while3A_185 : i32
      %while3A_187 = arith.constant 1 : i32
      %while3A_188 = arith.divsi %while3A_185, %while3A_187 : i32
      %while3A_189 = arith.muli %while3A_188, %while3A_187 : i32
      %while3A_190 = arith.addi %while3A_184, %while3A_189 : i32
      %while3A_191 = arith.constant 1 : i32
      scf.for %while3A_292 = %while3A_184 to %while3A_190 step %while3A_191  : i32 {
        %mul3A_293 = arith.constant 16 : i32
        %mul3A_294 = arith.muli %while3A_292, %mul3A_293 : i32
        %get3A = arith.index_cast %mul3A_294 : i32 to index
        %get3A_295 = tpu.vector_load %arg5[%get3A] {strides = array<i32>} : memref<16384xi32, #tpu.memory_space<vmem>>, vector<16xi32>,
        %get3A_296 = arith.index_cast %mul3A_294 : i32 to index
        %get3A_297 = tpu.vector_load %arg6[%get3A_296] {strides = array<i32>} : memref<16384xi32, #tpu.memory_space<vmem>>, vector<16xi32>,
        %iota3A = tpu.iota {dimensions = array<i32: 0>} : vector<16xi32>
        %add3A_298 = vector.broadcast %mul3A_294 : i32 to vector<16xi32>
        %add3A_299 = arith.addi %add3A_298, %iota3A : vector<16xi32>
        %lt3A_300 = vector.broadcast %scan3A_156 : i32 to vector<16xi32>
        %lt3A_301 = arith.cmpi slt, %add3A_299, %lt3A_300 : vector<16xi32>
        %iota3A_302 = tpu.iota {dimensions = array<i32: 0>} : vector<16xi32>
        %eq3A_303 = arith.constant 0 : i32
        %eq3A_304 = vector.broadcast %eq3A_303 : i32 to vector<16xi32>
        %eq3A_305 = arith.cmpi eq, %iota3A_302, %eq3A_304 : vector<16xi32>
        %jit3A_306 = arith.constant 0 : i32
        %broadcast_in_dim3A = vector.broadcast %jit3A_306 : i32 to vector<16xi32>
        %select_n3A_307 = arith.select %eq3A_305, %get3A_295, %broadcast_in_dim3A : vector<16xi1>, vector<16xi32>
        %reduce_sum3A = arith.constant true
        %reduce_sum3A_308 = vector.broadcast %reduce_sum3A : i1 to vector<16xi1>
        %reduce_sum3A_309 = tpu.scan <sum>, %select_n3A_307 masked %reduce_sum3A_308 : vector<16xi32>, vector<16xi1> -> vector<16xi32>
        %reduce_sum3A_310 = vector.extract %reduce_sum3A_309[15] : i32 from vector<16xi32>
        %iota3A_311 = tpu.iota {dimensions = array<i32: 0>} : vector<16xi32>
        %eq3A_312 = arith.constant 0 : i32
        %eq3A_313 = vector.broadcast %eq3A_312 : i32 to vector<16xi32>
        %eq3A_314 = arith.cmpi eq, %iota3A_311, %eq3A_313 : vector<16xi32>
        %jit3A_315 = arith.constant 0 : i32
        %broadcast_in_dim3A_316 = vector.broadcast %jit3A_315 : i32 to vector<16xi32>
        %select_n3A_317 = arith.select %eq3A_314, %get3A_297, %broadcast_in_dim3A_316 : vector<16xi1>, vector<16xi32>
        %reduce_sum3A_318 = arith.constant true
        %reduce_sum3A_319 = vector.broadcast %reduce_sum3A_318 : i1 to vector<16xi1>
        %reduce_sum3A_320 = tpu.scan <sum>, %select_n3A_317 masked %reduce_sum3A_319 : vector<16xi32>, vector<16xi1> -> vector<16xi32>
        %reduce_sum3A_321 = vector.extract %reduce_sum3A_320[15] : i32 from vector<16xi32>
        %broadcast_in_dim3A_322 = vector.broadcast %reduce_sum3A_321 : i32 to vector<16xi32>
        %select_n3A_323 = arith.select %lt3A_301, %get3A_297, %broadcast_in_dim3A_322 : vector<16xi1>, vector<16xi32>
        %swap3A = arith.constant 0 : index
        %swap3A_324 = tpu.vector_load %arg10[%swap3A] {strides = array<i32>} : memref<16xi32, #tpu.memory_space<vmem>>, vector<16xi32>,
        tpu.vector_store %arg10[%swap3A], %select_n3A_323 {strides = array<i32>} : memref<16xi32, #tpu.memory_space<vmem>>, vector<16xi32>,
        %broadcast_in_dim3A_325 = vector.broadcast %reduce_sum3A_310 : i32 to vector<16xi32>
        %select_n3A_326 = arith.select %lt3A_301, %get3A_295, %broadcast_in_dim3A_325 : vector<16xi1>, vector<16xi32>
        %dma_start3A_327 = arith.constant 0 : i32
        %dma_start3A_328 = tpu.memref_slice %arg4[%dma_start3A_327] : memref<4194304xi32, #tpu.memory_space<hbm>> -> memref<4194304xi32, #tpu.memory_space<hbm>>
        tpu.enqueue_indirect_dma source(%arg10 : memref<16xi32, #tpu.memory_space<vmem>>) target(%dma_start3A_328 : memref<4194304xi32, #tpu.memory_space<hbm>>) offsets(%select_n3A_326 : vector<16xi32>) semaphore(%arg11 : memref<!tpu.dma_semaphore, #tpu.memory_space<semaphore_mem>>)
        %dma_wait3A_329 = arith.constant 0 : i32
        %dma_wait3A_330 = tpu.memref_slice %arg4[%dma_wait3A_329] : memref<4194304xi32, #tpu.memory_space<hbm>> -> memref<4194304xi32, #tpu.memory_space<hbm>>
        tpu.wait_indirect_dma semaphore(%arg11 : memref<!tpu.dma_semaphore, #tpu.memory_space<semaphore_mem>>) src(%arg10 : memref<16xi32, #tpu.memory_space<vmem>>) dst(%dma_wait3A_330 : memref<4194304xi32, #tpu.memory_space<hbm>>)
      }
      %while3A_192 = arith.constant 1 : i32
      scf.for %while3A_292 = %while3A_190 to %while3A_186 step %while3A_192  : i32 {
        %mul3A_293 = arith.constant 16 : i32
        %mul3A_294 = arith.muli %while3A_292, %mul3A_293 : i32
        %get3A = arith.index_cast %mul3A_294 : i32 to index
        %get3A_295 = tpu.vector_load %arg5[%get3A] {strides = array<i32>} : memref<16384xi32, #tpu.memory_space<vmem>>, vector<16xi32>,
        %get3A_296 = arith.index_cast %mul3A_294 : i32 to index
        %get3A_297 = tpu.vector_load %arg6[%get3A_296] {strides = array<i32>} : memref<16384xi32, #tpu.memory_space<vmem>>, vector<16xi32>,
        %iota3A = tpu.iota {dimensions = array<i32: 0>} : vector<16xi32>
        %add3A_298 = vector.broadcast %mul3A_294 : i32 to vector<16xi32>
        %add3A_299 = arith.addi %add3A_298, %iota3A : vector<16xi32>
        %lt3A_300 = vector.broadcast %scan3A_156 : i32 to vector<16xi32>
        %lt3A_301 = arith.cmpi slt, %add3A_299, %lt3A_300 : vector<16xi32>
        %iota3A_302 = tpu.iota {dimensions = array<i32: 0>} : vector<16xi32>
        %eq3A_303 = arith.constant 0 : i32
        %eq3A_304 = vector.broadcast %eq3A_303 : i32 to vector<16xi32>
        %eq3A_305 = arith.cmpi eq, %iota3A_302, %eq3A_304 : vector<16xi32>
        %jit3A_306 = arith.constant 0 : i32
        %broadcast_in_dim3A = vector.broadcast %jit3A_306 : i32 to vector<16xi32>
        %select_n3A_307 = arith.select %eq3A_305, %get3A_295, %broadcast_in_dim3A : vector<16xi1>, vector<16xi32>
        %reduce_sum3A = arith.constant true
        %reduce_sum3A_308 = vector.broadcast %reduce_sum3A : i1 to vector<16xi1>
        %reduce_sum3A_309 = tpu.scan <sum>, %select_n3A_307 masked %reduce_sum3A_308 : vector<16xi32>, vector<16xi1> -> vector<16xi32>
        %reduce_sum3A_310 = vector.extract %reduce_sum3A_309[15] : i32 from vector<16xi32>
        %iota3A_311 = tpu.iota {dimensions = array<i32: 0>} : vector<16xi32>
        %eq3A_312 = arith.constant 0 : i32
        %eq3A_313 = vector.broadcast %eq3A_312 : i32 to vector<16xi32>
        %eq3A_314 = arith.cmpi eq, %iota3A_311, %eq3A_313 : vector<16xi32>
        %jit3A_315 = arith.constant 0 : i32
        %broadcast_in_dim3A_316 = vector.broadcast %jit3A_315 : i32 to vector<16xi32>
        %select_n3A_317 = arith.select %eq3A_314, %get3A_297, %broadcast_in_dim3A_316 : vector<16xi1>, vector<16xi32>
        %reduce_sum3A_318 = arith.constant true
        %reduce_sum3A_319 = vector.broadcast %reduce_sum3A_318 : i1 to vector<16xi1>
        %reduce_sum3A_320 = tpu.scan <sum>, %select_n3A_317 masked %reduce_sum3A_319 : vector<16xi32>, vector<16xi1> -> vector<16xi32>
        %reduce_sum3A_321 = vector.extract %reduce_sum3A_320[15] : i32 from vector<16xi32>
        %broadcast_in_dim3A_322 = vector.broadcast %reduce_sum3A_321 : i32 to vector<16xi32>
        %select_n3A_323 = arith.select %lt3A_301, %get3A_297, %broadcast_in_dim3A_322 : vector<16xi1>, vector<16xi32>
        %swap3A = arith.constant 0 : index
        %swap3A_324 = tpu.vector_load %arg10[%swap3A] {strides = array<i32>} : memref<16xi32, #tpu.memory_space<vmem>>, vector<16xi32>,
        tpu.vector_store %arg10[%swap3A], %select_n3A_323 {strides = array<i32>} : memref<16xi32, #tpu.memory_space<vmem>>, vector<16xi32>,
        %broadcast_in_dim3A_325 = vector.broadcast %reduce_sum3A_310 : i32 to vector<16xi32>
        %select_n3A_326 = arith.select %lt3A_301, %get3A_295, %broadcast_in_dim3A_325 : vector<16xi1>, vector<16xi32>
        %dma_start3A_327 = arith.constant 0 : i32
        %dma_start3A_328 = tpu.memref_slice %arg4[%dma_start3A_327] : memref<4194304xi32, #tpu.memory_space<hbm>> -> memref<4194304xi32, #tpu.memory_space<hbm>>
        tpu.enqueue_indirect_dma source(%arg10 : memref<16xi32, #tpu.memory_space<vmem>>) target(%dma_start3A_328 : memref<4194304xi32, #tpu.memory_space<hbm>>) offsets(%select_n3A_326 : vector<16xi32>) semaphore(%arg11 : memref<!tpu.dma_semaphore, #tpu.memory_space<semaphore_mem>>)
        %dma_wait3A_329 = arith.constant 0 : i32
        %dma_wait3A_330 = tpu.memref_slice %arg4[%dma_wait3A_329] : memref<4194304xi32, #tpu.memory_space<hbm>> -> memref<4194304xi32, #tpu.memory_space<hbm>>
        tpu.wait_indirect_dma semaphore(%arg11 : memref<!tpu.dma_semaphore, #tpu.memory_space<semaphore_mem>>) src(%arg10 : memref<16xi32, #tpu.memory_space<vmem>>) dst(%dma_wait3A_330 : memref<4194304xi32, #tpu.memory_space<hbm>>)
      }
      %barrier3A_193 = arith.constant 0 : index
      tpu.barrier barrier_id(%barrier3A_193)
      %dma_start3A_194 = arith.constant 0 : i32
      %dma_start3A_195 = tpu.memref_slice %arg4[%dma_start3A_194] : memref<4194304xi32, #tpu.memory_space<hbm>> -> memref<4194304xi32, #tpu.memory_space<hbm>>
      tpu.enqueue_indirect_dma source(%dma_start3A_195 : memref<4194304xi32, #tpu.memory_space<hbm>>) target(%arg9 : memref<16384xi32, #tpu.memory_space<vmem>>) offsets(%arg7 : memref<16384xi32, #tpu.memory_space<vmem>>) semaphore(%arg11 : memref<!tpu.dma_semaphore, #tpu.memory_space<semaphore_mem>>)
      %dma_wait3A_196 = arith.constant 0 : i32
      %dma_wait3A_197 = tpu.memref_slice %arg4[%dma_wait3A_196] : memref<4194304xi32, #tpu.memory_space<hbm>> -> memref<4194304xi32, #tpu.memory_space<hbm>>
      tpu.wait_indirect_dma semaphore(%arg11 : memref<!tpu.dma_semaphore, #tpu.memory_space<semaphore_mem>>) src(%dma_wait3A_197 : memref<4194304xi32, #tpu.memory_space<hbm>>) dst(%arg9 : memref<16384xi32, #tpu.memory_space<vmem>>)
      %scan3A_198 = arith.constant 0 : i32
      %scan3A_199 = arith.constant 0 : i32
      %scan3A_200 = arith.constant 1024 : i32
      %scan3A_201 = arith.addi %scan3A_199, %scan3A_200 : i32
      %scan3A_202 = arith.constant 1 : i32
      %scan3A_203 = scf.for %scan3A_292 = %scan3A_199 to %scan3A_201 step %scan3A_202 iter_args(%scan3A_293 = %scan3A_198) -> (i32)  : i32 {
        %mul3A_294 = arith.constant 16 : i32
        %mul3A_295 = arith.muli %scan3A_292, %mul3A_294 : i32
        %get3A = arith.index_cast %mul3A_295 : i32 to index
        %get3A_296 = tpu.vector_load %arg7[%get3A] {strides = array<i32>} : memref<16384xi32, #tpu.memory_space<vmem>>, vector<16xi32>,
        %get3A_297 = arith.index_cast %mul3A_295 : i32 to index
        %get3A_298 = tpu.vector_load %arg8[%get3A_297] {strides = array<i32>} : memref<16384xi32, #tpu.memory_space<vmem>>, vector<16xi32>,
        %get3A_299 = arith.index_cast %mul3A_295 : i32 to index
        %get3A_300 = tpu.vector_load %arg9[%get3A_299] {strides = array<i32>} : memref<16384xi32, #tpu.memory_space<vmem>>, vector<16xi32>,
        %lt3A_301 = arith.cmpi slt, %get3A_300, %get3A_298 : vector<16xi32>
        %swap3A = arith.index_cast %scan3A_293 : i32 to index
        %swap3A_302 = tpu.vector_load %arg5[%swap3A] masked %lt3A_301 {strides = array<i32>} : memref<16384xi32, #tpu.memory_space<vmem>>, vector<16xi32>, vector<16xi1>
        tpu.vector_store %arg5[%swap3A], %get3A_296 masked %lt3A_301 {strides = array<i32>} : memref<16384xi32, #tpu.memory_space<vmem>>, vector<16xi32>, vector<16xi1>
        %swap3A_303 = arith.index_cast %scan3A_293 : i32 to index
        %swap3A_304 = tpu.vector_load %arg6[%swap3A_303] masked %lt3A_301 {strides = array<i32>} : memref<16384xi32, #tpu.memory_space<vmem>>, vector<16xi32>, vector<16xi1>
        tpu.vector_store %arg6[%swap3A_303], %get3A_298 masked %lt3A_301 {strides = array<i32>} : memref<16384xi32, #tpu.memory_space<vmem>>, vector<16xi32>, vector<16xi1>
        %convert_element_type3A_305 = arith.extui %lt3A_301 : vector<16xi1> to vector<16xi32>
        %reduce_sum3A = arith.constant true
        %reduce_sum3A_306 = vector.broadcast %reduce_sum3A : i1 to vector<16xi1>
        %reduce_sum3A_307 = tpu.scan <sum>, %convert_element_type3A_305 masked %reduce_sum3A_306 : vector<16xi32>, vector<16xi1> -> vector<16xi32>
        %reduce_sum3A_308 = vector.extract %reduce_sum3A_307[15] : i32 from vector<16xi32>
        %add3A_309 = arith.addi %scan3A_293, %reduce_sum3A_308 : i32
        scf.yield %add3A_309 : i32
      }
      %scan3A_204 = arith.constant 1024 : i32
      %add3A_205 = arith.constant 15 : i32
      %add3A_206 = arith.addi %scan3A_203, %add3A_205 : i32
      %jit3A_207 = arith.constant 16 : i32
      %div3A_208 = arith.divsi %add3A_206, %jit3A_207 : i32
      %sign3A_209 = arith.constant 0 : i32
      %sign3A_210 = arith.cmpi sgt, %add3A_206, %sign3A_209 : i32
      %sign3A_211 = arith.extui %sign3A_210 : i1 to i32
      %sign3A_212 = arith.constant 0 : i32
      %sign3A_213 = arith.cmpi slt, %add3A_206, %sign3A_212 : i32
      %sign3A_214 = arith.extui %sign3A_213 : i1 to i32
      %sign3A_215 = arith.subi %sign3A_211, %sign3A_214 : i32
      %sign3A_216 = arith.constant 0 : i32
      %sign3A_217 = arith.cmpi sgt, %jit3A_207, %sign3A_216 : i32
      %sign3A_218 = arith.extui %sign3A_217 : i1 to i32
      %sign3A_219 = arith.constant 0 : i32
      %sign3A_220 = arith.cmpi slt, %jit3A_207, %sign3A_219 : i32
      %sign3A_221 = arith.extui %sign3A_220 : i1 to i32
      %sign3A_222 = arith.subi %sign3A_218, %sign3A_221 : i32
      %ne3A_223 = arith.cmpi ne, %sign3A_215, %sign3A_222 : i32
      %rem3A_224 = arith.remsi %add3A_206, %jit3A_207 : i32
      %ne3A_225 = arith.constant 0 : i32
      %ne3A_226 = arith.cmpi ne, %rem3A_224, %ne3A_225 : i32
      %and3A_227 = arith.andi %ne3A_223, %ne3A_226 : i1
      %sub3A_228 = arith.constant 1 : i32
      %sub3A_229 = arith.subi %div3A_208, %sub3A_228 : i32
      %select_n3A_230 = arith.select %and3A_227, %sub3A_229, %div3A_208 : i32
      %while3A_231 = arith.constant 0 : i32
      %while3A_232 = arith.subi %select_n3A_230, %while3A_231 : i32
      %while3A_233 = arith.addi %while3A_231, %while3A_232 : i32
      %while3A_234 = arith.constant 1 : i32
      %while3A_235 = arith.divsi %while3A_232, %while3A_234 : i32
      %while3A_236 = arith.muli %while3A_235, %while3A_234 : i32
      %while3A_237 = arith.addi %while3A_231, %while3A_236 : i32
      %while3A_238 = arith.constant 1 : i32
      scf.for %while3A_292 = %while3A_231 to %while3A_237 step %while3A_238  : i32 {
        %mul3A_293 = arith.constant 16 : i32
        %mul3A_294 = arith.muli %while3A_292, %mul3A_293 : i32
        %get3A = arith.index_cast %mul3A_294 : i32 to index
        %get3A_295 = tpu.vector_load %arg5[%get3A] {strides = array<i32>} : memref<16384xi32, #tpu.memory_space<vmem>>, vector<16xi32>,
        %get3A_296 = arith.index_cast %mul3A_294 : i32 to index
        %get3A_297 = tpu.vector_load %arg6[%get3A_296] {strides = array<i32>} : memref<16384xi32, #tpu.memory_space<vmem>>, vector<16xi32>,
        %iota3A = tpu.iota {dimensions = array<i32: 0>} : vector<16xi32>
        %add3A_298 = vector.broadcast %mul3A_294 : i32 to vector<16xi32>
        %add3A_299 = arith.addi %add3A_298, %iota3A : vector<16xi32>
        %lt3A_300 = vector.broadcast %scan3A_203 : i32 to vector<16xi32>
        %lt3A_301 = arith.cmpi slt, %add3A_299, %lt3A_300 : vector<16xi32>
        %iota3A_302 = tpu.iota {dimensions = array<i32: 0>} : vector<16xi32>
        %eq3A_303 = arith.constant 0 : i32
        %eq3A_304 = vector.broadcast %eq3A_303 : i32 to vector<16xi32>
        %eq3A_305 = arith.cmpi eq, %iota3A_302, %eq3A_304 : vector<16xi32>
        %jit3A_306 = arith.constant 0 : i32
        %broadcast_in_dim3A = vector.broadcast %jit3A_306 : i32 to vector<16xi32>
        %select_n3A_307 = arith.select %eq3A_305, %get3A_295, %broadcast_in_dim3A : vector<16xi1>, vector<16xi32>
        %reduce_sum3A = arith.constant true
        %reduce_sum3A_308 = vector.broadcast %reduce_sum3A : i1 to vector<16xi1>
        %reduce_sum3A_309 = tpu.scan <sum>, %select_n3A_307 masked %reduce_sum3A_308 : vector<16xi32>, vector<16xi1> -> vector<16xi32>
        %reduce_sum3A_310 = vector.extract %reduce_sum3A_309[15] : i32 from vector<16xi32>
        %iota3A_311 = tpu.iota {dimensions = array<i32: 0>} : vector<16xi32>
        %eq3A_312 = arith.constant 0 : i32
        %eq3A_313 = vector.broadcast %eq3A_312 : i32 to vector<16xi32>
        %eq3A_314 = arith.cmpi eq, %iota3A_311, %eq3A_313 : vector<16xi32>
        %jit3A_315 = arith.constant 0 : i32
        %broadcast_in_dim3A_316 = vector.broadcast %jit3A_315 : i32 to vector<16xi32>
        %select_n3A_317 = arith.select %eq3A_314, %get3A_297, %broadcast_in_dim3A_316 : vector<16xi1>, vector<16xi32>
        %reduce_sum3A_318 = arith.constant true
        %reduce_sum3A_319 = vector.broadcast %reduce_sum3A_318 : i1 to vector<16xi1>
        %reduce_sum3A_320 = tpu.scan <sum>, %select_n3A_317 masked %reduce_sum3A_319 : vector<16xi32>, vector<16xi1> -> vector<16xi32>
        %reduce_sum3A_321 = vector.extract %reduce_sum3A_320[15] : i32 from vector<16xi32>
        %broadcast_in_dim3A_322 = vector.broadcast %reduce_sum3A_321 : i32 to vector<16xi32>
        %select_n3A_323 = arith.select %lt3A_301, %get3A_297, %broadcast_in_dim3A_322 : vector<16xi1>, vector<16xi32>
        %swap3A = arith.constant 0 : index
        %swap3A_324 = tpu.vector_load %arg10[%swap3A] {strides = array<i32>} : memref<16xi32, #tpu.memory_space<vmem>>, vector<16xi32>,
        tpu.vector_store %arg10[%swap3A], %select_n3A_323 {strides = array<i32>} : memref<16xi32, #tpu.memory_space<vmem>>, vector<16xi32>,
        %broadcast_in_dim3A_325 = vector.broadcast %reduce_sum3A_310 : i32 to vector<16xi32>
        %select_n3A_326 = arith.select %lt3A_301, %get3A_295, %broadcast_in_dim3A_325 : vector<16xi1>, vector<16xi32>
        %dma_start3A_327 = arith.constant 0 : i32
        %dma_start3A_328 = tpu.memref_slice %arg4[%dma_start3A_327] : memref<4194304xi32, #tpu.memory_space<hbm>> -> memref<4194304xi32, #tpu.memory_space<hbm>>
        tpu.enqueue_indirect_dma source(%arg10 : memref<16xi32, #tpu.memory_space<vmem>>) target(%dma_start3A_328 : memref<4194304xi32, #tpu.memory_space<hbm>>) offsets(%select_n3A_326 : vector<16xi32>) semaphore(%arg11 : memref<!tpu.dma_semaphore, #tpu.memory_space<semaphore_mem>>)
        %dma_wait3A_329 = arith.constant 0 : i32
        %dma_wait3A_330 = tpu.memref_slice %arg4[%dma_wait3A_329] : memref<4194304xi32, #tpu.memory_space<hbm>> -> memref<4194304xi32, #tpu.memory_space<hbm>>
        tpu.wait_indirect_dma semaphore(%arg11 : memref<!tpu.dma_semaphore, #tpu.memory_space<semaphore_mem>>) src(%arg10 : memref<16xi32, #tpu.memory_space<vmem>>) dst(%dma_wait3A_330 : memref<4194304xi32, #tpu.memory_space<hbm>>)
      }
      %while3A_239 = arith.constant 1 : i32
      scf.for %while3A_292 = %while3A_237 to %while3A_233 step %while3A_239  : i32 {
        %mul3A_293 = arith.constant 16 : i32
        %mul3A_294 = arith.muli %while3A_292, %mul3A_293 : i32
        %get3A = arith.index_cast %mul3A_294 : i32 to index
        %get3A_295 = tpu.vector_load %arg5[%get3A] {strides = array<i32>} : memref<16384xi32, #tpu.memory_space<vmem>>, vector<16xi32>,
        %get3A_296 = arith.index_cast %mul3A_294 : i32 to index
        %get3A_297 = tpu.vector_load %arg6[%get3A_296] {strides = array<i32>} : memref<16384xi32, #tpu.memory_space<vmem>>, vector<16xi32>,
        %iota3A = tpu.iota {dimensions = array<i32: 0>} : vector<16xi32>
        %add3A_298 = vector.broadcast %mul3A_294 : i32 to vector<16xi32>
        %add3A_299 = arith.addi %add3A_298, %iota3A : vector<16xi32>
        %lt3A_300 = vector.broadcast %scan3A_203 : i32 to vector<16xi32>
        %lt3A_301 = arith.cmpi slt, %add3A_299, %lt3A_300 : vector<16xi32>
        %iota3A_302 = tpu.iota {dimensions = array<i32: 0>} : vector<16xi32>
        %eq3A_303 = arith.constant 0 : i32
        %eq3A_304 = vector.broadcast %eq3A_303 : i32 to vector<16xi32>
        %eq3A_305 = arith.cmpi eq, %iota3A_302, %eq3A_304 : vector<16xi32>
        %jit3A_306 = arith.constant 0 : i32
        %broadcast_in_dim3A = vector.broadcast %jit3A_306 : i32 to vector<16xi32>
        %select_n3A_307 = arith.select %eq3A_305, %get3A_295, %broadcast_in_dim3A : vector<16xi1>, vector<16xi32>
        %reduce_sum3A = arith.constant true
        %reduce_sum3A_308 = vector.broadcast %reduce_sum3A : i1 to vector<16xi1>
        %reduce_sum3A_309 = tpu.scan <sum>, %select_n3A_307 masked %reduce_sum3A_308 : vector<16xi32>, vector<16xi1> -> vector<16xi32>
        %reduce_sum3A_310 = vector.extract %reduce_sum3A_309[15] : i32 from vector<16xi32>
        %iota3A_311 = tpu.iota {dimensions = array<i32: 0>} : vector<16xi32>
        %eq3A_312 = arith.constant 0 : i32
        %eq3A_313 = vector.broadcast %eq3A_312 : i32 to vector<16xi32>
        %eq3A_314 = arith.cmpi eq, %iota3A_311, %eq3A_313 : vector<16xi32>
        %jit3A_315 = arith.constant 0 : i32
        %broadcast_in_dim3A_316 = vector.broadcast %jit3A_315 : i32 to vector<16xi32>
        %select_n3A_317 = arith.select %eq3A_314, %get3A_297, %broadcast_in_dim3A_316 : vector<16xi1>, vector<16xi32>
        %reduce_sum3A_318 = arith.constant true
        %reduce_sum3A_319 = vector.broadcast %reduce_sum3A_318 : i1 to vector<16xi1>
        %reduce_sum3A_320 = tpu.scan <sum>, %select_n3A_317 masked %reduce_sum3A_319 : vector<16xi32>, vector<16xi1> -> vector<16xi32>
        %reduce_sum3A_321 = vector.extract %reduce_sum3A_320[15] : i32 from vector<16xi32>
        %broadcast_in_dim3A_322 = vector.broadcast %reduce_sum3A_321 : i32 to vector<16xi32>
        %select_n3A_323 = arith.select %lt3A_301, %get3A_297, %broadcast_in_dim3A_322 : vector<16xi1>, vector<16xi32>
        %swap3A = arith.constant 0 : index
        %swap3A_324 = tpu.vector_load %arg10[%swap3A] {strides = array<i32>} : memref<16xi32, #tpu.memory_space<vmem>>, vector<16xi32>,
        tpu.vector_store %arg10[%swap3A], %select_n3A_323 {strides = array<i32>} : memref<16xi32, #tpu.memory_space<vmem>>, vector<16xi32>,
        %broadcast_in_dim3A_325 = vector.broadcast %reduce_sum3A_310 : i32 to vector<16xi32>
        %select_n3A_326 = arith.select %lt3A_301, %get3A_295, %broadcast_in_dim3A_325 : vector<16xi1>, vector<16xi32>
        %dma_start3A_327 = arith.constant 0 : i32
        %dma_start3A_328 = tpu.memref_slice %arg4[%dma_start3A_327] : memref<4194304xi32, #tpu.memory_space<hbm>> -> memref<4194304xi32, #tpu.memory_space<hbm>>
        tpu.enqueue_indirect_dma source(%arg10 : memref<16xi32, #tpu.memory_space<vmem>>) target(%dma_start3A_328 : memref<4194304xi32, #tpu.memory_space<hbm>>) offsets(%select_n3A_326 : vector<16xi32>) semaphore(%arg11 : memref<!tpu.dma_semaphore, #tpu.memory_space<semaphore_mem>>)
        %dma_wait3A_329 = arith.constant 0 : i32
        %dma_wait3A_330 = tpu.memref_slice %arg4[%dma_wait3A_329] : memref<4194304xi32, #tpu.memory_space<hbm>> -> memref<4194304xi32, #tpu.memory_space<hbm>>
        tpu.wait_indirect_dma semaphore(%arg11 : memref<!tpu.dma_semaphore, #tpu.memory_space<semaphore_mem>>) src(%arg10 : memref<16xi32, #tpu.memory_space<vmem>>) dst(%dma_wait3A_330 : memref<4194304xi32, #tpu.memory_space<hbm>>)
      }
      %barrier3A_240 = arith.constant 0 : index
      tpu.barrier barrier_id(%barrier3A_240)
      %dma_start3A_241 = arith.constant 0 : i32
      %dma_start3A_242 = tpu.memref_slice %arg4[%dma_start3A_241] : memref<4194304xi32, #tpu.memory_space<hbm>> -> memref<4194304xi32, #tpu.memory_space<hbm>>
      tpu.enqueue_indirect_dma source(%dma_start3A_242 : memref<4194304xi32, #tpu.memory_space<hbm>>) target(%arg9 : memref<16384xi32, #tpu.memory_space<vmem>>) offsets(%arg7 : memref<16384xi32, #tpu.memory_space<vmem>>) semaphore(%arg11 : memref<!tpu.dma_semaphore, #tpu.memory_space<semaphore_mem>>)
      %dma_wait3A_243 = arith.constant 0 : i32
      %dma_wait3A_244 = tpu.memref_slice %arg4[%dma_wait3A_243] : memref<4194304xi32, #tpu.memory_space<hbm>> -> memref<4194304xi32, #tpu.memory_space<hbm>>
      tpu.wait_indirect_dma semaphore(%arg11 : memref<!tpu.dma_semaphore, #tpu.memory_space<semaphore_mem>>) src(%dma_wait3A_244 : memref<4194304xi32, #tpu.memory_space<hbm>>) dst(%arg9 : memref<16384xi32, #tpu.memory_space<vmem>>)
      %scan3A_245 = arith.constant 0 : i32
      %scan3A_246 = arith.constant 0 : i32
      %scan3A_247 = arith.constant 1024 : i32
      %scan3A_248 = arith.addi %scan3A_246, %scan3A_247 : i32
      %scan3A_249 = arith.constant 1 : i32
      %scan3A_250 = scf.for %scan3A_292 = %scan3A_246 to %scan3A_248 step %scan3A_249 iter_args(%scan3A_293 = %scan3A_245) -> (i32)  : i32 {
        %mul3A_294 = arith.constant 16 : i32
        %mul3A_295 = arith.muli %scan3A_292, %mul3A_294 : i32
        %get3A = arith.index_cast %mul3A_295 : i32 to index
        %get3A_296 = tpu.vector_load %arg7[%get3A] {strides = array<i32>} : memref<16384xi32, #tpu.memory_space<vmem>>, vector<16xi32>,
        %get3A_297 = arith.index_cast %mul3A_295 : i32 to index
        %get3A_298 = tpu.vector_load %arg8[%get3A_297] {strides = array<i32>} : memref<16384xi32, #tpu.memory_space<vmem>>, vector<16xi32>,
        %get3A_299 = arith.index_cast %mul3A_295 : i32 to index
        %get3A_300 = tpu.vector_load %arg9[%get3A_299] {strides = array<i32>} : memref<16384xi32, #tpu.memory_space<vmem>>, vector<16xi32>,
        %lt3A_301 = arith.cmpi slt, %get3A_300, %get3A_298 : vector<16xi32>
        %swap3A = arith.index_cast %scan3A_293 : i32 to index
        %swap3A_302 = tpu.vector_load %arg5[%swap3A] masked %lt3A_301 {strides = array<i32>} : memref<16384xi32, #tpu.memory_space<vmem>>, vector<16xi32>, vector<16xi1>
        tpu.vector_store %arg5[%swap3A], %get3A_296 masked %lt3A_301 {strides = array<i32>} : memref<16384xi32, #tpu.memory_space<vmem>>, vector<16xi32>, vector<16xi1>
        %swap3A_303 = arith.index_cast %scan3A_293 : i32 to index
        %swap3A_304 = tpu.vector_load %arg6[%swap3A_303] masked %lt3A_301 {strides = array<i32>} : memref<16384xi32, #tpu.memory_space<vmem>>, vector<16xi32>, vector<16xi1>
        tpu.vector_store %arg6[%swap3A_303], %get3A_298 masked %lt3A_301 {strides = array<i32>} : memref<16384xi32, #tpu.memory_space<vmem>>, vector<16xi32>, vector<16xi1>
        %convert_element_type3A_305 = arith.extui %lt3A_301 : vector<16xi1> to vector<16xi32>
        %reduce_sum3A = arith.constant true
        %reduce_sum3A_306 = vector.broadcast %reduce_sum3A : i1 to vector<16xi1>
        %reduce_sum3A_307 = tpu.scan <sum>, %convert_element_type3A_305 masked %reduce_sum3A_306 : vector<16xi32>, vector<16xi1> -> vector<16xi32>
        %reduce_sum3A_308 = vector.extract %reduce_sum3A_307[15] : i32 from vector<16xi32>
        %add3A_309 = arith.addi %scan3A_293, %reduce_sum3A_308 : i32
        scf.yield %add3A_309 : i32
      }
      %scan3A_251 = arith.constant 1024 : i32
      %add3A_252 = arith.constant 15 : i32
      %add3A_253 = arith.addi %scan3A_250, %add3A_252 : i32
      %jit3A_254 = arith.constant 16 : i32
      %div3A_255 = arith.divsi %add3A_253, %jit3A_254 : i32
      %sign3A_256 = arith.constant 0 : i32
      %sign3A_257 = arith.cmpi sgt, %add3A_253, %sign3A_256 : i32
      %sign3A_258 = arith.extui %sign3A_257 : i1 to i32
      %sign3A_259 = arith.constant 0 : i32
      %sign3A_260 = arith.cmpi slt, %add3A_253, %sign3A_259 : i32
      %sign3A_261 = arith.extui %sign3A_260 : i1 to i32
      %sign3A_262 = arith.subi %sign3A_258, %sign3A_261 : i32
      %sign3A_263 = arith.constant 0 : i32
      %sign3A_264 = arith.cmpi sgt, %jit3A_254, %sign3A_263 : i32
      %sign3A_265 = arith.extui %sign3A_264 : i1 to i32
      %sign3A_266 = arith.constant 0 : i32
      %sign3A_267 = arith.cmpi slt, %jit3A_254, %sign3A_266 : i32
      %sign3A_268 = arith.extui %sign3A_267 : i1 to i32
      %sign3A_269 = arith.subi %sign3A_265, %sign3A_268 : i32
      %ne3A_270 = arith.cmpi ne, %sign3A_262, %sign3A_269 : i32
      %rem3A_271 = arith.remsi %add3A_253, %jit3A_254 : i32
      %ne3A_272 = arith.constant 0 : i32
      %ne3A_273 = arith.cmpi ne, %rem3A_271, %ne3A_272 : i32
      %and3A_274 = arith.andi %ne3A_270, %ne3A_273 : i1
      %sub3A_275 = arith.constant 1 : i32
      %sub3A_276 = arith.subi %div3A_255, %sub3A_275 : i32
      %select_n3A_277 = arith.select %and3A_274, %sub3A_276, %div3A_255 : i32
      %while3A_278 = arith.constant 0 : i32
      %while3A_279 = arith.subi %select_n3A_277, %while3A_278 : i32
      %while3A_280 = arith.addi %while3A_278, %while3A_279 : i32
      %while3A_281 = arith.constant 1 : i32
      %while3A_282 = arith.divsi %while3A_279, %while3A_281 : i32
      %while3A_283 = arith.muli %while3A_282, %while3A_281 : i32
      %while3A_284 = arith.addi %while3A_278, %while3A_283 : i32
      %while3A_285 = arith.constant 1 : i32
      scf.for %while3A_292 = %while3A_278 to %while3A_284 step %while3A_285  : i32 {
        %mul3A_293 = arith.constant 16 : i32
        %mul3A_294 = arith.muli %while3A_292, %mul3A_293 : i32
        %get3A = arith.index_cast %mul3A_294 : i32 to index
        %get3A_295 = tpu.vector_load %arg5[%get3A] {strides = array<i32>} : memref<16384xi32, #tpu.memory_space<vmem>>, vector<16xi32>,
        %get3A_296 = arith.index_cast %mul3A_294 : i32 to index
        %get3A_297 = tpu.vector_load %arg6[%get3A_296] {strides = array<i32>} : memref<16384xi32, #tpu.memory_space<vmem>>, vector<16xi32>,
        %iota3A = tpu.iota {dimensions = array<i32: 0>} : vector<16xi32>
        %add3A_298 = vector.broadcast %mul3A_294 : i32 to vector<16xi32>
        %add3A_299 = arith.addi %add3A_298, %iota3A : vector<16xi32>
        %lt3A_300 = vector.broadcast %scan3A_250 : i32 to vector<16xi32>
        %lt3A_301 = arith.cmpi slt, %add3A_299, %lt3A_300 : vector<16xi32>
        %iota3A_302 = tpu.iota {dimensions = array<i32: 0>} : vector<16xi32>
        %eq3A_303 = arith.constant 0 : i32
        %eq3A_304 = vector.broadcast %eq3A_303 : i32 to vector<16xi32>
        %eq3A_305 = arith.cmpi eq, %iota3A_302, %eq3A_304 : vector<16xi32>
        %jit3A_306 = arith.constant 0 : i32
        %broadcast_in_dim3A = vector.broadcast %jit3A_306 : i32 to vector<16xi32>
        %select_n3A_307 = arith.select %eq3A_305, %get3A_295, %broadcast_in_dim3A : vector<16xi1>, vector<16xi32>
        %reduce_sum3A = arith.constant true
        %reduce_sum3A_308 = vector.broadcast %reduce_sum3A : i1 to vector<16xi1>
        %reduce_sum3A_309 = tpu.scan <sum>, %select_n3A_307 masked %reduce_sum3A_308 : vector<16xi32>, vector<16xi1> -> vector<16xi32>
        %reduce_sum3A_310 = vector.extract %reduce_sum3A_309[15] : i32 from vector<16xi32>
        %iota3A_311 = tpu.iota {dimensions = array<i32: 0>} : vector<16xi32>
        %eq3A_312 = arith.constant 0 : i32
        %eq3A_313 = vector.broadcast %eq3A_312 : i32 to vector<16xi32>
        %eq3A_314 = arith.cmpi eq, %iota3A_311, %eq3A_313 : vector<16xi32>
        %jit3A_315 = arith.constant 0 : i32
        %broadcast_in_dim3A_316 = vector.broadcast %jit3A_315 : i32 to vector<16xi32>
        %select_n3A_317 = arith.select %eq3A_314, %get3A_297, %broadcast_in_dim3A_316 : vector<16xi1>, vector<16xi32>
        %reduce_sum3A_318 = arith.constant true
        %reduce_sum3A_319 = vector.broadcast %reduce_sum3A_318 : i1 to vector<16xi1>
        %reduce_sum3A_320 = tpu.scan <sum>, %select_n3A_317 masked %reduce_sum3A_319 : vector<16xi32>, vector<16xi1> -> vector<16xi32>
        %reduce_sum3A_321 = vector.extract %reduce_sum3A_320[15] : i32 from vector<16xi32>
        %broadcast_in_dim3A_322 = vector.broadcast %reduce_sum3A_321 : i32 to vector<16xi32>
        %select_n3A_323 = arith.select %lt3A_301, %get3A_297, %broadcast_in_dim3A_322 : vector<16xi1>, vector<16xi32>
        %swap3A = arith.constant 0 : index
        %swap3A_324 = tpu.vector_load %arg10[%swap3A] {strides = array<i32>} : memref<16xi32, #tpu.memory_space<vmem>>, vector<16xi32>,
        tpu.vector_store %arg10[%swap3A], %select_n3A_323 {strides = array<i32>} : memref<16xi32, #tpu.memory_space<vmem>>, vector<16xi32>,
        %broadcast_in_dim3A_325 = vector.broadcast %reduce_sum3A_310 : i32 to vector<16xi32>
        %select_n3A_326 = arith.select %lt3A_301, %get3A_295, %broadcast_in_dim3A_325 : vector<16xi1>, vector<16xi32>
        %dma_start3A_327 = arith.constant 0 : i32
        %dma_start3A_328 = tpu.memref_slice %arg4[%dma_start3A_327] : memref<4194304xi32, #tpu.memory_space<hbm>> -> memref<4194304xi32, #tpu.memory_space<hbm>>
        tpu.enqueue_indirect_dma source(%arg10 : memref<16xi32, #tpu.memory_space<vmem>>) target(%dma_start3A_328 : memref<4194304xi32, #tpu.memory_space<hbm>>) offsets(%select_n3A_326 : vector<16xi32>) semaphore(%arg11 : memref<!tpu.dma_semaphore, #tpu.memory_space<semaphore_mem>>)
        %dma_wait3A_329 = arith.constant 0 : i32
        %dma_wait3A_330 = tpu.memref_slice %arg4[%dma_wait3A_329] : memref<4194304xi32, #tpu.memory_space<hbm>> -> memref<4194304xi32, #tpu.memory_space<hbm>>
        tpu.wait_indirect_dma semaphore(%arg11 : memref<!tpu.dma_semaphore, #tpu.memory_space<semaphore_mem>>) src(%arg10 : memref<16xi32, #tpu.memory_space<vmem>>) dst(%dma_wait3A_330 : memref<4194304xi32, #tpu.memory_space<hbm>>)
      }
      %while3A_286 = arith.constant 1 : i32
      scf.for %while3A_292 = %while3A_284 to %while3A_280 step %while3A_286  : i32 {
        %mul3A_293 = arith.constant 16 : i32
        %mul3A_294 = arith.muli %while3A_292, %mul3A_293 : i32
        %get3A = arith.index_cast %mul3A_294 : i32 to index
        %get3A_295 = tpu.vector_load %arg5[%get3A] {strides = array<i32>} : memref<16384xi32, #tpu.memory_space<vmem>>, vector<16xi32>,
        %get3A_296 = arith.index_cast %mul3A_294 : i32 to index
        %get3A_297 = tpu.vector_load %arg6[%get3A_296] {strides = array<i32>} : memref<16384xi32, #tpu.memory_space<vmem>>, vector<16xi32>,
        %iota3A = tpu.iota {dimensions = array<i32: 0>} : vector<16xi32>
        %add3A_298 = vector.broadcast %mul3A_294 : i32 to vector<16xi32>
        %add3A_299 = arith.addi %add3A_298, %iota3A : vector<16xi32>
        %lt3A_300 = vector.broadcast %scan3A_250 : i32 to vector<16xi32>
        %lt3A_301 = arith.cmpi slt, %add3A_299, %lt3A_300 : vector<16xi32>
        %iota3A_302 = tpu.iota {dimensions = array<i32: 0>} : vector<16xi32>
        %eq3A_303 = arith.constant 0 : i32
        %eq3A_304 = vector.broadcast %eq3A_303 : i32 to vector<16xi32>
        %eq3A_305 = arith.cmpi eq, %iota3A_302, %eq3A_304 : vector<16xi32>
        %jit3A_306 = arith.constant 0 : i32
        %broadcast_in_dim3A = vector.broadcast %jit3A_306 : i32 to vector<16xi32>
        %select_n3A_307 = arith.select %eq3A_305, %get3A_295, %broadcast_in_dim3A : vector<16xi1>, vector<16xi32>
        %reduce_sum3A = arith.constant true
        %reduce_sum3A_308 = vector.broadcast %reduce_sum3A : i1 to vector<16xi1>
        %reduce_sum3A_309 = tpu.scan <sum>, %select_n3A_307 masked %reduce_sum3A_308 : vector<16xi32>, vector<16xi1> -> vector<16xi32>
        %reduce_sum3A_310 = vector.extract %reduce_sum3A_309[15] : i32 from vector<16xi32>
        %iota3A_311 = tpu.iota {dimensions = array<i32: 0>} : vector<16xi32>
        %eq3A_312 = arith.constant 0 : i32
        %eq3A_313 = vector.broadcast %eq3A_312 : i32 to vector<16xi32>
        %eq3A_314 = arith.cmpi eq, %iota3A_311, %eq3A_313 : vector<16xi32>
        %jit3A_315 = arith.constant 0 : i32
        %broadcast_in_dim3A_316 = vector.broadcast %jit3A_315 : i32 to vector<16xi32>
        %select_n3A_317 = arith.select %eq3A_314, %get3A_297, %broadcast_in_dim3A_316 : vector<16xi1>, vector<16xi32>
        %reduce_sum3A_318 = arith.constant true
        %reduce_sum3A_319 = vector.broadcast %reduce_sum3A_318 : i1 to vector<16xi1>
        %reduce_sum3A_320 = tpu.scan <sum>, %select_n3A_317 masked %reduce_sum3A_319 : vector<16xi32>, vector<16xi1> -> vector<16xi32>
        %reduce_sum3A_321 = vector.extract %reduce_sum3A_320[15] : i32 from vector<16xi32>
        %broadcast_in_dim3A_322 = vector.broadcast %reduce_sum3A_321 : i32 to vector<16xi32>
        %select_n3A_323 = arith.select %lt3A_301, %get3A_297, %broadcast_in_dim3A_322 : vector<16xi1>, vector<16xi32>
        %swap3A = arith.constant 0 : index
        %swap3A_324 = tpu.vector_load %arg10[%swap3A] {strides = array<i32>} : memref<16xi32, #tpu.memory_space<vmem>>, vector<16xi32>,
        tpu.vector_store %arg10[%swap3A], %select_n3A_323 {strides = array<i32>} : memref<16xi32, #tpu.memory_space<vmem>>, vector<16xi32>,
        %broadcast_in_dim3A_325 = vector.broadcast %reduce_sum3A_310 : i32 to vector<16xi32>
        %select_n3A_326 = arith.select %lt3A_301, %get3A_295, %broadcast_in_dim3A_325 : vector<16xi1>, vector<16xi32>
        %dma_start3A_327 = arith.constant 0 : i32
        %dma_start3A_328 = tpu.memref_slice %arg4[%dma_start3A_327] : memref<4194304xi32, #tpu.memory_space<hbm>> -> memref<4194304xi32, #tpu.memory_space<hbm>>
        tpu.enqueue_indirect_dma source(%arg10 : memref<16xi32, #tpu.memory_space<vmem>>) target(%dma_start3A_328 : memref<4194304xi32, #tpu.memory_space<hbm>>) offsets(%select_n3A_326 : vector<16xi32>) semaphore(%arg11 : memref<!tpu.dma_semaphore, #tpu.memory_space<semaphore_mem>>)
        %dma_wait3A_329 = arith.constant 0 : i32
        %dma_wait3A_330 = tpu.memref_slice %arg4[%dma_wait3A_329] : memref<4194304xi32, #tpu.memory_space<hbm>> -> memref<4194304xi32, #tpu.memory_space<hbm>>
        tpu.wait_indirect_dma semaphore(%arg11 : memref<!tpu.dma_semaphore, #tpu.memory_space<semaphore_mem>>) src(%arg10 : memref<16xi32, #tpu.memory_space<vmem>>) dst(%dma_wait3A_330 : memref<4194304xi32, #tpu.memory_space<hbm>>)
      }
      %barrier3A_287 = arith.constant 0 : index
      tpu.barrier barrier_id(%barrier3A_287)
      %dma_start3A_288 = arith.constant 0 : i32
      %dma_start3A_289 = tpu.memref_slice %arg4[%dma_start3A_288] : memref<4194304xi32, #tpu.memory_space<hbm>> -> memref<4194304xi32, #tpu.memory_space<hbm>>
      tpu.enqueue_indirect_dma source(%dma_start3A_289 : memref<4194304xi32, #tpu.memory_space<hbm>>) target(%arg9 : memref<16384xi32, #tpu.memory_space<vmem>>) offsets(%arg7 : memref<16384xi32, #tpu.memory_space<vmem>>) semaphore(%arg11 : memref<!tpu.dma_semaphore, #tpu.memory_space<semaphore_mem>>)
      %dma_wait3A_290 = arith.constant 0 : i32
      %dma_wait3A_291 = tpu.memref_slice %arg4[%dma_wait3A_290] : memref<4194304xi32, #tpu.memory_space<hbm>> -> memref<4194304xi32, #tpu.memory_space<hbm>>
      tpu.wait_indirect_dma semaphore(%arg11 : memref<!tpu.dma_semaphore, #tpu.memory_space<semaphore_mem>>) src(%dma_wait3A_291 : memref<4194304xi32, #tpu.memory_space<hbm>>) dst(%arg9 : memref<16384xi32, #tpu.memory_space<vmem>>)
      "tpu.region"() ({
        %run_scoped3A_292 = tpu.sem_alloc : memref<!tpu.dma_semaphore, #tpu.memory_space<semaphore_mem>>
        %dma_start3A_293 = tpu.memref_slice %arg3[%mul3A_2] : memref<262144xi32, #tpu.memory_space<hbm>> -> memref<16384xi32, #tpu.memory_space<hbm>>
        %dma_start3A_294 = tpu.memref_slice %arg3[%mul3A_2] : memref<262144xi32, #tpu.memory_space<hbm>> -> memref<16384xi32, #tpu.memory_space<hbm>>
        tpu.enqueue_dma source(%arg9 : memref<16384xi32, #tpu.memory_space<vmem>>) target(%dma_start3A_294 : memref<16384xi32, #tpu.memory_space<hbm>>) target_semaphore(%run_scoped3A_292 : memref<!tpu.dma_semaphore, #tpu.memory_space<semaphore_mem>>)
        %dma_wait3A_295 = tpu.memref_slice %arg3[%mul3A_2] : memref<262144xi32, #tpu.memory_space<hbm>> -> memref<16384xi32, #tpu.memory_space<hbm>>
        %dma_wait3A_296 = tpu.memref_slice %arg3[%mul3A_2] : memref<262144xi32, #tpu.memory_space<hbm>> -> memref<16384xi32, #tpu.memory_space<hbm>>
        tpu.wait_dma2 semaphore(%run_scoped3A_292 : memref<!tpu.dma_semaphore, #tpu.memory_space<semaphore_mem>>) src(%arg9 : memref<16384xi32, #tpu.memory_space<vmem>>) dst(%dma_wait3A_296 : memref<16384xi32, #tpu.memory_space<hbm>>)
        tpu.yield
      }) : () -> ()
    } else {
    }
    return
  }
}

module attributes {stable_mosaic.version = 14 : i64} {
  func.func @_mlp_body(%arg0: i32, %arg1: memref<4x2048xf32, #tpu.memory_space<vmem>>, %arg2: memref<1x2048xf32, #tpu.memory_space<vmem>>, %arg3: memref<8x2048xf32, #tpu.memory_space<vmem>>, %arg4: memref<32x10xf32, #tpu.memory_space<vmem>>, %arg5: memref<32x1xf32, #tpu.memory_space<vmem>>, %arg6: memref<1x32xf32, #tpu.memory_space<vmem>>, %arg7: memref<1x1xf32, #tpu.memory_space<vmem>>, %arg8: memref<4x2048xf32, #tpu.memory_space<vmem>>) attributes {dimension_semantics = [#tpu.dimension_semantics<arbitrary>], iteration_bounds = array<i64: 64>, scalar_prefetch = 0 : i64, scratch_operands = 0 : i64, tpu.core_type = #tpu.core_type<tc>, window_params = [{transform_indices = @transform_0, window_bounds = array<i64: 4, 2048>}, {transform_indices = @transform_1, window_bounds = array<i64: 1, 2048>}, {transform_indices = @transform_2, window_bounds = array<i64: 8, 2048>}, {pipeline_mode = #tpu.pipeline_mode<synchronous>, transform_indices = @transform_3, window_bounds = array<i64: 32, 10>}, {pipeline_mode = #tpu.pipeline_mode<synchronous>, transform_indices = @transform_4, window_bounds = array<i64: 32, 1>}, {pipeline_mode = #tpu.pipeline_mode<synchronous>, transform_indices = @transform_5, window_bounds = array<i64: 1, 32>}, {pipeline_mode = #tpu.pipeline_mode<synchronous>, transform_indices = @transform_6, window_bounds = array<i64: 1, 1>}, {transform_indices = @transform_7, window_bounds = array<i64: 4, 2048>}]} {
    %get3A = arith.constant 0 : index
    %get3A_0 = arith.constant 0 : index
    %get3A_1 = vector.load %arg2[%get3A, %get3A_0] : memref<1x2048xf32, #tpu.memory_space<vmem>>, vector<1x2048xf32>
    %get3A_2 = arith.constant 0 : index
    %get3A_3 = arith.constant 0 : index
    %get3A_4 = vector.load %arg3[%get3A_2, %get3A_3] : memref<8x2048xf32, #tpu.memory_space<vmem>>, vector<8x2048xf32>
    %get3A_5 = arith.constant 0 : index
    %get3A_6 = arith.constant 0 : index
    %get3A_7 = vector.load %arg1[%get3A_5, %get3A_6] : memref<4x2048xf32, #tpu.memory_space<vmem>>, vector<1x2048xf32>
    %add3A = arith.constant 9.99999971E-10 : f32
    %add3A_8 = vector.broadcast %add3A : f32 to vector<1x2048xf32>
    %add3A_9 = arith.addf %get3A_7, %add3A_8 : vector<1x2048xf32>
    %sqrt3A = math.sqrt %add3A_9 : vector<1x2048xf32>
    %sub3A = arith.subf %sqrt3A, %get3A_1 : vector<1x2048xf32>
    %add3A_10 = arith.constant 9.99999971E-10 : f32
    %add3A_11 = vector.broadcast %add3A_10 : f32 to vector<1x2048xf32>
    %add3A_12 = arith.addf %get3A_1, %add3A_11 : vector<1x2048xf32>
    %div3A = arith.divf %sub3A, %add3A_12 : vector<1x2048xf32>
    %concatenate3A = tpu.concatenate %get3A_7, %div3A, %get3A_4 in 0 : vector<1x2048xf32>, vector<1x2048xf32>, vector<8x2048xf32> -> vector<10x2048xf32>
    %get3A_13 = arith.constant 0 : index
    %get3A_14 = arith.constant 0 : index
    %get3A_15 = vector.load %arg4[%get3A_13, %get3A_14] : memref<32x10xf32, #tpu.memory_space<vmem>>, vector<32x10xf32>
    %dot_general3A = arith.constant dense<0.000000e+00> : vector<32x2048xf32>
    %dot_general3A_16 = tpu.matmul %get3A_15, %concatenate3A, %dot_general3A {dimension_numbers = #tpu.dot_dimension_numbers<[1], [0], [0], [1], [0, 0, 1, 1], [], []>, transpose_lhs_hint = false} : vector<32x10xf32>, vector<10x2048xf32>, vector<32x2048xf32> -> vector<32x2048xf32>
    %get3A_17 = arith.constant 0 : index
    %get3A_18 = arith.constant 0 : index
    %get3A_19 = vector.load %arg5[%get3A_17, %get3A_18] : memref<32x1xf32, #tpu.memory_space<vmem>>, vector<32x1xf32>
    %add3A_20 = vector.broadcast %get3A_19 : vector<32x1xf32> to vector<32x2048xf32>
    %add3A_21 = arith.addf %dot_general3A_16, %add3A_20 : vector<32x2048xf32>
    %logistic3A = arith.negf %add3A_21 : vector<32x2048xf32>
    %logistic3A_22 = math.exp %logistic3A : vector<32x2048xf32>
    %logistic3A_23 = arith.constant 1.000000e+00 : f32
    %logistic3A_24 = vector.broadcast %logistic3A_23 : f32 to vector<32x2048xf32>
    %logistic3A_25 = arith.addf %logistic3A_24, %logistic3A_22 : vector<32x2048xf32>
    %logistic3A_26 = arith.divf %logistic3A_24, %logistic3A_25 : vector<32x2048xf32>
    %mul3A = arith.mulf %add3A_21, %logistic3A_26 : vector<32x2048xf32>
    %get3A_27 = arith.constant 0 : index
    %get3A_28 = arith.constant 0 : index
    %get3A_29 = vector.load %arg6[%get3A_27, %get3A_28] : memref<1x32xf32, #tpu.memory_space<vmem>>, vector<1x32xf32>
    %dot_general3A_30 = arith.constant dense<0.000000e+00> : vector<1x2048xf32>
    %dot_general3A_31 = tpu.matmul %get3A_29, %mul3A, %dot_general3A_30 {dimension_numbers = #tpu.dot_dimension_numbers<[1], [0], [0], [1], [0, 0, 1, 1], [], []>, transpose_lhs_hint = false} : vector<1x32xf32>, vector<32x2048xf32>, vector<1x2048xf32> -> vector<1x2048xf32>
    %get3A_32 = arith.constant 0 : index
    %get3A_33 = arith.constant 0 : index
    %get3A_34 = vector.load %arg7[%get3A_32, %get3A_33] : memref<1x1xf32, #tpu.memory_space<vmem>>, vector<1x1xf32>
    %add3A_35 = vector.broadcast %get3A_34 : vector<1x1xf32> to vector<1x2048xf32>
    %add3A_36 = arith.addf %dot_general3A_31, %add3A_35 : vector<1x2048xf32>
    %swap3A = arith.constant 0 : index
    %swap3A_37 = arith.constant 0 : index
    %swap3A_38 = vector.load %arg8[%swap3A, %swap3A_37] : memref<4x2048xf32, #tpu.memory_space<vmem>>, vector<1x2048xf32>
    tpu.vector_store %arg8[%swap3A, %swap3A_37], %add3A_36 {strides = array<i32>} : memref<4x2048xf32, #tpu.memory_space<vmem>>, vector<1x2048xf32>,
    %get3A_39 = arith.constant 1 : index
    %get3A_40 = arith.constant 0 : index
    %get3A_41 = vector.load %arg1[%get3A_39, %get3A_40] : memref<4x2048xf32, #tpu.memory_space<vmem>>, vector<1x2048xf32>
    %add3A_42 = arith.constant 9.99999971E-10 : f32
    %add3A_43 = vector.broadcast %add3A_42 : f32 to vector<1x2048xf32>
    %add3A_44 = arith.addf %get3A_41, %add3A_43 : vector<1x2048xf32>
    %sqrt3A_45 = math.sqrt %add3A_44 : vector<1x2048xf32>
    %sub3A_46 = arith.subf %sqrt3A_45, %get3A_1 : vector<1x2048xf32>
    %add3A_47 = arith.constant 9.99999971E-10 : f32
    %add3A_48 = vector.broadcast %add3A_47 : f32 to vector<1x2048xf32>
    %add3A_49 = arith.addf %get3A_1, %add3A_48 : vector<1x2048xf32>
    %div3A_50 = arith.divf %sub3A_46, %add3A_49 : vector<1x2048xf32>
    %concatenate3A_51 = tpu.concatenate %get3A_41, %div3A_50, %get3A_4 in 0 : vector<1x2048xf32>, vector<1x2048xf32>, vector<8x2048xf32> -> vector<10x2048xf32>
    %get3A_52 = arith.constant 0 : index
    %get3A_53 = arith.constant 0 : index
    %get3A_54 = vector.load %arg4[%get3A_52, %get3A_53] : memref<32x10xf32, #tpu.memory_space<vmem>>, vector<32x10xf32>
    %dot_general3A_55 = arith.constant dense<0.000000e+00> : vector<32x2048xf32>
    %dot_general3A_56 = tpu.matmul %get3A_54, %concatenate3A_51, %dot_general3A_55 {dimension_numbers = #tpu.dot_dimension_numbers<[1], [0], [0], [1], [0, 0, 1, 1], [], []>, transpose_lhs_hint = false} : vector<32x10xf32>, vector<10x2048xf32>, vector<32x2048xf32> -> vector<32x2048xf32>
    %get3A_57 = arith.constant 0 : index
    %get3A_58 = arith.constant 0 : index
    %get3A_59 = vector.load %arg5[%get3A_57, %get3A_58] : memref<32x1xf32, #tpu.memory_space<vmem>>, vector<32x1xf32>
    %add3A_60 = vector.broadcast %get3A_59 : vector<32x1xf32> to vector<32x2048xf32>
    %add3A_61 = arith.addf %dot_general3A_56, %add3A_60 : vector<32x2048xf32>
    %logistic3A_62 = arith.negf %add3A_61 : vector<32x2048xf32>
    %logistic3A_63 = math.exp %logistic3A_62 : vector<32x2048xf32>
    %logistic3A_64 = arith.constant 1.000000e+00 : f32
    %logistic3A_65 = vector.broadcast %logistic3A_64 : f32 to vector<32x2048xf32>
    %logistic3A_66 = arith.addf %logistic3A_65, %logistic3A_63 : vector<32x2048xf32>
    %logistic3A_67 = arith.divf %logistic3A_65, %logistic3A_66 : vector<32x2048xf32>
    %mul3A_68 = arith.mulf %add3A_61, %logistic3A_67 : vector<32x2048xf32>
    %get3A_69 = arith.constant 0 : index
    %get3A_70 = arith.constant 0 : index
    %get3A_71 = vector.load %arg6[%get3A_69, %get3A_70] : memref<1x32xf32, #tpu.memory_space<vmem>>, vector<1x32xf32>
    %dot_general3A_72 = arith.constant dense<0.000000e+00> : vector<1x2048xf32>
    %dot_general3A_73 = tpu.matmul %get3A_71, %mul3A_68, %dot_general3A_72 {dimension_numbers = #tpu.dot_dimension_numbers<[1], [0], [0], [1], [0, 0, 1, 1], [], []>, transpose_lhs_hint = false} : vector<1x32xf32>, vector<32x2048xf32>, vector<1x2048xf32> -> vector<1x2048xf32>
    %get3A_74 = arith.constant 0 : index
    %get3A_75 = arith.constant 0 : index
    %get3A_76 = vector.load %arg7[%get3A_74, %get3A_75] : memref<1x1xf32, #tpu.memory_space<vmem>>, vector<1x1xf32>
    %add3A_77 = vector.broadcast %get3A_76 : vector<1x1xf32> to vector<1x2048xf32>
    %add3A_78 = arith.addf %dot_general3A_73, %add3A_77 : vector<1x2048xf32>
    %swap3A_79 = arith.constant 1 : index
    %swap3A_80 = arith.constant 0 : index
    %swap3A_81 = vector.load %arg8[%swap3A_79, %swap3A_80] : memref<4x2048xf32, #tpu.memory_space<vmem>>, vector<1x2048xf32>
    tpu.vector_store %arg8[%swap3A_79, %swap3A_80], %add3A_78 {strides = array<i32>} : memref<4x2048xf32, #tpu.memory_space<vmem>>, vector<1x2048xf32>,
    %get3A_82 = arith.constant 2 : index
    %get3A_83 = arith.constant 0 : index
    %get3A_84 = vector.load %arg1[%get3A_82, %get3A_83] : memref<4x2048xf32, #tpu.memory_space<vmem>>, vector<1x2048xf32>
    %add3A_85 = arith.constant 9.99999971E-10 : f32
    %add3A_86 = vector.broadcast %add3A_85 : f32 to vector<1x2048xf32>
    %add3A_87 = arith.addf %get3A_84, %add3A_86 : vector<1x2048xf32>
    %sqrt3A_88 = math.sqrt %add3A_87 : vector<1x2048xf32>
    %sub3A_89 = arith.subf %sqrt3A_88, %get3A_1 : vector<1x2048xf32>
    %add3A_90 = arith.constant 9.99999971E-10 : f32
    %add3A_91 = vector.broadcast %add3A_90 : f32 to vector<1x2048xf32>
    %add3A_92 = arith.addf %get3A_1, %add3A_91 : vector<1x2048xf32>
    %div3A_93 = arith.divf %sub3A_89, %add3A_92 : vector<1x2048xf32>
    %concatenate3A_94 = tpu.concatenate %get3A_84, %div3A_93, %get3A_4 in 0 : vector<1x2048xf32>, vector<1x2048xf32>, vector<8x2048xf32> -> vector<10x2048xf32>
    %get3A_95 = arith.constant 0 : index
    %get3A_96 = arith.constant 0 : index
    %get3A_97 = vector.load %arg4[%get3A_95, %get3A_96] : memref<32x10xf32, #tpu.memory_space<vmem>>, vector<32x10xf32>
    %dot_general3A_98 = arith.constant dense<0.000000e+00> : vector<32x2048xf32>
    %dot_general3A_99 = tpu.matmul %get3A_97, %concatenate3A_94, %dot_general3A_98 {dimension_numbers = #tpu.dot_dimension_numbers<[1], [0], [0], [1], [0, 0, 1, 1], [], []>, transpose_lhs_hint = false} : vector<32x10xf32>, vector<10x2048xf32>, vector<32x2048xf32> -> vector<32x2048xf32>
    %get3A_100 = arith.constant 0 : index
    %get3A_101 = arith.constant 0 : index
    %get3A_102 = vector.load %arg5[%get3A_100, %get3A_101] : memref<32x1xf32, #tpu.memory_space<vmem>>, vector<32x1xf32>
    %add3A_103 = vector.broadcast %get3A_102 : vector<32x1xf32> to vector<32x2048xf32>
    %add3A_104 = arith.addf %dot_general3A_99, %add3A_103 : vector<32x2048xf32>
    %logistic3A_105 = arith.negf %add3A_104 : vector<32x2048xf32>
    %logistic3A_106 = math.exp %logistic3A_105 : vector<32x2048xf32>
    %logistic3A_107 = arith.constant 1.000000e+00 : f32
    %logistic3A_108 = vector.broadcast %logistic3A_107 : f32 to vector<32x2048xf32>
    %logistic3A_109 = arith.addf %logistic3A_108, %logistic3A_106 : vector<32x2048xf32>
    %logistic3A_110 = arith.divf %logistic3A_108, %logistic3A_109 : vector<32x2048xf32>
    %mul3A_111 = arith.mulf %add3A_104, %logistic3A_110 : vector<32x2048xf32>
    %get3A_112 = arith.constant 0 : index
    %get3A_113 = arith.constant 0 : index
    %get3A_114 = vector.load %arg6[%get3A_112, %get3A_113] : memref<1x32xf32, #tpu.memory_space<vmem>>, vector<1x32xf32>
    %dot_general3A_115 = arith.constant dense<0.000000e+00> : vector<1x2048xf32>
    %dot_general3A_116 = tpu.matmul %get3A_114, %mul3A_111, %dot_general3A_115 {dimension_numbers = #tpu.dot_dimension_numbers<[1], [0], [0], [1], [0, 0, 1, 1], [], []>, transpose_lhs_hint = false} : vector<1x32xf32>, vector<32x2048xf32>, vector<1x2048xf32> -> vector<1x2048xf32>
    %get3A_117 = arith.constant 0 : index
    %get3A_118 = arith.constant 0 : index
    %get3A_119 = vector.load %arg7[%get3A_117, %get3A_118] : memref<1x1xf32, #tpu.memory_space<vmem>>, vector<1x1xf32>
    %add3A_120 = vector.broadcast %get3A_119 : vector<1x1xf32> to vector<1x2048xf32>
    %add3A_121 = arith.addf %dot_general3A_116, %add3A_120 : vector<1x2048xf32>
    %swap3A_122 = arith.constant 2 : index
    %swap3A_123 = arith.constant 0 : index
    %swap3A_124 = vector.load %arg8[%swap3A_122, %swap3A_123] : memref<4x2048xf32, #tpu.memory_space<vmem>>, vector<1x2048xf32>
    tpu.vector_store %arg8[%swap3A_122, %swap3A_123], %add3A_121 {strides = array<i32>} : memref<4x2048xf32, #tpu.memory_space<vmem>>, vector<1x2048xf32>,
    %get3A_125 = arith.constant 3 : index
    %get3A_126 = arith.constant 0 : index
    %get3A_127 = vector.load %arg1[%get3A_125, %get3A_126] : memref<4x2048xf32, #tpu.memory_space<vmem>>, vector<1x2048xf32>
    %add3A_128 = arith.constant 9.99999971E-10 : f32
    %add3A_129 = vector.broadcast %add3A_128 : f32 to vector<1x2048xf32>
    %add3A_130 = arith.addf %get3A_127, %add3A_129 : vector<1x2048xf32>
    %sqrt3A_131 = math.sqrt %add3A_130 : vector<1x2048xf32>
    %sub3A_132 = arith.subf %sqrt3A_131, %get3A_1 : vector<1x2048xf32>
    %add3A_133 = arith.constant 9.99999971E-10 : f32
    %add3A_134 = vector.broadcast %add3A_133 : f32 to vector<1x2048xf32>
    %add3A_135 = arith.addf %get3A_1, %add3A_134 : vector<1x2048xf32>
    %div3A_136 = arith.divf %sub3A_132, %add3A_135 : vector<1x2048xf32>
    %concatenate3A_137 = tpu.concatenate %get3A_127, %div3A_136, %get3A_4 in 0 : vector<1x2048xf32>, vector<1x2048xf32>, vector<8x2048xf32> -> vector<10x2048xf32>
    %get3A_138 = arith.constant 0 : index
    %get3A_139 = arith.constant 0 : index
    %get3A_140 = vector.load %arg4[%get3A_138, %get3A_139] : memref<32x10xf32, #tpu.memory_space<vmem>>, vector<32x10xf32>
    %dot_general3A_141 = arith.constant dense<0.000000e+00> : vector<32x2048xf32>
    %dot_general3A_142 = tpu.matmul %get3A_140, %concatenate3A_137, %dot_general3A_141 {dimension_numbers = #tpu.dot_dimension_numbers<[1], [0], [0], [1], [0, 0, 1, 1], [], []>, transpose_lhs_hint = false} : vector<32x10xf32>, vector<10x2048xf32>, vector<32x2048xf32> -> vector<32x2048xf32>
    %get3A_143 = arith.constant 0 : index
    %get3A_144 = arith.constant 0 : index
    %get3A_145 = vector.load %arg5[%get3A_143, %get3A_144] : memref<32x1xf32, #tpu.memory_space<vmem>>, vector<32x1xf32>
    %add3A_146 = vector.broadcast %get3A_145 : vector<32x1xf32> to vector<32x2048xf32>
    %add3A_147 = arith.addf %dot_general3A_142, %add3A_146 : vector<32x2048xf32>
    %logistic3A_148 = arith.negf %add3A_147 : vector<32x2048xf32>
    %logistic3A_149 = math.exp %logistic3A_148 : vector<32x2048xf32>
    %logistic3A_150 = arith.constant 1.000000e+00 : f32
    %logistic3A_151 = vector.broadcast %logistic3A_150 : f32 to vector<32x2048xf32>
    %logistic3A_152 = arith.addf %logistic3A_151, %logistic3A_149 : vector<32x2048xf32>
    %logistic3A_153 = arith.divf %logistic3A_151, %logistic3A_152 : vector<32x2048xf32>
    %mul3A_154 = arith.mulf %add3A_147, %logistic3A_153 : vector<32x2048xf32>
    %get3A_155 = arith.constant 0 : index
    %get3A_156 = arith.constant 0 : index
    %get3A_157 = vector.load %arg6[%get3A_155, %get3A_156] : memref<1x32xf32, #tpu.memory_space<vmem>>, vector<1x32xf32>
    %dot_general3A_158 = arith.constant dense<0.000000e+00> : vector<1x2048xf32>
    %dot_general3A_159 = tpu.matmul %get3A_157, %mul3A_154, %dot_general3A_158 {dimension_numbers = #tpu.dot_dimension_numbers<[1], [0], [0], [1], [0, 0, 1, 1], [], []>, transpose_lhs_hint = false} : vector<1x32xf32>, vector<32x2048xf32>, vector<1x2048xf32> -> vector<1x2048xf32>
    %get3A_160 = arith.constant 0 : index
    %get3A_161 = arith.constant 0 : index
    %get3A_162 = vector.load %arg7[%get3A_160, %get3A_161] : memref<1x1xf32, #tpu.memory_space<vmem>>, vector<1x1xf32>
    %add3A_163 = vector.broadcast %get3A_162 : vector<1x1xf32> to vector<1x2048xf32>
    %add3A_164 = arith.addf %dot_general3A_159, %add3A_163 : vector<1x2048xf32>
    %swap3A_165 = arith.constant 3 : index
    %swap3A_166 = arith.constant 0 : index
    %swap3A_167 = vector.load %arg8[%swap3A_165, %swap3A_166] : memref<4x2048xf32, #tpu.memory_space<vmem>>, vector<1x2048xf32>
    tpu.vector_store %arg8[%swap3A_165, %swap3A_166], %add3A_164 {strides = array<i32>} : memref<4x2048xf32, #tpu.memory_space<vmem>>, vector<1x2048xf32>,
    return
  }
  func.func @transform_0(%arg0: i32) -> (i32, i32) {
    %c0_i32 = arith.constant 0 : i32
    %c0_i32_0 = arith.constant 0 : i32
    return %c0_i32, %arg0 : i32, i32
  }
  func.func @transform_1(%arg0: i32) -> (i32, i32) {
    %c0_i32 = arith.constant 0 : i32
    %c0_i32_0 = arith.constant 0 : i32
    return %c0_i32, %arg0 : i32, i32
  }
  func.func @transform_2(%arg0: i32) -> (i32, i32) {
    %c0_i32 = arith.constant 0 : i32
    %c0_i32_0 = arith.constant 0 : i32
    return %c0_i32, %arg0 : i32, i32
  }
  func.func @transform_3(%arg0: i32) -> (i32, i32) {
    %c0_i32 = arith.constant 0 : i32
    %c0_i32_0 = arith.constant 0 : i32
    %c0_i32_1 = arith.constant 0 : i32
    return %c0_i32, %c0_i32_0 : i32, i32
  }
  func.func @transform_4(%arg0: i32) -> (i32, i32) {
    %c0_i32 = arith.constant 0 : i32
    %c0_i32_0 = arith.constant 0 : i32
    %c0_i32_1 = arith.constant 0 : i32
    return %c0_i32, %c0_i32_0 : i32, i32
  }
  func.func @transform_5(%arg0: i32) -> (i32, i32) {
    %c0_i32 = arith.constant 0 : i32
    %c0_i32_0 = arith.constant 0 : i32
    %c0_i32_1 = arith.constant 0 : i32
    return %c0_i32, %c0_i32_0 : i32, i32
  }
  func.func @transform_6(%arg0: i32) -> (i32, i32) {
    %c0_i32 = arith.constant 0 : i32
    %c0_i32_0 = arith.constant 0 : i32
    %c0_i32_1 = arith.constant 0 : i32
    return %c0_i32, %c0_i32_0 : i32, i32
  }
  func.func @transform_7(%arg0: i32) -> (i32, i32) {
    %c0_i32 = arith.constant 0 : i32
    %c0_i32_0 = arith.constant 0 : i32
    return %c0_i32, %arg0 : i32, i32
  }
}

</mosaic_0001>

<sc_bundles>
// kernel: kernel.12.cloned.1.call-start
scs
__scs_entry_jumppad:
0x0: {  	(pc) =	sbr.rel $0x88, $3  }
0x1: {  	(tag) =	ssettag $0x0;
	lr =	simm.s32 $0x1  }
0x2: {  	[smem:$0x3F98] =	sst lr;
	_ =	strace $0xD0000000  }
0x3: {  	_ = 	snop  }
0x4: {  	_ = 	snop  }
0x5: {  	_ = 	snop  }
0x6: {  	_ = 	snop  }
0x7: {  	_ = 	snop  }
__scs_overlays_trampoline_lowered:
0x8: {  	[smem:$0x3FA7] =	sst s0  }
0x9: {  	[smem:$0x3FA8] =	sst s1  }
0xa: {  	[smem:$0x3FA9] =	sst s2  }
0xb: {  	[smem:$0x3FAA] =	sst s3  }
0xc: {  	[smem:$0x3FAB] =	sst s4  }
0xd: {  	[smem:$0x3FAC] =	sst s5  }
0xe: {  	[smem:$0x3FAD] =	sst s6  }
0xf: {  	[smem:$0x3FAE] =	sst s7  }
0x10: {  	[smem:$0x3FAF] =	sst s8  }
0x11: {  	[smem:$0x3FB0] =	sst s9;
	s0 =	simm.s32 @!p0 $0x0  }
0x12: {  	s1 =	sld [smem:$0x3F96];
	s0 =	simm.s32 @p0 $0x1  }
0x13: {  	[smem:$0x3FB1] =	sst s0;
	s0 =	simm.s32 @!p1 $0x0  }
0x14: {  	s2 =	sld [smem:$0x3F95];
	s0 =	simm.s32 @p1 $0x1  }
0x15: {  	[smem:$0x3FB2] =	sst s0;
	s0 =	simm.s32 @!p2 $0x0  }
0x16: {  	s3 =	sld [smem:$0x3FDB];
	s0 =	simm.s32 @p2 $0x1  }
0x17: {  	s4 =	simm.s32 $0x1BF5;
	[smem:$0x3FB4] =	sst s0  }
0x18: {  	s0 =	sld [smem:$0x3F97];
	_ =	swait.ge [sflag:s4], $0x0  }
0x19: {  	s7 =	sld [smem:$0x3F98]  }
0x1a: {  	s8 =	sadd.s32 $0xFFFFE003, lr  }
0x1b: {  	s9 =	sadd.s32 $0xFFFFFEF7, lr;
	s5 =	simm.s32 $0xFFFFFFFF;
	p2 =	slt.u32 s8, $0xFFFFF086  }
0x1c: {  	p1 =	slt.u32 s9, $0xF7A;
	s5 =	simm.s32 @!p2 $0x0  }
0x1d: {  	s5 =	simm.s32 @p1 $0x1;
	p0 =	seq.s32 s7, s2  }
0x1e: {  	s7 =	smul.u32 @!p0 $0xF7A, s2;
	p2 =	seq.s32 @!p0 s5, $0x0  }
0x1f: {  	s9 =	smul.u32 $0xF7A, s1;
	s8 =	simm.s32 @!p0 $0x1BF5;
	p2 =	por !p2, p0  }
0x20: {  	[sflag:s8] =	ssyncset.s32 @!p0 $0xFFFFF086;
	s6 =	sadd.s32 @!p0 s3, s7;
	s7 =	simm.s32 @!p0 $0x108  }
0x21: {  	s3 =	sadd.s32 s3, s9;
	s6 =	sadd.s32 @!p0 $0x88, s6;
	s7 =	simm.s32 @p2 $0x1082  }
0x22: {  	[simem:s7], [sflag:s8] =	dma.local @!p0 [hbm:s6], $0xF7A  }
0x23: {  	s9 =	sor.u32 $0xD0000000, s2;
	s6 =	simm.s32 $0x108;
	_ =	swait.ge @!p0 [sflag:s8], $0x0  }
0x24: {  	s3 =	sadd.s32 $0x88, s3;
	s6 =	simm.s32 @!p1 $0x1082;
	[sflag:s4] =	ssyncset.s32 $0xFFFFF086  }
0x25: {  	[simem:s6], [sflag:s4] =	dma.local [hbm:s3], $0xF7A  }
0x26: {  	[smem:$0x3F98] =	sst s1;
	(tag) =	ssettag s2;
	_ =	strace s9  }
0x27: {  	s1 =	sld [smem:$0x3FA8]  }
0x28: {  	s2 =	sld [smem:$0x3FA9]  }
0x29: {  	s4 =	sld [smem:$0x3FAB]  }
0x2a: {  	p0 =	seq.s32 s5, $0x0;
	s5 =	sld [smem:$0x3FAC]  }
0x2b: {  	s6 =	sld [smem:$0x3FAD]  }
0x2c: {  	s7 =	sld [smem:$0x3FAE]  }
0x2d: {  	s3 =	simm.s32 $0x108;
	s8 =	sld [smem:$0x3FAF]  }
0x2e: {  	s3 =	simm.s32 @!p0 $0x1082;
	s9 =	sld [smem:$0x3FB0]  }
0x2f: {  	lr =	sadd.s32 s0, s3;
	s0 =	sld [smem:$0x3FA7]  }
0x30: {  	s3 =	sld [smem:$0x3FAA]  }
0x31: {  	[smem:$0x3FB3] =	sst s10  }
0x32: {  	s10 =	sld [smem:$0x3FB1];
	_ =	sdelay $0x3  }
0x33: {  	p0 =	seq.s32 s10, $0x1;
	s10 =	sld [smem:$0x3FB3];
	_ =	sdelay $0x3  }
0x34: {  	[smem:$0x3FB3] =	sst s10  }
0x35: {  	s10 =	sld [smem:$0x3FB2];
	_ =	sdelay $0x3  }
0x36: {  	p1 =	seq.s32 s10, $0x1;
	s10 =	sld [smem:$0x3FB3];
	_ =	sdelay $0x3  }
0x37: {  	[smem:$0x3FB3] =	sst s10  }
0x38: {  	s10 =	sld [smem:$0x3FB4]  }
0x39: {  	_ = 	snop;
	(pc) =	sbr.ind lr, $3  }
0x3a: {  	_ = 	snop  }
0x3b: {  	_ = 	snop  }
0x3c: {  	p2 =	seq.s32 s10, $0x1;
	s10 =	sld [smem:$0x3FB3]  }
0x3d: {  	_ =	shalt  }
0x3e: {  	_ =	shalt  }
0x3f: {  	_ =	shalt  }
0x40: {  	_ =	shalt  }
0x41: {  	_ =	shalt  }
0x42: {  	_ =	shalt  }
0x43: {  	_ =	shalt  }
0x44: {  	_ =	shalt  }
0x45: {  	_ =	shalt  }
0x46: {  	_ =	shalt  }
0x47: {  	_ =	shalt  }
0x48: {  	_ =	shalt  }
0x49: {  	_ =	shalt  }
0x4a: {  	_ =	shalt  }
0x4b: {  	_ =	shalt  }
0x4c: {  	_ =	shalt  }
0x4d: {  	_ =	shalt  }
0x4e: {  	_ =	shalt  }
0x4f: {  	_ =	shalt  }
0x50: {  	_ =	shalt  }
0x51: {  	_ =	shalt  }
0x52: {  	_ =	shalt  }
0x53: {  	_ =	shalt  }
0x54: {  	_ =	shalt  }
0x55: {  	_ =	shalt  }
0x56: {  	_ =	shalt  }
0x57: {  	_ =	shalt  }
0x58: {  	_ =	shalt  }
0x59: {  	_ =	shalt  }
0x5a: {  	_ =	shalt  }
0x5b: {  	_ =	shalt  }
0x5c: {  	_ =	shalt  }
0x5d: {  	_ =	shalt  }
0x5e: {  	_ =	shalt  }
0x5f: {  	_ =	shalt  }
0x60: {  	_ =	shalt  }
0x61: {  	_ =	shalt  }
0x62: {  	_ =	shalt  }
0x63: {  	_ =	shalt  }
0x64: {  	_ =	shalt  }
0x65: {  	_ =	shalt  }
0x66: {  	_ =	shalt  }
0x67: {  	_ =	shalt  }
0x68: {  	_ =	shalt  }
0x69: {  	_ =	shalt  }
0x6a: {  	_ =	shalt  }
0x6b: {  	_ =	shalt  }
0x6c: {  	_ =	shalt  }
0x6d: {  	_ =	shalt  }
0x6e: {  	_ =	shalt  }
0x6f: {  	_ =	shalt  }
0x70: {  	_ =	shalt  }
0x71: {  	_ =	shalt  }
0x72: {  	_ =	shalt  }
0x73: {  	_ =	shalt  }
0x74: {  	_ =	shalt  }
0x75: {  	_ =	shalt  }
0x76: {  	_ =	shalt  }
0x77: {  	_ =	shalt  }
0x78: {  	_ =	shalt  }
0x79: {  	_ =	shalt  }
0x7a: {  	_ =	shalt  }
0x7b: {  	_ =	shalt  }
0x7c: {  	_ =	shalt  }
0x7d: {  	_ =	shalt  }
0x7e: {  	_ =	shalt  }
0x7f: {  	_ =	shalt  }
0x80: {  	_ =	shalt  }
0x81: {  	_ =	shalt  }
0x82: {  	_ =	shalt  }
0x83: {  	_ =	shalt  }
0x84: {  	_ =	shalt  }
0x85: {  	_ =	shalt  }
0x86: {  	_ =	shalt  }
0x87: {  	_ =	shalt  }
.Lfunc_end0:
.L_simem_size_0:
called_computation.2_lowered:
.L_overlay_start_0:
0x88: {  	s2 =	sld [smem:$0x3FD9]  }
0x89: {  	s3 =	sld [smem:$0x3FFE];
	_ =	sdelay $0x1  }
0x8a: {  	s1 =	srdreg.scid  }
0x8b: {  	s0 =	sand.u32 $0x1, s1  }
0x8c: {  	s17 =	sshll.u32 s0, $0xA;
	s2 =	sadd.s32 s3, s2  }
0x8d: {  	s2 =	sadd.s32 s2, s17  }
0x8e: {  	[smem:$0x3FBF] =	sst s2  }
0x8f: {  	_ = 	snop  }
0x90: {  	s2 =	sld [smem:$0x3FC8]  }
0x91: {  	s18 =	sld [smem:$0x3FD0];
	(tm) =	ssettm $0x1  }
0x92: {  	s4 =	sld [smem:$0x3FFB];
	_ =	sdelay $0x3  }
0x93: {  	_ =	strace s4  }
0x94: {  	s4 =	sld [smem:$0x3FFC];
	_ =	sdelay $0x3  }
0x95: {  	_ =	strace s4  }
0x96: {  	s4 =	sld [smem:$0x3FFD];
	_ =	sdelay $0x3  }
0x97: {  	_ =	strace s4  }
0x98: {  	_ =	strace $0x8FFFFFFF  }
0x99: {  	s19 =	sld [smem:$0x3FDB];
	_ =	sdelay $0x1  }
0x9a: {  	s5 =	simm.s32 $_scs_section_size  }
0x9b: {  	s6 =	simm.s32 $_size__tile_overlayer_lowered;
	s7 =	simm.s32 $_tile_overlayer_lowered  }
0x9c: {  	s22 =	simm.s32 $0x1BFF;
	s21 =	sshll.u32 s7, $0x1;
	s4 =	sadd.s32 s5, s19  }
0x9d: {  	s8 =	simm.s32 $0x0;
	s20 =	sshll.u32 s6, $0x1;
	s6 =	sadd.s32 s21, s4  }
0x9e: {  	[timem:s8], [sflag:s22] =	dma.local [hbm:s6], s20  }
0x9f: {  	_ =	swait.ge [sflag:s22], s20  }
0xa0: {  	s5 =	ssub.s32 $0x0, s20;
	[sflag:s22] =	ssyncset.done $0x0  }
0xa1: {  	[sflag:s22] =	ssyncadd.s32 s5;
	_ =	sdelay $0x1  }
0xa2: {  	s23 =	simm.s32 $0x1B8B  }
0xa3: {  	_ =	swait.ge [sflag:s23], $0x1  }
0xa4: {  	[sflag:s23] =	ssyncset.done $0x0  }
0xa5: {  	s25 =	simm.s32 $0x1B8E;
	s24 =	sld [smem:$0x3FFE];
	[sflag:s23] =	ssyncadd.s32 $0xFFFFFFFF  }
0xa6: {  	s26 =	simm.s32 $execute0_lowered;
	[smem:$0x3FD2] =	sst s25  }
0xa7: {  	s6 =	sshll.u32 s26, $0x1;
	_ =	strace $0x8000004C;
	[dreg:$0x1] =	wrdreg $0xFFFFFFFF  }
0xa8: {  	s28 =	simm.s32 $_size_execute0_lowered;
	s4 =	sadd.s32 s4, s6;
	[dreg:$0x0] =	wrdreg $0x0  }
0xa9: {  	s6 =	sshll.u32 s28, $0x1;
	[dreg:$0x2] =	wrdreg s4  }
0xaa: {  	[dreg:$0x3] =	wrdreg s6  }
0xab: {  	[dreg:$0x4] =	wrdreg $0xC0  }
0xac: {  	_ =	task [dreg:s8], $0x5FFFF  }
0xad: {  	[dreg:$0x1] =	wrdreg $0xFFFFFFFF  }
0xae: {  	[dreg:$0x0] =	wrdreg $0x60  }
0xaf: {  	[dreg:$0x2] =	wrdreg s24  }
0xb0: {  	[dreg:$0x3] =	wrdreg s2  }
0xb1: {  	[dreg:$0x4] =	wrdreg s18  }
0xb2: {  	[dreg:$0x5] =	wrdreg $0x9  }
0xb3: {  	_ =	task.clear_ibuf [dreg:s8], $0x6FFFF;
	_ =	strace $0x9000004C  }
0xb4: {  	s29 =	simm.s32 $0x9;
	_ =	strace $0x80000056  }
0xb5: {  	_ =	swait.ge [sflag:s29], $0x1  }
0xb6: {  	[sflag:s29] =	ssyncadd.s32 $0xFFFFFFFF  }
0xb7: {  	_ =	strace $0x90000056  }
0xb8: {  	_ =	sfence  }
0xb9: {  	s30 =	sld [smem:$0x0];
	_ =	sdelay $0x2  }
0xba: {  	s31 =	sshll.u32 s1, $0xD;
	s1 =	sshrl.u32 s1, $0x2  }
0xbb: {  	s3 =	sand.u32 $0x4000, s31;
	s1 =	sadd.s32 s1, s30  }
0xbc: {  	s0 =	sor.u32 s3, s0;
	s1 =	sshll.u32 s1, $0x11  }
0xbd: {  	s0 =	sor.u32 s1, s0  }
0xbe: {  	s0 =	sadd.s32 $0x8F2B, s0  }
0xbf: {  	[sflag:s0] =	ssyncadd.remote.s32 $0x1  }
0xc0: {  	_ =	sfence.sel $0xFFFF  }
0xc1: {  	[dreg:$0x0] =	wrdreg $0xFFFFFFFF;
	(pc) =	sbr.abs _section_cstart, $3  }
0xc2: {  	[dreg:$0x1] =	wrdreg $0xFFFFFFFF  }
0xc3: {  	_ =	task.clear_ibuf [dreg:s8], $0x2FFFF;
	_ =	strace $0x9FFFFFFF  }
0xc4: {  	(tm) =	ssettm $0x7FFFFFFF  }
0xc5: {  	_ =	shalt  }
tec
execute0_lowered:
.L_overlay_start_1:
0x0: {  	(tag) =	ssettag $0x1  }
0x1: {  	s0 =	rddreg [dreg:$0x0]  }
0x2: {  	s1 =	rddreg [dreg:$0x1];
	s3 =	simm.s32 $0x0  }
0x3: {  	s12 =	stileid.u32;
	s6 =	srdreg.scid;
	s30 =	simm.s32 $0x1C000  }
0x4: {  	s31 =	simm.s32 $0x3;
	[smem:$0x7FF] =	sst s3;
	s4 =	sadd.s32 $0x1C00, s0  }
0x5: {  	s2 =	sshll.u32 s12, $0xB;
	s5 =	sadd.s32 $0x1A800, s0;
	s18 =	sand.u32 $0x1, s6  }
0x6: {  	s19 =	sshll.u32 s12, $0x13;
	s10 =	sshll.u32 s12, $0xE;
	p0 =	slt.u32 s12, $0x8  }
0x7: {  	_ =	strace $0x8000004D;
	s2 =	sadd.s32 s2, s0;
	s7 =	ssub.s32 $0x2, s18  }
0x8: {  	s8 =	sshll.u32 s18, $0x17;
	s6 =	sadd.s32 $0xFFFE0000, s10;
	s14 =	sshll.u32 s18, $0x12  }
0x9: {  	s0 =	sshllo.u32 s18, $0x1;
	s9 =	sshrl.u32 s7, $0x1;
	s11 =	sor.u32 s19, s8  }
0xa: {  	s6 =	smov.u32 @p0 s10;
	s2 =	sadd.s32 $0x12800, s2;
	s11 =	sshrl.u32 s11, $0x3  }
0xb: {  	v1 =	vmov s8;
	s8 =	simm.s32 $0x2;
	s9 =	ssub.s32 s7, s9;
	s7 =	sadd.s32 s5, s11  }
0xc: {  	s13 =	sshrl.u32 s6, $0x2;
	[dreg:$0xd] =	wrdreg s2;
	s20 =	sadd.s32 $0x1000, s7  }
0xd: {  	s15 =	sadd.s32 s14, s6;
	s21 =	sadd.s32 $0x2000, s7;
	[dreg:$0x4] =	wrdreg s20  }
0xe: {  	s2 =	simm.s32 $0x80;
	s22 =	sadd.s32 $0x3000, s7;
	[dreg:$0x5] =	wrdreg s21  }
0xf: {  	s10 =	sand.u32 $0x1FFFF000, s13;
	s23 =	sadd.s32 $0x4000, s7;
	[dreg:$0x6] =	wrdreg s22  }
0x10: {  	s13 =	sshll.u32 s0, $0x11;
	s24 =	sadd.s32 $0x5000, s7;
	[dreg:$0x7] =	wrdreg s23  }
0x11: {  	s16 =	sshrl.u32 s15, $0x3;
	s25 =	sadd.s32 $0x6000, s7;
	[dreg:$0x8] =	wrdreg s24  }
0x12: {  	s26 =	sadd.s32 $0x7000, s7;
	s11 =	sadd.s32 $0x8000, s7;
	[dreg:$0x9] =	wrdreg s25  }
0x13: {  	s12 =	sadd.s32 $0x9000, s7;
	s17 =	sadd.s32 s1, s10;
	[dreg:$0xa] =	wrdreg s26  }
0x14: {  	s18 =	sadd.s32 s6, s13;
	s1 =	sadd.s32 s4, s16;
	[dreg:$0xb] =	wrdreg s11  }
0x15: {  	s28 =	sadd.s32 $0xF000, s7;
	s10 =	simm.s32 $0x1;
	[dreg:$0xc] =	wrdreg s12  }
0x16: {  	v2 =	vmov s13;
	s13 =	simm.s32 $0x0;
	[dreg:$0xe] =	wrdreg s1;
	s19 =	sshrl.u32 s18, $0x3  }
0x17: {  	s20 =	sshll.u32 s0, $0x16;
	s21 =	smax.u32 s9, $0x1;
	s22 =	sadd.s32 $0xA000, s7  }
0x18: {  	s23 =	sadd.s32 $0xB000, s7;
	s24 =	sadd.s32 $0xC000, s7;
	s25 =	sadd.s32 $0xD000, s7  }
0x19: {  	vm0 =	vmmov $0x1;
	s26 =	sadd.s32 $0xE000, s7;
	s29 =	sadd.s32 $0x10, s17;
	s0 =	simm.s32 $0x14000  }
0x1a: {  	v4 =	vimm.s32 $0xFFFE0000;
	v5 =	vlaneseq.u32;
	v6 =	vimm.s32 $0x0;
	s9 =	simm.s32 $0x10000;
	s11 =	simm.s32 $0x4000;
	s1 =	sadd.s32 s4, s19  }
0x1b: {  	vm1 =	vmmov $0xffff;
	v0 =	vmov s14;
	s12 =	simm.s32 $0xC000;
	v3 =	vmov s20;
	[dreg:$0xf] =	wrdreg s1;
	s1 =	simm.s32 $0x100  }
.LBB2_1:
0x1c: {  	s14 =	rddreg [dreg:$0x2]  }
0x1d: {  	[tilespmem:s30], [sflag:$0x3] =	stream.linear.gather [hbm4b:s14+s3], $0x80, $0x38;
	[tilespmem:$0x1C080] =	vst v63  }
0x1e: {  	_ =	swait.ge [sflag:s31], $0x80  }
0x1f: {  	[sflag:s31] =	ssyncset.done $0x0  }
0x20: {  	[sflag:s31] =	ssyncadd.s32 $0xFFFFFF80  }
0x21: {  	v7 =	vld [tilespmem:$0x1C000];
	_ =	sdelay $0x4  }
0x22: {  	v7 =	vnsel vm0, $0x0, v7  }
0x23: {  	(xrf2) =	vadd.scan.msk.f32 $0xffff, v7;
	_ =	sdelay $0x9  }
0x24: {  	v7, _, _ =	vpop (xrf2)  }
0x25: {  	v7 =	vbroadcast v7, $0xF  }
0x26: {  	s15 =	simm.s32 $0x0;
	s14 =	simm.s32 $0x40  }
.LBB2_2:
0x27: {  	p1 =	sne.s32 s14, $0x1FFC0;
	[tilespmem:s15+$0x14000] =	vst v7;
	s15 =	smov.u32 s14;
	s14 =	sadd.s32 $0x40, s14  }
.Ltmp0:
0x28: {  	(pc) =	sbr.rel @p1 .LBB2_2-.Ltmp0, $2  }
0x29: {  	_ =	sdelay $0x2  }
0x2a: {  	s15 =	sshra.s32 s15, $0x2  }
0x2b: {  	[tilespmem:s15+$0x14000] =	vst v7;
	s14 =	simm.s32 $0x0  }
0x2c: {  	[hbm4b:s7+s14] =	stream.linear.scatter [tilespmem:s0], [sflag:$0x2], $0x8000, $0x38;
	[tilespmem:$0x1C080] =	vst v63  }
0x2d: {  	s18 =	rddreg [dreg:$0x4]  }
0x2e: {  	[hbm4b:s18+s14] =	stream.linear.scatter [tilespmem:s0], [sflag:$0x2], $0x8000, $0x38;
	[tilespmem:$0x1C080] =	vst v63  }
0x2f: {  	s19 =	rddreg [dreg:$0x5]  }
0x30: {  	[hbm4b:s19+s14] =	stream.linear.scatter [tilespmem:s0], [sflag:$0x2], $0x8000, $0x38;
	[tilespmem:$0x1C080] =	vst v63  }
0x31: {  	s20 =	rddreg [dreg:$0x6]  }
0x32: {  	[hbm4b:s20+s14] =	stream.linear.scatter [tilespmem:s0], [sflag:$0x2], $0x8000, $0x38;
	[tilespmem:$0x1C080] =	vst v63  }
0x33: {  	s16 =	rddreg [dreg:$0x7]  }
0x34: {  	[hbm4b:s16+s14] =	stream.linear.scatter [tilespmem:s0], [sflag:$0x2], $0x8000, $0x38;
	[tilespmem:$0x1C080] =	vst v63  }
0x35: {  	s18 =	rddreg [dreg:$0x8]  }
0x36: {  	[hbm4b:s18+s14] =	stream.linear.scatter [tilespmem:s0], [sflag:$0x2], $0x8000, $0x38;
	[tilespmem:$0x1C080] =	vst v63  }
0x37: {  	s19 =	rddreg [dreg:$0x9]  }
0x38: {  	[hbm4b:s19+s14] =	stream.linear.scatter [tilespmem:s0], [sflag:$0x2], $0x8000, $0x38;
	[tilespmem:$0x1C080] =	vst v63  }
0x39: {  	s20 =	rddreg [dreg:$0xa]  }
0x3a: {  	[hbm4b:s20+s14] =	stream.linear.scatter [tilespmem:s0], [sflag:$0x2], $0x8000, $0x38;
	[tilespmem:$0x1C080] =	vst v63  }
0x3b: {  	s16 =	rddreg [dreg:$0xb]  }
0x3c: {  	[hbm4b:s16+s14] =	stream.linear.scatter [tilespmem:s0], [sflag:$0x2], $0x8000, $0x38;
	[tilespmem:$0x1C080] =	vst v63  }
0x3d: {  	s18 =	rddreg [dreg:$0xc]  }
0x3e: {  	[hbm4b:s18+s14] =	stream.linear.scatter [tilespmem:s0], [sflag:$0x2], $0x8000, $0x38;
	[tilespmem:$0x1C080] =	vst v63  }
0x3f: {  	_ = 	snop  }
0x40: {  	[hbm4b:s22+s14] =	stream.linear.scatter [tilespmem:s0], [sflag:$0x2], $0x8000, $0x38;
	[tilespmem:$0x1C080] =	vst v63  }
0x41: {  	_ = 	snop  }
0x42: {  	[hbm4b:s23+s14] =	stream.linear.scatter [tilespmem:s0], [sflag:$0x2], $0x8000, $0x38;
	[tilespmem:$0x1C080] =	vst v63  }
0x43: {  	_ = 	snop  }
0x44: {  	[hbm4b:s24+s14] =	stream.linear.scatter [tilespmem:s0], [sflag:$0x2], $0x8000, $0x38;
	[tilespmem:$0x1C080] =	vst v63  }
0x45: {  	_ = 	snop  }
0x46: {  	[hbm4b:s25+s14] =	stream.linear.scatter [tilespmem:s0], [sflag:$0x2], $0x8000, $0x38;
	[tilespmem:$0x1C080] =	vst v63  }
0x47: {  	_ = 	snop  }
0x48: {  	[hbm4b:s26+s14] =	stream.linear.scatter [tilespmem:s0], [sflag:$0x2], $0x8000, $0x38;
	[tilespmem:$0x1C080] =	vst v63  }
0x49: {  	_ = 	snop  }
0x4a: {  	[hbm4b:s28+s14] =	stream.linear.scatter [tilespmem:s0], [sflag:$0x2], $0x8000, $0x38;
	[tilespmem:$0x1C080] =	vst v63  }
0x4b: {  	_ = 	snop  }
0x4c: {  	[tilespmem:s14], [sflag:$0x3] =	stream.strided.gather [hbm4b:s17+s2], $0x4000, s1, s2, $0x38;
	[tilespmem:$0x1C080] =	vst v63  }
0x4d: {  	_ =	swait.ge [sflag:s31], $0x4000  }
0x4e: {  	[sflag:s31] =	ssyncset.done $0x0  }
0x4f: {  	s19 =	simm.s32 $0x4000;
	[sflag:s31] =	ssyncadd.s32 $0xFFFFC000  }
0x50: {  	[tilespmem:s19], [sflag:$0x3] =	stream.strided.gather [hbm4b:s29+s2], $0x4000, s1, s2, $0x38;
	[tilespmem:$0x1C080] =	vst v63  }
0x51: {  	_ =	swait.ge [sflag:s31], $0x4000  }
0x52: {  	[sflag:s31] =	ssyncset.done $0x0  }
0x53: {  	s16 =	simm.s32 $0x8000;
	s18 =	rddreg [dreg:$0xd];
	[sflag:s31] =	ssyncadd.s32 $0xFFFFC000  }
0x54: {  	[tilespmem:s16], [sflag:$0x3] =	stream.linear.gather [hbm4b:s18+s14], $0x4000, $0x38;
	[tilespmem:$0x1C080] =	vst v63  }
0x55: {  	_ =	swait.ge [sflag:s31], $0x4000  }
0x56: {  	[sflag:s31] =	ssyncset.done $0x0  }
0x57: {  	[sflag:s31] =	ssyncadd.s32 $0xFFFFC000  }
0x58: {  	_ =	strace $0x8000004E  }
0x59: {  	v7 =	vld [tilespmem:s16+$0x0];
	_ =	sdelay $0x4  }
0x5a: {  	vm2 =	vlt.s32 v7, $0x20000  }
0x5b: {  	s20 =	sadd.s32 $0x0, s6;
	v8 =	vsel vm2, $0x0, v4  }
0x5c: {  	v7 =	vadd.s32 v7, v8;
	v8 =	vor.u32 s20, v5  }
0x5d: {  	vm2 =	vne.s32 v7, v8  }
0x5e: {  	v9 =	vld [tilespmem:s14+$0x0];
	v8 =	vsel vm2, $0x1, v6  }
0x5f: {  	(xrf0) =	vadd.scan.msk.s32 $0xffff, v8;
	v8 =	vld [tilespmem:s19+$0x0];
	_ =	sdelay $0x4  }
0x60: {  	v10 =	vshll.u32 v9, $0xB;
	v11 =	vshll.u32 v8, $0xB  }
0x61: {  	v8 =	vadd.s32 v8, v10;
	v9 =	vadd.s32 v9, v11  }
0x62: {  	v8 =	vpsel p0, v8, v9  }
0x63: {  	v12, _, _ =	vpop (xrf0);
	v9 =	vor.u32 s14, v5;
	[tilespmem:s14+$0x0] =	vst v8  }
0x64: {  	(v2sf) =	vpush v12, $0xF;
	[tilespmem:s14+$0x4000] =	vst.msk vm2, v9  }
0x65: {  	s16 =	simm.s32 $0x8010;
	[tilespmem:s14+$0x8000] =	vst.msk vm2, v7  }
0x66: {  	v7 =	vld [tilespmem:s16+$0x0];
	_ =	sdelay $0x3  }
0x67: {  	s15 =	simm.s32 $0x10  }
0x68: {  	s18 =	simm.s32 $0x4010;
	v9 =	vld [tilespmem:s15+$0x0];
	vm2 =	vlt.s32 v7, $0x20000  }
0x69: {  	s19 =	sadd.s32 $0x10, s6;
	v10 =	vld [tilespmem:s18+$0x0];
	v8 =	vsel vm2, $0x0, v4  }
0x6a: {  	v8 =	vadd.s32 v7, v8;
	v7 =	vor.u32 s19, v5  }
0x6b: {  	vm2 =	vne.s32 v8, v7  }
0x6c: {  	v63 =	vsel vm2, $0x1, v6  }
0x6d: {  	(xrf0) =	vadd.scan.msk.s32 $0xffff, v63  }
0x6e: {  	v11 =	vshll.u32 v10, $0xB;
	v7 =	vshll.u32 v9, $0xB  }
0x6f: {  	v9 =	vadd.s32 v9, v11;
	v10 =	vadd.s32 v10, v7  }
0x70: {  	s19 =	simm.s32 $0x20;
	v7 =	vor.u32 s15, v5;
	v9 =	vpsel p0, v10, v9;
	s20 =	spop (v2sf)  }
.LBB2_4:
0x71: {  	p1 =	sne.s32 s19, $0x3FF0  }
0x72: {  	v10 =	vor.u32 s19, v5;
	[tilespmem:s15+$0x0] =	vst v9;
	s14 =	sadd.s32 s14, s20;
	s20 =	smov.u32 s19;
	s19 =	sadd.s32 $0x10, s19  }
0x73: {  	[tilespmem:s14+$0x4000] =	vst.msk vm2, v7;
	v9, _, _ =	vpop (xrf0);
	v7 =	vmov v10  }
0x74: {  	s16 =	sadd.s32 $0x10, s16;
	[tilespmem:s14+$0x8000] =	vst.msk vm2, v8;
	(v2sf) =	vpush v9, $0xF  }
0x75: {  	v8 =	vld [tilespmem:s16+$0x0];
	_ =	sdelay $0x4  }
0x76: {  	s15 =	sadd.s32 $0x10, s15;
	vm2 =	vlt.s32 v8, $0x20000  }
0x77: {  	s18 =	sadd.s32 $0x10, s18;
	s20 =	sadd.s32 s20, s6;
	v9 =	vld [tilespmem:s15+$0x0];
	v10 =	vsel vm2, $0x0, v4  }
0x78: {  	v11 =	vld [tilespmem:s18+$0x0];
	v8 =	vadd.s32 v8, v10;
	v10 =	vor.u32 s20, v5  }
0x79: {  	vm2 =	vne.s32 v8, v10  }
0x7a: {  	v10 =	vsel vm2, $0x1, v6  }
.Ltmp1:
0x7b: {  	(xrf0) =	vadd.scan.msk.s32 $0xffff, v10;
	(pc) =	sbr.rel @p1 .LBB2_4-.Ltmp1, $4  }
0x7c: {  	v10 =	vshll.u32 v9, $0xB  }
0x7d: {  	v10 =	vadd.s32 v11, v10;
	v11 =	vshll.u32 v11, $0xB  }
0x7e: {  	v9 =	vadd.s32 v9, v11  }
0x7f: {  	v9 =	vpsel p0, v10, v9;
	s20 =	spop (v2sf)  }
0x80: {  	_ = 	snop  }
0x81: {  	v10, _, _ =	vpop (xrf0)  }
0x82: {  	(v2sf) =	vpush v10, $0xF;
	_ =	sdelay $0xc  }
0x83: {  	[tilespmem:s15+$0x0] =	vst v9;
	s14 =	sadd.s32 s14, s20  }
0x84: {  	[tilespmem:s14+$0x4000] =	vst.msk vm2, v7  }
0x85: {  	[tilespmem:s14+$0x8000] =	vst.msk vm2, v8;
	s16 =	spop (v2sf)  }
0x86: {  	_ =	strace $0x9000004E  }
0x87: {  	_ =	strace $0x8000004F  }
0x88: {  	_ =	swait.ge [sflag:s8], $0x8000  }
0x89: {  	[sflag:s8] =	ssyncset.done $0x0  }
0x8a: {  	[sflag:s8] =	ssyncadd.s32 $0xFFFF8000  }
0x8b: {  	_ =	swait.ge [sflag:s8], $0x8000  }
0x8c: {  	[sflag:s8] =	ssyncset.done $0x0  }
0x8d: {  	[sflag:s8] =	ssyncadd.s32 $0xFFFF8000  }
0x8e: {  	_ =	swait.ge [sflag:s8], $0x8000  }
0x8f: {  	[sflag:s8] =	ssyncset.done $0x0  }
0x90: {  	[sflag:s8] =	ssyncadd.s32 $0xFFFF8000  }
0x91: {  	_ =	swait.ge [sflag:s8], $0x8000  }
0x92: {  	[sflag:s8] =	ssyncset.done $0x0  }
0x93: {  	[sflag:s8] =	ssyncadd.s32 $0xFFFF8000  }
0x94: {  	_ =	swait.ge [sflag:s8], $0x8000  }
0x95: {  	[sflag:s8] =	ssyncset.done $0x0  }
0x96: {  	[sflag:s8] =	ssyncadd.s32 $0xFFFF8000  }
0x97: {  	_ =	swait.ge [sflag:s8], $0x8000  }
0x98: {  	[sflag:s8] =	ssyncset.done $0x0  }
0x99: {  	[sflag:s8] =	ssyncadd.s32 $0xFFFF8000  }
0x9a: {  	_ =	swait.ge [sflag:s8], $0x8000  }
0x9b: {  	[sflag:s8] =	ssyncset.done $0x0  }
0x9c: {  	[sflag:s8] =	ssyncadd.s32 $0xFFFF8000  }
0x9d: {  	_ =	swait.ge [sflag:s8], $0x8000  }
0x9e: {  	[sflag:s8] =	ssyncset.done $0x0  }
0x9f: {  	[sflag:s8] =	ssyncadd.s32 $0xFFFF8000  }
0xa0: {  	_ =	swait.ge [sflag:s8], $0x8000  }
0xa1: {  	[sflag:s8] =	ssyncset.done $0x0  }
0xa2: {  	[sflag:s8] =	ssyncadd.s32 $0xFFFF8000  }
0xa3: {  	_ =	swait.ge [sflag:s8], $0x8000  }
0xa4: {  	[sflag:s8] =	ssyncset.done $0x0  }
0xa5: {  	[sflag:s8] =	ssyncadd.s32 $0xFFFF8000  }
0xa6: {  	_ =	swait.ge [sflag:s8], $0x8000  }
0xa7: {  	[sflag:s8] =	ssyncset.done $0x0  }
0xa8: {  	[sflag:s8] =	ssyncadd.s32 $0xFFFF8000  }
0xa9: {  	_ =	swait.ge [sflag:s8], $0x8000  }
0xaa: {  	[sflag:s8] =	ssyncset.done $0x0  }
0xab: {  	[sflag:s8] =	ssyncadd.s32 $0xFFFF8000  }
0xac: {  	_ =	swait.ge [sflag:s8], $0x8000  }
0xad: {  	[sflag:s8] =	ssyncset.done $0x0  }
0xae: {  	[sflag:s8] =	ssyncadd.s32 $0xFFFF8000  }
0xaf: {  	_ =	swait.ge [sflag:s8], $0x8000  }
0xb0: {  	[sflag:s8] =	ssyncset.done $0x0  }
0xb1: {  	s15 =	sadd.s32 s14, s16;
	[sflag:s8] =	ssyncadd.s32 $0xFFFF8000  }
0xb2: {  	s19 =	sadd.s32 $0xF, s15;
	_ =	swait.ge [sflag:s8], $0x8000  }
0xb3: {  	s16 =	sand.u32 $0xF, s19;
	[sflag:s8] =	ssyncset.done $0x0  }
0xb4: {  	s20 =	sshra.s32 s19, $0x1F;
	p2 =	slt.s32 s19, $0x1;
	[sflag:s8] =	ssyncadd.s32 $0xFFFF8000  }
0xb5: {  	p1 =	sne.s32 s16, $0x0;
	s16 =	sshrl.u32 s20, $0x1C;
	_ =	swait.ge [sflag:s8], $0x8000  }
0xb6: {  	p1 =	por !p2, !p1;
	s14 =	sadd.s32 s16, s19;
	[sflag:s8] =	ssyncset.done $0x0  }
0xb7: {  	s16 =	simm.s32 $0x1;
	p1 =	por !p1, !p1;
	[sflag:s8] =	ssyncadd.s32 $0xFFFF8000  }
0xb8: {  	s14 =	sshra.s32 s14, $0x4;
	s16 =	simm.s32 @!p1 $0x0;
	[bflag:$0x0] =	sbarrier.arrive $0xFFFF  }
0xb9: {  	s14 =	ssub.s32 s14, s16;
	_ =	strace $0x9000004F  }
0xba: {  	p1 =	slt.s32 s14, $0x1;
	s18 =	rddreg [dreg:$0xe]  }
0xbb: {  	[tilespmem:s9], [sflag:$0x3] =	stream.linear.gather [hbm4b:s18+s3], $0x4000, $0x38;
	[tilespmem:$0x1C080] =	vst v63  }
.Ltmp2:
0xbc: {  	_ = 	snop;
	(pc) =	sbr.rel @p1 .LBB2_9-.Ltmp2, $4  }
0xbd: {  	_ =	swait.ge [sflag:s31], $0x4000  }
0xbe: {  	[sflag:s31] =	ssyncset.done $0x0  }
0xbf: {  	[sflag:s31] =	ssyncadd.s32 $0xFFFFC000  }
0xc0: {  	v7 =	vmov s15;
	_ =	strace $0x80000050  }
0xc1: {  	s15 =	simm.s32 $0x8000  }
0xc2: {  	v8 =	vld [tilespmem:s15+$0x0];
	_ =	sdelay $0x4  }
0xc3: {  	v9 =	vnsel vm0, $0x0, v8  }
0xc4: {  	(xrf0) =	vadd.scan.msk.s32 $0xffff, v9;
	_ =	sdelay $0x3  }
0xc5: {  	s16 =	simm.s32 $0x4000  }
0xc6: {  	v9 =	vld [tilespmem:s16+$0x0]  }
0xc7: {  	s18 =	simm.s32 $0x0;
	v10, _, _ =	vpop (xrf0)  }
0xc8: {  	v11 =	vor.u32 s18, v5;
	v10 =	vbroadcast v10, $0xF  }
0xc9: {  	vm2 =	vlt.s32 v11, v7  }
0xca: {  	v8 =	vsel vm2, v8, v10  }
0xcb: {  	v10 =	vnsel vm0, $0x0, v9;
	v8 =	vadd.s32 v0, v8  }
0xcc: {  	(xrf0) =	vadd.scan.msk.s32 $0xffff, v10;
	_ =	sdelay $0x2  }
0xcd: {  	p2 =	sne.s32 s14, $0x1  }
0xce: {  	[tilespmem:s30], [sflag:$0x1] =	stream.indirect_vreg.gather [hbm4b:s4+s3], $0x1, v8, vm1, $0x2000b8;
	[tilespmem:$0x1C080] =	vst v63  }
.Ltmp3:
0xcf: {  	_ =	swait.ge [sflag:s10], $0x10;
	(pc) =	sbr.rel @!p2 .LBB2_8-.Ltmp3, $4  }
0xd0: {  	v8, _, _ =	vpop (xrf0)  }
0xd1: {  	[sflag:s10] =	ssyncset.done $0x0;
	v8 =	vbroadcast v8, $0xF  }
0xd2: {  	[sflag:s10] =	ssyncadd.s32 $0xFFFFFFF0  }
0xd3: {  	s19 =	sadd.s32 $0xFFFFFFFF, s14;
	v8 =	vsel vm2, v9, v8;
	v9 =	vld [tilespmem:$0x1C000]  }
.LBB2_7:
0xd4: {  	_ =	sdelay $0x3  }
0xd5: {  	s16 =	sadd.s32 $0x10, s16;
	s15 =	sadd.s32 $0x10, s15;
	s18 =	sadd.s32 $0x10, s18;
	[tilespmem:v8+s9+$0x0] =	vst.idx.msk $0xffff, v9  }
0xd6: {  	p2 =	sne.s32 s19, $0x1;
	s19 =	sadd.s32 $0xFFFFFFFF, s19;
	v8 =	vld [tilespmem:s15+$0x0];
	_ =	sdelay $0x4  }
0xd7: {  	v9 =	vnsel vm0, $0x0, v8  }
0xd8: {  	(xrf0) =	vadd.scan.msk.s32 $0xffff, v9;
	_ =	sdelay $0x3  }
0xd9: {  	v9 =	vld [tilespmem:s16+$0x0];
	_ =	sdelay $0x1  }
0xda: {  	v10, _, _ =	vpop (xrf0)  }
0xdb: {  	v11 =	vor.u32 s18, v5;
	v10 =	vbroadcast v10, $0xF  }
0xdc: {  	vm2 =	vlt.s32 v11, v7  }
0xdd: {  	v11 =	vnsel vm0, $0x0, v9;
	v8 =	vsel vm2, v8, v10  }
0xde: {  	v8 =	vadd.s32 v0, v8;
	(xrf0) =	vadd.scan.msk.s32 $0xffff, v11;
	_ =	sdelay $0x4  }
0xdf: {  	[tilespmem:s30], [sflag:$0x1] =	stream.indirect_vreg.gather [hbm4b:s4+s3], $0x1, v8, vm1, $0x2000b8;
	[tilespmem:$0x1C080] =	vst v63  }
.Ltmp4:
0xe0: {  	_ =	swait.ge [sflag:s10], $0x10;
	(pc) =	sbr.rel @p2 .LBB2_7-.Ltmp4, $4  }
0xe1: {  	v8, _, _ =	vpop (xrf0)  }
0xe2: {  	v8 =	vbroadcast v8, $0xF;
	[sflag:s10] =	ssyncset.done $0x0  }
0xe3: {  	[sflag:s10] =	ssyncadd.s32 $0xFFFFFFF0  }
0xe4: {  	v8 =	vsel vm2, v9, v8;
	v9 =	vld [tilespmem:$0x1C000]  }
.LBB2_8:
0xe5: {  	_ =	sdelay $0x3  }
0xe6: {  	[tilespmem:v8+s9+$0x0] =	vst.idx.msk $0xffff, v9  }
.LBB2_9:
0xe7: {  	_ =	strace $0x90000050  }
0xe8: {  	s15 =	simm.s32 $0x0;
	_ =	strace $0x80000051  }
0xe9: {  	s16 =	simm.s32 $0x40;
	v8 =	vld [tilespmem:s15+$0x0]  }
.LBB2_10:
0xea: {  	p2 =	sne.s32 s16, $0xFFC0  }
.Ltmp5:
0xeb: {  	_ = 	snop;
	(pc) =	sbr.rel @p2 .LBB2_10-.Ltmp5, $3  }
0xec: {  	_ =	sdelay $0x1  }
0xed: {  	s18 =	sshra.s32 s16, $0x2;
	s16 =	sadd.s32 $0x40, s16;
	v9 =	vadd.s32 v1, v8  }
0xee: {  	v8 =	vld [tilespmem:s18+$0x0];
	[tilespmem:s15+$0xC000] =	vst v9;
	s15 =	smov.u32 s18  }
0xef: {  	_ =	sdelay $0x3  }
0xf0: {  	v8 =	vadd.s32 v1, v8  }
0xf1: {  	[tilespmem:s15+$0xC000] =	vst v8  }
0xf2: {  	_ =	strace $0x90000051  }
0xf3: {  	_ =	strace $0x80000052  }
0xf4: {  	[hbm4b:s5+s11] =	stream.indirect.scatter [tilespmem:s9], [sflag:$0x1], $0x1, s12, s11, $0x2000b8;
	[tilespmem:$0x1C080] =	vst v63  }
0xf5: {  	_ =	swait.ge [sflag:s10], $0x4000  }
0xf6: {  	[sflag:s10] =	ssyncset.done $0x0  }
0xf7: {  	[sflag:s10] =	ssyncadd.s32 $0xFFFFC000  }
0xf8: {  	_ =	strace $0x90000052  }
0xf9: {  	s20 =	rddreg [dreg:$0xf]  }
0xfa: {  	[tilespmem:s9], [sflag:$0x3] =	stream.linear.gather [hbm4b:s20+s3], $0x4000, $0x38;
	[tilespmem:$0x1C080] =	vst v63  }
.Ltmp6:
0xfb: {  	_ = 	snop;
	(pc) =	sbr.rel @p1 .LBB2_15-.Ltmp6, $4  }
0xfc: {  	_ =	swait.ge [sflag:s31], $0x4000  }
0xfd: {  	[sflag:s31] =	ssyncset.done $0x0  }
0xfe: {  	[sflag:s31] =	ssyncadd.s32 $0xFFFFC000  }
0xff: {  	_ =	strace $0x80000053  }
0x100: {  	s15 =	simm.s32 $0x8000  }
0x101: {  	v8 =	vld [tilespmem:s15+$0x0];
	_ =	sdelay $0x4  }
0x102: {  	v9 =	vnsel vm0, $0x0, v8  }
0x103: {  	(xrf0) =	vadd.scan.msk.s32 $0xffff, v9;
	_ =	sdelay $0x3  }
0x104: {  	s16 =	simm.s32 $0x4000  }
0x105: {  	v9 =	vld [tilespmem:s16+$0x0]  }
0x106: {  	s18 =	simm.s32 $0x0;
	v10, _, _ =	vpop (xrf0)  }
0x107: {  	v11 =	vor.u32 s18, v5;
	v10 =	vbroadcast v10, $0xF  }
0x108: {  	vm2 =	vlt.s32 v11, v7  }
0x109: {  	v8 =	vsel vm2, v8, v10  }
0x10a: {  	v10 =	vnsel vm0, $0x0, v9;
	v8 =	vadd.s32 v2, v8  }
0x10b: {  	(xrf0) =	vadd.scan.msk.s32 $0xffff, v10;
	_ =	sdelay $0x2  }
0x10c: {  	p1 =	sne.s32 s14, $0x1  }
0x10d: {  	[tilespmem:s30], [sflag:$0x1] =	stream.indirect_vreg.gather [hbm4b:s4+s3], $0x1, v8, vm1, $0x2000b8;
	[tilespmem:$0x1C080] =	vst v63  }
.Ltmp7:
0x10e: {  	_ =	swait.ge [sflag:s10], $0x10;
	(pc) =	sbr.rel @!p1 .LBB2_14-.Ltmp7, $4  }
0x10f: {  	v8, _, _ =	vpop (xrf0)  }
0x110: {  	[sflag:s10] =	ssyncset.done $0x0;
	v8 =	vbroadcast v8, $0xF  }
0x111: {  	[sflag:s10] =	ssyncadd.s32 $0xFFFFFFF0  }
0x112: {  	s14 =	sadd.s32 $0xFFFFFFFF, s14;
	v8 =	vsel vm2, v9, v8;
	v9 =	vld [tilespmem:$0x1C000]  }
.LBB2_13:
0x113: {  	_ =	sdelay $0x3  }
0x114: {  	s16 =	sadd.s32 $0x10, s16;
	s15 =	sadd.s32 $0x10, s15;
	s18 =	sadd.s32 $0x10, s18;
	[tilespmem:v8+s9+$0x0] =	vst.idx.msk $0xffff, v9  }
0x115: {  	p1 =	sne.s32 s14, $0x1;
	s14 =	sadd.s32 $0xFFFFFFFF, s14;
	v8 =	vld [tilespmem:s15+$0x0];
	_ =	sdelay $0x4  }
0x116: {  	v9 =	vnsel vm0, $0x0, v8  }
0x117: {  	(xrf0) =	vadd.scan.msk.s32 $0xffff, v9;
	_ =	sdelay $0x3  }
0x118: {  	v9 =	vld [tilespmem:s16+$0x0];
	_ =	sdelay $0x1  }
0x119: {  	v10, _, _ =	vpop (xrf0)  }
0x11a: {  	v11 =	vor.u32 s18, v5;
	v10 =	vbroadcast v10, $0xF  }
0x11b: {  	vm2 =	vlt.s32 v11, v7  }
0x11c: {  	v11 =	vnsel vm0, $0x0, v9;
	v8 =	vsel vm2, v8, v10  }
0x11d: {  	v8 =	vadd.s32 v2, v8;
	(xrf0) =	vadd.scan.msk.s32 $0xffff, v11;
	_ =	sdelay $0x4  }
0x11e: {  	[tilespmem:s30], [sflag:$0x1] =	stream.indirect_vreg.gather [hbm4b:s4+s3], $0x1, v8, vm1, $0x2000b8;
	[tilespmem:$0x1C080] =	vst v63  }
.Ltmp8:
0x11f: {  	_ =	swait.ge [sflag:s10], $0x10;
	(pc) =	sbr.rel @p1 .LBB2_13-.Ltmp8, $4  }
0x120: {  	v8, _, _ =	vpop (xrf0)  }
0x121: {  	v8 =	vbroadcast v8, $0xF;
	[sflag:s10] =	ssyncset.done $0x0  }
0x122: {  	[sflag:s10] =	ssyncadd.s32 $0xFFFFFFF0  }
0x123: {  	v8 =	vsel vm2, v9, v8;
	v9 =	vld [tilespmem:$0x1C000]  }
.LBB2_14:
0x124: {  	_ =	sdelay $0x3  }
0x125: {  	[tilespmem:v8+s9+$0x0] =	vst.idx.msk $0xffff, v9  }
.LBB2_15:
0x126: {  	_ =	strace $0x90000053  }
0x127: {  	s14 =	simm.s32 $0x0;
	_ =	strace $0x80000054  }
0x128: {  	s15 =	simm.s32 $0x40;
	v7 =	vld [tilespmem:s14+$0x0]  }
.LBB2_16:
0x129: {  	p1 =	sne.s32 s15, $0xFFC0  }
.Ltmp9:
0x12a: {  	_ = 	snop;
	(pc) =	sbr.rel @p1 .LBB2_16-.Ltmp9, $3  }
0x12b: {  	_ =	sdelay $0x1  }
0x12c: {  	s16 =	sshra.s32 s15, $0x2;
	s15 =	sadd.s32 $0x40, s15;
	v8 =	vadd.s32 v3, v7  }
0x12d: {  	v7 =	vld [tilespmem:s16+$0x0];
	[tilespmem:s14+$0xC000] =	vst v8;
	s14 =	smov.u32 s16  }
0x12e: {  	_ =	sdelay $0x3  }
0x12f: {  	v7 =	vadd.s32 v3, v7  }
0x130: {  	[tilespmem:s14+$0xC000] =	vst v7  }
0x131: {  	s13 =	sadd.s32 $0x1, s13;
	_ =	strace $0x90000054  }
0x132: {  	p1 =	sne.s32 s13, s21;
	_ =	strace $0x80000055  }
0x133: {  	[hbm4b:s5+s11] =	stream.indirect.scatter [tilespmem:s9], [sflag:$0x1], $0x1, s12, s11, $0x2000b8;
	[tilespmem:$0x1C080] =	vst v63  }
.Ltmp10:
0x134: {  	_ = 	snop;
	(pc) =	sbr.rel @p1 .LBB2_1-.Ltmp10, $4  }
0x135: {  	_ =	swait.ge [sflag:s10], $0x4000  }
0x136: {  	[sflag:s10] =	ssyncset.done $0x0  }
0x137: {  	[sflag:s10] =	ssyncadd.s32 $0xFFFFC000  }
0x138: {  	_ =	strace $0x90000055  }
0x139: {  	_ =	sfence.sel $0x180000  }
0x13a: {  	[bflag:$0x0] =	sbarrier.arrive $0xFFFF  }
0x13b: {  	_ =	strace $0x9000004D  }
0x13c: {  	s0 =	stileid.u32;
	[bflag:$0x2] =	sbarrier.arrive $0xFFFF  }
0x13d: {  	p0 =	sne.s32 s0, $0x0;
	s0 =	rddreg [dreg:$0x3]  }
0x13e: {  	s0 =	sadd.s32 @!p0 $0x100000, s0  }
0x13f: {  	[sflag:s0] =	ssyncadd.tile.s32 @!p0 $0x1;
	_ =	shalt  }
.Lfunc_end2:
_tile_overlayer_lowered:
.L_overlay_start_2:
0x140: {  	(tag) =	ssettag $0x2  }
0x141: {  	s0 =	rddreg [dreg:$0x0];
	s2 =	stileid.u32  }
0x142: {  	s1 =	rddreg [dreg:$0x1];
	p0 =	sne.s32 s2, $0x0  }
0x143: {  	s3 =	rddreg [dreg:$0x2];
	[bflag:$0x3] =	sbarrier.arrive $0xFFFF;
	s2 =	simm.s32 @!p0 $0x1C03  }
0x144: {  	[timem:s3], [sflag:s2] =	dma.local @!p0 [hbm:s0], s1  }
0x145: {  	s0 =	simm.s32 @!p0 $0x3  }
0x146: {  	_ =	swait.ge @!p0 [sflag:s0], s1  }
0x147: {  	s1 =	ssub.s32 @!p0 $0x0, s1;
	[sflag:s0] =	ssyncset.done @!p0 $0x0  }
0x148: {  	[sflag:s0] =	ssyncadd.s32 @!p0 s1  }
0x149: {  	[bflag:$0x3] =	sbarrier.arrive $0xFFFF  }
0x14a: {  	_ =	shalt  }

// kernel: kernel.6.cloned.1.call-start
scs
__scs_entry_jumppad:
0x0: {  	(pc) =	sbr.rel $0x88, $3  }
0x1: {  	(tag) =	ssettag $0x0;
	lr =	simm.s32 $0x1  }
0x2: {  	[smem:$0x3F98] =	sst lr;
	_ =	strace $0xD0000000  }
0x3: {  	_ = 	snop  }
0x4: {  	_ = 	snop  }
0x5: {  	_ = 	snop  }
0x6: {  	_ = 	snop  }
0x7: {  	_ = 	snop  }
__scs_overlays_trampoline_lowered:
0x8: {  	[smem:$0x3FA7] =	sst s0  }
0x9: {  	[smem:$0x3FA8] =	sst s1  }
0xa: {  	[smem:$0x3FA9] =	sst s2  }
0xb: {  	[smem:$0x3FAA] =	sst s3  }
0xc: {  	[smem:$0x3FAB] =	sst s4  }
0xd: {  	[smem:$0x3FAC] =	sst s5  }
0xe: {  	[smem:$0x3FAD] =	sst s6  }
0xf: {  	[smem:$0x3FAE] =	sst s7  }
0x10: {  	[smem:$0x3FAF] =	sst s8  }
0x11: {  	[smem:$0x3FB0] =	sst s9;
	s0 =	simm.s32 @!p0 $0x0  }
0x12: {  	s1 =	sld [smem:$0x3F96];
	s0 =	simm.s32 @p0 $0x1  }
0x13: {  	[smem:$0x3FB1] =	sst s0;
	s0 =	simm.s32 @!p1 $0x0  }
0x14: {  	s2 =	sld [smem:$0x3F95];
	s0 =	simm.s32 @p1 $0x1  }
0x15: {  	[smem:$0x3FB2] =	sst s0;
	s0 =	simm.s32 @!p2 $0x0  }
0x16: {  	s3 =	sld [smem:$0x3FDB];
	s0 =	simm.s32 @p2 $0x1  }
0x17: {  	s4 =	simm.s32 $0x1BF5;
	[smem:$0x3FB4] =	sst s0  }
0x18: {  	s0 =	sld [smem:$0x3F97];
	_ =	swait.ge [sflag:s4], $0x0  }
0x19: {  	s7 =	sld [smem:$0x3F98]  }
0x1a: {  	s8 =	sadd.s32 $0xFFFFE003, lr  }
0x1b: {  	s9 =	sadd.s32 $0xFFFFFEF7, lr;
	s5 =	simm.s32 $0xFFFFFFFF;
	p2 =	slt.u32 s8, $0xFFFFF086  }
0x1c: {  	p1 =	slt.u32 s9, $0xF7A;
	s5 =	simm.s32 @!p2 $0x0  }
0x1d: {  	s5 =	simm.s32 @p1 $0x1;
	p0 =	seq.s32 s7, s2  }
0x1e: {  	s7 =	smul.u32 @!p0 $0xF7A, s2;
	p2 =	seq.s32 @!p0 s5, $0x0  }
0x1f: {  	s9 =	smul.u32 $0xF7A, s1;
	s8 =	simm.s32 @!p0 $0x1BF5;
	p2 =	por !p2, p0  }
0x20: {  	[sflag:s8] =	ssyncset.s32 @!p0 $0xFFFFF086;
	s6 =	sadd.s32 @!p0 s3, s7;
	s7 =	simm.s32 @!p0 $0x108  }
0x21: {  	s3 =	sadd.s32 s3, s9;
	s6 =	sadd.s32 @!p0 $0x88, s6;
	s7 =	simm.s32 @p2 $0x1082  }
0x22: {  	[simem:s7], [sflag:s8] =	dma.local @!p0 [hbm:s6], $0xF7A  }
0x23: {  	s9 =	sor.u32 $0xD0000000, s2;
	s6 =	simm.s32 $0x108;
	_ =	swait.ge @!p0 [sflag:s8], $0x0  }
0x24: {  	s3 =	sadd.s32 $0x88, s3;
	s6 =	simm.s32 @!p1 $0x1082;
	[sflag:s4] =	ssyncset.s32 $0xFFFFF086  }
0x25: {  	[simem:s6], [sflag:s4] =	dma.local [hbm:s3], $0xF7A  }
0x26: {  	[smem:$0x3F98] =	sst s1;
	(tag) =	ssettag s2;
	_ =	strace s9  }
0x27: {  	s1 =	sld [smem:$0x3FA8]  }
0x28: {  	s2 =	sld [smem:$0x3FA9]  }
0x29: {  	s4 =	sld [smem:$0x3FAB]  }
0x2a: {  	p0 =	seq.s32 s5, $0x0;
	s5 =	sld [smem:$0x3FAC]  }
0x2b: {  	s6 =	sld [smem:$0x3FAD]  }
0x2c: {  	s7 =	sld [smem:$0x3FAE]  }
0x2d: {  	s3 =	simm.s32 $0x108;
	s8 =	sld [smem:$0x3FAF]  }
0x2e: {  	s3 =	simm.s32 @!p0 $0x1082;
	s9 =	sld [smem:$0x3FB0]  }
0x2f: {  	lr =	sadd.s32 s0, s3;
	s0 =	sld [smem:$0x3FA7]  }
0x30: {  	s3 =	sld [smem:$0x3FAA]  }
0x31: {  	[smem:$0x3FB3] =	sst s10  }
0x32: {  	s10 =	sld [smem:$0x3FB1];
	_ =	sdelay $0x3  }
0x33: {  	p0 =	seq.s32 s10, $0x1;
	s10 =	sld [smem:$0x3FB3];
	_ =	sdelay $0x3  }
0x34: {  	[smem:$0x3FB3] =	sst s10  }
0x35: {  	s10 =	sld [smem:$0x3FB2];
	_ =	sdelay $0x3  }
0x36: {  	p1 =	seq.s32 s10, $0x1;
	s10 =	sld [smem:$0x3FB3];
	_ =	sdelay $0x3  }
0x37: {  	[smem:$0x3FB3] =	sst s10  }
0x38: {  	s10 =	sld [smem:$0x3FB4]  }
0x39: {  	_ = 	snop;
	(pc) =	sbr.ind lr, $3  }
0x3a: {  	_ = 	snop  }
0x3b: {  	_ = 	snop  }
0x3c: {  	p2 =	seq.s32 s10, $0x1;
	s10 =	sld [smem:$0x3FB3]  }
0x3d: {  	_ =	shalt  }
0x3e: {  	_ =	shalt  }
0x3f: {  	_ =	shalt  }
0x40: {  	_ =	shalt  }
0x41: {  	_ =	shalt  }
0x42: {  	_ =	shalt  }
0x43: {  	_ =	shalt  }
0x44: {  	_ =	shalt  }
0x45: {  	_ =	shalt  }
0x46: {  	_ =	shalt  }
0x47: {  	_ =	shalt  }
0x48: {  	_ =	shalt  }
0x49: {  	_ =	shalt  }
0x4a: {  	_ =	shalt  }
0x4b: {  	_ =	shalt  }
0x4c: {  	_ =	shalt  }
0x4d: {  	_ =	shalt  }
0x4e: {  	_ =	shalt  }
0x4f: {  	_ =	shalt  }
0x50: {  	_ =	shalt  }
0x51: {  	_ =	shalt  }
0x52: {  	_ =	shalt  }
0x53: {  	_ =	shalt  }
0x54: {  	_ =	shalt  }
0x55: {  	_ =	shalt  }
0x56: {  	_ =	shalt  }
0x57: {  	_ =	shalt  }
0x58: {  	_ =	shalt  }
0x59: {  	_ =	shalt  }
0x5a: {  	_ =	shalt  }
0x5b: {  	_ =	shalt  }
0x5c: {  	_ =	shalt  }
0x5d: {  	_ =	shalt  }
0x5e: {  	_ =	shalt  }
0x5f: {  	_ =	shalt  }
0x60: {  	_ =	shalt  }
0x61: {  	_ =	shalt  }
0x62: {  	_ =	shalt  }
0x63: {  	_ =	shalt  }
0x64: {  	_ =	shalt  }
0x65: {  	_ =	shalt  }
0x66: {  	_ =	shalt  }
0x67: {  	_ =	shalt  }
0x68: {  	_ =	shalt  }
0x69: {  	_ =	shalt  }
0x6a: {  	_ =	shalt  }
0x6b: {  	_ =	shalt  }
0x6c: {  	_ =	shalt  }
0x6d: {  	_ =	shalt  }
0x6e: {  	_ =	shalt  }
0x6f: {  	_ =	shalt  }
0x70: {  	_ =	shalt  }
0x71: {  	_ =	shalt  }
0x72: {  	_ =	shalt  }
0x73: {  	_ =	shalt  }
0x74: {  	_ =	shalt  }
0x75: {  	_ =	shalt  }
0x76: {  	_ =	shalt  }
0x77: {  	_ =	shalt  }
0x78: {  	_ =	shalt  }
0x79: {  	_ =	shalt  }
0x7a: {  	_ =	shalt  }
0x7b: {  	_ =	shalt  }
0x7c: {  	_ =	shalt  }
0x7d: {  	_ =	shalt  }
0x7e: {  	_ =	shalt  }
0x7f: {  	_ =	shalt  }
0x80: {  	_ =	shalt  }
0x81: {  	_ =	shalt  }
0x82: {  	_ =	shalt  }
0x83: {  	_ =	shalt  }
0x84: {  	_ =	shalt  }
0x85: {  	_ =	shalt  }
0x86: {  	_ =	shalt  }
0x87: {  	_ =	shalt  }
.Lfunc_end0:
.L_simem_size_0:
called_computation_lowered:
.L_overlay_start_0:
0x88: {  	s2 =	sld [smem:$0x3FD9]  }
0x89: {  	s3 =	sld [smem:$0x3FFE];
	_ =	sdelay $0x1  }
0x8a: {  	s1 =	srdreg.scid  }
0x8b: {  	s0 =	sand.u32 $0x1, s1  }
0x8c: {  	s17 =	sshll.u32 s0, $0xA;
	s2 =	sadd.s32 s3, s2  }
0x8d: {  	s2 =	sadd.s32 s2, s17  }
0x8e: {  	[smem:$0x3FBF] =	sst s2  }
0x8f: {  	_ = 	snop  }
0x90: {  	s2 =	sld [smem:$0x3FC8];
	(tm) =	ssettm $0x1  }
0x91: {  	s18 =	sld [smem:$0x3FFB];
	_ =	sdelay $0x3  }
0x92: {  	_ =	strace s18  }
0x93: {  	s3 =	sld [smem:$0x3FFC];
	_ =	sdelay $0x3  }
0x94: {  	_ =	strace s3  }
0x95: {  	s3 =	sld [smem:$0x3FFD];
	_ =	sdelay $0x3  }
0x96: {  	_ =	strace s3  }
0x97: {  	_ =	strace $0x8FFFFFFF  }
0x98: {  	s19 =	sld [smem:$0x3FDB];
	_ =	sdelay $0x1  }
0x99: {  	s4 =	simm.s32 $_scs_section_size  }
0x9a: {  	s5 =	simm.s32 $_size__tile_overlayer_lowered;
	s6 =	simm.s32 $_tile_overlayer_lowered  }
0x9b: {  	s22 =	simm.s32 $0x1BFF;
	s21 =	sshll.u32 s6, $0x1;
	s3 =	sadd.s32 s4, s19  }
0x9c: {  	s7 =	simm.s32 $0x0;
	s20 =	sshll.u32 s5, $0x1;
	s5 =	sadd.s32 s21, s3  }
0x9d: {  	[timem:s7], [sflag:s22] =	dma.local [hbm:s5], s20  }
0x9e: {  	_ =	swait.ge [sflag:s22], s20  }
0x9f: {  	s4 =	ssub.s32 $0x0, s20;
	[sflag:s22] =	ssyncset.done $0x0  }
0xa0: {  	[sflag:s22] =	ssyncadd.s32 s4;
	_ =	sdelay $0x1  }
0xa1: {  	s23 =	simm.s32 $0x1B8B  }
0xa2: {  	_ =	swait.ge [sflag:s23], $0x1  }
0xa3: {  	[sflag:s23] =	ssyncset.done $0x0  }
0xa4: {  	s25 =	simm.s32 $0x1B8E;
	s24 =	sld [smem:$0x3FFE];
	[sflag:s23] =	ssyncadd.s32 $0xFFFFFFFF  }
0xa5: {  	s26 =	simm.s32 $execute0_lowered;
	[smem:$0x3FD2] =	sst s25  }
0xa6: {  	s5 =	sshll.u32 s26, $0x1;
	_ =	strace $0x80000046;
	[dreg:$0x1] =	wrdreg $0xFFFFFFFF  }
0xa7: {  	s28 =	simm.s32 $_size_execute0_lowered;
	s3 =	sadd.s32 s3, s5;
	[dreg:$0x0] =	wrdreg $0x0  }
0xa8: {  	s5 =	sshll.u32 s28, $0x1;
	[dreg:$0x2] =	wrdreg s3  }
0xa9: {  	[dreg:$0x3] =	wrdreg s5  }
0xaa: {  	[dreg:$0x4] =	wrdreg $0xC0  }
0xab: {  	_ =	task [dreg:s7], $0x5FFFF  }
0xac: {  	[dreg:$0x1] =	wrdreg $0xFFFFFFFF  }
0xad: {  	[dreg:$0x0] =	wrdreg $0x60  }
0xae: {  	[dreg:$0x2] =	wrdreg s24  }
0xaf: {  	[dreg:$0x3] =	wrdreg s2  }
0xb0: {  	[dreg:$0x4] =	wrdreg $0x9  }
0xb1: {  	_ =	task.clear_ibuf [dreg:s7], $0x5FFFF;
	_ =	strace $0x90000046  }
0xb2: {  	s29 =	simm.s32 $0x9;
	_ =	strace $0x80000048  }
0xb3: {  	_ =	swait.ge [sflag:s29], $0x1  }
0xb4: {  	[sflag:s29] =	ssyncadd.s32 $0xFFFFFFFF  }
0xb5: {  	_ =	strace $0x90000048  }
0xb6: {  	_ =	sfence  }
0xb7: {  	s30 =	sld [smem:$0x0];
	_ =	sdelay $0x2  }
0xb8: {  	s31 =	sshll.u32 s1, $0xD;
	s1 =	sshrl.u32 s1, $0x2  }
0xb9: {  	s3 =	sand.u32 $0x4000, s31;
	s1 =	sadd.s32 s1, s30  }
0xba: {  	s0 =	sor.u32 s3, s0;
	s1 =	sshll.u32 s1, $0x11  }
0xbb: {  	s0 =	sor.u32 s1, s0  }
0xbc: {  	s0 =	sadd.s32 $0x8F2B, s0  }
0xbd: {  	[sflag:s0] =	ssyncadd.remote.s32 $0x1  }
0xbe: {  	_ =	sfence.sel $0xFFFF  }
0xbf: {  	[dreg:$0x0] =	wrdreg $0xFFFFFFFF;
	(pc) =	sbr.abs _section_cstart, $3  }
0xc0: {  	[dreg:$0x1] =	wrdreg $0xFFFFFFFF  }
0xc1: {  	_ =	task.clear_ibuf [dreg:s7], $0x2FFFF;
	_ =	strace $0x9FFFFFFF  }
0xc2: {  	(tm) =	ssettm $0x7FFFFFFF  }
0xc3: {  	_ =	shalt  }
tec
execute0_lowered:
.L_overlay_start_1:
0x0: {  	(tag) =	ssettag $0x1  }
0x1: {  	s4 =	rddreg [dreg:$0x0]  }
0x2: {  	s5 =	rddreg [dreg:$0x1]  }
0x3: {  	s0 =	rddreg [dreg:$0x2];
	s2 =	simm.s32 $0x0;
	s3 =	srdreg.scid  }
0x4: {  	s1 =	stileid.u32;
	s12 =	simm.s32 $0x80;
	s13 =	simm.s32 $0x100  }
0x5: {  	s14 =	simm.s32 $0x6000;
	s15 =	simm.s32 $0x7000;
	s6 =	sand.u32 $0x1, s3  }
0x6: {  	s16 =	simm.s32 $0x0;
	s7 =	sshll.u32 s1, $0xD;
	s8 =	sshll.u32 s6, $0xC  }
0x7: {  	[smem:$0x7FF] =	sst s2;
	s3 =	sadd.s32 $0x1C00, s4;
	s7 =	sor.u32 s8, s7  }
0x8: {  	s6 =	ssub.s32 $0x2, s6;
	s8 =	sshrl.u32 s7, $0x1;
	s7 =	sshrl.u32 s7, $0x2  }
0x9: {  	s9 =	sshrl.u32 s6, $0x1;
	s10 =	sadd.s32 s8, s4;
	s4 =	sadd.s32 s5, s7  }
0xa: {  	_ =	strace $0x80000047;
	s11 =	ssub.s32 s6, s9;
	s5 =	sadd.s32 $0x10, s4  }
0xb: {  	s6 =	sadd.s32 $0x2800, s10;
	s7 =	sadd.s32 $0x2810, s10;
	s8 =	sadd.s32 $0x2820, s10  }
0xc: {  	s9 =	sadd.s32 $0x2830, s10;
	s10 =	smax.u32 s11, $0x1;
	s11 =	simm.s32 $0x1  }
.LBB2_1:
0xd: {  	[tilespmem:s2], [sflag:$0x1] =	stream.linear.gather [hbm4b:s3+s2], $0x6000, $0x38;
	[tilespmem:$0xC000] =	vst v63  }
0xe: {  	_ =	swait.ge [sflag:s11], $0x6000  }
0xf: {  	[sflag:s11] =	ssyncset.done $0x0  }
0x10: {  	[sflag:s11] =	ssyncadd.s32 $0xFFFFA000  }
0x11: {  	[tilespmem:s14], [sflag:$0x1] =	stream.strided.gather [hbm4b:s4+s12], $0x1000, s13, s12, $0x38;
	[tilespmem:$0xC000] =	vst v63  }
0x12: {  	_ =	swait.ge [sflag:s11], $0x1000  }
0x13: {  	[sflag:s11] =	ssyncset.done $0x0  }
0x14: {  	[sflag:s11] =	ssyncadd.s32 $0xFFFFF000  }
0x15: {  	[tilespmem:s15], [sflag:$0x1] =	stream.strided.gather [hbm4b:s5+s12], $0x1000, s13, s12, $0x38;
	[tilespmem:$0xC000] =	vst v63  }
0x16: {  	_ =	swait.ge [sflag:s11], $0x1000  }
0x17: {  	[sflag:s11] =	ssyncset.done $0x0  }
0x18: {  	s17 =	simm.s32 $0x0;
	s18 =	simm.s32 $0x0;
	[sflag:s11] =	ssyncadd.s32 $0xFFFFF000  }
.LBB2_2:
0x19: {  	s19 =	sshra.s32 s17, $0x2  }
0x1a: {  	v0 =	vld [tilespmem:s19+$0x6000]  }
0x1b: {  	v1 =	vld [tilespmem:s19+$0x7000];
	_ =	sdelay $0x3  }
0x1c: {  	v0 =	vmul.u32 $0x3, v0  }
0x1d: {  	v1 =	vmul.u32 $0x3, v1;
	_ =	sdelay $0x1  }
0x1e: {  	v2 =	vadd.s32 $0x1, v0  }
0x1f: {  	v3 =	vadd.s32 $0x1, v1  }
0x20: {  	v4 =	vadd.s32 $0x2, v0  }
0x21: {  	v6 =	vadd.s32 $0x2, v1;
	v5 =	vld.idx.msk [tilespmem:v0+s2+$0x0], $0xffff  }
0x22: {  	v7 =	vld.idx.msk [tilespmem:v1+s2+$0x0], $0xffff  }
0x23: {  	v2 =	vld.idx.msk [tilespmem:v2+s2+$0x0], $0xffff  }
0x24: {  	v3 =	vld.idx.msk [tilespmem:v3+s2+$0x0], $0xffff  }
0x25: {  	v4 =	vld.idx.msk [tilespmem:v4+s2+$0x0], $0xffff  }
0x26: {  	v6 =	vld.idx.msk [tilespmem:v6+s2+$0x0], $0xffff;
	_ =	sdelay $0x2  }
0x27: {  	v5 =	vsub.f32 v5, v7;
	v2 =	vsub.f32 v2, v3;
	_ =	sdelay $0x1  }
0x28: {  	v39 =	vsub.f32 v4, v6;
	v40 =	vmul.f32 v5, v5;
	v2 =	vmul.f32 v2, v2;
	_ =	sdelay $0x1  }
0x29: {  	v41 =	vadd.s32 $0x1800, v0;
	v3 =	vmul.f32 v39, v39;
	v2 =	vadd.f32 v2, v40  }
0x2a: {  	v42 =	vadd.s32 $0x1801, v0  }
0x2b: {  	s31 =	sand.u32 $0x70, s18;
	s20 =	sand.u32 $0x3E00, s17;
	v43 =	vadd.s32 $0x1800, v1;
	v2 =	vadd.f32 v3, v2  }
0x2c: {  	s19 =	sor.u32 s31, s20;
	v44 =	vadd.s32 $0x1801, v1  }
0x2d: {  	v45 =	vadd.s32 $0x1802, v0;
	[tilespmem:s19+$0x8000] =	vst v2  }
0x2e: {  	v46 =	vadd.s32 $0x1802, v1;
	v4 =	vld.idx.msk [tilespmem:v41+s2+$0x0], $0xffff  }
0x2f: {  	v5 =	vld.idx.msk [tilespmem:v42+s2+$0x0], $0xffff  }
0x30: {  	v3 =	vld.idx.msk [tilespmem:v43+s2+$0x0], $0xffff  }
0x31: {  	v6 =	vld.idx.msk [tilespmem:v44+s2+$0x0], $0xffff  }
0x32: {  	v2 =	vld.idx.msk [tilespmem:v45+s2+$0x0], $0xffff  }
0x33: {  	v7 =	vld.idx.msk [tilespmem:v46+s2+$0x0], $0xffff;
	_ =	sdelay $0x2  }
0x34: {  	v3 =	vsub.f32 v4, v3;
	v47 =	vsub.f32 v5, v6;
	_ =	sdelay $0x1  }
0x35: {  	v2 =	vsub.f32 v2, v7;
	v3 =	vmul.f32 v3, v3;
	v4 =	vmul.f32 v47, v47;
	_ =	sdelay $0x1  }
0x36: {  	v48 =	vadd.s32 $0x3000, v0;
	v2 =	vmul.f32 v2, v2;
	v3 =	vadd.f32 v4, v3  }
0x37: {  	v49 =	vadd.s32 $0x3001, v0  }
0x38: {  	v50 =	vadd.s32 $0x3000, v1;
	v2 =	vadd.f32 v2, v3  }
0x39: {  	v51 =	vadd.s32 $0x3001, v1  }
0x3a: {  	v52 =	vadd.s32 $0x3002, v0;
	[tilespmem:s19+$0x8080] =	vst v2  }
0x3b: {  	v53 =	vadd.s32 $0x3002, v1;
	v4 =	vld.idx.msk [tilespmem:v48+s2+$0x0], $0xffff  }
0x3c: {  	v5 =	vld.idx.msk [tilespmem:v49+s2+$0x0], $0xffff  }
0x3d: {  	v3 =	vld.idx.msk [tilespmem:v50+s2+$0x0], $0xffff  }
0x3e: {  	v6 =	vld.idx.msk [tilespmem:v51+s2+$0x0], $0xffff  }
0x3f: {  	v2 =	vld.idx.msk [tilespmem:v52+s2+$0x0], $0xffff  }
0x40: {  	v7 =	vld.idx.msk [tilespmem:v53+s2+$0x0], $0xffff;
	_ =	sdelay $0x2  }
0x41: {  	v3 =	vsub.f32 v4, v3;
	v54 =	vsub.f32 v5, v6;
	_ =	sdelay $0x1  }
0x42: {  	v2 =	vsub.f32 v2, v7;
	v3 =	vmul.f32 v3, v3;
	v4 =	vmul.f32 v54, v54;
	_ =	sdelay $0x1  }
0x43: {  	v55 =	vadd.s32 $0x4800, v0;
	v2 =	vmul.f32 v2, v2;
	v3 =	vadd.f32 v4, v3  }
0x44: {  	v56 =	vadd.s32 $0x4801, v0  }
0x45: {  	v57 =	vadd.s32 $0x4800, v1;
	v2 =	vadd.f32 v2, v3  }
0x46: {  	v58 =	vadd.s32 $0x4801, v1  }
0x47: {  	v0 =	vadd.s32 $0x4802, v0;
	[tilespmem:s19+$0x8100] =	vst v2  }
0x48: {  	v1 =	vadd.s32 $0x4802, v1;
	v2 =	vld.idx.msk [tilespmem:v55+s2+$0x0], $0xffff  }
0x49: {  	v59 =	vld.idx.msk [tilespmem:v56+s2+$0x0], $0xffff  }
0x4a: {  	v3 =	vld.idx.msk [tilespmem:v57+s2+$0x0], $0xffff  }
0x4b: {  	v60 =	vld.idx.msk [tilespmem:v58+s2+$0x0], $0xffff  }
0x4c: {  	v0 =	vld.idx.msk [tilespmem:v0+s2+$0x0], $0xffff  }
0x4d: {  	v1 =	vld.idx.msk [tilespmem:v1+s2+$0x0], $0xffff;
	_ =	sdelay $0x2  }
0x4e: {  	v2 =	vsub.f32 v2, v3;
	v61 =	vsub.f32 v59, v60;
	_ =	sdelay $0x1  }
0x4f: {  	v0 =	vsub.f32 v0, v1;
	v62 =	vmul.f32 v2, v2;
	v63 =	vmul.f32 v61, v61  }
0x50: {  	p0 =	sne.s32 s18, $0xFF0  }
.Ltmp0:
0x51: {  	v0 =	vmul.f32 v0, v0;
	v1 =	vadd.f32 v63, v62;
	(pc) =	sbr.rel @p0 .LBB2_2-.Ltmp0, $3  }
0x52: {  	_ = 	snop  }
0x53: {  	v0 =	vadd.f32 v0, v1;
	_ =	sdelay $0x1  }
0x54: {  	s17 =	sadd.s32 $0x40, s17;
	s18 =	sadd.s32 $0x10, s18;
	[tilespmem:s19+$0x8180] =	vst v0  }
0x55: {  	s17 =	simm.s32 $0x8000  }
0x56: {  	s18 =	simm.s32 $0x40;
	s20 =	sadd.s32 $0x0, s6;
	s19 =	simm.s32 $0x8200  }
.LBB2_4:
0x57: {  	[hbm4b:s20+s2] =	stream.linear.scatter [tilespmem:s17], [sflag:$0x1], $0x80, $0x38;
	[tilespmem:$0xC000] =	vst v63  }
0x58: {  	s20 =	smov.u32 s18;
	s17 =	smov.u32 s19;
	p0 =	sne.s32 s18, $0x7C0  }
.Ltmp1:
0x59: {  	s18 =	sadd.s32 $0x40, s18;
	(pc) =	sbr.rel @p0 .LBB2_4-.Ltmp1, $2  }
0x5a: {  	_ =	sdelay $0x2  }
0x5b: {  	s19 =	sadd.s32 $0x200, s19;
	s20 =	sadd.s32 s20, s6  }
0x5c: {  	[hbm4b:s20+s2] =	stream.linear.scatter [tilespmem:s17], [sflag:$0x1], $0x80, $0x38;
	[tilespmem:$0xC000] =	vst v63  }
0x5d: {  	_ =	swait.ge [sflag:s11], $0x1000  }
0x5e: {  	s17 =	simm.s32 $0x8080;
	s18 =	simm.s32 $0x40;
	[sflag:s11] =	ssyncset.done $0x0  }
0x5f: {  	s20 =	sadd.s32 $0x0, s7;
	s19 =	simm.s32 $0x8280;
	[sflag:s11] =	ssyncadd.s32 $0xFFFFF000  }
.LBB2_6:
0x60: {  	[hbm4b:s20+s2] =	stream.linear.scatter [tilespmem:s17], [sflag:$0x1], $0x80, $0x38;
	[tilespmem:$0xC000] =	vst v63  }
0x61: {  	s20 =	smov.u32 s18;
	s17 =	smov.u32 s19;
	p0 =	sne.s32 s18, $0x7C0  }
.Ltmp2:
0x62: {  	s18 =	sadd.s32 $0x40, s18;
	(pc) =	sbr.rel @p0 .LBB2_6-.Ltmp2, $2  }
0x63: {  	_ =	sdelay $0x2  }
0x64: {  	s19 =	sadd.s32 $0x200, s19;
	s20 =	sadd.s32 s20, s7  }
0x65: {  	[hbm4b:s20+s2] =	stream.linear.scatter [tilespmem:s17], [sflag:$0x1], $0x80, $0x38;
	[tilespmem:$0xC000] =	vst v63  }
0x66: {  	_ =	swait.ge [sflag:s11], $0x1000  }
0x67: {  	s17 =	simm.s32 $0x8100;
	s18 =	simm.s32 $0x40;
	[sflag:s11] =	ssyncset.done $0x0  }
0x68: {  	s20 =	sadd.s32 $0x0, s8;
	s19 =	simm.s32 $0x8300;
	[sflag:s11] =	ssyncadd.s32 $0xFFFFF000  }
.LBB2_8:
0x69: {  	[hbm4b:s20+s2] =	stream.linear.scatter [tilespmem:s17], [sflag:$0x1], $0x80, $0x38;
	[tilespmem:$0xC000] =	vst v63  }
0x6a: {  	s20 =	smov.u32 s18;
	s17 =	smov.u32 s19;
	p0 =	sne.s32 s18, $0x7C0  }
.Ltmp3:
0x6b: {  	s18 =	sadd.s32 $0x40, s18;
	(pc) =	sbr.rel @p0 .LBB2_8-.Ltmp3, $2  }
0x6c: {  	_ =	sdelay $0x2  }
0x6d: {  	s19 =	sadd.s32 $0x200, s19;
	s20 =	sadd.s32 s20, s8  }
0x6e: {  	[hbm4b:s20+s2] =	stream.linear.scatter [tilespmem:s17], [sflag:$0x1], $0x80, $0x38;
	[tilespmem:$0xC000] =	vst v63  }
0x6f: {  	_ =	swait.ge [sflag:s11], $0x1000  }
0x70: {  	s17 =	simm.s32 $0x8180;
	s18 =	simm.s32 $0x40;
	[sflag:s11] =	ssyncset.done $0x0  }
0x71: {  	s20 =	sadd.s32 $0x0, s9;
	s19 =	simm.s32 $0x8380;
	[sflag:s11] =	ssyncadd.s32 $0xFFFFF000  }
.LBB2_10:
0x72: {  	[hbm4b:s20+s2] =	stream.linear.scatter [tilespmem:s17], [sflag:$0x1], $0x80, $0x38;
	[tilespmem:$0xC000] =	vst v63  }
0x73: {  	s20 =	smov.u32 s18;
	s17 =	smov.u32 s19;
	p0 =	sne.s32 s18, $0x7C0  }
.Ltmp4:
0x74: {  	s18 =	sadd.s32 $0x40, s18;
	(pc) =	sbr.rel @p0 .LBB2_10-.Ltmp4, $2  }
0x75: {  	_ =	sdelay $0x2  }
0x76: {  	s19 =	sadd.s32 $0x200, s19;
	s20 =	sadd.s32 s20, s9  }
0x77: {  	s16 =	sadd.s32 $0x1, s16  }
0x78: {  	p0 =	sne.s32 s16, s10  }
.Ltmp5:
0x79: {  	_ = 	snop;
	(pc) =	sbr.rel @p0 .LBB2_1-.Ltmp5, $4  }
0x7a: {  	[hbm4b:s20+s2] =	stream.linear.scatter [tilespmem:s17], [sflag:$0x1], $0x80, $0x38;
	[tilespmem:$0xC000] =	vst v63  }
0x7b: {  	_ =	swait.ge [sflag:s11], $0x1000  }
0x7c: {  	[sflag:s11] =	ssyncset.done $0x0  }
0x7d: {  	[sflag:s11] =	ssyncadd.s32 $0xFFFFF000  }
0x7e: {  	_ =	sfence.sel $0x180000  }
0x7f: {  	[bflag:$0x0] =	sbarrier.arrive $0xFFFF  }
0x80: {  	p0 =	sne.s32 s1, $0x0;
	_ =	strace $0x90000047  }
0x81: {  	s0 =	sadd.s32 @!p0 $0x100000, s0;
	[bflag:$0x2] =	sbarrier.arrive $0xFFFF  }
0x82: {  	[sflag:s0] =	ssyncadd.tile.s32 @!p0 $0x1;
	_ =	shalt  }
.Lfunc_end2:
_tile_overlayer_lowered:
.L_overlay_start_2:
0x83: {  	(tag) =	ssettag $0x2  }
0x84: {  	s0 =	rddreg [dreg:$0x0];
	s2 =	stileid.u32  }
0x85: {  	s1 =	rddreg [dreg:$0x1];
	p0 =	sne.s32 s2, $0x0  }
0x86: {  	s3 =	rddreg [dreg:$0x2];
	[bflag:$0x3] =	sbarrier.arrive $0xFFFF;
	s2 =	simm.s32 @!p0 $0x1C01  }
0x87: {  	[timem:s3], [sflag:s2] =	dma.local @!p0 [hbm:s0], s1  }
0x88: {  	s0 =	simm.s32 @!p0 $0x1  }
0x89: {  	_ =	swait.ge @!p0 [sflag:s0], s1  }
0x8a: {  	s1 =	ssub.s32 @!p0 $0x0, s1;
	[sflag:s0] =	ssyncset.done @!p0 $0x0  }
0x8b: {  	[sflag:s0] =	ssyncadd.s32 @!p0 s1  }
0x8c: {  	[bflag:$0x3] =	sbarrier.arrive $0xFFFF  }
0x8d: {  	_ =	shalt  }

// kernel: kernel.9.cloned.1.call-start
scs
__scs_entry_jumppad:
0x0: {  	(pc) =	sbr.rel $0x88, $3  }
0x1: {  	(tag) =	ssettag $0x0;
	lr =	simm.s32 $0x1  }
0x2: {  	[smem:$0x3F98] =	sst lr;
	_ =	strace $0xD0000000  }
0x3: {  	_ = 	snop  }
0x4: {  	_ = 	snop  }
0x5: {  	_ = 	snop  }
0x6: {  	_ = 	snop  }
0x7: {  	_ = 	snop  }
__scs_overlays_trampoline_lowered:
0x8: {  	[smem:$0x3FA7] =	sst s0  }
0x9: {  	[smem:$0x3FA8] =	sst s1  }
0xa: {  	[smem:$0x3FA9] =	sst s2  }
0xb: {  	[smem:$0x3FAA] =	sst s3  }
0xc: {  	[smem:$0x3FAB] =	sst s4  }
0xd: {  	[smem:$0x3FAC] =	sst s5  }
0xe: {  	[smem:$0x3FAD] =	sst s6  }
0xf: {  	[smem:$0x3FAE] =	sst s7  }
0x10: {  	[smem:$0x3FAF] =	sst s8  }
0x11: {  	[smem:$0x3FB0] =	sst s9;
	s0 =	simm.s32 @!p0 $0x0  }
0x12: {  	s1 =	sld [smem:$0x3F96];
	s0 =	simm.s32 @p0 $0x1  }
0x13: {  	[smem:$0x3FB1] =	sst s0;
	s0 =	simm.s32 @!p1 $0x0  }
0x14: {  	s2 =	sld [smem:$0x3F95];
	s0 =	simm.s32 @p1 $0x1  }
0x15: {  	[smem:$0x3FB2] =	sst s0;
	s0 =	simm.s32 @!p2 $0x0  }
0x16: {  	s3 =	sld [smem:$0x3FDB];
	s0 =	simm.s32 @p2 $0x1  }
0x17: {  	s4 =	simm.s32 $0x1BF5;
	[smem:$0x3FB4] =	sst s0  }
0x18: {  	s0 =	sld [smem:$0x3F97];
	_ =	swait.ge [sflag:s4], $0x0  }
0x19: {  	s7 =	sld [smem:$0x3F98]  }
0x1a: {  	s8 =	sadd.s32 $0xFFFFE003, lr  }
0x1b: {  	s9 =	sadd.s32 $0xFFFFFEF7, lr;
	s5 =	simm.s32 $0xFFFFFFFF;
	p2 =	slt.u32 s8, $0xFFFFF086  }
0x1c: {  	p1 =	slt.u32 s9, $0xF7A;
	s5 =	simm.s32 @!p2 $0x0  }
0x1d: {  	s5 =	simm.s32 @p1 $0x1;
	p0 =	seq.s32 s7, s2  }
0x1e: {  	s7 =	smul.u32 @!p0 $0xF7A, s2;
	p2 =	seq.s32 @!p0 s5, $0x0  }
0x1f: {  	s9 =	smul.u32 $0xF7A, s1;
	s8 =	simm.s32 @!p0 $0x1BF5;
	p2 =	por !p2, p0  }
0x20: {  	[sflag:s8] =	ssyncset.s32 @!p0 $0xFFFFF086;
	s6 =	sadd.s32 @!p0 s3, s7;
	s7 =	simm.s32 @!p0 $0x108  }
0x21: {  	s3 =	sadd.s32 s3, s9;
	s6 =	sadd.s32 @!p0 $0x88, s6;
	s7 =	simm.s32 @p2 $0x1082  }
0x22: {  	[simem:s7], [sflag:s8] =	dma.local @!p0 [hbm:s6], $0xF7A  }
0x23: {  	s9 =	sor.u32 $0xD0000000, s2;
	s6 =	simm.s32 $0x108;
	_ =	swait.ge @!p0 [sflag:s8], $0x0  }
0x24: {  	s3 =	sadd.s32 $0x88, s3;
	s6 =	simm.s32 @!p1 $0x1082;
	[sflag:s4] =	ssyncset.s32 $0xFFFFF086  }
0x25: {  	[simem:s6], [sflag:s4] =	dma.local [hbm:s3], $0xF7A  }
0x26: {  	[smem:$0x3F98] =	sst s1;
	(tag) =	ssettag s2;
	_ =	strace s9  }
0x27: {  	s1 =	sld [smem:$0x3FA8]  }
0x28: {  	s2 =	sld [smem:$0x3FA9]  }
0x29: {  	s4 =	sld [smem:$0x3FAB]  }
0x2a: {  	p0 =	seq.s32 s5, $0x0;
	s5 =	sld [smem:$0x3FAC]  }
0x2b: {  	s6 =	sld [smem:$0x3FAD]  }
0x2c: {  	s7 =	sld [smem:$0x3FAE]  }
0x2d: {  	s3 =	simm.s32 $0x108;
	s8 =	sld [smem:$0x3FAF]  }
0x2e: {  	s3 =	simm.s32 @!p0 $0x1082;
	s9 =	sld [smem:$0x3FB0]  }
0x2f: {  	lr =	sadd.s32 s0, s3;
	s0 =	sld [smem:$0x3FA7]  }
0x30: {  	s3 =	sld [smem:$0x3FAA]  }
0x31: {  	[smem:$0x3FB3] =	sst s10  }
0x32: {  	s10 =	sld [smem:$0x3FB1];
	_ =	sdelay $0x3  }
0x33: {  	p0 =	seq.s32 s10, $0x1;
	s10 =	sld [smem:$0x3FB3];
	_ =	sdelay $0x3  }
0x34: {  	[smem:$0x3FB3] =	sst s10  }
0x35: {  	s10 =	sld [smem:$0x3FB2];
	_ =	sdelay $0x3  }
0x36: {  	p1 =	seq.s32 s10, $0x1;
	s10 =	sld [smem:$0x3FB3];
	_ =	sdelay $0x3  }
0x37: {  	[smem:$0x3FB3] =	sst s10  }
0x38: {  	s10 =	sld [smem:$0x3FB4]  }
0x39: {  	_ = 	snop;
	(pc) =	sbr.ind lr, $3  }
0x3a: {  	_ = 	snop  }
0x3b: {  	_ = 	snop  }
0x3c: {  	p2 =	seq.s32 s10, $0x1;
	s10 =	sld [smem:$0x3FB3]  }
0x3d: {  	_ =	shalt  }
0x3e: {  	_ =	shalt  }
0x3f: {  	_ =	shalt  }
0x40: {  	_ =	shalt  }
0x41: {  	_ =	shalt  }
0x42: {  	_ =	shalt  }
0x43: {  	_ =	shalt  }
0x44: {  	_ =	shalt  }
0x45: {  	_ =	shalt  }
0x46: {  	_ =	shalt  }
0x47: {  	_ =	shalt  }
0x48: {  	_ =	shalt  }
0x49: {  	_ =	shalt  }
0x4a: {  	_ =	shalt  }
0x4b: {  	_ =	shalt  }
0x4c: {  	_ =	shalt  }
0x4d: {  	_ =	shalt  }
0x4e: {  	_ =	shalt  }
0x4f: {  	_ =	shalt  }
0x50: {  	_ =	shalt  }
0x51: {  	_ =	shalt  }
0x52: {  	_ =	shalt  }
0x53: {  	_ =	shalt  }
0x54: {  	_ =	shalt  }
0x55: {  	_ =	shalt  }
0x56: {  	_ =	shalt  }
0x57: {  	_ =	shalt  }
0x58: {  	_ =	shalt  }
0x59: {  	_ =	shalt  }
0x5a: {  	_ =	shalt  }
0x5b: {  	_ =	shalt  }
0x5c: {  	_ =	shalt  }
0x5d: {  	_ =	shalt  }
0x5e: {  	_ =	shalt  }
0x5f: {  	_ =	shalt  }
0x60: {  	_ =	shalt  }
0x61: {  	_ =	shalt  }
0x62: {  	_ =	shalt  }
0x63: {  	_ =	shalt  }
0x64: {  	_ =	shalt  }
0x65: {  	_ =	shalt  }
0x66: {  	_ =	shalt  }
0x67: {  	_ =	shalt  }
0x68: {  	_ =	shalt  }
0x69: {  	_ =	shalt  }
0x6a: {  	_ =	shalt  }
0x6b: {  	_ =	shalt  }
0x6c: {  	_ =	shalt  }
0x6d: {  	_ =	shalt  }
0x6e: {  	_ =	shalt  }
0x6f: {  	_ =	shalt  }
0x70: {  	_ =	shalt  }
0x71: {  	_ =	shalt  }
0x72: {  	_ =	shalt  }
0x73: {  	_ =	shalt  }
0x74: {  	_ =	shalt  }
0x75: {  	_ =	shalt  }
0x76: {  	_ =	shalt  }
0x77: {  	_ =	shalt  }
0x78: {  	_ =	shalt  }
0x79: {  	_ =	shalt  }
0x7a: {  	_ =	shalt  }
0x7b: {  	_ =	shalt  }
0x7c: {  	_ =	shalt  }
0x7d: {  	_ =	shalt  }
0x7e: {  	_ =	shalt  }
0x7f: {  	_ =	shalt  }
0x80: {  	_ =	shalt  }
0x81: {  	_ =	shalt  }
0x82: {  	_ =	shalt  }
0x83: {  	_ =	shalt  }
0x84: {  	_ =	shalt  }
0x85: {  	_ =	shalt  }
0x86: {  	_ =	shalt  }
0x87: {  	_ =	shalt  }
.Lfunc_end0:
.L_simem_size_0:
called_computation.1_lowered:
.L_overlay_start_0:
0x88: {  	s2 =	sld [smem:$0x3FD9]  }
0x89: {  	s3 =	sld [smem:$0x3FFE];
	_ =	sdelay $0x1  }
0x8a: {  	s1 =	srdreg.scid  }
0x8b: {  	s0 =	sand.u32 $0x1, s1  }
0x8c: {  	s17 =	sshll.u32 s0, $0xA;
	s2 =	sadd.s32 s3, s2  }
0x8d: {  	s2 =	sadd.s32 s2, s17  }
0x8e: {  	[smem:$0x3FBF] =	sst s2  }
0x8f: {  	_ = 	snop  }
0x90: {  	s4 =	sld [smem:$0x3FC8]  }
0x91: {  	s18 =	sld [smem:$0x3FD0];
	(tm) =	ssettm $0x1  }
0x92: {  	s19 =	sld [smem:$0x3FFB];
	_ =	sdelay $0x3  }
0x93: {  	_ =	strace s19  }
0x94: {  	s2 =	sld [smem:$0x3FFC];
	_ =	sdelay $0x3  }
0x95: {  	_ =	strace s2  }
0x96: {  	s2 =	sld [smem:$0x3FFD];
	_ =	sdelay $0x3  }
0x97: {  	_ =	strace s2  }
0x98: {  	_ =	strace $0x8FFFFFFF  }
0x99: {  	s20 =	sld [smem:$0x3FDB];
	_ =	sdelay $0x1  }
0x9a: {  	s5 =	simm.s32 $_scs_section_size  }
0x9b: {  	s6 =	simm.s32 $_size__tile_overlayer_lowered;
	s7 =	simm.s32 $_tile_overlayer_lowered  }
0x9c: {  	s8 =	simm.s32 $0x1BFF;
	s21 =	sshll.u32 s7, $0x1;
	s5 =	sadd.s32 s5, s20  }
0x9d: {  	s22 =	simm.s32 $0x0;
	s6 =	sshll.u32 s6, $0x1;
	s7 =	sadd.s32 s21, s5  }
0x9e: {  	[timem:s22], [sflag:s8] =	dma.local [hbm:s7], s6  }
0x9f: {  	_ =	swait.ge [sflag:s8], s6  }
0xa0: {  	s6 =	ssub.s32 $0x0, s6;
	[sflag:s8] =	ssyncset.done $0x0  }
0xa1: {  	[sflag:s8] =	ssyncadd.s32 s6;
	_ =	sdelay $0x1  }
0xa2: {  	s23 =	simm.s32 $0x1B8B  }
0xa3: {  	_ =	swait.ge [sflag:s23], $0x1  }
0xa4: {  	[sflag:s23] =	ssyncset.done $0x0  }
0xa5: {  	[sflag:s23] =	ssyncadd.s32 $0xFFFFFFFF  }
0xa6: {  	s6 =	sld [smem:$0x0]  }
0xa7: {  	s7 =	sand.u32 $0xFFFFFFFE, s1  }
0xa8: {  	p0 =	sne.s32 s1, s7  }
0xa9: {  	s7 =	sshll.u32 @p0 s7, $0xE  }
0xaa: {  	s7 =	sadd.s32 @p0 $0x11B8D, s7;
	s8 =	sshll.u32 @p0 s6, $0x11  }
0xab: {  	s7 =	sor.u32 @p0 s8, s7  }
0xac: {  	[sflag:s7] =	ssyncadd.remote.s32 @p0 $0x1;
	_ =	sdelay $0x1  }
0xad: {  	s7 =	simm.s32 @p0 $0x1B8D  }
0xae: {  	_ =	swait.eq @p0 [sflag:s7], $0x1  }
0xaf: {  	[sflag:s7] =	ssyncadd.s32 @p0 $0xFFFFFFFF  }
0xb0: {  	s8 =	sshll.u32 @!p0 s1, $0xE  }
0xb1: {  	s8 =	sor.u32 @!p0 $0x4000, s8;
	s7 =	simm.s32 @!p0 $0x1B8D  }
0xb2: {  	s6 =	sshll.u32 @!p0 s6, $0x11;
	s8 =	sadd.s32 @!p0 $0x11B8D, s8;
	_ =	swait.eq @!p0 [sflag:s7], $0x1  }
0xb3: {  	s6 =	sor.u32 @!p0 s6, s8;
	[sflag:s7] =	ssyncadd.s32 @!p0 $0xFFFFFFFF  }
0xb4: {  	s25 =	simm.s32 $0x1B8E;
	s24 =	sld [smem:$0x3FFE];
	[sflag:s6] =	ssyncadd.remote.s32 @!p0 $0x1  }
0xb5: {  	s26 =	simm.s32 $execute0_lowered;
	[smem:$0x3FD2] =	sst s25  }
0xb6: {  	s7 =	sshll.u32 s26, $0x1;
	_ =	strace $0x80000049;
	[dreg:$0x1] =	wrdreg $0xFFFFFFFF  }
0xb7: {  	s28 =	simm.s32 $_size_execute0_lowered;
	s5 =	sadd.s32 s5, s7;
	[dreg:$0x0] =	wrdreg $0x0  }
0xb8: {  	s7 =	sshll.u32 s28, $0x1;
	[dreg:$0x2] =	wrdreg s5  }
0xb9: {  	[dreg:$0x3] =	wrdreg s7  }
0xba: {  	[dreg:$0x4] =	wrdreg $0xC0  }
0xbb: {  	_ =	task [dreg:s22], $0x5FFFF  }
0xbc: {  	[dreg:$0x1] =	wrdreg $0xFFFFFFFF  }
0xbd: {  	[dreg:$0x0] =	wrdreg $0x60  }
0xbe: {  	[dreg:$0x2] =	wrdreg s4  }
0xbf: {  	[dreg:$0x3] =	wrdreg s24  }
0xc0: {  	[dreg:$0x4] =	wrdreg s18  }
0xc1: {  	[dreg:$0x5] =	wrdreg $0xA  }
0xc2: {  	_ =	task.clear_ibuf [dreg:s22], $0x6FFFF;
	_ =	strace $0x90000049  }
0xc3: {  	s29 =	simm.s32 $0xA;
	_ =	strace $0x8000004B  }
0xc4: {  	_ =	swait.ge [sflag:s29], $0x1  }
0xc5: {  	[sflag:s29] =	ssyncadd.s32 $0xFFFFFFFF  }
0xc6: {  	_ =	strace $0x9000004B  }
0xc7: {  	_ =	sfence  }
0xc8: {  	s30 =	sld [smem:$0x0];
	_ =	sdelay $0x2  }
0xc9: {  	s31 =	sshll.u32 s1, $0xD;
	s1 =	sshrl.u32 s1, $0x2  }
0xca: {  	s4 =	sand.u32 $0x4000, s31;
	s1 =	sadd.s32 s1, s30  }
0xcb: {  	s0 =	sor.u32 s4, s0;
	s1 =	sshll.u32 s1, $0x11  }
0xcc: {  	s0 =	sor.u32 s1, s0  }
0xcd: {  	s0 =	sadd.s32 $0x8F2B, s0  }
0xce: {  	[sflag:s0] =	ssyncadd.remote.s32 $0x1  }
0xcf: {  	_ =	sfence.sel $0xFFFF  }
0xd0: {  	[dreg:$0x0] =	wrdreg $0xFFFFFFFF;
	(pc) =	sbr.abs _section_cstart, $3  }
0xd1: {  	[dreg:$0x1] =	wrdreg $0xFFFFFFFF  }
0xd2: {  	_ =	task.clear_ibuf [dreg:s22], $0x2FFFF;
	_ =	strace $0x9FFFFFFF  }
0xd3: {  	(tm) =	ssettm $0x7FFFFFFF  }
tec
execute0_lowered:
.L_overlay_start_1:
0x0: {  	(tag) =	ssettag $0x1  }
0x1: {  	s1 =	srdreg.scid  }
0x2: {  	s1 =	sand.u32 $0x1, s1  }
0x3: {  	p0 =	seq.s32 s1, $0x1  }
.Ltmp0:
0x4: {  	s4 =	rddreg [dreg:$0x0];
	(pc) =	sbr.rel @p0 .LBB2_40-.Ltmp0, $4  }
0x5: {  	s3 =	rddreg [dreg:$0x1]  }
0x6: {  	s2 =	rddreg [dreg:$0x2];
	s5 =	simm.s32 $0x0  }
0x7: {  	[smem:$0x7FF] =	sst s5  }
0x8: {  	s0 =	rddreg [dreg:$0x3];
	_ =	strace $0x8000004A;
	s1 =	stileid.u32  }
0x9: {  	s6 =	sshll.u32 s1, $0xF  }
0xa: {  	p0 =	slt.u32 s1, $0x8;
	s7 =	sadd.s32 $0xFFFC0000, s6  }
0xb: {  	s7 =	smov.u32 @p0 s6  }
0xc: {  	s26 =	simm.s32 $0x80;
	s6 =	sshrl.u32 s7, $0x3  }
0xd: {  	s28 =	simm.s32 $0x100;
	s29 =	simm.s32 $0x2;
	s4 =	sadd.s32 s4, s6  }
0xe: {  	[tilespmem:s5], [sflag:$0x2] =	stream.strided.gather [hbm4b:s4+s26], $0x4000, s28, s26, $0x38;
	[tilespmem:$0x14080] =	vst v63  }
0xf: {  	_ =	swait.ge [sflag:s29], $0x4000  }
0x10: {  	[sflag:s29] =	ssyncset.done $0x0  }
0x11: {  	s8 =	simm.s32 $0x4000;
	s4 =	sadd.s32 $0x10, s4;
	[sflag:s29] =	ssyncadd.s32 $0xFFFFC000  }
0x12: {  	[tilespmem:s8], [sflag:$0x2] =	stream.strided.gather [hbm4b:s4+s26], $0x4000, s28, s26, $0x38;
	[tilespmem:$0x14080] =	vst v63  }
0x13: {  	_ =	swait.ge [sflag:s29], $0x4000  }
0x14: {  	[sflag:s29] =	ssyncset.done $0x0  }
0x15: {  	s30 =	sshll.u32 s1, $0xE;
	v0 =	vlaneseq.u32;
	s4 =	simm.s32 $0x0;
	[sflag:s29] =	ssyncadd.s32 $0xFFFFC000  }
0x16: {  	v2 =	vor.u32 s30, v0;
	v1 =	vld [tilespmem:s4+$0x0]  }
0x17: {  	[tilespmem:s4+$0xC000] =	vst v2;
	v2 =	vld [tilespmem:s4+$0x4000]  }
0x18: {  	s31 =	sshll.u32 s1, $0xB  }
0x19: {  	s3 =	sadd.s32 s31, s3  }
0x1a: {  	s3 =	sadd.s32 $0x12800, s3;
	s6 =	sadd.s32 $0x10, s30;
	s5 =	simm.s32 $0x40  }
.LBB2_2:
0x1b: {  	s7 =	sshra.s32 s5, $0x2;
	v3 =	vor.u32 s6, v0;
	v4 =	vmov v1;
	p1 =	sne.s32 s5, $0xFFC0  }
.Ltmp1:
0x1c: {  	s5 =	sadd.s32 $0x40, s5;
	v1 =	vld [tilespmem:s7+$0x0];
	[tilespmem:s7+$0xC000] =	vst v3;
	v3 =	vshll.u32 v4, $0xB;
	v5 =	vshll.u32 v2, $0xB;
	(pc) =	sbr.rel @p1 .LBB2_2-.Ltmp1, $4  }
0x1d: {  	v3 =	vadd.s32 v2, v3;
	v2 =	vld [tilespmem:s7+$0x4000];
	v4 =	vadd.s32 v4, v5  }
0x1e: {  	v3 =	vpsel p0, v3, v4  }
0x1f: {  	[tilespmem:s4+$0x8000] =	vst v3;
	s4 =	smov.u32 s7  }
0x20: {  	s6 =	sadd.s32 $0x10, s6  }
0x21: {  	_ = 	snop  }
0x22: {  	v0 =	vshll.u32 v1, $0xB;
	v3 =	vshll.u32 v2, $0xB  }
0x23: {  	v0 =	vadd.s32 v2, v0;
	v1 =	vadd.s32 v1, v3  }
0x24: {  	s29 =	simm.s32 $0x4000;
	v0 =	vpsel p0, v0, v1  }
0x25: {  	s5 =	simm.s32 $0x8000;
	s6 =	simm.s32 $0xC000;
	s30 =	simm.s32 $0x1;
	[tilespmem:s4+$0x8000] =	vst v0  }
0x26: {  	[hbm4b:s2+s29] =	stream.indirect.scatter [tilespmem:s6], [sflag:$0x1], $0x1, s5, s29, $0xb8;
	[tilespmem:$0x14080] =	vst v63  }
0x27: {  	_ =	swait.ge [sflag:s30], $0x4000  }
0x28: {  	[sflag:s30] =	ssyncset.done $0x0  }
0x29: {  	[sflag:s30] =	ssyncadd.s32 $0xFFFFC000  }
0x2a: {  	s7 =	simm.s32 $0x10000;
	[bflag:$0x0] =	sbarrier.arrive $0xFFFF  }
0x2b: {  	[tilespmem:s7], [sflag:$0x1] =	stream.indirect.gather [hbm4b:s2+s29], $0x1, s5, s29, $0xb8;
	[tilespmem:$0x14080] =	vst v63  }
0x2c: {  	_ =	swait.ge [sflag:s30], $0x4000  }
0x2d: {  	[sflag:s30] =	ssyncset.done $0x0  }
0x2e: {  	s31 =	simm.s32 $0x0;
	[sflag:s30] =	ssyncadd.s32 $0xFFFFC000  }
0x2f: {  	v1 =	vld [tilespmem:s31+$0x10000]  }
0x30: {  	v2 =	vld [tilespmem:s31+$0xC000];
	_ =	sdelay $0x4  }
0x31: {  	v0 =	vimm.s32 $0x0;
	vm0 =	vlt.s32 v1, v2  }
0x32: {  	v1 =	vsel vm0, $0x1, v0  }
0x33: {  	(xrf0) =	vadd.scan.msk.s32 $0xffff, v1  }
0x34: {  	v1 =	vld [tilespmem:s31+$0x8000];
	_ =	sdelay $0x3  }
0x35: {  	s4 =	simm.s32 $0x0  }
0x36: {  	[tilespmem:s4+$0x0] =	vst.msk vm0, v1;
	v1, _, _ =	vpop (xrf0)  }
0x37: {  	(v2sf) =	vpush v1, $0xF  }
0x38: {  	s5 =	simm.s32 $0x10;
	[tilespmem:s4+$0x4000] =	vst.msk vm0, v2  }
0x39: {  	s6 =	simm.s32 $0x80;
	v1 =	vld [tilespmem:s5+$0x10000]  }
.LBB2_4:
0x3a: {  	p0 =	sne.s32 s6, $0xFFC0;
	v2 =	vld [tilespmem:s5+$0xC000];
	_ =	sdelay $0x4  }
0x3b: {  	vm0 =	vlt.s32 v1, v2  }
0x3c: {  	v1 =	vsel vm0, $0x1, v0  }
0x3d: {  	(xrf0) =	vadd.scan.msk.s32 $0xffff, v1;
	_ =	sdelay $0x1  }
0x3e: {  	v1 =	vld [tilespmem:s5+$0x8000];
	_ =	sdelay $0x2  }
.Ltmp2:
0x3f: {  	s5 =	spop (v2sf);
	(pc) =	sbr.rel @p0 .LBB2_4-.Ltmp2, $4  }
0x40: {  	v3, _, _ =	vpop (xrf0);
	s4 =	sadd.s32 s4, s5  }
0x41: {  	[tilespmem:s4+$0x0] =	vst.msk vm0, v1;
	(v2sf) =	vpush v3, $0xF  }
0x42: {  	s5 =	sshra.s32 s6, $0x2;
	[tilespmem:s4+$0x4000] =	vst.msk vm0, v2  }
0x43: {  	s6 =	sadd.s32 $0x40, s6;
	v1 =	vld [tilespmem:s5+$0x10000]  }
0x44: {  	v2 =	vld [tilespmem:s5+$0xC000];
	_ =	sdelay $0x4  }
0x45: {  	vm0 =	vlt.s32 v1, v2  }
0x46: {  	v0 =	vsel vm0, $0x1, v0  }
0x47: {  	(xrf0) =	vadd.scan.msk.s32 $0xffff, v0;
	_ =	sdelay $0x5  }
0x48: {  	v0, _, _ =	vpop (xrf0)  }
0x49: {  	(v2sf) =	vpush v0, $0xF;
	_ =	sdelay $0xd  }
0x4a: {  	s6 =	spop (v2sf)  }
0x4b: {  	s4 =	sadd.s32 s4, s6;
	s30 =	spop (v2sf)  }
0x4c: {  	s7 =	sadd.s32 s4, s30  }
0x4d: {  	s6 =	sadd.s32 $0xF, s7  }
0x4e: {  	s8 =	sand.u32 $0xF, s6  }
0x4f: {  	s31 =	sshra.s32 s6, $0x1F;
	p1 =	slt.s32 s6, $0x1;
	p0 =	sne.s32 s8, $0x0  }
0x50: {  	v63 =	vld [tilespmem:s5+$0x8000];
	s5 =	sshrl.u32 s31, $0x1C;
	p0 =	por !p1, !p0  }
0x51: {  	s5 =	sadd.s32 s5, s6;
	s6 =	simm.s32 $0x1;
	p0 =	por !p0, !p0  }
0x52: {  	s5 =	sshra.s32 s5, $0x4;
	s6 =	simm.s32 @!p0 $0x0  }
0x53: {  	s8 =	ssub.s32 s5, s6  }
0x54: {  	p0 =	slt.s32 s8, $0x1  }
.Ltmp3:
0x55: {  	_ = 	snop;
	(pc) =	sbr.rel @p0 .LBB2_9-.Ltmp3, $3  }
0x56: {  	_ =	sdelay $0x1  }
0x57: {  	[tilespmem:s4+$0x0] =	vst.msk vm0, v63  }
0x58: {  	[tilespmem:s4+$0x4000] =	vst.msk vm0, v2;
	s4 =	simm.s32 $0x1  }
0x59: {  	s5 =	simm.s32 $0x0  }
0x5a: {  	v2 =	vld [tilespmem:s5+$0x0];
	_ =	sdelay $0x1  }
0x5b: {  	s6 =	simm.s32 $0x4000  }
0x5c: {  	v3 =	vld [tilespmem:s6+$0x0]  }
0x5d: {  	vm0 =	vmmov $0x1  }
0x5e: {  	v0 =	vnsel vm0, $0x0, v2  }
0x5f: {  	(xrf0) =	vadd.scan.msk.s32 $0xffff, v0;
	_ =	sdelay $0x1  }
0x60: {  	v0 =	vnsel vm0, $0x0, v3  }
0x61: {  	(xrf0) =	vadd.scan.msk.s32 $0xffff, v0;
	_ =	sdelay $0x2  }
0x62: {  	v0 =	vlaneseq.u32;
	v4, _, _ =	vpop (xrf0)  }
0x63: {  	v1 =	vmov s7;
	v5 =	vor.u32 s5, v0;
	v4 =	vbroadcast v4, $0xF  }
0x64: {  	vm1 =	vlt.s32 v5, v1  }
0x65: {  	v63, _, _ =	vpop (xrf0);
	v2 =	vsel vm1, v2, v4  }
0x66: {  	v4 =	vbroadcast v63, $0xF  }
0x67: {  	p0 =	sne.s32 s8, $0x1  }
.Ltmp4:
0x68: {  	v3 =	vsel vm1, v3, v4;
	(pc) =	sbr.rel @!p0 .LBB2_8-.Ltmp4, $4  }
0x69: {  	s7 =	simm.s32 $0x14000;
	vm1 =	vmmov $0xffff;
	[tilespmem:$0x14000] =	vst v3  }
0x6a: {  	[hbm4b:s2+s5] =	stream.indirect_vreg.scatter [tilespmem:s7], [sflag:$0x1], $0x1, v2, vm1, $0xb8;
	[tilespmem:$0x14080] =	vst v63  }
0x6b: {  	s8 =	sadd.s32 $0xFFFFFFFF, s8;
	_ =	swait.ge [sflag:s4], $0x10  }
0x6c: {  	s9 =	simm.s32 $0x10;
	s10 =	simm.s32 $0x0;
	[sflag:s4] =	ssyncset.done $0x0  }
.LBB2_7:
0x6d: {  	[sflag:s4] =	ssyncadd.s32 $0xFFFFFFF0;
	s10 =	sadd.s32 $0x10, s10;
	s6 =	sadd.s32 $0x10, s6  }
0x6e: {  	p0 =	sne.s32 s8, $0x1;
	s8 =	sadd.s32 $0xFFFFFFFF, s8;
	v2 =	vld [tilespmem:s10+$0x0];
	_ =	sdelay $0x2  }
0x6f: {  	v3 =	vld [tilespmem:s6+$0x0];
	_ =	sdelay $0x1  }
0x70: {  	v4 =	vnsel vm0, $0x0, v2  }
0x71: {  	(xrf0) =	vadd.scan.msk.s32 $0xffff, v4;
	_ =	sdelay $0x1  }
0x72: {  	v4 =	vnsel vm0, $0x0, v3  }
0x73: {  	(xrf0) =	vadd.scan.msk.s32 $0xffff, v4;
	_ =	sdelay $0x2  }
0x74: {  	v4, _, _ =	vpop (xrf0)  }
0x75: {  	v5 =	vor.u32 s9, v0;
	v6 =	vbroadcast v4, $0xF  }
0x76: {  	vm2 =	vlt.s32 v5, v1  }
0x77: {  	v2 =	vsel vm2, v2, v6;
	v4, _, _ =	vpop (xrf0)  }
0x78: {  	v4 =	vbroadcast v4, $0xF;
	_ =	sdelay $0x1  }
.Ltmp5:
0x79: {  	v3 =	vsel vm2, v3, v4;
	(pc) =	sbr.rel @p0 .LBB2_7-.Ltmp5, $4  }
0x7a: {  	[tilespmem:$0x14000] =	vst v3  }
0x7b: {  	[hbm4b:s2+s5] =	stream.indirect_vreg.scatter [tilespmem:s7], [sflag:$0x1], $0x1, v2, vm1, $0xb8;
	[tilespmem:$0x14080] =	vst v63  }
0x7c: {  	_ =	swait.ge [sflag:s4], $0x10  }
0x7d: {  	s9 =	sadd.s32 $0x10, s9;
	[sflag:s4] =	ssyncset.done $0x0  }
.LBB2_8:
0x7e: {  	[sflag:s4] =	ssyncadd.s32 $0xFFFFFFF0  }
.LBB2_9:
0x7f: {  	[bflag:$0x0] =	sbarrier.arrive $0xFFFF  }
0x80: {  	s5 =	simm.s32 $0x4000;
	s6 =	simm.s32 $0x8000;
	s7 =	simm.s32 $0x10000  }
0x81: {  	[tilespmem:s7], [sflag:$0x1] =	stream.indirect.gather [hbm4b:s2+s5], $0x1, s6, s5, $0xb8;
	[tilespmem:$0x14080] =	vst v63  }
0x82: {  	_ =	swait.ge [sflag:s4], $0x4000  }
0x83: {  	[sflag:s4] =	ssyncset.done $0x0  }
0x84: {  	s31 =	simm.s32 $0x0;
	[sflag:s4] =	ssyncadd.s32 $0xFFFFC000  }
0x85: {  	v1 =	vld [tilespmem:s31+$0x10000]  }
0x86: {  	v2 =	vld [tilespmem:s31+$0xC000];
	_ =	sdelay $0x4  }
0x87: {  	v0 =	vimm.s32 $0x0;
	vm0 =	vlt.s32 v1, v2  }
0x88: {  	v1 =	vsel vm0, $0x1, v0  }
0x89: {  	(xrf0) =	vadd.scan.msk.s32 $0xffff, v1  }
0x8a: {  	v1 =	vld [tilespmem:s31+$0x8000];
	_ =	sdelay $0x3  }
0x8b: {  	s4 =	simm.s32 $0x0  }
0x8c: {  	[tilespmem:s4+$0x0] =	vst.msk vm0, v1;
	v1, _, _ =	vpop (xrf0)  }
0x8d: {  	(v2sf) =	vpush v1, $0xF  }
0x8e: {  	s5 =	simm.s32 $0x10;
	[tilespmem:s4+$0x4000] =	vst.msk vm0, v2  }
0x8f: {  	s6 =	simm.s32 $0x80;
	v1 =	vld [tilespmem:s5+$0x10000]  }
.LBB2_10:
0x90: {  	p0 =	sne.s32 s6, $0xFFC0;
	v2 =	vld [tilespmem:s5+$0xC000];
	_ =	sdelay $0x4  }
0x91: {  	vm0 =	vlt.s32 v1, v2  }
0x92: {  	v1 =	vsel vm0, $0x1, v0  }
0x93: {  	(xrf0) =	vadd.scan.msk.s32 $0xffff, v1;
	_ =	sdelay $0x1  }
0x94: {  	v1 =	vld [tilespmem:s5+$0x8000];
	_ =	sdelay $0x2  }
.Ltmp6:
0x95: {  	s5 =	spop (v2sf);
	(pc) =	sbr.rel @p0 .LBB2_10-.Ltmp6, $4  }
0x96: {  	v3, _, _ =	vpop (xrf0);
	s4 =	sadd.s32 s4, s5  }
0x97: {  	[tilespmem:s4+$0x0] =	vst.msk vm0, v1;
	(v2sf) =	vpush v3, $0xF  }
0x98: {  	s5 =	sshra.s32 s6, $0x2;
	[tilespmem:s4+$0x4000] =	vst.msk vm0, v2  }
0x99: {  	s6 =	sadd.s32 $0x40, s6;
	v1 =	vld [tilespmem:s5+$0x10000]  }
0x9a: {  	v2 =	vld [tilespmem:s5+$0xC000];
	_ =	sdelay $0x4  }
0x9b: {  	vm0 =	vlt.s32 v1, v2  }
0x9c: {  	v0 =	vsel vm0, $0x1, v0  }
0x9d: {  	(xrf0) =	vadd.scan.msk.s32 $0xffff, v0;
	_ =	sdelay $0x5  }
0x9e: {  	v0, _, _ =	vpop (xrf0)  }
0x9f: {  	(v2sf) =	vpush v0, $0xF;
	_ =	sdelay $0xd  }
0xa0: {  	s6 =	spop (v2sf)  }
0xa1: {  	s4 =	sadd.s32 s4, s6;
	s30 =	spop (v2sf)  }
0xa2: {  	s7 =	sadd.s32 s4, s30  }
0xa3: {  	s6 =	sadd.s32 $0xF, s7  }
0xa4: {  	s8 =	sand.u32 $0xF, s6  }
0xa5: {  	s31 =	sshra.s32 s6, $0x1F;
	p1 =	slt.s32 s6, $0x1;
	p0 =	sne.s32 s8, $0x0  }
0xa6: {  	v63 =	vld [tilespmem:s5+$0x8000];
	s5 =	sshrl.u32 s31, $0x1C;
	p0 =	por !p1, !p0  }
0xa7: {  	s5 =	sadd.s32 s5, s6;
	s6 =	simm.s32 $0x1;
	p0 =	por !p0, !p0  }
0xa8: {  	s5 =	sshra.s32 s5, $0x4;
	s6 =	simm.s32 @!p0 $0x0  }
0xa9: {  	s8 =	ssub.s32 s5, s6  }
0xaa: {  	p0 =	slt.s32 s8, $0x1  }
.Ltmp7:
0xab: {  	_ = 	snop;
	(pc) =	sbr.rel @p0 .LBB2_15-.Ltmp7, $3  }
0xac: {  	_ =	sdelay $0x1  }
0xad: {  	[tilespmem:s4+$0x0] =	vst.msk vm0, v63  }
0xae: {  	[tilespmem:s4+$0x4000] =	vst.msk vm0, v2;
	s4 =	simm.s32 $0x1  }
0xaf: {  	s5 =	simm.s32 $0x0  }
0xb0: {  	v2 =	vld [tilespmem:s5+$0x0];
	_ =	sdelay $0x1  }
0xb1: {  	s6 =	simm.s32 $0x4000  }
0xb2: {  	v3 =	vld [tilespmem:s6+$0x0]  }
0xb3: {  	vm0 =	vmmov $0x1  }
0xb4: {  	v0 =	vnsel vm0, $0x0, v2  }
0xb5: {  	(xrf0) =	vadd.scan.msk.s32 $0xffff, v0;
	_ =	sdelay $0x1  }
0xb6: {  	v0 =	vnsel vm0, $0x0, v3  }
0xb7: {  	(xrf0) =	vadd.scan.msk.s32 $0xffff, v0;
	_ =	sdelay $0x2  }
0xb8: {  	v0 =	vlaneseq.u32;
	v4, _, _ =	vpop (xrf0)  }
0xb9: {  	v1 =	vmov s7;
	v5 =	vor.u32 s5, v0;
	v4 =	vbroadcast v4, $0xF  }
0xba: {  	vm1 =	vlt.s32 v5, v1  }
0xbb: {  	v63, _, _ =	vpop (xrf0);
	v2 =	vsel vm1, v2, v4  }
0xbc: {  	v4 =	vbroadcast v63, $0xF  }
0xbd: {  	p0 =	sne.s32 s8, $0x1  }
.Ltmp8:
0xbe: {  	v3 =	vsel vm1, v3, v4;
	(pc) =	sbr.rel @!p0 .LBB2_14-.Ltmp8, $4  }
0xbf: {  	s7 =	simm.s32 $0x14000;
	vm1 =	vmmov $0xffff;
	[tilespmem:$0x14000] =	vst v3  }
0xc0: {  	[hbm4b:s2+s5] =	stream.indirect_vreg.scatter [tilespmem:s7], [sflag:$0x1], $0x1, v2, vm1, $0xb8;
	[tilespmem:$0x14080] =	vst v63  }
0xc1: {  	s8 =	sadd.s32 $0xFFFFFFFF, s8;
	_ =	swait.ge [sflag:s4], $0x10  }
0xc2: {  	s9 =	simm.s32 $0x10;
	s10 =	simm.s32 $0x0;
	[sflag:s4] =	ssyncset.done $0x0  }
.LBB2_13:
0xc3: {  	[sflag:s4] =	ssyncadd.s32 $0xFFFFFFF0;
	s10 =	sadd.s32 $0x10, s10;
	s6 =	sadd.s32 $0x10, s6  }
0xc4: {  	p0 =	sne.s32 s8, $0x1;
	s8 =	sadd.s32 $0xFFFFFFFF, s8;
	v2 =	vld [tilespmem:s10+$0x0];
	_ =	sdelay $0x2  }
0xc5: {  	v3 =	vld [tilespmem:s6+$0x0];
	_ =	sdelay $0x1  }
0xc6: {  	v4 =	vnsel vm0, $0x0, v2  }
0xc7: {  	(xrf0) =	vadd.scan.msk.s32 $0xffff, v4;
	_ =	sdelay $0x1  }
0xc8: {  	v4 =	vnsel vm0, $0x0, v3  }
0xc9: {  	(xrf0) =	vadd.scan.msk.s32 $0xffff, v4;
	_ =	sdelay $0x2  }
0xca: {  	v4, _, _ =	vpop (xrf0)  }
0xcb: {  	v5 =	vor.u32 s9, v0;
	v6 =	vbroadcast v4, $0xF  }
0xcc: {  	vm2 =	vlt.s32 v5, v1  }
0xcd: {  	v2 =	vsel vm2, v2, v6;
	v4, _, _ =	vpop (xrf0)  }
0xce: {  	v4 =	vbroadcast v4, $0xF;
	_ =	sdelay $0x1  }
.Ltmp9:
0xcf: {  	v3 =	vsel vm2, v3, v4;
	(pc) =	sbr.rel @p0 .LBB2_13-.Ltmp9, $4  }
0xd0: {  	[tilespmem:$0x14000] =	vst v3  }
0xd1: {  	[hbm4b:s2+s5] =	stream.indirect_vreg.scatter [tilespmem:s7], [sflag:$0x1], $0x1, v2, vm1, $0xb8;
	[tilespmem:$0x14080] =	vst v63  }
0xd2: {  	_ =	swait.ge [sflag:s4], $0x10  }
0xd3: {  	s9 =	sadd.s32 $0x10, s9;
	[sflag:s4] =	ssyncset.done $0x0  }
.LBB2_14:
0xd4: {  	[sflag:s4] =	ssyncadd.s32 $0xFFFFFFF0  }
.LBB2_15:
0xd5: {  	[bflag:$0x0] =	sbarrier.arrive $0xFFFF  }
0xd6: {  	s5 =	simm.s32 $0x4000;
	s6 =	simm.s32 $0x8000;
	s7 =	simm.s32 $0x10000  }
0xd7: {  	[tilespmem:s7], [sflag:$0x1] =	stream.indirect.gather [hbm4b:s2+s5], $0x1, s6, s5, $0xb8;
	[tilespmem:$0x14080] =	vst v63  }
0xd8: {  	_ =	swait.ge [sflag:s4], $0x4000  }
0xd9: {  	[sflag:s4] =	ssyncset.done $0x0  }
0xda: {  	s31 =	simm.s32 $0x0;
	[sflag:s4] =	ssyncadd.s32 $0xFFFFC000  }
0xdb: {  	v1 =	vld [tilespmem:s31+$0x10000]  }
0xdc: {  	v2 =	vld [tilespmem:s31+$0xC000];
	_ =	sdelay $0x4  }
0xdd: {  	v0 =	vimm.s32 $0x0;
	vm0 =	vlt.s32 v1, v2  }
0xde: {  	v1 =	vsel vm0, $0x1, v0  }
0xdf: {  	(xrf0) =	vadd.scan.msk.s32 $0xffff, v1  }
0xe0: {  	v1 =	vld [tilespmem:s31+$0x8000];
	_ =	sdelay $0x3  }
0xe1: {  	s4 =	simm.s32 $0x0  }
0xe2: {  	[tilespmem:s4+$0x0] =	vst.msk vm0, v1;
	v1, _, _ =	vpop (xrf0)  }
0xe3: {  	(v2sf) =	vpush v1, $0xF  }
0xe4: {  	s5 =	simm.s32 $0x10;
	[tilespmem:s4+$0x4000] =	vst.msk vm0, v2  }
0xe5: {  	s6 =	simm.s32 $0x80;
	v1 =	vld [tilespmem:s5+$0x10000]  }
.LBB2_16:
0xe6: {  	p0 =	sne.s32 s6, $0xFFC0;
	v2 =	vld [tilespmem:s5+$0xC000];
	_ =	sdelay $0x4  }
0xe7: {  	vm0 =	vlt.s32 v1, v2  }
0xe8: {  	v1 =	vsel vm0, $0x1, v0  }
0xe9: {  	(xrf0) =	vadd.scan.msk.s32 $0xffff, v1;
	_ =	sdelay $0x1  }
0xea: {  	v1 =	vld [tilespmem:s5+$0x8000];
	_ =	sdelay $0x2  }
.Ltmp10:
0xeb: {  	s5 =	spop (v2sf);
	(pc) =	sbr.rel @p0 .LBB2_16-.Ltmp10, $4  }
0xec: {  	v3, _, _ =	vpop (xrf0);
	s4 =	sadd.s32 s4, s5  }
0xed: {  	[tilespmem:s4+$0x0] =	vst.msk vm0, v1;
	(v2sf) =	vpush v3, $0xF  }
0xee: {  	s5 =	sshra.s32 s6, $0x2;
	[tilespmem:s4+$0x4000] =	vst.msk vm0, v2  }
0xef: {  	s6 =	sadd.s32 $0x40, s6;
	v1 =	vld [tilespmem:s5+$0x10000]  }
0xf0: {  	v2 =	vld [tilespmem:s5+$0xC000];
	_ =	sdelay $0x4  }
0xf1: {  	vm0 =	vlt.s32 v1, v2  }
0xf2: {  	v0 =	vsel vm0, $0x1, v0  }
0xf3: {  	(xrf0) =	vadd.scan.msk.s32 $0xffff, v0;
	_ =	sdelay $0x5  }
0xf4: {  	v0, _, _ =	vpop (xrf0)  }
0xf5: {  	(v2sf) =	vpush v0, $0xF;
	_ =	sdelay $0xd  }
0xf6: {  	s6 =	spop (v2sf)  }
0xf7: {  	s4 =	sadd.s32 s4, s6;
	s30 =	spop (v2sf)  }
0xf8: {  	s7 =	sadd.s32 s4, s30  }
0xf9: {  	s6 =	sadd.s32 $0xF, s7  }
0xfa: {  	s8 =	sand.u32 $0xF, s6  }
0xfb: {  	s31 =	sshra.s32 s6, $0x1F;
	p1 =	slt.s32 s6, $0x1;
	p0 =	sne.s32 s8, $0x0  }
0xfc: {  	v63 =	vld [tilespmem:s5+$0x8000];
	s5 =	sshrl.u32 s31, $0x1C;
	p0 =	por !p1, !p0  }
0xfd: {  	s5 =	sadd.s32 s5, s6;
	s6 =	simm.s32 $0x1;
	p0 =	por !p0, !p0  }
0xfe: {  	s5 =	sshra.s32 s5, $0x4;
	s6 =	simm.s32 @!p0 $0x0  }
0xff: {  	s8 =	ssub.s32 s5, s6  }
0x100: {  	p0 =	slt.s32 s8, $0x1  }
.Ltmp11:
0x101: {  	_ = 	snop;
	(pc) =	sbr.rel @p0 .LBB2_21-.Ltmp11, $3  }
0x102: {  	_ =	sdelay $0x1  }
0x103: {  	[tilespmem:s4+$0x0] =	vst.msk vm0, v63  }
0x104: {  	[tilespmem:s4+$0x4000] =	vst.msk vm0, v2;
	s4 =	simm.s32 $0x1  }
0x105: {  	s5 =	simm.s32 $0x0  }
0x106: {  	v2 =	vld [tilespmem:s5+$0x0];
	_ =	sdelay $0x1  }
0x107: {  	s6 =	simm.s32 $0x4000  }
0x108: {  	v3 =	vld [tilespmem:s6+$0x0]  }
0x109: {  	vm0 =	vmmov $0x1  }
0x10a: {  	v0 =	vnsel vm0, $0x0, v2  }
0x10b: {  	(xrf0) =	vadd.scan.msk.s32 $0xffff, v0;
	_ =	sdelay $0x1  }
0x10c: {  	v0 =	vnsel vm0, $0x0, v3  }
0x10d: {  	(xrf0) =	vadd.scan.msk.s32 $0xffff, v0;
	_ =	sdelay $0x2  }
0x10e: {  	v0 =	vlaneseq.u32;
	v4, _, _ =	vpop (xrf0)  }
0x10f: {  	v1 =	vmov s7;
	v5 =	vor.u32 s5, v0;
	v4 =	vbroadcast v4, $0xF  }
0x110: {  	vm1 =	vlt.s32 v5, v1  }
0x111: {  	v63, _, _ =	vpop (xrf0);
	v2 =	vsel vm1, v2, v4  }
0x112: {  	v4 =	vbroadcast v63, $0xF  }
0x113: {  	p0 =	sne.s32 s8, $0x1  }
.Ltmp12:
0x114: {  	v3 =	vsel vm1, v3, v4;
	(pc) =	sbr.rel @!p0 .LBB2_20-.Ltmp12, $4  }
0x115: {  	s7 =	simm.s32 $0x14000;
	vm1 =	vmmov $0xffff;
	[tilespmem:$0x14000] =	vst v3  }
0x116: {  	[hbm4b:s2+s5] =	stream.indirect_vreg.scatter [tilespmem:s7], [sflag:$0x1], $0x1, v2, vm1, $0xb8;
	[tilespmem:$0x14080] =	vst v63  }
0x117: {  	s8 =	sadd.s32 $0xFFFFFFFF, s8;
	_ =	swait.ge [sflag:s4], $0x10  }
0x118: {  	s9 =	simm.s32 $0x10;
	s10 =	simm.s32 $0x0;
	[sflag:s4] =	ssyncset.done $0x0  }
.LBB2_19:
0x119: {  	[sflag:s4] =	ssyncadd.s32 $0xFFFFFFF0;
	s10 =	sadd.s32 $0x10, s10;
	s6 =	sadd.s32 $0x10, s6  }
0x11a: {  	p0 =	sne.s32 s8, $0x1;
	s8 =	sadd.s32 $0xFFFFFFFF, s8;
	v2 =	vld [tilespmem:s10+$0x0];
	_ =	sdelay $0x2  }
0x11b: {  	v3 =	vld [tilespmem:s6+$0x0];
	_ =	sdelay $0x1  }
0x11c: {  	v4 =	vnsel vm0, $0x0, v2  }
0x11d: {  	(xrf0) =	vadd.scan.msk.s32 $0xffff, v4;
	_ =	sdelay $0x1  }
0x11e: {  	v4 =	vnsel vm0, $0x0, v3  }
0x11f: {  	(xrf0) =	vadd.scan.msk.s32 $0xffff, v4;
	_ =	sdelay $0x2  }
0x120: {  	v4, _, _ =	vpop (xrf0)  }
0x121: {  	v5 =	vor.u32 s9, v0;
	v6 =	vbroadcast v4, $0xF  }
0x122: {  	vm2 =	vlt.s32 v5, v1  }
0x123: {  	v2 =	vsel vm2, v2, v6;
	v4, _, _ =	vpop (xrf0)  }
0x124: {  	v4 =	vbroadcast v4, $0xF;
	_ =	sdelay $0x1  }
.Ltmp13:
0x125: {  	v3 =	vsel vm2, v3, v4;
	(pc) =	sbr.rel @p0 .LBB2_19-.Ltmp13, $4  }
0x126: {  	[tilespmem:$0x14000] =	vst v3  }
0x127: {  	[hbm4b:s2+s5] =	stream.indirect_vreg.scatter [tilespmem:s7], [sflag:$0x1], $0x1, v2, vm1, $0xb8;
	[tilespmem:$0x14080] =	vst v63  }
0x128: {  	_ =	swait.ge [sflag:s4], $0x10  }
0x129: {  	s9 =	sadd.s32 $0x10, s9;
	[sflag:s4] =	ssyncset.done $0x0  }
.LBB2_20:
0x12a: {  	[sflag:s4] =	ssyncadd.s32 $0xFFFFFFF0  }
.LBB2_21:
0x12b: {  	[bflag:$0x0] =	sbarrier.arrive $0xFFFF  }
0x12c: {  	s5 =	simm.s32 $0x4000;
	s6 =	simm.s32 $0x8000;
	s7 =	simm.s32 $0x10000  }
0x12d: {  	[tilespmem:s7], [sflag:$0x1] =	stream.indirect.gather [hbm4b:s2+s5], $0x1, s6, s5, $0xb8;
	[tilespmem:$0x14080] =	vst v63  }
0x12e: {  	_ =	swait.ge [sflag:s4], $0x4000  }
0x12f: {  	[sflag:s4] =	ssyncset.done $0x0  }
0x130: {  	s31 =	simm.s32 $0x0;
	[sflag:s4] =	ssyncadd.s32 $0xFFFFC000  }
0x131: {  	v1 =	vld [tilespmem:s31+$0x10000]  }
0x132: {  	v2 =	vld [tilespmem:s31+$0xC000];
	_ =	sdelay $0x4  }
0x133: {  	v0 =	vimm.s32 $0x0;
	vm0 =	vlt.s32 v1, v2  }
0x134: {  	v1 =	vsel vm0, $0x1, v0  }
0x135: {  	(xrf0) =	vadd.scan.msk.s32 $0xffff, v1  }
0x136: {  	v1 =	vld [tilespmem:s31+$0x8000];
	_ =	sdelay $0x3  }
0x137: {  	s4 =	simm.s32 $0x0  }
0x138: {  	[tilespmem:s4+$0x0] =	vst.msk vm0, v1;
	v1, _, _ =	vpop (xrf0)  }
0x139: {  	(v2sf) =	vpush v1, $0xF  }
0x13a: {  	s5 =	simm.s32 $0x10;
	[tilespmem:s4+$0x4000] =	vst.msk vm0, v2  }
0x13b: {  	s6 =	simm.s32 $0x80;
	v1 =	vld [tilespmem:s5+$0x10000]  }
.LBB2_22:
0x13c: {  	p0 =	sne.s32 s6, $0xFFC0;
	v2 =	vld [tilespmem:s5+$0xC000];
	_ =	sdelay $0x4  }
0x13d: {  	vm0 =	vlt.s32 v1, v2  }
0x13e: {  	v1 =	vsel vm0, $0x1, v0  }
0x13f: {  	(xrf0) =	vadd.scan.msk.s32 $0xffff, v1;
	_ =	sdelay $0x1  }
0x140: {  	v1 =	vld [tilespmem:s5+$0x8000];
	_ =	sdelay $0x2  }
.Ltmp14:
0x141: {  	s5 =	spop (v2sf);
	(pc) =	sbr.rel @p0 .LBB2_22-.Ltmp14, $4  }
0x142: {  	v3, _, _ =	vpop (xrf0);
	s4 =	sadd.s32 s4, s5  }
0x143: {  	[tilespmem:s4+$0x0] =	vst.msk vm0, v1;
	(v2sf) =	vpush v3, $0xF  }
0x144: {  	s5 =	sshra.s32 s6, $0x2;
	[tilespmem:s4+$0x4000] =	vst.msk vm0, v2  }
0x145: {  	s6 =	sadd.s32 $0x40, s6;
	v1 =	vld [tilespmem:s5+$0x10000]  }
0x146: {  	v2 =	vld [tilespmem:s5+$0xC000];
	_ =	sdelay $0x4  }
0x147: {  	vm0 =	vlt.s32 v1, v2  }
0x148: {  	v0 =	vsel vm0, $0x1, v0  }
0x149: {  	(xrf0) =	vadd.scan.msk.s32 $0xffff, v0;
	_ =	sdelay $0x5  }
0x14a: {  	v0, _, _ =	vpop (xrf0)  }
0x14b: {  	(v2sf) =	vpush v0, $0xF;
	_ =	sdelay $0xd  }
0x14c: {  	s6 =	spop (v2sf)  }
0x14d: {  	s4 =	sadd.s32 s4, s6;
	s30 =	spop (v2sf)  }
0x14e: {  	s7 =	sadd.s32 s4, s30  }
0x14f: {  	s6 =	sadd.s32 $0xF, s7  }
0x150: {  	s8 =	sand.u32 $0xF, s6  }
0x151: {  	s31 =	sshra.s32 s6, $0x1F;
	p1 =	slt.s32 s6, $0x1;
	p0 =	sne.s32 s8, $0x0  }
0x152: {  	v63 =	vld [tilespmem:s5+$0x8000];
	s5 =	sshrl.u32 s31, $0x1C;
	p0 =	por !p1, !p0  }
0x153: {  	s5 =	sadd.s32 s5, s6;
	s6 =	simm.s32 $0x1;
	p0 =	por !p0, !p0  }
0x154: {  	s5 =	sshra.s32 s5, $0x4;
	s6 =	simm.s32 @!p0 $0x0  }
0x155: {  	s8 =	ssub.s32 s5, s6  }
0x156: {  	p0 =	slt.s32 s8, $0x1  }
.Ltmp15:
0x157: {  	_ = 	snop;
	(pc) =	sbr.rel @p0 .LBB2_27-.Ltmp15, $3  }
0x158: {  	_ =	sdelay $0x1  }
0x159: {  	[tilespmem:s4+$0x0] =	vst.msk vm0, v63  }
0x15a: {  	[tilespmem:s4+$0x4000] =	vst.msk vm0, v2;
	s4 =	simm.s32 $0x1  }
0x15b: {  	s5 =	simm.s32 $0x0  }
0x15c: {  	v2 =	vld [tilespmem:s5+$0x0];
	_ =	sdelay $0x1  }
0x15d: {  	s6 =	simm.s32 $0x4000  }
0x15e: {  	v3 =	vld [tilespmem:s6+$0x0]  }
0x15f: {  	vm0 =	vmmov $0x1  }
0x160: {  	v0 =	vnsel vm0, $0x0, v2  }
0x161: {  	(xrf0) =	vadd.scan.msk.s32 $0xffff, v0;
	_ =	sdelay $0x1  }
0x162: {  	v0 =	vnsel vm0, $0x0, v3  }
0x163: {  	(xrf0) =	vadd.scan.msk.s32 $0xffff, v0;
	_ =	sdelay $0x2  }
0x164: {  	v0 =	vlaneseq.u32;
	v4, _, _ =	vpop (xrf0)  }
0x165: {  	v1 =	vmov s7;
	v5 =	vor.u32 s5, v0;
	v4 =	vbroadcast v4, $0xF  }
0x166: {  	vm1 =	vlt.s32 v5, v1  }
0x167: {  	v63, _, _ =	vpop (xrf0);
	v2 =	vsel vm1, v2, v4  }
0x168: {  	v4 =	vbroadcast v63, $0xF  }
0x169: {  	p0 =	sne.s32 s8, $0x1  }
.Ltmp16:
0x16a: {  	v3 =	vsel vm1, v3, v4;
	(pc) =	sbr.rel @!p0 .LBB2_26-.Ltmp16, $4  }
0x16b: {  	s7 =	simm.s32 $0x14000;
	vm1 =	vmmov $0xffff;
	[tilespmem:$0x14000] =	vst v3  }
0x16c: {  	[hbm4b:s2+s5] =	stream.indirect_vreg.scatter [tilespmem:s7], [sflag:$0x1], $0x1, v2, vm1, $0xb8;
	[tilespmem:$0x14080] =	vst v63  }
0x16d: {  	s8 =	sadd.s32 $0xFFFFFFFF, s8;
	_ =	swait.ge [sflag:s4], $0x10  }
0x16e: {  	s9 =	simm.s32 $0x10;
	s10 =	simm.s32 $0x0;
	[sflag:s4] =	ssyncset.done $0x0  }
.LBB2_25:
0x16f: {  	[sflag:s4] =	ssyncadd.s32 $0xFFFFFFF0;
	s10 =	sadd.s32 $0x10, s10;
	s6 =	sadd.s32 $0x10, s6  }
0x170: {  	p0 =	sne.s32 s8, $0x1;
	s8 =	sadd.s32 $0xFFFFFFFF, s8;
	v2 =	vld [tilespmem:s10+$0x0];
	_ =	sdelay $0x2  }
0x171: {  	v3 =	vld [tilespmem:s6+$0x0];
	_ =	sdelay $0x1  }
0x172: {  	v4 =	vnsel vm0, $0x0, v2  }
0x173: {  	(xrf0) =	vadd.scan.msk.s32 $0xffff, v4;
	_ =	sdelay $0x1  }
0x174: {  	v4 =	vnsel vm0, $0x0, v3  }
0x175: {  	(xrf0) =	vadd.scan.msk.s32 $0xffff, v4;
	_ =	sdelay $0x2  }
0x176: {  	v4, _, _ =	vpop (xrf0)  }
0x177: {  	v5 =	vor.u32 s9, v0;
	v6 =	vbroadcast v4, $0xF  }
0x178: {  	vm2 =	vlt.s32 v5, v1  }
0x179: {  	v2 =	vsel vm2, v2, v6;
	v4, _, _ =	vpop (xrf0)  }
0x17a: {  	v4 =	vbroadcast v4, $0xF;
	_ =	sdelay $0x1  }
.Ltmp17:
0x17b: {  	v3 =	vsel vm2, v3, v4;
	(pc) =	sbr.rel @p0 .LBB2_25-.Ltmp17, $4  }
0x17c: {  	[tilespmem:$0x14000] =	vst v3  }
0x17d: {  	[hbm4b:s2+s5] =	stream.indirect_vreg.scatter [tilespmem:s7], [sflag:$0x1], $0x1, v2, vm1, $0xb8;
	[tilespmem:$0x14080] =	vst v63  }
0x17e: {  	_ =	swait.ge [sflag:s4], $0x10  }
0x17f: {  	s9 =	sadd.s32 $0x10, s9;
	[sflag:s4] =	ssyncset.done $0x0  }
.LBB2_26:
0x180: {  	[sflag:s4] =	ssyncadd.s32 $0xFFFFFFF0  }
.LBB2_27:
0x181: {  	[bflag:$0x0] =	sbarrier.arrive $0xFFFF  }
0x182: {  	s5 =	simm.s32 $0x4000;
	s6 =	simm.s32 $0x8000;
	s7 =	simm.s32 $0x10000  }
0x183: {  	[tilespmem:s7], [sflag:$0x1] =	stream.indirect.gather [hbm4b:s2+s5], $0x1, s6, s5, $0xb8;
	[tilespmem:$0x14080] =	vst v63  }
0x184: {  	_ =	swait.ge [sflag:s4], $0x4000  }
0x185: {  	[sflag:s4] =	ssyncset.done $0x0  }
0x186: {  	s31 =	simm.s32 $0x0;
	[sflag:s4] =	ssyncadd.s32 $0xFFFFC000  }
0x187: {  	v1 =	vld [tilespmem:s31+$0x10000]  }
0x188: {  	v2 =	vld [tilespmem:s31+$0xC000];
	_ =	sdelay $0x4  }
0x189: {  	v0 =	vimm.s32 $0x0;
	vm0 =	vlt.s32 v1, v2  }
0x18a: {  	v1 =	vsel vm0, $0x1, v0  }
0x18b: {  	(xrf0) =	vadd.scan.msk.s32 $0xffff, v1  }
0x18c: {  	v1 =	vld [tilespmem:s31+$0x8000];
	_ =	sdelay $0x3  }
0x18d: {  	s4 =	simm.s32 $0x0  }
0x18e: {  	[tilespmem:s4+$0x0] =	vst.msk vm0, v1;
	v1, _, _ =	vpop (xrf0)  }
0x18f: {  	(v2sf) =	vpush v1, $0xF  }
0x190: {  	s5 =	simm.s32 $0x10;
	[tilespmem:s4+$0x4000] =	vst.msk vm0, v2  }
0x191: {  	s6 =	simm.s32 $0x80;
	v1 =	vld [tilespmem:s5+$0x10000]  }
.LBB2_28:
0x192: {  	p0 =	sne.s32 s6, $0xFFC0;
	v2 =	vld [tilespmem:s5+$0xC000];
	_ =	sdelay $0x4  }
0x193: {  	vm0 =	vlt.s32 v1, v2  }
0x194: {  	v1 =	vsel vm0, $0x1, v0  }
0x195: {  	(xrf0) =	vadd.scan.msk.s32 $0xffff, v1;
	_ =	sdelay $0x1  }
0x196: {  	v1 =	vld [tilespmem:s5+$0x8000];
	_ =	sdelay $0x2  }
.Ltmp18:
0x197: {  	s5 =	spop (v2sf);
	(pc) =	sbr.rel @p0 .LBB2_28-.Ltmp18, $4  }
0x198: {  	v3, _, _ =	vpop (xrf0);
	s4 =	sadd.s32 s4, s5  }
0x199: {  	[tilespmem:s4+$0x0] =	vst.msk vm0, v1;
	(v2sf) =	vpush v3, $0xF  }
0x19a: {  	s5 =	sshra.s32 s6, $0x2;
	[tilespmem:s4+$0x4000] =	vst.msk vm0, v2  }
0x19b: {  	s6 =	sadd.s32 $0x40, s6;
	v1 =	vld [tilespmem:s5+$0x10000]  }
0x19c: {  	v2 =	vld [tilespmem:s5+$0xC000];
	_ =	sdelay $0x4  }
0x19d: {  	vm0 =	vlt.s32 v1, v2  }
0x19e: {  	v0 =	vsel vm0, $0x1, v0  }
0x19f: {  	(xrf0) =	vadd.scan.msk.s32 $0xffff, v0;
	_ =	sdelay $0x5  }
0x1a0: {  	v0, _, _ =	vpop (xrf0)  }
0x1a1: {  	(v2sf) =	vpush v0, $0xF;
	_ =	sdelay $0xd  }
0x1a2: {  	s6 =	spop (v2sf)  }
0x1a3: {  	s4 =	sadd.s32 s4, s6;
	s30 =	spop (v2sf)  }
0x1a4: {  	s7 =	sadd.s32 s4, s30  }
0x1a5: {  	s6 =	sadd.s32 $0xF, s7  }
0x1a6: {  	s8 =	sand.u32 $0xF, s6  }
0x1a7: {  	s31 =	sshra.s32 s6, $0x1F;
	p1 =	slt.s32 s6, $0x1;
	p0 =	sne.s32 s8, $0x0  }
0x1a8: {  	v63 =	vld [tilespmem:s5+$0x8000];
	s5 =	sshrl.u32 s31, $0x1C;
	p0 =	por !p1, !p0  }
0x1a9: {  	s5 =	sadd.s32 s5, s6;
	s6 =	simm.s32 $0x1;
	p0 =	por !p0, !p0  }
0x1aa: {  	s5 =	sshra.s32 s5, $0x4;
	s6 =	simm.s32 @!p0 $0x0  }
0x1ab: {  	s8 =	ssub.s32 s5, s6  }
0x1ac: {  	p0 =	slt.s32 s8, $0x1  }
.Ltmp19:
0x1ad: {  	_ = 	snop;
	(pc) =	sbr.rel @p0 .LBB2_33-.Ltmp19, $3  }
0x1ae: {  	_ =	sdelay $0x1  }
0x1af: {  	[tilespmem:s4+$0x0] =	vst.msk vm0, v63  }
0x1b0: {  	[tilespmem:s4+$0x4000] =	vst.msk vm0, v2;
	s4 =	simm.s32 $0x1  }
0x1b1: {  	s5 =	simm.s32 $0x0  }
0x1b2: {  	v2 =	vld [tilespmem:s5+$0x0];
	_ =	sdelay $0x1  }
0x1b3: {  	s6 =	simm.s32 $0x4000  }
0x1b4: {  	v3 =	vld [tilespmem:s6+$0x0]  }
0x1b5: {  	vm0 =	vmmov $0x1  }
0x1b6: {  	v0 =	vnsel vm0, $0x0, v2  }
0x1b7: {  	(xrf0) =	vadd.scan.msk.s32 $0xffff, v0;
	_ =	sdelay $0x1  }
0x1b8: {  	v0 =	vnsel vm0, $0x0, v3  }
0x1b9: {  	(xrf0) =	vadd.scan.msk.s32 $0xffff, v0;
	_ =	sdelay $0x2  }
0x1ba: {  	v0 =	vlaneseq.u32;
	v4, _, _ =	vpop (xrf0)  }
0x1bb: {  	v1 =	vmov s7;
	v5 =	vor.u32 s5, v0;
	v4 =	vbroadcast v4, $0xF  }
0x1bc: {  	vm1 =	vlt.s32 v5, v1  }
0x1bd: {  	v63, _, _ =	vpop (xrf0);
	v2 =	vsel vm1, v2, v4  }
0x1be: {  	v4 =	vbroadcast v63, $0xF  }
0x1bf: {  	p0 =	sne.s32 s8, $0x1  }
.Ltmp20:
0x1c0: {  	v3 =	vsel vm1, v3, v4;
	(pc) =	sbr.rel @!p0 .LBB2_32-.Ltmp20, $4  }
0x1c1: {  	s7 =	simm.s32 $0x14000;
	vm1 =	vmmov $0xffff;
	[tilespmem:$0x14000] =	vst v3  }
0x1c2: {  	[hbm4b:s2+s5] =	stream.indirect_vreg.scatter [tilespmem:s7], [sflag:$0x1], $0x1, v2, vm1, $0xb8;
	[tilespmem:$0x14080] =	vst v63  }
0x1c3: {  	s8 =	sadd.s32 $0xFFFFFFFF, s8;
	_ =	swait.ge [sflag:s4], $0x10  }
0x1c4: {  	s9 =	simm.s32 $0x10;
	s10 =	simm.s32 $0x0;
	[sflag:s4] =	ssyncset.done $0x0  }
.LBB2_31:
0x1c5: {  	[sflag:s4] =	ssyncadd.s32 $0xFFFFFFF0;
	s10 =	sadd.s32 $0x10, s10;
	s6 =	sadd.s32 $0x10, s6  }
0x1c6: {  	p0 =	sne.s32 s8, $0x1;
	s8 =	sadd.s32 $0xFFFFFFFF, s8;
	v2 =	vld [tilespmem:s10+$0x0];
	_ =	sdelay $0x2  }
0x1c7: {  	v3 =	vld [tilespmem:s6+$0x0];
	_ =	sdelay $0x1  }
0x1c8: {  	v4 =	vnsel vm0, $0x0, v2  }
0x1c9: {  	(xrf0) =	vadd.scan.msk.s32 $0xffff, v4;
	_ =	sdelay $0x1  }
0x1ca: {  	v4 =	vnsel vm0, $0x0, v3  }
0x1cb: {  	(xrf0) =	vadd.scan.msk.s32 $0xffff, v4;
	_ =	sdelay $0x2  }
0x1cc: {  	v4, _, _ =	vpop (xrf0)  }
0x1cd: {  	v5 =	vor.u32 s9, v0;
	v6 =	vbroadcast v4, $0xF  }
0x1ce: {  	vm2 =	vlt.s32 v5, v1  }
0x1cf: {  	v2 =	vsel vm2, v2, v6;
	v4, _, _ =	vpop (xrf0)  }
0x1d0: {  	v4 =	vbroadcast v4, $0xF;
	_ =	sdelay $0x1  }
.Ltmp21:
0x1d1: {  	v3 =	vsel vm2, v3, v4;
	(pc) =	sbr.rel @p0 .LBB2_31-.Ltmp21, $4  }
0x1d2: {  	[tilespmem:$0x14000] =	vst v3  }
0x1d3: {  	[hbm4b:s2+s5] =	stream.indirect_vreg.scatter [tilespmem:s7], [sflag:$0x1], $0x1, v2, vm1, $0xb8;
	[tilespmem:$0x14080] =	vst v63  }
0x1d4: {  	_ =	swait.ge [sflag:s4], $0x10  }
0x1d5: {  	s9 =	sadd.s32 $0x10, s9;
	[sflag:s4] =	ssyncset.done $0x0  }
.LBB2_32:
0x1d6: {  	[sflag:s4] =	ssyncadd.s32 $0xFFFFFFF0  }
.LBB2_33:
0x1d7: {  	[bflag:$0x0] =	sbarrier.arrive $0xFFFF  }
0x1d8: {  	s5 =	simm.s32 $0x4000;
	s6 =	simm.s32 $0x8000;
	s7 =	simm.s32 $0x10000  }
0x1d9: {  	[tilespmem:s7], [sflag:$0x1] =	stream.indirect.gather [hbm4b:s2+s5], $0x1, s6, s5, $0xb8;
	[tilespmem:$0x14080] =	vst v63  }
0x1da: {  	_ =	swait.ge [sflag:s4], $0x4000  }
0x1db: {  	[sflag:s4] =	ssyncset.done $0x0  }
0x1dc: {  	s31 =	simm.s32 $0x0;
	[sflag:s4] =	ssyncadd.s32 $0xFFFFC000  }
0x1dd: {  	v1 =	vld [tilespmem:s31+$0x10000]  }
0x1de: {  	v2 =	vld [tilespmem:s31+$0xC000];
	_ =	sdelay $0x4  }
0x1df: {  	v0 =	vimm.s32 $0x0;
	vm0 =	vlt.s32 v1, v2  }
0x1e0: {  	v1 =	vsel vm0, $0x1, v0  }
0x1e1: {  	(xrf0) =	vadd.scan.msk.s32 $0xffff, v1  }
0x1e2: {  	v1 =	vld [tilespmem:s31+$0x8000];
	_ =	sdelay $0x3  }
0x1e3: {  	s4 =	simm.s32 $0x0  }
0x1e4: {  	[tilespmem:s4+$0x0] =	vst.msk vm0, v1;
	v1, _, _ =	vpop (xrf0)  }
0x1e5: {  	(v2sf) =	vpush v1, $0xF  }
0x1e6: {  	s5 =	simm.s32 $0x10;
	[tilespmem:s4+$0x4000] =	vst.msk vm0, v2  }
0x1e7: {  	s6 =	simm.s32 $0x80;
	v1 =	vld [tilespmem:s5+$0x10000]  }
.LBB2_34:
0x1e8: {  	p0 =	sne.s32 s6, $0xFFC0;
	v2 =	vld [tilespmem:s5+$0xC000];
	_ =	sdelay $0x4  }
0x1e9: {  	vm0 =	vlt.s32 v1, v2  }
0x1ea: {  	v1 =	vsel vm0, $0x1, v0  }
0x1eb: {  	(xrf0) =	vadd.scan.msk.s32 $0xffff, v1;
	_ =	sdelay $0x1  }
0x1ec: {  	v1 =	vld [tilespmem:s5+$0x8000];
	_ =	sdelay $0x2  }
.Ltmp22:
0x1ed: {  	s5 =	spop (v2sf);
	(pc) =	sbr.rel @p0 .LBB2_34-.Ltmp22, $4  }
0x1ee: {  	v3, _, _ =	vpop (xrf0);
	s4 =	sadd.s32 s4, s5  }
0x1ef: {  	[tilespmem:s4+$0x0] =	vst.msk vm0, v1;
	(v2sf) =	vpush v3, $0xF  }
0x1f0: {  	s5 =	sshra.s32 s6, $0x2;
	[tilespmem:s4+$0x4000] =	vst.msk vm0, v2  }
0x1f1: {  	s6 =	sadd.s32 $0x40, s6;
	v1 =	vld [tilespmem:s5+$0x10000]  }
0x1f2: {  	v2 =	vld [tilespmem:s5+$0xC000];
	_ =	sdelay $0x4  }
0x1f3: {  	vm0 =	vlt.s32 v1, v2  }
0x1f4: {  	v0 =	vsel vm0, $0x1, v0  }
0x1f5: {  	(xrf0) =	vadd.scan.msk.s32 $0xffff, v0;
	_ =	sdelay $0x5  }
0x1f6: {  	v0, _, _ =	vpop (xrf0)  }
0x1f7: {  	(v2sf) =	vpush v0, $0xF;
	_ =	sdelay $0xd  }
0x1f8: {  	s6 =	spop (v2sf)  }
0x1f9: {  	s4 =	sadd.s32 s4, s6;
	s30 =	spop (v2sf)  }
0x1fa: {  	s7 =	sadd.s32 s4, s30  }
0x1fb: {  	s6 =	sadd.s32 $0xF, s7  }
0x1fc: {  	s8 =	sand.u32 $0xF, s6  }
0x1fd: {  	s31 =	sshra.s32 s6, $0x1F;
	p1 =	slt.s32 s6, $0x1;
	p0 =	sne.s32 s8, $0x0  }
0x1fe: {  	v63 =	vld [tilespmem:s5+$0x8000];
	s5 =	sshrl.u32 s31, $0x1C;
	p0 =	por !p1, !p0  }
0x1ff: {  	s5 =	sadd.s32 s5, s6;
	s6 =	simm.s32 $0x1;
	p0 =	por !p0, !p0  }
0x200: {  	s5 =	sshra.s32 s5, $0x4;
	s6 =	simm.s32 @!p0 $0x0  }
0x201: {  	s8 =	ssub.s32 s5, s6  }
0x202: {  	p0 =	slt.s32 s8, $0x1  }
.Ltmp23:
0x203: {  	_ = 	snop;
	(pc) =	sbr.rel @p0 .LBB2_39-.Ltmp23, $3  }
0x204: {  	_ =	sdelay $0x1  }
0x205: {  	[tilespmem:s4+$0x0] =	vst.msk vm0, v63  }
0x206: {  	[tilespmem:s4+$0x4000] =	vst.msk vm0, v2;
	s4 =	simm.s32 $0x1  }
0x207: {  	s5 =	simm.s32 $0x0  }
0x208: {  	v2 =	vld [tilespmem:s5+$0x0];
	_ =	sdelay $0x1  }
0x209: {  	s6 =	simm.s32 $0x4000  }
0x20a: {  	v3 =	vld [tilespmem:s6+$0x0]  }
0x20b: {  	vm0 =	vmmov $0x1  }
0x20c: {  	v0 =	vnsel vm0, $0x0, v2  }
0x20d: {  	(xrf0) =	vadd.scan.msk.s32 $0xffff, v0;
	_ =	sdelay $0x1  }
0x20e: {  	v0 =	vnsel vm0, $0x0, v3  }
0x20f: {  	(xrf0) =	vadd.scan.msk.s32 $0xffff, v0;
	_ =	sdelay $0x2  }
0x210: {  	v0 =	vlaneseq.u32;
	v4, _, _ =	vpop (xrf0)  }
0x211: {  	v1 =	vmov s7;
	v5 =	vor.u32 s5, v0;
	v4 =	vbroadcast v4, $0xF  }
0x212: {  	vm1 =	vlt.s32 v5, v1  }
0x213: {  	v63, _, _ =	vpop (xrf0);
	v2 =	vsel vm1, v2, v4  }
0x214: {  	v4 =	vbroadcast v63, $0xF  }
0x215: {  	p0 =	sne.s32 s8, $0x1  }
.Ltmp24:
0x216: {  	v3 =	vsel vm1, v3, v4;
	(pc) =	sbr.rel @!p0 .LBB2_38-.Ltmp24, $4  }
0x217: {  	s7 =	simm.s32 $0x14000;
	vm1 =	vmmov $0xffff;
	[tilespmem:$0x14000] =	vst v3  }
0x218: {  	[hbm4b:s2+s5] =	stream.indirect_vreg.scatter [tilespmem:s7], [sflag:$0x1], $0x1, v2, vm1, $0xb8;
	[tilespmem:$0x14080] =	vst v63  }
0x219: {  	s8 =	sadd.s32 $0xFFFFFFFF, s8;
	_ =	swait.ge [sflag:s4], $0x10  }
0x21a: {  	s9 =	simm.s32 $0x10;
	s10 =	simm.s32 $0x0;
	[sflag:s4] =	ssyncset.done $0x0  }
.LBB2_37:
0x21b: {  	[sflag:s4] =	ssyncadd.s32 $0xFFFFFFF0;
	s10 =	sadd.s32 $0x10, s10;
	s6 =	sadd.s32 $0x10, s6  }
0x21c: {  	p0 =	sne.s32 s8, $0x1;
	s8 =	sadd.s32 $0xFFFFFFFF, s8;
	v2 =	vld [tilespmem:s10+$0x0];
	_ =	sdelay $0x2  }
0x21d: {  	v3 =	vld [tilespmem:s6+$0x0];
	_ =	sdelay $0x1  }
0x21e: {  	v4 =	vnsel vm0, $0x0, v2  }
0x21f: {  	(xrf0) =	vadd.scan.msk.s32 $0xffff, v4;
	_ =	sdelay $0x1  }
0x220: {  	v4 =	vnsel vm0, $0x0, v3  }
0x221: {  	(xrf0) =	vadd.scan.msk.s32 $0xffff, v4;
	_ =	sdelay $0x2  }
0x222: {  	v4, _, _ =	vpop (xrf0)  }
0x223: {  	v5 =	vor.u32 s9, v0;
	v6 =	vbroadcast v4, $0xF  }
0x224: {  	vm2 =	vlt.s32 v5, v1  }
0x225: {  	v2 =	vsel vm2, v2, v6;
	v4, _, _ =	vpop (xrf0)  }
0x226: {  	v4 =	vbroadcast v4, $0xF;
	_ =	sdelay $0x1  }
.Ltmp25:
0x227: {  	v3 =	vsel vm2, v3, v4;
	(pc) =	sbr.rel @p0 .LBB2_37-.Ltmp25, $4  }
0x228: {  	[tilespmem:$0x14000] =	vst v3  }
0x229: {  	[hbm4b:s2+s5] =	stream.indirect_vreg.scatter [tilespmem:s7], [sflag:$0x1], $0x1, v2, vm1, $0xb8;
	[tilespmem:$0x14080] =	vst v63  }
0x22a: {  	_ =	swait.ge [sflag:s4], $0x10  }
0x22b: {  	s9 =	sadd.s32 $0x10, s9;
	[sflag:s4] =	ssyncset.done $0x0  }
.LBB2_38:
0x22c: {  	[sflag:s4] =	ssyncadd.s32 $0xFFFFFFF0  }
.LBB2_39:
0x22d: {  	[bflag:$0x0] =	sbarrier.arrive $0xFFFF  }
0x22e: {  	s5 =	simm.s32 $0x4000;
	s6 =	simm.s32 $0x8000;
	s7 =	simm.s32 $0x10000  }
0x22f: {  	[tilespmem:s7], [sflag:$0x1] =	stream.indirect.gather [hbm4b:s2+s5], $0x1, s6, s5, $0xb8;
	[tilespmem:$0x14080] =	vst v63  }
0x230: {  	_ =	swait.ge [sflag:s4], $0x4000  }
0x231: {  	[sflag:s4] =	ssyncset.done $0x0  }
0x232: {  	s30 =	simm.s32 $0x0;
	s31 =	simm.s32 $0x2;
	[sflag:s4] =	ssyncadd.s32 $0xFFFFC000  }
0x233: {  	[hbm4b:s3+s30] =	stream.linear.scatter [tilespmem:s7], [sflag:$0x2], $0x4000, $0x38;
	[tilespmem:$0x14080] =	vst v63  }
0x234: {  	_ =	swait.ge [sflag:s31], $0x4000  }
0x235: {  	[sflag:s31] =	ssyncset.done $0x0  }
0x236: {  	[sflag:s31] =	ssyncadd.s32 $0xFFFFC000  }
.LBB2_40:
0x237: {  	_ =	sfence.sel $0x180000  }
0x238: {  	[bflag:$0x0] =	sbarrier.arrive $0xFFFF  }
0x239: {  	p0 =	sne.s32 s1, $0x0;
	_ =	strace $0x9000004A  }
0x23a: {  	s0 =	sadd.s32 @!p0 $0x100000, s0;
	[bflag:$0x2] =	sbarrier.arrive $0xFFFF  }
0x23b: {  	[sflag:s0] =	ssyncadd.tile.s32 @!p0 $0x1;
	_ =	shalt  }
.Lfunc_end2:
_tile_overlayer_lowered:
.L_overlay_start_2:
0x23c: {  	(tag) =	ssettag $0x2  }
0x23d: {  	s0 =	rddreg [dreg:$0x0];
	s2 =	stileid.u32  }
0x23e: {  	s1 =	rddreg [dreg:$0x1];
	p0 =	sne.s32 s2, $0x0  }
0x23f: {  	s3 =	rddreg [dreg:$0x2];
	[bflag:$0x3] =	sbarrier.arrive $0xFFFF;
	s2 =	simm.s32 @!p0 $0x1C02  }
0x240: {  	[timem:s3], [sflag:s2] =	dma.local @!p0 [hbm:s0], s1  }
0x241: {  	s0 =	simm.s32 @!p0 $0x2  }
0x242: {  	_ =	swait.ge @!p0 [sflag:s0], s1  }
0x243: {  	s1 =	ssub.s32 @!p0 $0x0, s1;
	[sflag:s0] =	ssyncset.done @!p0 $0x0  }
0x244: {  	[sflag:s0] =	ssyncadd.s32 @!p0 s1  }
0x245: {  	[bflag:$0x3] =	sbarrier.arrive $0xFFFF  }
0x246: {  	_ =	shalt  }

</sc_bundles>
